<compile_context>
chip_gen: v7x
topology: tpu7x:2x2x1
jax: 0.10.2.dev20260603
libtpu: 0.0.44.dev20260713+nightly
codegen_flags: <defaults>
</compile_context>

<pallas_src>
import functools

import jax
import jax.numpy as jnp
from jax import lax
from jax.experimental import pallas as pl
from jax.experimental.pallas import tpu as pltpu
from jax.experimental.pallas import tpu_sc as plsc

N_NODES = 10000
N_EDGES = 320000
C_S = 128
C_V = 8
C_Z = 16
NS_PTS = 8
D_POINTS = 10.0

_NC = 2
_NS = 16
_NW = _NC * _NS
_EPW = N_EDGES // _NW
_CH = 40
_NCHUNK = _EPW // _CH
_N_PAD = 10240
_ROWS_PER_TILE = _N_PAD // _NS



def _node_kernel(ns_ref, rot_ref, tr_ref, nvt_ref, wpts_ref, wcomb_ref,
                 w1_ref, w2_ref, w46_ref, w56_ref, b_ref,
                 vcat_ref, a_ref, b_out_ref):
    ns = ns_ref[...]
    rot = rot_ref[...]
    tr = tr_ref[...]
    nvt = nvt_ref[...]
    wpts = wpts_ref[...]
    wcomb = wcomb_ref[...]
    wc_top = wcomb[:C_V, :]
    wc_bot = wcomb[C_V:, :]
    p = jnp.dot(ns, wpts, preferred_element_type=jnp.float32)
    a_acc = jnp.dot(ns, w1_ref[...], preferred_element_type=jnp.float32)
    a_acc = a_acc + b_ref[...]
    b_acc = jnp.dot(ns, w2_ref[...], preferred_element_type=jnp.float32)
    for i in range(3):
        r_i = (rot[:, 3 * i + 0:3 * i + 1] * p[:, 0:NS_PTS]
               + rot[:, 3 * i + 1:3 * i + 2] * p[:, NS_PTS:2 * NS_PTS]
               + rot[:, 3 * i + 2:3 * i + 3] * p[:, 2 * NS_PTS:3 * NS_PTS])
        nv_i = nvt[:, C_V * i:C_V * (i + 1)]
        out_v_i = (jnp.dot(nv_i, wc_top, preferred_element_type=jnp.float32)
                   + jnp.dot(r_i, wc_bot, preferred_element_type=jnp.float32)
                   + tr[:, i:i + 1] * (1.0 / D_POINTS))
        vcat_ref[:, C_V * i:C_V * (i + 1)] = out_v_i
        a_acc = a_acc + jnp.dot(out_v_i, w46_ref[C_V * i:C_V * (i + 1), :],
                                preferred_element_type=jnp.float32)
        b_acc = b_acc + jnp.dot(out_v_i, w56_ref[C_V * i:C_V * (i + 1), :],
                                preferred_element_type=jnp.float32)
    a_ref[...] = a_acc
    b_out_ref[...] = b_acc


def _node_precompute(ns, rot9, trans, nvt, W_pts, W_comb, W1, W2, W46, W56, b):
    rows = 1000
    grid = N_NODES // rows
    full = lambda shape: pl.BlockSpec(shape, lambda i: (0, 0))
    blk = lambda w: pl.BlockSpec((rows, w), lambda i: (i, 0))
    return pl.pallas_call(
        _node_kernel,
        grid=(grid,),
        in_specs=[
            blk(C_S), blk(9), blk(3), blk(3 * C_V),
            full((C_S, 3 * NS_PTS)), full((C_V + NS_PTS, C_V)),
            full((C_S, C_S)), full((C_S, C_S)),
            full((3 * C_V, C_S)), full((3 * C_V, C_S)), full((1, C_S)),
        ],
        out_specs=[blk(3 * C_V), blk(C_S), blk(C_S)],
        out_shape=[
            jax.ShapeDtypeStruct((N_NODES, 3 * C_V), jnp.float32),
            jax.ShapeDtypeStruct((N_NODES, C_S), jnp.float32),
            jax.ShapeDtypeStruct((N_NODES, C_S), jnp.float32),
        ],
    )(ns, rot9, trans, nvt, W_pts, W_comb, W1, W2, W46, W56, b)



def _edgec_kernel(ef_ref, w3_ref, c_ref):
    c_ref[...] = jnp.dot(ef_ref[...], w3_ref[...],
                         preferred_element_type=jnp.float32)


def _edge_c(ef, W3):
    rows = 8000
    grid = N_EDGES // rows
    return pl.pallas_call(
        _edgec_kernel,
        grid=(grid,),
        in_specs=[
            pl.BlockSpec((rows, C_Z), lambda i: (i, 0)),
            pl.BlockSpec((C_Z, C_S), lambda i: (0, 0)),
        ],
        out_specs=pl.BlockSpec((rows, C_S), lambda i: (i, 0)),
        out_shape=jax.ShapeDtypeStruct((N_EDGES, C_S), jnp.float32),
    )(ef, W3)



def _softplus_vec(x):
    t = jnp.exp(jnp.minimum(x, -x))
    p = t * (0.9721037 - 0.2992710 * t)
    return jnp.maximum(x, 0.0) + p


def _sc_edge_body(a_hbm, b_hbm, c_hbm, pk_hbm, z_hbm, out_hbm,
                  pk_all, si0, di0, si1, di1,
                  a0, b0, c0, a1, b1, c1,
                  acc, sem_g0, sem_g1, sem_s0, sem_s1):
    cid = lax.axis_index("c")
    sid = lax.axis_index("s")
    wid = cid * _NS + sid
    cb = wid * _EPW

    row0 = sid * _ROWS_PER_TILE
    pltpu.sync_copy(z_hbm.at[pl.ds(row0, _ROWS_PER_TILE)],
                    acc.at[pl.ds(row0, _ROWS_PER_TILE)])
    pltpu.sync_copy(pk_hbm.at[wid], pk_all)
    plsc.subcore_barrier()

    def unpack(j, si, di):
        offs = list(range(0, _CH - 15, 16))
        if _CH % 16:
            offs.append(_CH - 16)
        for o in offs:
            w = pk_all[pl.ds(j * _CH + o, 16)]
            si[pl.ds(o, 16)] = jnp.bitwise_and(w, 0xFFFF)
            di[pl.ds(o, 16)] = jnp.right_shift(w, 16)

    def g_descs(j, si, di, a, b, c, sem):
        return (pltpu.make_async_copy(a_hbm.at[si], a, sem),
                pltpu.make_async_copy(b_hbm.at[di], b, sem),
                pltpu.make_async_copy(c_hbm.at[pl.ds(cb + j * _CH, _CH)],
                                      c, sem))

    def s_desc(res, di, sem):
        return pltpu.make_async_copy(res, acc.at[di], sem)

    def compute(a, b, c, res):
        def row_body(r):
            for v in range(C_S // 16):
                sl = pl.ds(16 * v, 16)
                res[r, sl] = _softplus_vec(a[r, sl] + b[r, sl] + c[r, sl])
        plsc.parallel_loop(0, _CH, 1, unroll=4)(row_body)

    slots = ((si0, di0, a0, b0, c0, sem_g0, sem_s0),
             (si1, di1, a1, b1, c1, sem_g1, sem_s1))

    def block(j, i, slot, first, last):
        si, di, a, b, c, sem_g, sem_s = slots[slot]
        siq, diq, aq, bq, cq, sem_gq, sem_sq = slots[1 - slot]
        for d in g_descs(j, si, di, a, b, c, sem_g):
            d.wait()
        if first:
            @pl.when(i > 0)
            def _():
                s_desc(a1, di1, sem_s1).wait()
        else:
            s_desc(a0, di0, sem_s0).wait()

        def prefetch():
            unpack(j + 1, siq, diq)
            for d in g_descs(j + 1, siq, diq, aq, bq, cq, sem_gq):
                d.start()
        if last:
            pl.when(j + 1 < _NCHUNK)(prefetch)
        else:
            prefetch()
        compute(a, b, c, a)
        s_desc(a, di, sem_s).start(add=True)

    unpack(0, si0, di0)
    for d in g_descs(0, si0, di0, a0, b0, c0, sem_g0):
        d.start()

    def pair_body(i, carry):
        j0 = 2 * i
        block(j0, i, 0, True, False)
        block(j0 + 1, i, 1, False, True)
        return carry

    lax.fori_loop(0, _NCHUNK // 2, pair_body, 0)
    s_desc(a1, di1, sem_s1).wait()

    plsc.subcore_barrier()
    pltpu.sync_copy(acc.at[pl.ds(row0, _ROWS_PER_TILE)],
                    out_hbm.at[cid, pl.ds(row0, _ROWS_PER_TILE)])


_sc_edge = functools.partial(
    pl.kernel,
    out_type=jax.ShapeDtypeStruct((_NC, _N_PAD, C_S), jnp.float32),
    mesh=plsc.VectorSubcoreMesh(core_axis_name="c", subcore_axis_name="s"),
    scratch_types=[
        pltpu.VMEM((_EPW,), jnp.int32),
        pltpu.VMEM((_CH,), jnp.int32),
        pltpu.VMEM((_CH,), jnp.int32),
        pltpu.VMEM((_CH,), jnp.int32),
        pltpu.VMEM((_CH,), jnp.int32),
        pltpu.VMEM((_CH, C_S), jnp.float32),
        pltpu.VMEM((_CH, C_S), jnp.float32),
        pltpu.VMEM((_CH, C_S), jnp.float32),
        pltpu.VMEM((_CH, C_S), jnp.float32),
        pltpu.VMEM((_CH, C_S), jnp.float32),
        pltpu.VMEM((_CH, C_S), jnp.float32),
        pltpu.VMEM_SHARED((_N_PAD, C_S), jnp.float32),
        pltpu.SemaphoreType.DMA,
        pltpu.SemaphoreType.DMA,
        pltpu.SemaphoreType.DMA,
        pltpu.SemaphoreType.DMA,
    ],
)(_sc_edge_body)



def _sum2_kernel(p_ref, o_ref):
    o_ref[...] = p_ref[0] + p_ref[1]


def _sum_partials(partials):
    rows = 1000
    grid = N_NODES // rows
    return pl.pallas_call(
        _sum2_kernel,
        grid=(grid,),
        in_specs=[pl.BlockSpec((_NC, rows, C_S), lambda i: (0, i, 0))],
        out_specs=pl.BlockSpec((rows, C_S), lambda i: (i, 0)),
        out_shape=jax.ShapeDtypeStruct((N_NODES, C_S), jnp.float32),
    )(partials)



def kernel(node_scalars, rigids_rot, rigids_trans, edge_features, edge_index,
           node_vectors, W_pts, W_comb, W_mlp, b_mlp):
    n = node_scalars.shape[0]
    w1 = W_mlp[:C_S]
    w2 = W_mlp[C_S:2 * C_S]
    w3 = W_mlp[2 * C_S:2 * C_S + C_Z]
    w4 = W_mlp[2 * C_S + C_Z:2 * C_S + C_Z + 3 * C_V]
    w5 = W_mlp[2 * C_S + C_Z + 3 * C_V:2 * C_S + C_Z + 6 * C_V]
    w6 = W_mlp[2 * C_S + C_Z + 6 * C_V:]
    to_cmajor = lambda w: (w.reshape(C_V, 3, C_S).transpose(1, 0, 2)
                           .reshape(3 * C_V, C_S))
    w46 = to_cmajor(w4 + w6)
    w56 = to_cmajor(w5 - w6)
    rot9 = rigids_rot.reshape(n, 9)
    nvt = node_vectors.transpose(0, 2, 1).reshape(n, 3 * C_V)

    vcat, a_tab, b_tab = _node_precompute(
        node_scalars, rot9, rigids_trans, nvt, W_pts, W_comb,
        w1, w2, w46, w56, b_mlp.reshape(1, C_S))
    c_tab = _edge_c(edge_features, w3)

    ei = edge_index.astype(jnp.int32)
    packed = jnp.bitwise_or(ei[0], jnp.left_shift(ei[1], 16))
    packed = packed.reshape(_NW, _EPW)
    zeros = jnp.zeros((_N_PAD, C_S), jnp.float32)
    partials = _sc_edge(a_tab, b_tab, c_tab, packed, zeros)
    out_s_s = _sum_partials(partials)
    out_s_v = vcat.reshape(n, 3, C_V).transpose(0, 2, 1)
    return (out_s_s, out_s_v)

# --- scband reference (transcript-rebuilt; emitter-appended) ---
"""Pipeline reference for scband-vector-bias-ipmp-77644418777478 (READ-ONLY COPY).

The authoritative reference and input builder live on the scoring server;
editing this copy changes nothing except your own understanding.
"""

import jax, jax.numpy as jnp
import numpy as np

C_S = 128
C_V = 8
C_Z = 16
NO_S_POINTS = 8
D_POINTS = 10.0
N_NODES = 10000
N_EDGES = 320000


def setup_inputs(seed: int = 0) -> dict:
    key = jax.random.key(seed)
    ks = jax.random.split(key, 10)
    node_scalars = jax.random.normal(ks[0], (N_NODES, C_S), dtype=jnp.float32)
    rigids_rot = jax.random.normal(ks[1], (N_NODES, 3, 3), dtype=jnp.float32)
    rigids_trans = jax.random.normal(ks[2], (N_NODES, 3), dtype=jnp.float32)
    edge_features = jax.random.normal(ks[3], (N_EDGES, C_Z), dtype=jnp.float32)
    edge_index = jax.random.randint(ks[4], (2, N_EDGES), 0, N_NODES, dtype=jnp.int64 if jax.config.jax_enable_x64 else jnp.int32)
    node_vectors = jax.random.normal(ks[5], (N_NODES, C_V, 3), dtype=jnp.float32)
    # learned parameters
    W_pts = jax.random.normal(ks[6], (C_S, NO_S_POINTS * 3), dtype=jnp.float32) / np.sqrt(C_S)
    W_comb = jax.random.normal(ks[7], (C_V + NO_S_POINTS, C_V), dtype=jnp.float32) / np.sqrt(C_V + NO_S_POINTS)
    mlp_in = 2 * C_S + C_Z + 9 * C_V
    W_mlp = jax.random.normal(ks[8], (mlp_in, C_S), dtype=jnp.float32) / np.sqrt(mlp_in)
    b_mlp = jnp.zeros((C_S,), dtype=jnp.float32)
    return {
        "node_scalars": node_scalars,
        "rigids_rot": rigids_rot,
        "rigids_trans": rigids_trans,
        "edge_features": edge_features,
        "edge_index": edge_index,
        "node_vectors": node_vectors,
        "W_pts": W_pts,
        "W_comb": W_comb,
        "W_mlp": W_mlp,
        "b_mlp": b_mlp,
    }


def reference(node_scalars, rigids_rot, rigids_trans, edge_features, edge_index, node_vectors, W_pts, W_comb, W_mlp, b_mlp):
    n_nodes = node_scalars.shape[0]
    # generate scalar->point vectors: [N, no_s_points*3]
    s_pts = node_scalars @ W_pts
    # torch.split(split_size=ns) along last dim -> 3 chunks of [N, ns]; stack -> [N, ns, 3]
    chunks = jnp.split(s_pts, 3, axis=-1)
    s_pts = jnp.stack(chunks, axis=-1)
    # rotate points by rigid rotations: [N,3,3] applied to [N, ns, 3]
    s_pts = jnp.einsum("nij,npj->npi", rigids_rot, s_pts)
    # concat node vectors with generated points: [N, c_v+ns, 3]
    vecs = jnp.concatenate([node_vectors, s_pts], axis=-2)
    # linear combination over vector channels (no bias), plus translation bias
    vecs_t = jnp.swapaxes(vecs, -1, -2)  # [N, 3, c_v+ns]
    vecs_t = vecs_t @ W_comb + rigids_trans[..., None] / D_POINTS  # [N, 3, c_v]
    out_s_v = jnp.swapaxes(vecs_t, -1, -2)  # [N, c_v, 3]
    # message passing over edges: gather src/dst features + vector features, MLP, scatter-add to dst
    src = edge_index[0]
    dst = edge_index[1]
    h_src = node_scalars[src]
    h_dst = node_scalars[dst]
    v_flat = out_s_v.reshape(n_nodes, -1)  # [N, 3*c_v]
    v_src = v_flat[src]
    v_dst = v_flat[dst]
    v_diff = v_src - v_dst
    msg_in = jnp.concatenate([h_src, h_dst, edge_features, v_src, v_dst, v_diff], axis=-1)  # [E, 2*c_s + c_z + 9*c_v]
    msg = jax.nn.softplus(msg_in @ W_mlp + b_mlp)  # [E, c_s]
    out_s_s = jax.ops.segment_sum(msg, dst, num_segments=n_nodes)  # [N, c_s]
    return (out_s_s, out_s_v)

if __name__ == "__main__":
    import jax
    _d = setup_inputs()
    print(jax.jit(kernel)(*tuple(_d.values())))

</pallas_src>

<mosaic_0001>
#map = affine_map<(d0, d1) -> (0, 0)>
#map1 = affine_map<(d0, d1) -> (0, 0, 0)>
module attributes {stable_mosaic.version = 14 : i64} {
  func.func @_sc_edge_body(%arg0: i32, %arg1: i32, %arg2: memref<10000x128xf32, #tpu.memory_space<hbm>>, %arg3: memref<10000x128xf32, #tpu.memory_space<hbm>>, %arg4: memref<320000x128xf32, #tpu.memory_space<hbm>>, %arg5: memref<32x10000xi32, #tpu.memory_space<hbm>>, %arg6: memref<10240x128xf32, #tpu.memory_space<hbm>>, %arg7: memref<2x10240x128xf32, #tpu.memory_space<hbm>>, %arg8: memref<10000xi32, #tpu.memory_space<vmem>>, %arg9: memref<40xi32, #tpu.memory_space<vmem>>, %arg10: memref<40xi32, #tpu.memory_space<vmem>>, %arg11: memref<40xi32, #tpu.memory_space<vmem>>, %arg12: memref<40xi32, #tpu.memory_space<vmem>>, %arg13: memref<40x128xf32, #tpu.memory_space<vmem>>, %arg14: memref<40x128xf32, #tpu.memory_space<vmem>>, %arg15: memref<40x128xf32, #tpu.memory_space<vmem>>, %arg16: memref<40x128xf32, #tpu.memory_space<vmem>>, %arg17: memref<40x128xf32, #tpu.memory_space<vmem>>, %arg18: memref<40x128xf32, #tpu.memory_space<vmem>>, %arg19: memref<10240x128xf32, #tpu.memory_space<vmem_shared>>, %arg20: memref<!tpu.dma_semaphore, #tpu.memory_space<semaphore_mem>>, %arg21: memref<!tpu.dma_semaphore, #tpu.memory_space<semaphore_mem>>, %arg22: memref<!tpu.dma_semaphore, #tpu.memory_space<semaphore_mem>>, %arg23: memref<!tpu.dma_semaphore, #tpu.memory_space<semaphore_mem>>) attributes {dimension_semantics = [#tpu.dimension_semantics<core_parallel>, #tpu.dimension_semantics<subcore_parallel>], iteration_bounds = array<i64: 2, 16>, scalar_prefetch = 0 : i64, scratch_operands = 16 : i64, tpu.core_type = #tpu.core_type<sc_vector_subcore>, window_params = [{transform_indices = #map}, {transform_indices = #map}, {transform_indices = #map}, {transform_indices = #map}, {transform_indices = #map}, {transform_indices = #map1}]} {
    %mul3A = arith.constant 16 : i32
    %mul3A_0 = arith.muli %arg0, %mul3A : i32
    %add3A = arith.addi %mul3A_0, %arg1 : i32
    %mul3A_1 = arith.constant 10000 : i32
    %mul3A_2 = arith.muli %add3A, %mul3A_1 : i32
    %mul3A_3 = arith.constant 640 : i32
    %mul3A_4 = arith.muli %arg1, %mul3A_3 : i32
    "tpu.region"() ({
      %run_scoped3A = tpu.sem_alloc : memref<!tpu.dma_semaphore, #tpu.memory_space<semaphore_mem>>
      %dma_start3A_71 = arith.constant 0 : i32
      %dma_start3A_72 = tpu.memref_slice %arg19[%mul3A_4, %dma_start3A_71] : memref<10240x128xf32, #tpu.memory_space<vmem_shared>> -> memref<640x128xf32, #tpu.memory_space<vmem_shared>>
      %dma_start3A_73 = arith.constant 0 : i32
      %dma_start3A_74 = tpu.memref_slice %arg6[%mul3A_4, %dma_start3A_73] : memref<10240x128xf32, #tpu.memory_space<hbm>> -> memref<640x128xf32, #tpu.memory_space<hbm>>
      tpu.enqueue_dma source(%dma_start3A_74 : memref<640x128xf32, #tpu.memory_space<hbm>>) target(%dma_start3A_72 : memref<640x128xf32, #tpu.memory_space<vmem_shared>>) target_semaphore(%run_scoped3A : memref<!tpu.dma_semaphore, #tpu.memory_space<semaphore_mem>>)
      %dma_wait3A_75 = arith.constant 0 : i32
      %dma_wait3A_76 = tpu.memref_slice %arg19[%mul3A_4, %dma_wait3A_75] : memref<10240x128xf32, #tpu.memory_space<vmem_shared>> -> memref<640x128xf32, #tpu.memory_space<vmem_shared>>
      %dma_wait3A_77 = arith.constant 0 : i32
      %dma_wait3A_78 = tpu.memref_slice %arg6[%mul3A_4, %dma_wait3A_77] : memref<10240x128xf32, #tpu.memory_space<hbm>> -> memref<640x128xf32, #tpu.memory_space<hbm>>
      tpu.wait_dma2 semaphore(%run_scoped3A : memref<!tpu.dma_semaphore, #tpu.memory_space<semaphore_mem>>) src(%dma_wait3A_78 : memref<640x128xf32, #tpu.memory_space<hbm>>) dst(%dma_wait3A_76 : memref<640x128xf32, #tpu.memory_space<vmem_shared>>)
      tpu.yield
    }) : () -> ()
    "tpu.region"() ({
      %run_scoped3A = tpu.sem_alloc : memref<!tpu.dma_semaphore, #tpu.memory_space<semaphore_mem>>
      %dma_start3A_71 = arith.constant 0 : i32
      %dma_start3A_72 = tpu.memref_slice %arg5[%add3A, %dma_start3A_71] : memref<32x10000xi32, #tpu.memory_space<hbm>> -> memref<1x10000xi32, #tpu.memory_space<hbm>>
      %dma_start3A_73 = tpu.memref_squeeze %dma_start3A_72 : memref<1x10000xi32, #tpu.memory_space<hbm>> -> memref<10000xi32, #tpu.memory_space<hbm>>
      %dma_start3A_74 = arith.constant 0 : i32
      %dma_start3A_75 = tpu.memref_slice %arg5[%add3A, %dma_start3A_74] : memref<32x10000xi32, #tpu.memory_space<hbm>> -> memref<1x10000xi32, #tpu.memory_space<hbm>>
      %dma_start3A_76 = tpu.memref_squeeze %dma_start3A_75 : memref<1x10000xi32, #tpu.memory_space<hbm>> -> memref<10000xi32, #tpu.memory_space<hbm>>
      tpu.enqueue_dma source(%dma_start3A_76 : memref<10000xi32, #tpu.memory_space<hbm>>) target(%arg8 : memref<10000xi32, #tpu.memory_space<vmem>>) target_semaphore(%run_scoped3A : memref<!tpu.dma_semaphore, #tpu.memory_space<semaphore_mem>>)
      %dma_wait3A_77 = arith.constant 0 : i32
      %dma_wait3A_78 = tpu.memref_slice %arg5[%add3A, %dma_wait3A_77] : memref<32x10000xi32, #tpu.memory_space<hbm>> -> memref<1x10000xi32, #tpu.memory_space<hbm>>
      %dma_wait3A_79 = tpu.memref_squeeze %dma_wait3A_78 : memref<1x10000xi32, #tpu.memory_space<hbm>> -> memref<10000xi32, #tpu.memory_space<hbm>>
      %dma_wait3A_80 = arith.constant 0 : i32
      %dma_wait3A_81 = tpu.memref_slice %arg5[%add3A, %dma_wait3A_80] : memref<32x10000xi32, #tpu.memory_space<hbm>> -> memref<1x10000xi32, #tpu.memory_space<hbm>>
      %dma_wait3A_82 = tpu.memref_squeeze %dma_wait3A_81 : memref<1x10000xi32, #tpu.memory_space<hbm>> -> memref<10000xi32, #tpu.memory_space<hbm>>
      tpu.wait_dma2 semaphore(%run_scoped3A : memref<!tpu.dma_semaphore, #tpu.memory_space<semaphore_mem>>) src(%dma_wait3A_82 : memref<10000xi32, #tpu.memory_space<hbm>>) dst(%arg8 : memref<10000xi32, #tpu.memory_space<vmem>>)
      tpu.yield
    }) : () -> ()
    %barrier3A = arith.constant 0 : index
    tpu.barrier barrier_id(%barrier3A)
    %get3A = arith.constant 0 : index
    %get3A_5 = tpu.vector_load %arg8[%get3A] {strides = array<i32>} : memref<10000xi32, #tpu.memory_space<vmem>>, vector<16xi32>,
    %get3A_6 = vector.shape_cast %get3A_5 : vector<16xi32> to vector<16xi32>
    %and3A = arith.constant 65535 : i32
    %and3A_7 = vector.broadcast %and3A : i32 to vector<16xi32>
    %and3A_8 = arith.andi %get3A_6, %and3A_7 : vector<16xi32>
    %swap3A = arith.constant 0 : index
    %swap3A_9 = tpu.vector_load %arg9[%swap3A] {strides = array<i32>} : memref<40xi32, #tpu.memory_space<vmem>>, vector<16xi32>,
    %swap3A_10 = vector.shape_cast %swap3A_9 : vector<16xi32> to vector<16xi32>
    %swap3A_11 = vector.shape_cast %and3A_8 : vector<16xi32> to vector<16xi32>
    tpu.vector_store %arg9[%swap3A], %swap3A_11 {strides = array<i32>} : memref<40xi32, #tpu.memory_space<vmem>>, vector<16xi32>,
    %shift_right_arithmetic3A = arith.constant 16 : i32
    %shift_right_arithmetic3A_12 = vector.broadcast %shift_right_arithmetic3A : i32 to vector<16xi32>
    %shift_right_arithmetic3A_13 = arith.shrsi %get3A_6, %shift_right_arithmetic3A_12 : vector<16xi32>
    %swap3A_14 = arith.constant 0 : index
    %swap3A_15 = tpu.vector_load %arg10[%swap3A_14] {strides = array<i32>} : memref<40xi32, #tpu.memory_space<vmem>>, vector<16xi32>,
    %swap3A_16 = vector.shape_cast %swap3A_15 : vector<16xi32> to vector<16xi32>
    %swap3A_17 = vector.shape_cast %shift_right_arithmetic3A_13 : vector<16xi32> to vector<16xi32>
    tpu.vector_store %arg10[%swap3A_14], %swap3A_17 {strides = array<i32>} : memref<40xi32, #tpu.memory_space<vmem>>, vector<16xi32>,
    %get3A_18 = arith.constant 16 : index
    %get3A_19 = tpu.vector_load %arg8[%get3A_18] {strides = array<i32>} : memref<10000xi32, #tpu.memory_space<vmem>>, vector<16xi32>,
    %get3A_20 = vector.shape_cast %get3A_19 : vector<16xi32> to vector<16xi32>
    %and3A_21 = arith.constant 65535 : i32
    %and3A_22 = vector.broadcast %and3A_21 : i32 to vector<16xi32>
    %and3A_23 = arith.andi %get3A_20, %and3A_22 : vector<16xi32>
    %swap3A_24 = arith.constant 16 : index
    %swap3A_25 = tpu.vector_load %arg9[%swap3A_24] {strides = array<i32>} : memref<40xi32, #tpu.memory_space<vmem>>, vector<16xi32>,
    %swap3A_26 = vector.shape_cast %swap3A_25 : vector<16xi32> to vector<16xi32>
    %swap3A_27 = vector.shape_cast %and3A_23 : vector<16xi32> to vector<16xi32>
    tpu.vector_store %arg9[%swap3A_24], %swap3A_27 {strides = array<i32>} : memref<40xi32, #tpu.memory_space<vmem>>, vector<16xi32>,
    %shift_right_arithmetic3A_28 = arith.constant 16 : i32
    %shift_right_arithmetic3A_29 = vector.broadcast %shift_right_arithmetic3A_28 : i32 to vector<16xi32>
    %shift_right_arithmetic3A_30 = arith.shrsi %get3A_20, %shift_right_arithmetic3A_29 : vector<16xi32>
    %swap3A_31 = arith.constant 16 : index
    %swap3A_32 = tpu.vector_load %arg10[%swap3A_31] {strides = array<i32>} : memref<40xi32, #tpu.memory_space<vmem>>, vector<16xi32>,
    %swap3A_33 = vector.shape_cast %swap3A_32 : vector<16xi32> to vector<16xi32>
    %swap3A_34 = vector.shape_cast %shift_right_arithmetic3A_30 : vector<16xi32> to vector<16xi32>
    tpu.vector_store %arg10[%swap3A_31], %swap3A_34 {strides = array<i32>} : memref<40xi32, #tpu.memory_space<vmem>>, vector<16xi32>,
    %get3A_35 = arith.constant 24 : index
    %get3A_36 = tpu.vector_load %arg8[%get3A_35] {strides = array<i32>} : memref<10000xi32, #tpu.memory_space<vmem>>, vector<16xi32>,
    %get3A_37 = vector.shape_cast %get3A_36 : vector<16xi32> to vector<16xi32>
    %and3A_38 = arith.constant 65535 : i32
    %and3A_39 = vector.broadcast %and3A_38 : i32 to vector<16xi32>
    %and3A_40 = arith.andi %get3A_37, %and3A_39 : vector<16xi32>
    %swap3A_41 = arith.constant 24 : index
    %swap3A_42 = tpu.vector_load %arg9[%swap3A_41] {strides = array<i32>} : memref<40xi32, #tpu.memory_space<vmem>>, vector<16xi32>,
    %swap3A_43 = vector.shape_cast %swap3A_42 : vector<16xi32> to vector<16xi32>
    %swap3A_44 = vector.shape_cast %and3A_40 : vector<16xi32> to vector<16xi32>
    tpu.vector_store %arg9[%swap3A_41], %swap3A_44 {strides = array<i32>} : memref<40xi32, #tpu.memory_space<vmem>>, vector<16xi32>,
    %shift_right_arithmetic3A_45 = arith.constant 16 : i32
    %shift_right_arithmetic3A_46 = vector.broadcast %shift_right_arithmetic3A_45 : i32 to vector<16xi32>
    %shift_right_arithmetic3A_47 = arith.shrsi %get3A_37, %shift_right_arithmetic3A_46 : vector<16xi32>
    %swap3A_48 = arith.constant 24 : index
    %swap3A_49 = tpu.vector_load %arg10[%swap3A_48] {strides = array<i32>} : memref<40xi32, #tpu.memory_space<vmem>>, vector<16xi32>,
    %swap3A_50 = vector.shape_cast %swap3A_49 : vector<16xi32> to vector<16xi32>
    %swap3A_51 = vector.shape_cast %shift_right_arithmetic3A_47 : vector<16xi32> to vector<16xi32>
    tpu.vector_store %arg10[%swap3A_48], %swap3A_51 {strides = array<i32>} : memref<40xi32, #tpu.memory_space<vmem>>, vector<16xi32>,
    %add3A_52 = arith.constant 0 : i32
    %add3A_53 = arith.addi %mul3A_2, %add3A_52 : i32
    %dma_start3A = arith.constant 0 : i32
    %dma_start3A_54 = arith.constant 0 : i32
    %dma_start3A_55 = tpu.memref_slice %arg2[%dma_start3A, %dma_start3A_54] : memref<10000x128xf32, #tpu.memory_space<hbm>> -> memref<10000x128xf32, #tpu.memory_space<hbm>>
    tpu.enqueue_indirect_dma source(%dma_start3A_55 : memref<10000x128xf32, #tpu.memory_space<hbm>>) target(%arg13 : memref<40x128xf32, #tpu.memory_space<vmem>>) offsets(%arg9 : memref<40xi32, #tpu.memory_space<vmem>>) semaphore(%arg20 : memref<!tpu.dma_semaphore, #tpu.memory_space<semaphore_mem>>)
    %dma_start3A_56 = arith.constant 0 : i32
    %dma_start3A_57 = arith.constant 0 : i32
    %dma_start3A_58 = tpu.memref_slice %arg3[%dma_start3A_56, %dma_start3A_57] : memref<10000x128xf32, #tpu.memory_space<hbm>> -> memref<10000x128xf32, #tpu.memory_space<hbm>>
    tpu.enqueue_indirect_dma source(%dma_start3A_58 : memref<10000x128xf32, #tpu.memory_space<hbm>>) target(%arg14 : memref<40x128xf32, #tpu.memory_space<vmem>>) offsets(%arg10 : memref<40xi32, #tpu.memory_space<vmem>>) semaphore(%arg20 : memref<!tpu.dma_semaphore, #tpu.memory_space<semaphore_mem>>)
    %dma_start3A_59 = arith.constant 0 : i32
    %dma_start3A_60 = tpu.memref_slice %arg4[%add3A_53, %dma_start3A_59] : memref<320000x128xf32, #tpu.memory_space<hbm>> -> memref<40x128xf32, #tpu.memory_space<hbm>>
    %dma_start3A_61 = arith.constant 0 : i32
    %dma_start3A_62 = tpu.memref_slice %arg4[%add3A_53, %dma_start3A_61] : memref<320000x128xf32, #tpu.memory_space<hbm>> -> memref<40x128xf32, #tpu.memory_space<hbm>>
    tpu.enqueue_dma source(%dma_start3A_62 : memref<40x128xf32, #tpu.memory_space<hbm>>) target(%arg15 : memref<40x128xf32, #tpu.memory_space<vmem>>) target_semaphore(%arg20 : memref<!tpu.dma_semaphore, #tpu.memory_space<semaphore_mem>>)
    %scan3A = arith.constant 0 : i32
    %scan3A_63 = arith.constant 0 : i32
    %scan3A_64 = arith.constant 125 : i32
    %scan3A_65 = arith.addi %scan3A_63, %scan3A_64 : i32
    %scan3A_66 = arith.constant 1 : i32
    scf.for %scan3A_71 = %scan3A_63 to %scan3A_65 step %scan3A_66  : i32 {
      %mul3A_72 = arith.constant 2 : i32
      %mul3A_73 = arith.muli %mul3A_72, %scan3A_71 : i32
      %mul3A_74 = arith.constant 40 : i32
      %mul3A_75 = arith.muli %mul3A_73, %mul3A_74 : i32
      %add3A_76 = arith.addi %mul3A_2, %mul3A_75 : i32
      %dma_wait3A_77 = arith.constant 0 : i32
      %dma_wait3A_78 = arith.constant 0 : i32
      %dma_wait3A_79 = tpu.memref_slice %arg2[%dma_wait3A_77, %dma_wait3A_78] : memref<10000x128xf32, #tpu.memory_space<hbm>> -> memref<10000x128xf32, #tpu.memory_space<hbm>>
      tpu.wait_indirect_dma semaphore(%arg20 : memref<!tpu.dma_semaphore, #tpu.memory_space<semaphore_mem>>) src(%dma_wait3A_79 : memref<10000x128xf32, #tpu.memory_space<hbm>>) dst(%arg13 : memref<40x128xf32, #tpu.memory_space<vmem>>)
      %dma_wait3A_80 = arith.constant 0 : i32
      %dma_wait3A_81 = arith.constant 0 : i32
      %dma_wait3A_82 = tpu.memref_slice %arg3[%dma_wait3A_80, %dma_wait3A_81] : memref<10000x128xf32, #tpu.memory_space<hbm>> -> memref<10000x128xf32, #tpu.memory_space<hbm>>
      tpu.wait_indirect_dma semaphore(%arg20 : memref<!tpu.dma_semaphore, #tpu.memory_space<semaphore_mem>>) src(%dma_wait3A_82 : memref<10000x128xf32, #tpu.memory_space<hbm>>) dst(%arg14 : memref<40x128xf32, #tpu.memory_space<vmem>>)
      %dma_wait3A_83 = arith.constant 0 : i32
      %dma_wait3A_84 = tpu.memref_slice %arg4[%add3A_76, %dma_wait3A_83] : memref<320000x128xf32, #tpu.memory_space<hbm>> -> memref<40x128xf32, #tpu.memory_space<hbm>>
      %dma_wait3A_85 = arith.constant 0 : i32
      %dma_wait3A_86 = tpu.memref_slice %arg4[%add3A_76, %dma_wait3A_85] : memref<320000x128xf32, #tpu.memory_space<hbm>> -> memref<40x128xf32, #tpu.memory_space<hbm>>
      tpu.wait_dma2 semaphore(%arg20 : memref<!tpu.dma_semaphore, #tpu.memory_space<semaphore_mem>>) src(%dma_wait3A_86 : memref<40x128xf32, #tpu.memory_space<hbm>>) dst(%arg15 : memref<40x128xf32, #tpu.memory_space<vmem>>)
      %gt3A = arith.constant 0 : i32
      %gt3A_87 = arith.cmpi sgt, %scan3A_71, %gt3A : i32
      %convert_element_type3A = arith.extui %gt3A_87 : i1 to i32
      %cond3A = arith.constant 0 : i32
      %cond3A_88 = arith.cmpi ne, %convert_element_type3A, %cond3A : i32
      scf.if %cond3A_88 {
        %dma_wait3A_204 = arith.constant 0 : i32
        %dma_wait3A_205 = arith.constant 0 : i32
        %dma_wait3A_206 = tpu.memref_slice %arg19[%dma_wait3A_204, %dma_wait3A_205] : memref<10240x128xf32, #tpu.memory_space<vmem_shared>> -> memref<10240x128xf32, #tpu.memory_space<vmem_shared>>
        tpu.wait_indirect_dma semaphore(%arg23 : memref<!tpu.dma_semaphore, #tpu.memory_space<semaphore_mem>>) src(%arg16 : memref<40x128xf32, #tpu.memory_space<vmem>>) dst(%dma_wait3A_206 : memref<10240x128xf32, #tpu.memory_space<vmem_shared>>)
      } else {
      }
      %add3A_89 = arith.constant 1 : i32
      %add3A_90 = arith.addi %mul3A_73, %add3A_89 : i32
      %mul3A_91 = arith.constant 40 : i32
      %mul3A_92 = arith.muli %add3A_90, %mul3A_91 : i32
      %add3A_93 = arith.constant 0 : i32
      %add3A_94 = arith.addi %mul3A_92, %add3A_93 : i32
      %get3A_95 = arith.index_cast %add3A_94 : i32 to index
      %get3A_96 = tpu.vector_load %arg8[%get3A_95] {strides = array<i32>} : memref<10000xi32, #tpu.memory_space<vmem>>, vector<16xi32>,
      %get3A_97 = vector.shape_cast %get3A_96 : vector<16xi32> to vector<16xi32>
      %and3A_98 = arith.constant 65535 : i32
      %and3A_99 = vector.broadcast %and3A_98 : i32 to vector<16xi32>
      %and3A_100 = arith.andi %get3A_97, %and3A_99 : vector<16xi32>
      %swap3A_101 = arith.constant 0 : index
      %swap3A_102 = tpu.vector_load %arg11[%swap3A_101] {strides = array<i32>} : memref<40xi32, #tpu.memory_space<vmem>>, vector<16xi32>,
      %swap3A_103 = vector.shape_cast %swap3A_102 : vector<16xi32> to vector<16xi32>
      %swap3A_104 = vector.shape_cast %and3A_100 : vector<16xi32> to vector<16xi32>
      tpu.vector_store %arg11[%swap3A_101], %swap3A_104 {strides = array<i32>} : memref<40xi32, #tpu.memory_space<vmem>>, vector<16xi32>,
      %shift_right_arithmetic3A_105 = arith.constant 16 : i32
      %shift_right_arithmetic3A_106 = vector.broadcast %shift_right_arithmetic3A_105 : i32 to vector<16xi32>
      %shift_right_arithmetic3A_107 = arith.shrsi %get3A_97, %shift_right_arithmetic3A_106 : vector<16xi32>
      %swap3A_108 = arith.constant 0 : index
      %swap3A_109 = tpu.vector_load %arg12[%swap3A_108] {strides = array<i32>} : memref<40xi32, #tpu.memory_space<vmem>>, vector<16xi32>,
      %swap3A_110 = vector.shape_cast %swap3A_109 : vector<16xi32> to vector<16xi32>
      %swap3A_111 = vector.shape_cast %shift_right_arithmetic3A_107 : vector<16xi32> to vector<16xi32>
      tpu.vector_store %arg12[%swap3A_108], %swap3A_111 {strides = array<i32>} : memref<40xi32, #tpu.memory_space<vmem>>, vector<16xi32>,
      %mul3A_112 = arith.constant 40 : i32
      %mul3A_113 = arith.muli %add3A_90, %mul3A_112 : i32
      %add3A_114 = arith.constant 16 : i32
      %add3A_115 = arith.addi %mul3A_113, %add3A_114 : i32
      %get3A_116 = arith.index_cast %add3A_115 : i32 to index
      %get3A_117 = tpu.vector_load %arg8[%get3A_116] {strides = array<i32>} : memref<10000xi32, #tpu.memory_space<vmem>>, vector<16xi32>,
      %get3A_118 = vector.shape_cast %get3A_117 : vector<16xi32> to vector<16xi32>
      %and3A_119 = arith.constant 65535 : i32
      %and3A_120 = vector.broadcast %and3A_119 : i32 to vector<16xi32>
      %and3A_121 = arith.andi %get3A_118, %and3A_120 : vector<16xi32>
      %swap3A_122 = arith.constant 16 : index
      %swap3A_123 = tpu.vector_load %arg11[%swap3A_122] {strides = array<i32>} : memref<40xi32, #tpu.memory_space<vmem>>, vector<16xi32>,
      %swap3A_124 = vector.shape_cast %swap3A_123 : vector<16xi32> to vector<16xi32>
      %swap3A_125 = vector.shape_cast %and3A_121 : vector<16xi32> to vector<16xi32>
      tpu.vector_store %arg11[%swap3A_122], %swap3A_125 {strides = array<i32>} : memref<40xi32, #tpu.memory_space<vmem>>, vector<16xi32>,
      %shift_right_arithmetic3A_126 = arith.constant 16 : i32
      %shift_right_arithmetic3A_127 = vector.broadcast %shift_right_arithmetic3A_126 : i32 to vector<16xi32>
      %shift_right_arithmetic3A_128 = arith.shrsi %get3A_118, %shift_right_arithmetic3A_127 : vector<16xi32>
      %swap3A_129 = arith.constant 16 : index
      %swap3A_130 = tpu.vector_load %arg12[%swap3A_129] {strides = array<i32>} : memref<40xi32, #tpu.memory_space<vmem>>, vector<16xi32>,
      %swap3A_131 = vector.shape_cast %swap3A_130 : vector<16xi32> to vector<16xi32>
      %swap3A_132 = vector.shape_cast %shift_right_arithmetic3A_128 : vector<16xi32> to vector<16xi32>
      tpu.vector_store %arg12[%swap3A_129], %swap3A_132 {strides = array<i32>} : memref<40xi32, #tpu.memory_space<vmem>>, vector<16xi32>,
      %mul3A_133 = arith.constant 40 : i32
      %mul3A_134 = arith.muli %add3A_90, %mul3A_133 : i32
      %add3A_135 = arith.constant 24 : i32
      %add3A_136 = arith.addi %mul3A_134, %add3A_135 : i32
      %get3A_137 = arith.index_cast %add3A_136 : i32 to index
      %get3A_138 = tpu.vector_load %arg8[%get3A_137] {strides = array<i32>} : memref<10000xi32, #tpu.memory_space<vmem>>, vector<16xi32>,
      %get3A_139 = vector.shape_cast %get3A_138 : vector<16xi32> to vector<16xi32>
      %and3A_140 = arith.constant 65535 : i32
      %and3A_141 = vector.broadcast %and3A_140 : i32 to vector<16xi32>
      %and3A_142 = arith.andi %get3A_139, %and3A_141 : vector<16xi32>
      %swap3A_143 = arith.constant 24 : index
      %swap3A_144 = tpu.vector_load %arg11[%swap3A_143] {strides = array<i32>} : memref<40xi32, #tpu.memory_space<vmem>>, vector<16xi32>,
      %swap3A_145 = vector.shape_cast %swap3A_144 : vector<16xi32> to vector<16xi32>
      %swap3A_146 = vector.shape_cast %and3A_142 : vector<16xi32> to vector<16xi32>
      tpu.vector_store %arg11[%swap3A_143], %swap3A_146 {strides = array<i32>} : memref<40xi32, #tpu.memory_space<vmem>>, vector<16xi32>,
      %shift_right_arithmetic3A_147 = arith.constant 16 : i32
      %shift_right_arithmetic3A_148 = vector.broadcast %shift_right_arithmetic3A_147 : i32 to vector<16xi32>
      %shift_right_arithmetic3A_149 = arith.shrsi %get3A_139, %shift_right_arithmetic3A_148 : vector<16xi32>
      %swap3A_150 = arith.constant 24 : index
      %swap3A_151 = tpu.vector_load %arg12[%swap3A_150] {strides = array<i32>} : memref<40xi32, #tpu.memory_space<vmem>>, vector<16xi32>,
      %swap3A_152 = vector.shape_cast %swap3A_151 : vector<16xi32> to vector<16xi32>
      %swap3A_153 = vector.shape_cast %shift_right_arithmetic3A_149 : vector<16xi32> to vector<16xi32>
      tpu.vector_store %arg12[%swap3A_150], %swap3A_153 {strides = array<i32>} : memref<40xi32, #tpu.memory_space<vmem>>, vector<16xi32>,
      %add3A_154 = arith.constant 1 : i32
      %add3A_155 = arith.addi %mul3A_73, %add3A_154 : i32
      %mul3A_156 = arith.constant 40 : i32
      %mul3A_157 = arith.muli %add3A_155, %mul3A_156 : i32
      %add3A_158 = arith.addi %mul3A_2, %mul3A_157 : i32
      %dma_start3A_159 = arith.constant 0 : i32
      %dma_start3A_160 = arith.constant 0 : i32
      %dma_start3A_161 = tpu.memref_slice %arg2[%dma_start3A_159, %dma_start3A_160] : memref<10000x128xf32, #tpu.memory_space<hbm>> -> memref<10000x128xf32, #tpu.memory_space<hbm>>
      tpu.enqueue_indirect_dma source(%dma_start3A_161 : memref<10000x128xf32, #tpu.memory_space<hbm>>) target(%arg16 : memref<40x128xf32, #tpu.memory_space<vmem>>) offsets(%arg11 : memref<40xi32, #tpu.memory_space<vmem>>) semaphore(%arg21 : memref<!tpu.dma_semaphore, #tpu.memory_space<semaphore_mem>>)
      %dma_start3A_162 = arith.constant 0 : i32
      %dma_start3A_163 = arith.constant 0 : i32
      %dma_start3A_164 = tpu.memref_slice %arg3[%dma_start3A_162, %dma_start3A_163] : memref<10000x128xf32, #tpu.memory_space<hbm>> -> memref<10000x128xf32, #tpu.memory_space<hbm>>
      tpu.enqueue_indirect_dma source(%dma_start3A_164 : memref<10000x128xf32, #tpu.memory_space<hbm>>) target(%arg17 : memref<40x128xf32, #tpu.memory_space<vmem>>) offsets(%arg12 : memref<40xi32, #tpu.memory_space<vmem>>) semaphore(%arg21 : memref<!tpu.dma_semaphore, #tpu.memory_space<semaphore_mem>>)
      %dma_start3A_165 = arith.constant 0 : i32
      %dma_start3A_166 = tpu.memref_slice %arg4[%add3A_158, %dma_start3A_165] : memref<320000x128xf32, #tpu.memory_space<hbm>> -> memref<40x128xf32, #tpu.memory_space<hbm>>
      %dma_start3A_167 = arith.constant 0 : i32
      %dma_start3A_168 = tpu.memref_slice %arg4[%add3A_158, %dma_start3A_167] : memref<320000x128xf32, #tpu.memory_space<hbm>> -> memref<40x128xf32, #tpu.memory_space<hbm>>
      tpu.enqueue_dma source(%dma_start3A_168 : memref<40x128xf32, #tpu.memory_space<hbm>>) target(%arg18 : memref<40x128xf32, #tpu.memory_space<vmem>>) target_semaphore(%arg21 : memref<!tpu.dma_semaphore, #tpu.memory_space<semaphore_mem>>)
      %parallel_loop3A = arith.constant 0 : i32
      %parallel_loop3A_169 = arith.constant 40 : i32
      %parallel_loop3A_170 = arith.constant 1 : i32
      scf.for %parallel_loop3A_204 = %parallel_loop3A to %parallel_loop3A_169 step %parallel_loop3A_170  : i32 {
        %parallel_loop3A_205 = arith.index_cast %parallel_loop3A_204 : i32 to index
        %parallel_loop3A_206 = arith.constant 0 : index
        %parallel_loop3A_207 = tpu.vector_load %arg13[%parallel_loop3A_205, %parallel_loop3A_206] {strides = array<i32>} : memref<40x128xf32, #tpu.memory_space<vmem>>, vector<1x16xf32>,
        %parallel_loop3A_208 = vector.shape_cast %parallel_loop3A_207 : vector<1x16xf32> to vector<16xf32>
        %parallel_loop3A_209 = arith.index_cast %parallel_loop3A_204 : i32 to index
        %parallel_loop3A_210 = arith.constant 0 : index
        %parallel_loop3A_211 = tpu.vector_load %arg14[%parallel_loop3A_209, %parallel_loop3A_210] {strides = array<i32>} : memref<40x128xf32, #tpu.memory_space<vmem>>, vector<1x16xf32>,
        %parallel_loop3A_212 = vector.shape_cast %parallel_loop3A_211 : vector<1x16xf32> to vector<16xf32>
        %parallel_loop3A_213 = arith.addf %parallel_loop3A_208, %parallel_loop3A_212 : vector<16xf32>
        %parallel_loop3A_214 = arith.index_cast %parallel_loop3A_204 : i32 to index
        %parallel_loop3A_215 = arith.constant 0 : index
        %parallel_loop3A_216 = tpu.vector_load %arg15[%parallel_loop3A_214, %parallel_loop3A_215] {strides = array<i32>} : memref<40x128xf32, #tpu.memory_space<vmem>>, vector<1x16xf32>,
        %parallel_loop3A_217 = vector.shape_cast %parallel_loop3A_216 : vector<1x16xf32> to vector<16xf32>
        %parallel_loop3A_218 = arith.addf %parallel_loop3A_213, %parallel_loop3A_217 : vector<16xf32>
        %parallel_loop3A_219 = arith.constant 0.000000e+00 : f32
        %parallel_loop3A_220 = vector.broadcast %parallel_loop3A_219 : f32 to vector<16xf32>
        %parallel_loop3A_221 = arith.subf %parallel_loop3A_220, %parallel_loop3A_218 : vector<16xf32>
        %parallel_loop3A_222 = arith.minimumf %parallel_loop3A_218, %parallel_loop3A_221 : vector<16xf32>
        %parallel_loop3A_223 = math.exp %parallel_loop3A_222 : vector<16xf32>
        %parallel_loop3A_224 = arith.constant 2.992710e-01 : f32
        %parallel_loop3A_225 = vector.broadcast %parallel_loop3A_224 : f32 to vector<16xf32>
        %parallel_loop3A_226 = arith.mulf %parallel_loop3A_225, %parallel_loop3A_223 : vector<16xf32>
        %parallel_loop3A_227 = arith.constant 0.972103714 : f32
        %parallel_loop3A_228 = vector.broadcast %parallel_loop3A_227 : f32 to vector<16xf32>
        %parallel_loop3A_229 = arith.subf %parallel_loop3A_228, %parallel_loop3A_226 : vector<16xf32>
        %parallel_loop3A_230 = arith.mulf %parallel_loop3A_223, %parallel_loop3A_229 : vector<16xf32>
        %parallel_loop3A_231 = arith.constant 0.000000e+00 : f32
        %parallel_loop3A_232 = vector.broadcast %parallel_loop3A_231 : f32 to vector<16xf32>
        %parallel_loop3A_233 = arith.maximumf %parallel_loop3A_218, %parallel_loop3A_232 : vector<16xf32>
        %parallel_loop3A_234 = arith.addf %parallel_loop3A_233, %parallel_loop3A_230 : vector<16xf32>
        %parallel_loop3A_235 = arith.index_cast %parallel_loop3A_204 : i32 to index
        %parallel_loop3A_236 = arith.constant 0 : index
        %parallel_loop3A_237 = tpu.vector_load %arg13[%parallel_loop3A_235, %parallel_loop3A_236] {strides = array<i32>} : memref<40x128xf32, #tpu.memory_space<vmem>>, vector<1x16xf32>,
        %parallel_loop3A_238 = vector.shape_cast %parallel_loop3A_237 : vector<1x16xf32> to vector<16xf32>
        %parallel_loop3A_239 = vector.shape_cast %parallel_loop3A_234 : vector<16xf32> to vector<1x16xf32>
        tpu.vector_store %arg13[%parallel_loop3A_235, %parallel_loop3A_236], %parallel_loop3A_239 {strides = array<i32>} : memref<40x128xf32, #tpu.memory_space<vmem>>, vector<1x16xf32>,
        %parallel_loop3A_240 = arith.index_cast %parallel_loop3A_204 : i32 to index
        %parallel_loop3A_241 = arith.constant 16 : index
        %parallel_loop3A_242 = tpu.vector_load %arg13[%parallel_loop3A_240, %parallel_loop3A_241] {strides = array<i32>} : memref<40x128xf32, #tpu.memory_space<vmem>>, vector<1x16xf32>,
        %parallel_loop3A_243 = vector.shape_cast %parallel_loop3A_242 : vector<1x16xf32> to vector<16xf32>
        %parallel_loop3A_244 = arith.index_cast %parallel_loop3A_204 : i32 to index
        %parallel_loop3A_245 = arith.constant 16 : index
        %parallel_loop3A_246 = tpu.vector_load %arg14[%parallel_loop3A_244, %parallel_loop3A_245] {strides = array<i32>} : memref<40x128xf32, #tpu.memory_space<vmem>>, vector<1x16xf32>,
        %parallel_loop3A_247 = vector.shape_cast %parallel_loop3A_246 : vector<1x16xf32> to vector<16xf32>
        %parallel_loop3A_248 = arith.addf %parallel_loop3A_243, %parallel_loop3A_247 : vector<16xf32>
        %parallel_loop3A_249 = arith.index_cast %parallel_loop3A_204 : i32 to index
        %parallel_loop3A_250 = arith.constant 16 : index
        %parallel_loop3A_251 = tpu.vector_load %arg15[%parallel_loop3A_249, %parallel_loop3A_250] {strides = array<i32>} : memref<40x128xf32, #tpu.memory_space<vmem>>, vector<1x16xf32>,
        %parallel_loop3A_252 = vector.shape_cast %parallel_loop3A_251 : vector<1x16xf32> to vector<16xf32>
        %parallel_loop3A_253 = arith.addf %parallel_loop3A_248, %parallel_loop3A_252 : vector<16xf32>
        %parallel_loop3A_254 = arith.constant 0.000000e+00 : f32
        %parallel_loop3A_255 = vector.broadcast %parallel_loop3A_254 : f32 to vector<16xf32>
        %parallel_loop3A_256 = arith.subf %parallel_loop3A_255, %parallel_loop3A_253 : vector<16xf32>
        %parallel_loop3A_257 = arith.minimumf %parallel_loop3A_253, %parallel_loop3A_256 : vector<16xf32>
        %parallel_loop3A_258 = math.exp %parallel_loop3A_257 : vector<16xf32>
        %parallel_loop3A_259 = arith.constant 2.992710e-01 : f32
        %parallel_loop3A_260 = vector.broadcast %parallel_loop3A_259 : f32 to vector<16xf32>
        %parallel_loop3A_261 = arith.mulf %parallel_loop3A_260, %parallel_loop3A_258 : vector<16xf32>
        %parallel_loop3A_262 = arith.constant 0.972103714 : f32
        %parallel_loop3A_263 = vector.broadcast %parallel_loop3A_262 : f32 to vector<16xf32>
        %parallel_loop3A_264 = arith.subf %parallel_loop3A_263, %parallel_loop3A_261 : vector<16xf32>
        %parallel_loop3A_265 = arith.mulf %parallel_loop3A_258, %parallel_loop3A_264 : vector<16xf32>
        %parallel_loop3A_266 = arith.constant 0.000000e+00 : f32
        %parallel_loop3A_267 = vector.broadcast %parallel_loop3A_266 : f32 to vector<16xf32>
        %parallel_loop3A_268 = arith.maximumf %parallel_loop3A_253, %parallel_loop3A_267 : vector<16xf32>
        %parallel_loop3A_269 = arith.addf %parallel_loop3A_268, %parallel_loop3A_265 : vector<16xf32>
        %parallel_loop3A_270 = arith.index_cast %parallel_loop3A_204 : i32 to index
        %parallel_loop3A_271 = arith.constant 16 : index
        %parallel_loop3A_272 = tpu.vector_load %arg13[%parallel_loop3A_270, %parallel_loop3A_271] {strides = array<i32>} : memref<40x128xf32, #tpu.memory_space<vmem>>, vector<1x16xf32>,
        %parallel_loop3A_273 = vector.shape_cast %parallel_loop3A_272 : vector<1x16xf32> to vector<16xf32>
        %parallel_loop3A_274 = vector.shape_cast %parallel_loop3A_269 : vector<16xf32> to vector<1x16xf32>
        tpu.vector_store %arg13[%parallel_loop3A_270, %parallel_loop3A_271], %parallel_loop3A_274 {strides = array<i32>} : memref<40x128xf32, #tpu.memory_space<vmem>>, vector<1x16xf32>,
        %parallel_loop3A_275 = arith.index_cast %parallel_loop3A_204 : i32 to index
        %parallel_loop3A_276 = arith.constant 32 : index
        %parallel_loop3A_277 = tpu.vector_load %arg13[%parallel_loop3A_275, %parallel_loop3A_276] {strides = array<i32>} : memref<40x128xf32, #tpu.memory_space<vmem>>, vector<1x16xf32>,
        %parallel_loop3A_278 = vector.shape_cast %parallel_loop3A_277 : vector<1x16xf32> to vector<16xf32>
        %parallel_loop3A_279 = arith.index_cast %parallel_loop3A_204 : i32 to index
        %parallel_loop3A_280 = arith.constant 32 : index
        %parallel_loop3A_281 = tpu.vector_load %arg14[%parallel_loop3A_279, %parallel_loop3A_280] {strides = array<i32>} : memref<40x128xf32, #tpu.memory_space<vmem>>, vector<1x16xf32>,
        %parallel_loop3A_282 = vector.shape_cast %parallel_loop3A_281 : vector<1x16xf32> to vector<16xf32>
        %parallel_loop3A_283 = arith.addf %parallel_loop3A_278, %parallel_loop3A_282 : vector<16xf32>
        %parallel_loop3A_284 = arith.index_cast %parallel_loop3A_204 : i32 to index
        %parallel_loop3A_285 = arith.constant 32 : index
        %parallel_loop3A_286 = tpu.vector_load %arg15[%parallel_loop3A_284, %parallel_loop3A_285] {strides = array<i32>} : memref<40x128xf32, #tpu.memory_space<vmem>>, vector<1x16xf32>,
        %parallel_loop3A_287 = vector.shape_cast %parallel_loop3A_286 : vector<1x16xf32> to vector<16xf32>
        %parallel_loop3A_288 = arith.addf %parallel_loop3A_283, %parallel_loop3A_287 : vector<16xf32>
        %parallel_loop3A_289 = arith.constant 0.000000e+00 : f32
        %parallel_loop3A_290 = vector.broadcast %parallel_loop3A_289 : f32 to vector<16xf32>
        %parallel_loop3A_291 = arith.subf %parallel_loop3A_290, %parallel_loop3A_288 : vector<16xf32>
        %parallel_loop3A_292 = arith.minimumf %parallel_loop3A_288, %parallel_loop3A_291 : vector<16xf32>
        %parallel_loop3A_293 = math.exp %parallel_loop3A_292 : vector<16xf32>
        %parallel_loop3A_294 = arith.constant 2.992710e-01 : f32
        %parallel_loop3A_295 = vector.broadcast %parallel_loop3A_294 : f32 to vector<16xf32>
        %parallel_loop3A_296 = arith.mulf %parallel_loop3A_295, %parallel_loop3A_293 : vector<16xf32>
        %parallel_loop3A_297 = arith.constant 0.972103714 : f32
        %parallel_loop3A_298 = vector.broadcast %parallel_loop3A_297 : f32 to vector<16xf32>
        %parallel_loop3A_299 = arith.subf %parallel_loop3A_298, %parallel_loop3A_296 : vector<16xf32>
        %parallel_loop3A_300 = arith.mulf %parallel_loop3A_293, %parallel_loop3A_299 : vector<16xf32>
        %parallel_loop3A_301 = arith.constant 0.000000e+00 : f32
        %parallel_loop3A_302 = vector.broadcast %parallel_loop3A_301 : f32 to vector<16xf32>
        %parallel_loop3A_303 = arith.maximumf %parallel_loop3A_288, %parallel_loop3A_302 : vector<16xf32>
        %parallel_loop3A_304 = arith.addf %parallel_loop3A_303, %parallel_loop3A_300 : vector<16xf32>
        %parallel_loop3A_305 = arith.index_cast %parallel_loop3A_204 : i32 to index
        %parallel_loop3A_306 = arith.constant 32 : index
        %parallel_loop3A_307 = tpu.vector_load %arg13[%parallel_loop3A_305, %parallel_loop3A_306] {strides = array<i32>} : memref<40x128xf32, #tpu.memory_space<vmem>>, vector<1x16xf32>,
        %parallel_loop3A_308 = vector.shape_cast %parallel_loop3A_307 : vector<1x16xf32> to vector<16xf32>
        %parallel_loop3A_309 = vector.shape_cast %parallel_loop3A_304 : vector<16xf32> to vector<1x16xf32>
        tpu.vector_store %arg13[%parallel_loop3A_305, %parallel_loop3A_306], %parallel_loop3A_309 {strides = array<i32>} : memref<40x128xf32, #tpu.memory_space<vmem>>, vector<1x16xf32>,
        %parallel_loop3A_310 = arith.index_cast %parallel_loop3A_204 : i32 to index
        %parallel_loop3A_311 = arith.constant 48 : index
        %parallel_loop3A_312 = tpu.vector_load %arg13[%parallel_loop3A_310, %parallel_loop3A_311] {strides = array<i32>} : memref<40x128xf32, #tpu.memory_space<vmem>>, vector<1x16xf32>,
        %parallel_loop3A_313 = vector.shape_cast %parallel_loop3A_312 : vector<1x16xf32> to vector<16xf32>
        %parallel_loop3A_314 = arith.index_cast %parallel_loop3A_204 : i32 to index
        %parallel_loop3A_315 = arith.constant 48 : index
        %parallel_loop3A_316 = tpu.vector_load %arg14[%parallel_loop3A_314, %parallel_loop3A_315] {strides = array<i32>} : memref<40x128xf32, #tpu.memory_space<vmem>>, vector<1x16xf32>,
        %parallel_loop3A_317 = vector.shape_cast %parallel_loop3A_316 : vector<1x16xf32> to vector<16xf32>
        %parallel_loop3A_318 = arith.addf %parallel_loop3A_313, %parallel_loop3A_317 : vector<16xf32>
        %parallel_loop3A_319 = arith.index_cast %parallel_loop3A_204 : i32 to index
        %parallel_loop3A_320 = arith.constant 48 : index
        %parallel_loop3A_321 = tpu.vector_load %arg15[%parallel_loop3A_319, %parallel_loop3A_320] {strides = array<i32>} : memref<40x128xf32, #tpu.memory_space<vmem>>, vector<1x16xf32>,
        %parallel_loop3A_322 = vector.shape_cast %parallel_loop3A_321 : vector<1x16xf32> to vector<16xf32>
        %parallel_loop3A_323 = arith.addf %parallel_loop3A_318, %parallel_loop3A_322 : vector<16xf32>
        %parallel_loop3A_324 = arith.constant 0.000000e+00 : f32
        %parallel_loop3A_325 = vector.broadcast %parallel_loop3A_324 : f32 to vector<16xf32>
        %parallel_loop3A_326 = arith.subf %parallel_loop3A_325, %parallel_loop3A_323 : vector<16xf32>
        %parallel_loop3A_327 = arith.minimumf %parallel_loop3A_323, %parallel_loop3A_326 : vector<16xf32>
        %parallel_loop3A_328 = math.exp %parallel_loop3A_327 : vector<16xf32>
        %parallel_loop3A_329 = arith.constant 2.992710e-01 : f32
        %parallel_loop3A_330 = vector.broadcast %parallel_loop3A_329 : f32 to vector<16xf32>
        %parallel_loop3A_331 = arith.mulf %parallel_loop3A_330, %parallel_loop3A_328 : vector<16xf32>
        %parallel_loop3A_332 = arith.constant 0.972103714 : f32
        %parallel_loop3A_333 = vector.broadcast %parallel_loop3A_332 : f32 to vector<16xf32>
        %parallel_loop3A_334 = arith.subf %parallel_loop3A_333, %parallel_loop3A_331 : vector<16xf32>
        %parallel_loop3A_335 = arith.mulf %parallel_loop3A_328, %parallel_loop3A_334 : vector<16xf32>
        %parallel_loop3A_336 = arith.constant 0.000000e+00 : f32
        %parallel_loop3A_337 = vector.broadcast %parallel_loop3A_336 : f32 to vector<16xf32>
        %parallel_loop3A_338 = arith.maximumf %parallel_loop3A_323, %parallel_loop3A_337 : vector<16xf32>
        %parallel_loop3A_339 = arith.addf %parallel_loop3A_338, %parallel_loop3A_335 : vector<16xf32>
        %parallel_loop3A_340 = arith.index_cast %parallel_loop3A_204 : i32 to index
        %parallel_loop3A_341 = arith.constant 48 : index
        %parallel_loop3A_342 = tpu.vector_load %arg13[%parallel_loop3A_340, %parallel_loop3A_341] {strides = array<i32>} : memref<40x128xf32, #tpu.memory_space<vmem>>, vector<1x16xf32>,
        %parallel_loop3A_343 = vector.shape_cast %parallel_loop3A_342 : vector<1x16xf32> to vector<16xf32>
        %parallel_loop3A_344 = vector.shape_cast %parallel_loop3A_339 : vector<16xf32> to vector<1x16xf32>
        tpu.vector_store %arg13[%parallel_loop3A_340, %parallel_loop3A_341], %parallel_loop3A_344 {strides = array<i32>} : memref<40x128xf32, #tpu.memory_space<vmem>>, vector<1x16xf32>,
        %parallel_loop3A_345 = arith.index_cast %parallel_loop3A_204 : i32 to index
        %parallel_loop3A_346 = arith.constant 64 : index
        %parallel_loop3A_347 = tpu.vector_load %arg13[%parallel_loop3A_345, %parallel_loop3A_346] {strides = array<i32>} : memref<40x128xf32, #tpu.memory_space<vmem>>, vector<1x16xf32>,
        %parallel_loop3A_348 = vector.shape_cast %parallel_loop3A_347 : vector<1x16xf32> to vector<16xf32>
        %parallel_loop3A_349 = arith.index_cast %parallel_loop3A_204 : i32 to index
        %parallel_loop3A_350 = arith.constant 64 : index
        %parallel_loop3A_351 = tpu.vector_load %arg14[%parallel_loop3A_349, %parallel_loop3A_350] {strides = array<i32>} : memref<40x128xf32, #tpu.memory_space<vmem>>, vector<1x16xf32>,
        %parallel_loop3A_352 = vector.shape_cast %parallel_loop3A_351 : vector<1x16xf32> to vector<16xf32>
        %parallel_loop3A_353 = arith.addf %parallel_loop3A_348, %parallel_loop3A_352 : vector<16xf32>
        %parallel_loop3A_354 = arith.index_cast %parallel_loop3A_204 : i32 to index
        %parallel_loop3A_355 = arith.constant 64 : index
        %parallel_loop3A_356 = tpu.vector_load %arg15[%parallel_loop3A_354, %parallel_loop3A_355] {strides = array<i32>} : memref<40x128xf32, #tpu.memory_space<vmem>>, vector<1x16xf32>,
        %parallel_loop3A_357 = vector.shape_cast %parallel_loop3A_356 : vector<1x16xf32> to vector<16xf32>
        %parallel_loop3A_358 = arith.addf %parallel_loop3A_353, %parallel_loop3A_357 : vector<16xf32>
        %parallel_loop3A_359 = arith.constant 0.000000e+00 : f32
        %parallel_loop3A_360 = vector.broadcast %parallel_loop3A_359 : f32 to vector<16xf32>
        %parallel_loop3A_361 = arith.subf %parallel_loop3A_360, %parallel_loop3A_358 : vector<16xf32>
        %parallel_loop3A_362 = arith.minimumf %parallel_loop3A_358, %parallel_loop3A_361 : vector<16xf32>
        %parallel_loop3A_363 = math.exp %parallel_loop3A_362 : vector<16xf32>
        %parallel_loop3A_364 = arith.constant 2.992710e-01 : f32
        %parallel_loop3A_365 = vector.broadcast %parallel_loop3A_364 : f32 to vector<16xf32>
        %parallel_loop3A_366 = arith.mulf %parallel_loop3A_365, %parallel_loop3A_363 : vector<16xf32>
        %parallel_loop3A_367 = arith.constant 0.972103714 : f32
        %parallel_loop3A_368 = vector.broadcast %parallel_loop3A_367 : f32 to vector<16xf32>
        %parallel_loop3A_369 = arith.subf %parallel_loop3A_368, %parallel_loop3A_366 : vector<16xf32>
        %parallel_loop3A_370 = arith.mulf %parallel_loop3A_363, %parallel_loop3A_369 : vector<16xf32>
        %parallel_loop3A_371 = arith.constant 0.000000e+00 : f32
        %parallel_loop3A_372 = vector.broadcast %parallel_loop3A_371 : f32 to vector<16xf32>
        %parallel_loop3A_373 = arith.maximumf %parallel_loop3A_358, %parallel_loop3A_372 : vector<16xf32>
        %parallel_loop3A_374 = arith.addf %parallel_loop3A_373, %parallel_loop3A_370 : vector<16xf32>
        %parallel_loop3A_375 = arith.index_cast %parallel_loop3A_204 : i32 to index
        %parallel_loop3A_376 = arith.constant 64 : index
        %parallel_loop3A_377 = tpu.vector_load %arg13[%parallel_loop3A_375, %parallel_loop3A_376] {strides = array<i32>} : memref<40x128xf32, #tpu.memory_space<vmem>>, vector<1x16xf32>,
        %parallel_loop3A_378 = vector.shape_cast %parallel_loop3A_377 : vector<1x16xf32> to vector<16xf32>
        %parallel_loop3A_379 = vector.shape_cast %parallel_loop3A_374 : vector<16xf32> to vector<1x16xf32>
        tpu.vector_store %arg13[%parallel_loop3A_375, %parallel_loop3A_376], %parallel_loop3A_379 {strides = array<i32>} : memref<40x128xf32, #tpu.memory_space<vmem>>, vector<1x16xf32>,
        %parallel_loop3A_380 = arith.index_cast %parallel_loop3A_204 : i32 to index
        %parallel_loop3A_381 = arith.constant 80 : index
        %parallel_loop3A_382 = tpu.vector_load %arg13[%parallel_loop3A_380, %parallel_loop3A_381] {strides = array<i32>} : memref<40x128xf32, #tpu.memory_space<vmem>>, vector<1x16xf32>,
        %parallel_loop3A_383 = vector.shape_cast %parallel_loop3A_382 : vector<1x16xf32> to vector<16xf32>
        %parallel_loop3A_384 = arith.index_cast %parallel_loop3A_204 : i32 to index
        %parallel_loop3A_385 = arith.constant 80 : index
        %parallel_loop3A_386 = tpu.vector_load %arg14[%parallel_loop3A_384, %parallel_loop3A_385] {strides = array<i32>} : memref<40x128xf32, #tpu.memory_space<vmem>>, vector<1x16xf32>,
        %parallel_loop3A_387 = vector.shape_cast %parallel_loop3A_386 : vector<1x16xf32> to vector<16xf32>
        %parallel_loop3A_388 = arith.addf %parallel_loop3A_383, %parallel_loop3A_387 : vector<16xf32>
        %parallel_loop3A_389 = arith.index_cast %parallel_loop3A_204 : i32 to index
        %parallel_loop3A_390 = arith.constant 80 : index
        %parallel_loop3A_391 = tpu.vector_load %arg15[%parallel_loop3A_389, %parallel_loop3A_390] {strides = array<i32>} : memref<40x128xf32, #tpu.memory_space<vmem>>, vector<1x16xf32>,
        %parallel_loop3A_392 = vector.shape_cast %parallel_loop3A_391 : vector<1x16xf32> to vector<16xf32>
        %parallel_loop3A_393 = arith.addf %parallel_loop3A_388, %parallel_loop3A_392 : vector<16xf32>
        %parallel_loop3A_394 = arith.constant 0.000000e+00 : f32
        %parallel_loop3A_395 = vector.broadcast %parallel_loop3A_394 : f32 to vector<16xf32>
        %parallel_loop3A_396 = arith.subf %parallel_loop3A_395, %parallel_loop3A_393 : vector<16xf32>
        %parallel_loop3A_397 = arith.minimumf %parallel_loop3A_393, %parallel_loop3A_396 : vector<16xf32>
        %parallel_loop3A_398 = math.exp %parallel_loop3A_397 : vector<16xf32>
        %parallel_loop3A_399 = arith.constant 2.992710e-01 : f32
        %parallel_loop3A_400 = vector.broadcast %parallel_loop3A_399 : f32 to vector<16xf32>
        %parallel_loop3A_401 = arith.mulf %parallel_loop3A_400, %parallel_loop3A_398 : vector<16xf32>
        %parallel_loop3A_402 = arith.constant 0.972103714 : f32
        %parallel_loop3A_403 = vector.broadcast %parallel_loop3A_402 : f32 to vector<16xf32>
        %parallel_loop3A_404 = arith.subf %parallel_loop3A_403, %parallel_loop3A_401 : vector<16xf32>
        %parallel_loop3A_405 = arith.mulf %parallel_loop3A_398, %parallel_loop3A_404 : vector<16xf32>
        %parallel_loop3A_406 = arith.constant 0.000000e+00 : f32
        %parallel_loop3A_407 = vector.broadcast %parallel_loop3A_406 : f32 to vector<16xf32>
        %parallel_loop3A_408 = arith.maximumf %parallel_loop3A_393, %parallel_loop3A_407 : vector<16xf32>
        %parallel_loop3A_409 = arith.addf %parallel_loop3A_408, %parallel_loop3A_405 : vector<16xf32>
        %parallel_loop3A_410 = arith.index_cast %parallel_loop3A_204 : i32 to index
        %parallel_loop3A_411 = arith.constant 80 : index
        %parallel_loop3A_412 = tpu.vector_load %arg13[%parallel_loop3A_410, %parallel_loop3A_411] {strides = array<i32>} : memref<40x128xf32, #tpu.memory_space<vmem>>, vector<1x16xf32>,
        %parallel_loop3A_413 = vector.shape_cast %parallel_loop3A_412 : vector<1x16xf32> to vector<16xf32>
        %parallel_loop3A_414 = vector.shape_cast %parallel_loop3A_409 : vector<16xf32> to vector<1x16xf32>
        tpu.vector_store %arg13[%parallel_loop3A_410, %parallel_loop3A_411], %parallel_loop3A_414 {strides = array<i32>} : memref<40x128xf32, #tpu.memory_space<vmem>>, vector<1x16xf32>,
        %parallel_loop3A_415 = arith.index_cast %parallel_loop3A_204 : i32 to index
        %parallel_loop3A_416 = arith.constant 96 : index
        %parallel_loop3A_417 = tpu.vector_load %arg13[%parallel_loop3A_415, %parallel_loop3A_416] {strides = array<i32>} : memref<40x128xf32, #tpu.memory_space<vmem>>, vector<1x16xf32>,
        %parallel_loop3A_418 = vector.shape_cast %parallel_loop3A_417 : vector<1x16xf32> to vector<16xf32>
        %parallel_loop3A_419 = arith.index_cast %parallel_loop3A_204 : i32 to index
        %parallel_loop3A_420 = arith.constant 96 : index
        %parallel_loop3A_421 = tpu.vector_load %arg14[%parallel_loop3A_419, %parallel_loop3A_420] {strides = array<i32>} : memref<40x128xf32, #tpu.memory_space<vmem>>, vector<1x16xf32>,
        %parallel_loop3A_422 = vector.shape_cast %parallel_loop3A_421 : vector<1x16xf32> to vector<16xf32>
        %parallel_loop3A_423 = arith.addf %parallel_loop3A_418, %parallel_loop3A_422 : vector<16xf32>
        %parallel_loop3A_424 = arith.index_cast %parallel_loop3A_204 : i32 to index
        %parallel_loop3A_425 = arith.constant 96 : index
        %parallel_loop3A_426 = tpu.vector_load %arg15[%parallel_loop3A_424, %parallel_loop3A_425] {strides = array<i32>} : memref<40x128xf32, #tpu.memory_space<vmem>>, vector<1x16xf32>,
        %parallel_loop3A_427 = vector.shape_cast %parallel_loop3A_426 : vector<1x16xf32> to vector<16xf32>
        %parallel_loop3A_428 = arith.addf %parallel_loop3A_423, %parallel_loop3A_427 : vector<16xf32>
        %parallel_loop3A_429 = arith.constant 0.000000e+00 : f32
        %parallel_loop3A_430 = vector.broadcast %parallel_loop3A_429 : f32 to vector<16xf32>
        %parallel_loop3A_431 = arith.subf %parallel_loop3A_430, %parallel_loop3A_428 : vector<16xf32>
        %parallel_loop3A_432 = arith.minimumf %parallel_loop3A_428, %parallel_loop3A_431 : vector<16xf32>
        %parallel_loop3A_433 = math.exp %parallel_loop3A_432 : vector<16xf32>
        %parallel_loop3A_434 = arith.constant 2.992710e-01 : f32
        %parallel_loop3A_435 = vector.broadcast %parallel_loop3A_434 : f32 to vector<16xf32>
        %parallel_loop3A_436 = arith.mulf %parallel_loop3A_435, %parallel_loop3A_433 : vector<16xf32>
        %parallel_loop3A_437 = arith.constant 0.972103714 : f32
        %parallel_loop3A_438 = vector.broadcast %parallel_loop3A_437 : f32 to vector<16xf32>
        %parallel_loop3A_439 = arith.subf %parallel_loop3A_438, %parallel_loop3A_436 : vector<16xf32>
        %parallel_loop3A_440 = arith.mulf %parallel_loop3A_433, %parallel_loop3A_439 : vector<16xf32>
        %parallel_loop3A_441 = arith.constant 0.000000e+00 : f32
        %parallel_loop3A_442 = vector.broadcast %parallel_loop3A_441 : f32 to vector<16xf32>
        %parallel_loop3A_443 = arith.maximumf %parallel_loop3A_428, %parallel_loop3A_442 : vector<16xf32>
        %parallel_loop3A_444 = arith.addf %parallel_loop3A_443, %parallel_loop3A_440 : vector<16xf32>
        %parallel_loop3A_445 = arith.index_cast %parallel_loop3A_204 : i32 to index
        %parallel_loop3A_446 = arith.constant 96 : index
        %parallel_loop3A_447 = tpu.vector_load %arg13[%parallel_loop3A_445, %parallel_loop3A_446] {strides = array<i32>} : memref<40x128xf32, #tpu.memory_space<vmem>>, vector<1x16xf32>,
        %parallel_loop3A_448 = vector.shape_cast %parallel_loop3A_447 : vector<1x16xf32> to vector<16xf32>
        %parallel_loop3A_449 = vector.shape_cast %parallel_loop3A_444 : vector<16xf32> to vector<1x16xf32>
        tpu.vector_store %arg13[%parallel_loop3A_445, %parallel_loop3A_446], %parallel_loop3A_449 {strides = array<i32>} : memref<40x128xf32, #tpu.memory_space<vmem>>, vector<1x16xf32>,
        %parallel_loop3A_450 = arith.index_cast %parallel_loop3A_204 : i32 to index
        %parallel_loop3A_451 = arith.constant 112 : index
        %parallel_loop3A_452 = tpu.vector_load %arg13[%parallel_loop3A_450, %parallel_loop3A_451] {strides = array<i32>} : memref<40x128xf32, #tpu.memory_space<vmem>>, vector<1x16xf32>,
        %parallel_loop3A_453 = vector.shape_cast %parallel_loop3A_452 : vector<1x16xf32> to vector<16xf32>
        %parallel_loop3A_454 = arith.index_cast %parallel_loop3A_204 : i32 to index
        %parallel_loop3A_455 = arith.constant 112 : index
        %parallel_loop3A_456 = tpu.vector_load %arg14[%parallel_loop3A_454, %parallel_loop3A_455] {strides = array<i32>} : memref<40x128xf32, #tpu.memory_space<vmem>>, vector<1x16xf32>,
        %parallel_loop3A_457 = vector.shape_cast %parallel_loop3A_456 : vector<1x16xf32> to vector<16xf32>
        %parallel_loop3A_458 = arith.addf %parallel_loop3A_453, %parallel_loop3A_457 : vector<16xf32>
        %parallel_loop3A_459 = arith.index_cast %parallel_loop3A_204 : i32 to index
        %parallel_loop3A_460 = arith.constant 112 : index
        %parallel_loop3A_461 = tpu.vector_load %arg15[%parallel_loop3A_459, %parallel_loop3A_460] {strides = array<i32>} : memref<40x128xf32, #tpu.memory_space<vmem>>, vector<1x16xf32>,
        %parallel_loop3A_462 = vector.shape_cast %parallel_loop3A_461 : vector<1x16xf32> to vector<16xf32>
        %parallel_loop3A_463 = arith.addf %parallel_loop3A_458, %parallel_loop3A_462 : vector<16xf32>
        %parallel_loop3A_464 = arith.constant 0.000000e+00 : f32
        %parallel_loop3A_465 = vector.broadcast %parallel_loop3A_464 : f32 to vector<16xf32>
        %parallel_loop3A_466 = arith.subf %parallel_loop3A_465, %parallel_loop3A_463 : vector<16xf32>
        %parallel_loop3A_467 = arith.minimumf %parallel_loop3A_463, %parallel_loop3A_466 : vector<16xf32>
        %parallel_loop3A_468 = math.exp %parallel_loop3A_467 : vector<16xf32>
        %parallel_loop3A_469 = arith.constant 2.992710e-01 : f32
        %parallel_loop3A_470 = vector.broadcast %parallel_loop3A_469 : f32 to vector<16xf32>
        %parallel_loop3A_471 = arith.mulf %parallel_loop3A_470, %parallel_loop3A_468 : vector<16xf32>
        %parallel_loop3A_472 = arith.constant 0.972103714 : f32
        %parallel_loop3A_473 = vector.broadcast %parallel_loop3A_472 : f32 to vector<16xf32>
        %parallel_loop3A_474 = arith.subf %parallel_loop3A_473, %parallel_loop3A_471 : vector<16xf32>
        %parallel_loop3A_475 = arith.mulf %parallel_loop3A_468, %parallel_loop3A_474 : vector<16xf32>
        %parallel_loop3A_476 = arith.constant 0.000000e+00 : f32
        %parallel_loop3A_477 = vector.broadcast %parallel_loop3A_476 : f32 to vector<16xf32>
        %parallel_loop3A_478 = arith.maximumf %parallel_loop3A_463, %parallel_loop3A_477 : vector<16xf32>
        %parallel_loop3A_479 = arith.addf %parallel_loop3A_478, %parallel_loop3A_475 : vector<16xf32>
        %parallel_loop3A_480 = arith.index_cast %parallel_loop3A_204 : i32 to index
        %parallel_loop3A_481 = arith.constant 112 : index
        %parallel_loop3A_482 = tpu.vector_load %arg13[%parallel_loop3A_480, %parallel_loop3A_481] {strides = array<i32>} : memref<40x128xf32, #tpu.memory_space<vmem>>, vector<1x16xf32>,
        %parallel_loop3A_483 = vector.shape_cast %parallel_loop3A_482 : vector<1x16xf32> to vector<16xf32>
        %parallel_loop3A_484 = vector.shape_cast %parallel_loop3A_479 : vector<16xf32> to vector<1x16xf32>
        tpu.vector_store %arg13[%parallel_loop3A_480, %parallel_loop3A_481], %parallel_loop3A_484 {strides = array<i32>} : memref<40x128xf32, #tpu.memory_space<vmem>>, vector<1x16xf32>,
      } {sc.loop_unroll_factor = 4 : i64, sc.parallel_access}
      %dma_start3A_171 = arith.constant 0 : i32
      %dma_start3A_172 = arith.constant 0 : i32
      %dma_start3A_173 = tpu.memref_slice %arg19[%dma_start3A_171, %dma_start3A_172] : memref<10240x128xf32, #tpu.memory_space<vmem_shared>> -> memref<10240x128xf32, #tpu.memory_space<vmem_shared>>
      tpu.enqueue_indirect_dma source(%arg13 : memref<40x128xf32, #tpu.memory_space<vmem>>) target(%dma_start3A_173 : memref<10240x128xf32, #tpu.memory_space<vmem_shared>>) offsets(%arg10 : memref<40xi32, #tpu.memory_space<vmem>>) semaphore(%arg22 : memref<!tpu.dma_semaphore, #tpu.memory_space<semaphore_mem>>) {add = true}
      %add3A_174 = arith.constant 1 : i32
      %add3A_175 = arith.addi %mul3A_73, %add3A_174 : i32
      %mul3A_176 = arith.constant 40 : i32
      %mul3A_177 = arith.muli %add3A_175, %mul3A_176 : i32
      %add3A_178 = arith.addi %mul3A_2, %mul3A_177 : i32
      %dma_wait3A_179 = arith.constant 0 : i32
      %dma_wait3A_180 = arith.constant 0 : i32
      %dma_wait3A_181 = tpu.memref_slice %arg2[%dma_wait3A_179, %dma_wait3A_180] : memref<10000x128xf32, #tpu.memory_space<hbm>> -> memref<10000x128xf32, #tpu.memory_space<hbm>>
      tpu.wait_indirect_dma semaphore(%arg21 : memref<!tpu.dma_semaphore, #tpu.memory_space<semaphore_mem>>) src(%dma_wait3A_181 : memref<10000x128xf32, #tpu.memory_space<hbm>>) dst(%arg16 : memref<40x128xf32, #tpu.memory_space<vmem>>)
      %dma_wait3A_182 = arith.constant 0 : i32
      %dma_wait3A_183 = arith.constant 0 : i32
      %dma_wait3A_184 = tpu.memref_slice %arg3[%dma_wait3A_182, %dma_wait3A_183] : memref<10000x128xf32, #tpu.memory_space<hbm>> -> memref<10000x128xf32, #tpu.memory_space<hbm>>
      tpu.wait_indirect_dma semaphore(%arg21 : memref<!tpu.dma_semaphore, #tpu.memory_space<semaphore_mem>>) src(%dma_wait3A_184 : memref<10000x128xf32, #tpu.memory_space<hbm>>) dst(%arg17 : memref<40x128xf32, #tpu.memory_space<vmem>>)
      %dma_wait3A_185 = arith.constant 0 : i32
      %dma_wait3A_186 = tpu.memref_slice %arg4[%add3A_178, %dma_wait3A_185] : memref<320000x128xf32, #tpu.memory_space<hbm>> -> memref<40x128xf32, #tpu.memory_space<hbm>>
      %dma_wait3A_187 = arith.constant 0 : i32
      %dma_wait3A_188 = tpu.memref_slice %arg4[%add3A_178, %dma_wait3A_187] : memref<320000x128xf32, #tpu.memory_space<hbm>> -> memref<40x128xf32, #tpu.memory_space<hbm>>
      tpu.wait_dma2 semaphore(%arg21 : memref<!tpu.dma_semaphore, #tpu.memory_space<semaphore_mem>>) src(%dma_wait3A_188 : memref<40x128xf32, #tpu.memory_space<hbm>>) dst(%arg18 : memref<40x128xf32, #tpu.memory_space<vmem>>)
      %dma_wait3A_189 = arith.constant 0 : i32
      %dma_wait3A_190 = arith.constant 0 : i32
      %dma_wait3A_191 = tpu.memref_slice %arg19[%dma_wait3A_189, %dma_wait3A_190] : memref<10240x128xf32, #tpu.memory_space<vmem_shared>> -> memref<10240x128xf32, #tpu.memory_space<vmem_shared>>
      tpu.wait_indirect_dma semaphore(%arg22 : memref<!tpu.dma_semaphore, #tpu.memory_space<semaphore_mem>>) src(%arg13 : memref<40x128xf32, #tpu.memory_space<vmem>>) dst(%dma_wait3A_191 : memref<10240x128xf32, #tpu.memory_space<vmem_shared>>)
      %add3A_192 = arith.constant 1 : i32
      %add3A_193 = arith.addi %add3A_175, %add3A_192 : i32
      %lt3A = arith.constant 250 : i32
      %lt3A_194 = arith.cmpi slt, %add3A_193, %lt3A : i32
      %convert_element_type3A_195 = arith.extui %lt3A_194 : i1 to i32
      %cond3A_196 = arith.constant 0 : i32
      %cond3A_197 = arith.cmpi ne, %convert_element_type3A_195, %cond3A_196 : i32
      scf.if %cond3A_197 {
        %add3A_204 = arith.constant 1 : i32
        %add3A_205 = arith.addi %add3A_175, %add3A_204 : i32
        %mul3A_206 = arith.constant 40 : i32
        %mul3A_207 = arith.muli %add3A_205, %mul3A_206 : i32
        %add3A_208 = arith.constant 0 : i32
        %add3A_209 = arith.addi %mul3A_207, %add3A_208 : i32
        %get3A_210 = arith.index_cast %add3A_209 : i32 to index
        %get3A_211 = tpu.vector_load %arg8[%get3A_210] {strides = array<i32>} : memref<10000xi32, #tpu.memory_space<vmem>>, vector<16xi32>,
        %get3A_212 = vector.shape_cast %get3A_211 : vector<16xi32> to vector<16xi32>
        %and3A_213 = arith.constant 65535 : i32
        %and3A_214 = vector.broadcast %and3A_213 : i32 to vector<16xi32>
        %and3A_215 = arith.andi %get3A_212, %and3A_214 : vector<16xi32>
        %swap3A_216 = arith.constant 0 : index
        %swap3A_217 = tpu.vector_load %arg9[%swap3A_216] {strides = array<i32>} : memref<40xi32, #tpu.memory_space<vmem>>, vector<16xi32>,
        %swap3A_218 = vector.shape_cast %swap3A_217 : vector<16xi32> to vector<16xi32>
        %swap3A_219 = vector.shape_cast %and3A_215 : vector<16xi32> to vector<16xi32>
        tpu.vector_store %arg9[%swap3A_216], %swap3A_219 {strides = array<i32>} : memref<40xi32, #tpu.memory_space<vmem>>, vector<16xi32>,
        %shift_right_arithmetic3A_220 = arith.constant 16 : i32
        %shift_right_arithmetic3A_221 = vector.broadcast %shift_right_arithmetic3A_220 : i32 to vector<16xi32>
        %shift_right_arithmetic3A_222 = arith.shrsi %get3A_212, %shift_right_arithmetic3A_221 : vector<16xi32>
        %swap3A_223 = arith.constant 0 : index
        %swap3A_224 = tpu.vector_load %arg10[%swap3A_223] {strides = array<i32>} : memref<40xi32, #tpu.memory_space<vmem>>, vector<16xi32>,
        %swap3A_225 = vector.shape_cast %swap3A_224 : vector<16xi32> to vector<16xi32>
        %swap3A_226 = vector.shape_cast %shift_right_arithmetic3A_222 : vector<16xi32> to vector<16xi32>
        tpu.vector_store %arg10[%swap3A_223], %swap3A_226 {strides = array<i32>} : memref<40xi32, #tpu.memory_space<vmem>>, vector<16xi32>,
        %mul3A_227 = arith.constant 40 : i32
        %mul3A_228 = arith.muli %add3A_205, %mul3A_227 : i32
        %add3A_229 = arith.constant 16 : i32
        %add3A_230 = arith.addi %mul3A_228, %add3A_229 : i32
        %get3A_231 = arith.index_cast %add3A_230 : i32 to index
        %get3A_232 = tpu.vector_load %arg8[%get3A_231] {strides = array<i32>} : memref<10000xi32, #tpu.memory_space<vmem>>, vector<16xi32>,
        %get3A_233 = vector.shape_cast %get3A_232 : vector<16xi32> to vector<16xi32>
        %and3A_234 = arith.constant 65535 : i32
        %and3A_235 = vector.broadcast %and3A_234 : i32 to vector<16xi32>
        %and3A_236 = arith.andi %get3A_233, %and3A_235 : vector<16xi32>
        %swap3A_237 = arith.constant 16 : index
        %swap3A_238 = tpu.vector_load %arg9[%swap3A_237] {strides = array<i32>} : memref<40xi32, #tpu.memory_space<vmem>>, vector<16xi32>,
        %swap3A_239 = vector.shape_cast %swap3A_238 : vector<16xi32> to vector<16xi32>
        %swap3A_240 = vector.shape_cast %and3A_236 : vector<16xi32> to vector<16xi32>
        tpu.vector_store %arg9[%swap3A_237], %swap3A_240 {strides = array<i32>} : memref<40xi32, #tpu.memory_space<vmem>>, vector<16xi32>,
        %shift_right_arithmetic3A_241 = arith.constant 16 : i32
        %shift_right_arithmetic3A_242 = vector.broadcast %shift_right_arithmetic3A_241 : i32 to vector<16xi32>
        %shift_right_arithmetic3A_243 = arith.shrsi %get3A_233, %shift_right_arithmetic3A_242 : vector<16xi32>
        %swap3A_244 = arith.constant 16 : index
        %swap3A_245 = tpu.vector_load %arg10[%swap3A_244] {strides = array<i32>} : memref<40xi32, #tpu.memory_space<vmem>>, vector<16xi32>,
        %swap3A_246 = vector.shape_cast %swap3A_245 : vector<16xi32> to vector<16xi32>
        %swap3A_247 = vector.shape_cast %shift_right_arithmetic3A_243 : vector<16xi32> to vector<16xi32>
        tpu.vector_store %arg10[%swap3A_244], %swap3A_247 {strides = array<i32>} : memref<40xi32, #tpu.memory_space<vmem>>, vector<16xi32>,
        %mul3A_248 = arith.constant 40 : i32
        %mul3A_249 = arith.muli %add3A_205, %mul3A_248 : i32
        %add3A_250 = arith.constant 24 : i32
        %add3A_251 = arith.addi %mul3A_249, %add3A_250 : i32
        %get3A_252 = arith.index_cast %add3A_251 : i32 to index
        %get3A_253 = tpu.vector_load %arg8[%get3A_252] {strides = array<i32>} : memref<10000xi32, #tpu.memory_space<vmem>>, vector<16xi32>,
        %get3A_254 = vector.shape_cast %get3A_253 : vector<16xi32> to vector<16xi32>
        %and3A_255 = arith.constant 65535 : i32
        %and3A_256 = vector.broadcast %and3A_255 : i32 to vector<16xi32>
        %and3A_257 = arith.andi %get3A_254, %and3A_256 : vector<16xi32>
        %swap3A_258 = arith.constant 24 : index
        %swap3A_259 = tpu.vector_load %arg9[%swap3A_258] {strides = array<i32>} : memref<40xi32, #tpu.memory_space<vmem>>, vector<16xi32>,
        %swap3A_260 = vector.shape_cast %swap3A_259 : vector<16xi32> to vector<16xi32>
        %swap3A_261 = vector.shape_cast %and3A_257 : vector<16xi32> to vector<16xi32>
        tpu.vector_store %arg9[%swap3A_258], %swap3A_261 {strides = array<i32>} : memref<40xi32, #tpu.memory_space<vmem>>, vector<16xi32>,
        %shift_right_arithmetic3A_262 = arith.constant 16 : i32
        %shift_right_arithmetic3A_263 = vector.broadcast %shift_right_arithmetic3A_262 : i32 to vector<16xi32>
        %shift_right_arithmetic3A_264 = arith.shrsi %get3A_254, %shift_right_arithmetic3A_263 : vector<16xi32>
        %swap3A_265 = arith.constant 24 : index
        %swap3A_266 = tpu.vector_load %arg10[%swap3A_265] {strides = array<i32>} : memref<40xi32, #tpu.memory_space<vmem>>, vector<16xi32>,
        %swap3A_267 = vector.shape_cast %swap3A_266 : vector<16xi32> to vector<16xi32>
        %swap3A_268 = vector.shape_cast %shift_right_arithmetic3A_264 : vector<16xi32> to vector<16xi32>
        tpu.vector_store %arg10[%swap3A_265], %swap3A_268 {strides = array<i32>} : memref<40xi32, #tpu.memory_space<vmem>>, vector<16xi32>,
        %add3A_269 = arith.constant 1 : i32
        %add3A_270 = arith.addi %add3A_175, %add3A_269 : i32
        %mul3A_271 = arith.constant 40 : i32
        %mul3A_272 = arith.muli %add3A_270, %mul3A_271 : i32
        %add3A_273 = arith.addi %mul3A_2, %mul3A_272 : i32
        %dma_start3A_274 = arith.constant 0 : i32
        %dma_start3A_275 = arith.constant 0 : i32
        %dma_start3A_276 = tpu.memref_slice %arg2[%dma_start3A_274, %dma_start3A_275] : memref<10000x128xf32, #tpu.memory_space<hbm>> -> memref<10000x128xf32, #tpu.memory_space<hbm>>
        tpu.enqueue_indirect_dma source(%dma_start3A_276 : memref<10000x128xf32, #tpu.memory_space<hbm>>) target(%arg13 : memref<40x128xf32, #tpu.memory_space<vmem>>) offsets(%arg9 : memref<40xi32, #tpu.memory_space<vmem>>) semaphore(%arg20 : memref<!tpu.dma_semaphore, #tpu.memory_space<semaphore_mem>>)
        %dma_start3A_277 = arith.constant 0 : i32
        %dma_start3A_278 = arith.constant 0 : i32
        %dma_start3A_279 = tpu.memref_slice %arg3[%dma_start3A_277, %dma_start3A_278] : memref<10000x128xf32, #tpu.memory_space<hbm>> -> memref<10000x128xf32, #tpu.memory_space<hbm>>
        tpu.enqueue_indirect_dma source(%dma_start3A_279 : memref<10000x128xf32, #tpu.memory_space<hbm>>) target(%arg14 : memref<40x128xf32, #tpu.memory_space<vmem>>) offsets(%arg10 : memref<40xi32, #tpu.memory_space<vmem>>) semaphore(%arg20 : memref<!tpu.dma_semaphore, #tpu.memory_space<semaphore_mem>>)
        %dma_start3A_280 = arith.constant 0 : i32
        %dma_start3A_281 = tpu.memref_slice %arg4[%add3A_273, %dma_start3A_280] : memref<320000x128xf32, #tpu.memory_space<hbm>> -> memref<40x128xf32, #tpu.memory_space<hbm>>
        %dma_start3A_282 = arith.constant 0 : i32
        %dma_start3A_283 = tpu.memref_slice %arg4[%add3A_273, %dma_start3A_282] : memref<320000x128xf32, #tpu.memory_space<hbm>> -> memref<40x128xf32, #tpu.memory_space<hbm>>
        tpu.enqueue_dma source(%dma_start3A_283 : memref<40x128xf32, #tpu.memory_space<hbm>>) target(%arg15 : memref<40x128xf32, #tpu.memory_space<vmem>>) target_semaphore(%arg20 : memref<!tpu.dma_semaphore, #tpu.memory_space<semaphore_mem>>)
      } else {
      }
      %parallel_loop3A_198 = arith.constant 0 : i32
      %parallel_loop3A_199 = arith.constant 40 : i32
      %parallel_loop3A_200 = arith.constant 1 : i32
      scf.for %parallel_loop3A_204 = %parallel_loop3A_198 to %parallel_loop3A_199 step %parallel_loop3A_200  : i32 {
        %parallel_loop3A_205 = arith.index_cast %parallel_loop3A_204 : i32 to index
        %parallel_loop3A_206 = arith.constant 0 : index
        %parallel_loop3A_207 = tpu.vector_load %arg16[%parallel_loop3A_205, %parallel_loop3A_206] {strides = array<i32>} : memref<40x128xf32, #tpu.memory_space<vmem>>, vector<1x16xf32>,
        %parallel_loop3A_208 = vector.shape_cast %parallel_loop3A_207 : vector<1x16xf32> to vector<16xf32>
        %parallel_loop3A_209 = arith.index_cast %parallel_loop3A_204 : i32 to index
        %parallel_loop3A_210 = arith.constant 0 : index
        %parallel_loop3A_211 = tpu.vector_load %arg17[%parallel_loop3A_209, %parallel_loop3A_210] {strides = array<i32>} : memref<40x128xf32, #tpu.memory_space<vmem>>, vector<1x16xf32>,
        %parallel_loop3A_212 = vector.shape_cast %parallel_loop3A_211 : vector<1x16xf32> to vector<16xf32>
        %parallel_loop3A_213 = arith.addf %parallel_loop3A_208, %parallel_loop3A_212 : vector<16xf32>
        %parallel_loop3A_214 = arith.index_cast %parallel_loop3A_204 : i32 to index
        %parallel_loop3A_215 = arith.constant 0 : index
        %parallel_loop3A_216 = tpu.vector_load %arg18[%parallel_loop3A_214, %parallel_loop3A_215] {strides = array<i32>} : memref<40x128xf32, #tpu.memory_space<vmem>>, vector<1x16xf32>,
        %parallel_loop3A_217 = vector.shape_cast %parallel_loop3A_216 : vector<1x16xf32> to vector<16xf32>
        %parallel_loop3A_218 = arith.addf %parallel_loop3A_213, %parallel_loop3A_217 : vector<16xf32>
        %parallel_loop3A_219 = arith.constant 0.000000e+00 : f32
        %parallel_loop3A_220 = vector.broadcast %parallel_loop3A_219 : f32 to vector<16xf32>
        %parallel_loop3A_221 = arith.subf %parallel_loop3A_220, %parallel_loop3A_218 : vector<16xf32>
        %parallel_loop3A_222 = arith.minimumf %parallel_loop3A_218, %parallel_loop3A_221 : vector<16xf32>
        %parallel_loop3A_223 = math.exp %parallel_loop3A_222 : vector<16xf32>
        %parallel_loop3A_224 = arith.constant 2.992710e-01 : f32
        %parallel_loop3A_225 = vector.broadcast %parallel_loop3A_224 : f32 to vector<16xf32>
        %parallel_loop3A_226 = arith.mulf %parallel_loop3A_225, %parallel_loop3A_223 : vector<16xf32>
        %parallel_loop3A_227 = arith.constant 0.972103714 : f32
        %parallel_loop3A_228 = vector.broadcast %parallel_loop3A_227 : f32 to vector<16xf32>
        %parallel_loop3A_229 = arith.subf %parallel_loop3A_228, %parallel_loop3A_226 : vector<16xf32>
        %parallel_loop3A_230 = arith.mulf %parallel_loop3A_223, %parallel_loop3A_229 : vector<16xf32>
        %parallel_loop3A_231 = arith.constant 0.000000e+00 : f32
        %parallel_loop3A_232 = vector.broadcast %parallel_loop3A_231 : f32 to vector<16xf32>
        %parallel_loop3A_233 = arith.maximumf %parallel_loop3A_218, %parallel_loop3A_232 : vector<16xf32>
        %parallel_loop3A_234 = arith.addf %parallel_loop3A_233, %parallel_loop3A_230 : vector<16xf32>
        %parallel_loop3A_235 = arith.index_cast %parallel_loop3A_204 : i32 to index
        %parallel_loop3A_236 = arith.constant 0 : index
        %parallel_loop3A_237 = tpu.vector_load %arg16[%parallel_loop3A_235, %parallel_loop3A_236] {strides = array<i32>} : memref<40x128xf32, #tpu.memory_space<vmem>>, vector<1x16xf32>,
        %parallel_loop3A_238 = vector.shape_cast %parallel_loop3A_237 : vector<1x16xf32> to vector<16xf32>
        %parallel_loop3A_239 = vector.shape_cast %parallel_loop3A_234 : vector<16xf32> to vector<1x16xf32>
        tpu.vector_store %arg16[%parallel_loop3A_235, %parallel_loop3A_236], %parallel_loop3A_239 {strides = array<i32>} : memref<40x128xf32, #tpu.memory_space<vmem>>, vector<1x16xf32>,
        %parallel_loop3A_240 = arith.index_cast %parallel_loop3A_204 : i32 to index
        %parallel_loop3A_241 = arith.constant 16 : index
        %parallel_loop3A_242 = tpu.vector_load %arg16[%parallel_loop3A_240, %parallel_loop3A_241] {strides = array<i32>} : memref<40x128xf32, #tpu.memory_space<vmem>>, vector<1x16xf32>,
        %parallel_loop3A_243 = vector.shape_cast %parallel_loop3A_242 : vector<1x16xf32> to vector<16xf32>
        %parallel_loop3A_244 = arith.index_cast %parallel_loop3A_204 : i32 to index
        %parallel_loop3A_245 = arith.constant 16 : index
        %parallel_loop3A_246 = tpu.vector_load %arg17[%parallel_loop3A_244, %parallel_loop3A_245] {strides = array<i32>} : memref<40x128xf32, #tpu.memory_space<vmem>>, vector<1x16xf32>,
        %parallel_loop3A_247 = vector.shape_cast %parallel_loop3A_246 : vector<1x16xf32> to vector<16xf32>
        %parallel_loop3A_248 = arith.addf %parallel_loop3A_243, %parallel_loop3A_247 : vector<16xf32>
        %parallel_loop3A_249 = arith.index_cast %parallel_loop3A_204 : i32 to index
        %parallel_loop3A_250 = arith.constant 16 : index
        %parallel_loop3A_251 = tpu.vector_load %arg18[%parallel_loop3A_249, %parallel_loop3A_250] {strides = array<i32>} : memref<40x128xf32, #tpu.memory_space<vmem>>, vector<1x16xf32>,
        %parallel_loop3A_252 = vector.shape_cast %parallel_loop3A_251 : vector<1x16xf32> to vector<16xf32>
        %parallel_loop3A_253 = arith.addf %parallel_loop3A_248, %parallel_loop3A_252 : vector<16xf32>
        %parallel_loop3A_254 = arith.constant 0.000000e+00 : f32
        %parallel_loop3A_255 = vector.broadcast %parallel_loop3A_254 : f32 to vector<16xf32>
        %parallel_loop3A_256 = arith.subf %parallel_loop3A_255, %parallel_loop3A_253 : vector<16xf32>
        %parallel_loop3A_257 = arith.minimumf %parallel_loop3A_253, %parallel_loop3A_256 : vector<16xf32>
        %parallel_loop3A_258 = math.exp %parallel_loop3A_257 : vector<16xf32>
        %parallel_loop3A_259 = arith.constant 2.992710e-01 : f32
        %parallel_loop3A_260 = vector.broadcast %parallel_loop3A_259 : f32 to vector<16xf32>
        %parallel_loop3A_261 = arith.mulf %parallel_loop3A_260, %parallel_loop3A_258 : vector<16xf32>
        %parallel_loop3A_262 = arith.constant 0.972103714 : f32
        %parallel_loop3A_263 = vector.broadcast %parallel_loop3A_262 : f32 to vector<16xf32>
        %parallel_loop3A_264 = arith.subf %parallel_loop3A_263, %parallel_loop3A_261 : vector<16xf32>
        %parallel_loop3A_265 = arith.mulf %parallel_loop3A_258, %parallel_loop3A_264 : vector<16xf32>
        %parallel_loop3A_266 = arith.constant 0.000000e+00 : f32
        %parallel_loop3A_267 = vector.broadcast %parallel_loop3A_266 : f32 to vector<16xf32>
        %parallel_loop3A_268 = arith.maximumf %parallel_loop3A_253, %parallel_loop3A_267 : vector<16xf32>
        %parallel_loop3A_269 = arith.addf %parallel_loop3A_268, %parallel_loop3A_265 : vector<16xf32>
        %parallel_loop3A_270 = arith.index_cast %parallel_loop3A_204 : i32 to index
        %parallel_loop3A_271 = arith.constant 16 : index
        %parallel_loop3A_272 = tpu.vector_load %arg16[%parallel_loop3A_270, %parallel_loop3A_271] {strides = array<i32>} : memref<40x128xf32, #tpu.memory_space<vmem>>, vector<1x16xf32>,
        %parallel_loop3A_273 = vector.shape_cast %parallel_loop3A_272 : vector<1x16xf32> to vector<16xf32>
        %parallel_loop3A_274 = vector.shape_cast %parallel_loop3A_269 : vector<16xf32> to vector<1x16xf32>
        tpu.vector_store %arg16[%parallel_loop3A_270, %parallel_loop3A_271], %parallel_loop3A_274 {strides = array<i32>} : memref<40x128xf32, #tpu.memory_space<vmem>>, vector<1x16xf32>,
        %parallel_loop3A_275 = arith.index_cast %parallel_loop3A_204 : i32 to index
        %parallel_loop3A_276 = arith.constant 32 : index
        %parallel_loop3A_277 = tpu.vector_load %arg16[%parallel_loop3A_275, %parallel_loop3A_276] {strides = array<i32>} : memref<40x128xf32, #tpu.memory_space<vmem>>, vector<1x16xf32>,
        %parallel_loop3A_278 = vector.shape_cast %parallel_loop3A_277 : vector<1x16xf32> to vector<16xf32>
        %parallel_loop3A_279 = arith.index_cast %parallel_loop3A_204 : i32 to index
        %parallel_loop3A_280 = arith.constant 32 : index
        %parallel_loop3A_281 = tpu.vector_load %arg17[%parallel_loop3A_279, %parallel_loop3A_280] {strides = array<i32>} : memref<40x128xf32, #tpu.memory_space<vmem>>, vector<1x16xf32>,
        %parallel_loop3A_282 = vector.shape_cast %parallel_loop3A_281 : vector<1x16xf32> to vector<16xf32>
        %parallel_loop3A_283 = arith.addf %parallel_loop3A_278, %parallel_loop3A_282 : vector<16xf32>
        %parallel_loop3A_284 = arith.index_cast %parallel_loop3A_204 : i32 to index
        %parallel_loop3A_285 = arith.constant 32 : index
        %parallel_loop3A_286 = tpu.vector_load %arg18[%parallel_loop3A_284, %parallel_loop3A_285] {strides = array<i32>} : memref<40x128xf32, #tpu.memory_space<vmem>>, vector<1x16xf32>,
        %parallel_loop3A_287 = vector.shape_cast %parallel_loop3A_286 : vector<1x16xf32> to vector<16xf32>
        %parallel_loop3A_288 = arith.addf %parallel_loop3A_283, %parallel_loop3A_287 : vector<16xf32>
        %parallel_loop3A_289 = arith.constant 0.000000e+00 : f32
        %parallel_loop3A_290 = vector.broadcast %parallel_loop3A_289 : f32 to vector<16xf32>
        %parallel_loop3A_291 = arith.subf %parallel_loop3A_290, %parallel_loop3A_288 : vector<16xf32>
        %parallel_loop3A_292 = arith.minimumf %parallel_loop3A_288, %parallel_loop3A_291 : vector<16xf32>
        %parallel_loop3A_293 = math.exp %parallel_loop3A_292 : vector<16xf32>
        %parallel_loop3A_294 = arith.constant 2.992710e-01 : f32
        %parallel_loop3A_295 = vector.broadcast %parallel_loop3A_294 : f32 to vector<16xf32>
        %parallel_loop3A_296 = arith.mulf %parallel_loop3A_295, %parallel_loop3A_293 : vector<16xf32>
        %parallel_loop3A_297 = arith.constant 0.972103714 : f32
        %parallel_loop3A_298 = vector.broadcast %parallel_loop3A_297 : f32 to vector<16xf32>
        %parallel_loop3A_299 = arith.subf %parallel_loop3A_298, %parallel_loop3A_296 : vector<16xf32>
        %parallel_loop3A_300 = arith.mulf %parallel_loop3A_293, %parallel_loop3A_299 : vector<16xf32>
        %parallel_loop3A_301 = arith.constant 0.000000e+00 : f32
        %parallel_loop3A_302 = vector.broadcast %parallel_loop3A_301 : f32 to vector<16xf32>
        %parallel_loop3A_303 = arith.maximumf %parallel_loop3A_288, %parallel_loop3A_302 : vector<16xf32>
        %parallel_loop3A_304 = arith.addf %parallel_loop3A_303, %parallel_loop3A_300 : vector<16xf32>
        %parallel_loop3A_305 = arith.index_cast %parallel_loop3A_204 : i32 to index
        %parallel_loop3A_306 = arith.constant 32 : index
        %parallel_loop3A_307 = tpu.vector_load %arg16[%parallel_loop3A_305, %parallel_loop3A_306] {strides = array<i32>} : memref<40x128xf32, #tpu.memory_space<vmem>>, vector<1x16xf32>,
        %parallel_loop3A_308 = vector.shape_cast %parallel_loop3A_307 : vector<1x16xf32> to vector<16xf32>
        %parallel_loop3A_309 = vector.shape_cast %parallel_loop3A_304 : vector<16xf32> to vector<1x16xf32>
        tpu.vector_store %arg16[%parallel_loop3A_305, %parallel_loop3A_306], %parallel_loop3A_309 {strides = array<i32>} : memref<40x128xf32, #tpu.memory_space<vmem>>, vector<1x16xf32>,
        %parallel_loop3A_310 = arith.index_cast %parallel_loop3A_204 : i32 to index
        %parallel_loop3A_311 = arith.constant 48 : index
        %parallel_loop3A_312 = tpu.vector_load %arg16[%parallel_loop3A_310, %parallel_loop3A_311] {strides = array<i32>} : memref<40x128xf32, #tpu.memory_space<vmem>>, vector<1x16xf32>,
        %parallel_loop3A_313 = vector.shape_cast %parallel_loop3A_312 : vector<1x16xf32> to vector<16xf32>
        %parallel_loop3A_314 = arith.index_cast %parallel_loop3A_204 : i32 to index
        %parallel_loop3A_315 = arith.constant 48 : index
        %parallel_loop3A_316 = tpu.vector_load %arg17[%parallel_loop3A_314, %parallel_loop3A_315] {strides = array<i32>} : memref<40x128xf32, #tpu.memory_space<vmem>>, vector<1x16xf32>,
        %parallel_loop3A_317 = vector.shape_cast %parallel_loop3A_316 : vector<1x16xf32> to vector<16xf32>
        %parallel_loop3A_318 = arith.addf %parallel_loop3A_313, %parallel_loop3A_317 : vector<16xf32>
        %parallel_loop3A_319 = arith.index_cast %parallel_loop3A_204 : i32 to index
        %parallel_loop3A_320 = arith.constant 48 : index
        %parallel_loop3A_321 = tpu.vector_load %arg18[%parallel_loop3A_319, %parallel_loop3A_320] {strides = array<i32>} : memref<40x128xf32, #tpu.memory_space<vmem>>, vector<1x16xf32>,
        %parallel_loop3A_322 = vector.shape_cast %parallel_loop3A_321 : vector<1x16xf32> to vector<16xf32>
        %parallel_loop3A_323 = arith.addf %parallel_loop3A_318, %parallel_loop3A_322 : vector<16xf32>
        %parallel_loop3A_324 = arith.constant 0.000000e+00 : f32
        %parallel_loop3A_325 = vector.broadcast %parallel_loop3A_324 : f32 to vector<16xf32>
        %parallel_loop3A_326 = arith.subf %parallel_loop3A_325, %parallel_loop3A_323 : vector<16xf32>
        %parallel_loop3A_327 = arith.minimumf %parallel_loop3A_323, %parallel_loop3A_326 : vector<16xf32>
        %parallel_loop3A_328 = math.exp %parallel_loop3A_327 : vector<16xf32>
        %parallel_loop3A_329 = arith.constant 2.992710e-01 : f32
        %parallel_loop3A_330 = vector.broadcast %parallel_loop3A_329 : f32 to vector<16xf32>
        %parallel_loop3A_331 = arith.mulf %parallel_loop3A_330, %parallel_loop3A_328 : vector<16xf32>
        %parallel_loop3A_332 = arith.constant 0.972103714 : f32
        %parallel_loop3A_333 = vector.broadcast %parallel_loop3A_332 : f32 to vector<16xf32>
        %parallel_loop3A_334 = arith.subf %parallel_loop3A_333, %parallel_loop3A_331 : vector<16xf32>
        %parallel_loop3A_335 = arith.mulf %parallel_loop3A_328, %parallel_loop3A_334 : vector<16xf32>
        %parallel_loop3A_336 = arith.constant 0.000000e+00 : f32
        %parallel_loop3A_337 = vector.broadcast %parallel_loop3A_336 : f32 to vector<16xf32>
        %parallel_loop3A_338 = arith.maximumf %parallel_loop3A_323, %parallel_loop3A_337 : vector<16xf32>
        %parallel_loop3A_339 = arith.addf %parallel_loop3A_338, %parallel_loop3A_335 : vector<16xf32>
        %parallel_loop3A_340 = arith.index_cast %parallel_loop3A_204 : i32 to index
        %parallel_loop3A_341 = arith.constant 48 : index
        %parallel_loop3A_342 = tpu.vector_load %arg16[%parallel_loop3A_340, %parallel_loop3A_341] {strides = array<i32>} : memref<40x128xf32, #tpu.memory_space<vmem>>, vector<1x16xf32>,
        %parallel_loop3A_343 = vector.shape_cast %parallel_loop3A_342 : vector<1x16xf32> to vector<16xf32>
        %parallel_loop3A_344 = vector.shape_cast %parallel_loop3A_339 : vector<16xf32> to vector<1x16xf32>
        tpu.vector_store %arg16[%parallel_loop3A_340, %parallel_loop3A_341], %parallel_loop3A_344 {strides = array<i32>} : memref<40x128xf32, #tpu.memory_space<vmem>>, vector<1x16xf32>,
        %parallel_loop3A_345 = arith.index_cast %parallel_loop3A_204 : i32 to index
        %parallel_loop3A_346 = arith.constant 64 : index
        %parallel_loop3A_347 = tpu.vector_load %arg16[%parallel_loop3A_345, %parallel_loop3A_346] {strides = array<i32>} : memref<40x128xf32, #tpu.memory_space<vmem>>, vector<1x16xf32>,
        %parallel_loop3A_348 = vector.shape_cast %parallel_loop3A_347 : vector<1x16xf32> to vector<16xf32>
        %parallel_loop3A_349 = arith.index_cast %parallel_loop3A_204 : i32 to index
        %parallel_loop3A_350 = arith.constant 64 : index
        %parallel_loop3A_351 = tpu.vector_load %arg17[%parallel_loop3A_349, %parallel_loop3A_350] {strides = array<i32>} : memref<40x128xf32, #tpu.memory_space<vmem>>, vector<1x16xf32>,
        %parallel_loop3A_352 = vector.shape_cast %parallel_loop3A_351 : vector<1x16xf32> to vector<16xf32>
        %parallel_loop3A_353 = arith.addf %parallel_loop3A_348, %parallel_loop3A_352 : vector<16xf32>
        %parallel_loop3A_354 = arith.index_cast %parallel_loop3A_204 : i32 to index
        %parallel_loop3A_355 = arith.constant 64 : index
        %parallel_loop3A_356 = tpu.vector_load %arg18[%parallel_loop3A_354, %parallel_loop3A_355] {strides = array<i32>} : memref<40x128xf32, #tpu.memory_space<vmem>>, vector<1x16xf32>,
        %parallel_loop3A_357 = vector.shape_cast %parallel_loop3A_356 : vector<1x16xf32> to vector<16xf32>
        %parallel_loop3A_358 = arith.addf %parallel_loop3A_353, %parallel_loop3A_357 : vector<16xf32>
        %parallel_loop3A_359 = arith.constant 0.000000e+00 : f32
        %parallel_loop3A_360 = vector.broadcast %parallel_loop3A_359 : f32 to vector<16xf32>
        %parallel_loop3A_361 = arith.subf %parallel_loop3A_360, %parallel_loop3A_358 : vector<16xf32>
        %parallel_loop3A_362 = arith.minimumf %parallel_loop3A_358, %parallel_loop3A_361 : vector<16xf32>
        %parallel_loop3A_363 = math.exp %parallel_loop3A_362 : vector<16xf32>
        %parallel_loop3A_364 = arith.constant 2.992710e-01 : f32
        %parallel_loop3A_365 = vector.broadcast %parallel_loop3A_364 : f32 to vector<16xf32>
        %parallel_loop3A_366 = arith.mulf %parallel_loop3A_365, %parallel_loop3A_363 : vector<16xf32>
        %parallel_loop3A_367 = arith.constant 0.972103714 : f32
        %parallel_loop3A_368 = vector.broadcast %parallel_loop3A_367 : f32 to vector<16xf32>
        %parallel_loop3A_369 = arith.subf %parallel_loop3A_368, %parallel_loop3A_366 : vector<16xf32>
        %parallel_loop3A_370 = arith.mulf %parallel_loop3A_363, %parallel_loop3A_369 : vector<16xf32>
        %parallel_loop3A_371 = arith.constant 0.000000e+00 : f32
        %parallel_loop3A_372 = vector.broadcast %parallel_loop3A_371 : f32 to vector<16xf32>
        %parallel_loop3A_373 = arith.maximumf %parallel_loop3A_358, %parallel_loop3A_372 : vector<16xf32>
        %parallel_loop3A_374 = arith.addf %parallel_loop3A_373, %parallel_loop3A_370 : vector<16xf32>
        %parallel_loop3A_375 = arith.index_cast %parallel_loop3A_204 : i32 to index
        %parallel_loop3A_376 = arith.constant 64 : index
        %parallel_loop3A_377 = tpu.vector_load %arg16[%parallel_loop3A_375, %parallel_loop3A_376] {strides = array<i32>} : memref<40x128xf32, #tpu.memory_space<vmem>>, vector<1x16xf32>,
        %parallel_loop3A_378 = vector.shape_cast %parallel_loop3A_377 : vector<1x16xf32> to vector<16xf32>
        %parallel_loop3A_379 = vector.shape_cast %parallel_loop3A_374 : vector<16xf32> to vector<1x16xf32>
        tpu.vector_store %arg16[%parallel_loop3A_375, %parallel_loop3A_376], %parallel_loop3A_379 {strides = array<i32>} : memref<40x128xf32, #tpu.memory_space<vmem>>, vector<1x16xf32>,
        %parallel_loop3A_380 = arith.index_cast %parallel_loop3A_204 : i32 to index
        %parallel_loop3A_381 = arith.constant 80 : index
        %parallel_loop3A_382 = tpu.vector_load %arg16[%parallel_loop3A_380, %parallel_loop3A_381] {strides = array<i32>} : memref<40x128xf32, #tpu.memory_space<vmem>>, vector<1x16xf32>,
        %parallel_loop3A_383 = vector.shape_cast %parallel_loop3A_382 : vector<1x16xf32> to vector<16xf32>
        %parallel_loop3A_384 = arith.index_cast %parallel_loop3A_204 : i32 to index
        %parallel_loop3A_385 = arith.constant 80 : index
        %parallel_loop3A_386 = tpu.vector_load %arg17[%parallel_loop3A_384, %parallel_loop3A_385] {strides = array<i32>} : memref<40x128xf32, #tpu.memory_space<vmem>>, vector<1x16xf32>,
        %parallel_loop3A_387 = vector.shape_cast %parallel_loop3A_386 : vector<1x16xf32> to vector<16xf32>
        %parallel_loop3A_388 = arith.addf %parallel_loop3A_383, %parallel_loop3A_387 : vector<16xf32>
        %parallel_loop3A_389 = arith.index_cast %parallel_loop3A_204 : i32 to index
        %parallel_loop3A_390 = arith.constant 80 : index
        %parallel_loop3A_391 = tpu.vector_load %arg18[%parallel_loop3A_389, %parallel_loop3A_390] {strides = array<i32>} : memref<40x128xf32, #tpu.memory_space<vmem>>, vector<1x16xf32>,
        %parallel_loop3A_392 = vector.shape_cast %parallel_loop3A_391 : vector<1x16xf32> to vector<16xf32>
        %parallel_loop3A_393 = arith.addf %parallel_loop3A_388, %parallel_loop3A_392 : vector<16xf32>
        %parallel_loop3A_394 = arith.constant 0.000000e+00 : f32
        %parallel_loop3A_395 = vector.broadcast %parallel_loop3A_394 : f32 to vector<16xf32>
        %parallel_loop3A_396 = arith.subf %parallel_loop3A_395, %parallel_loop3A_393 : vector<16xf32>
        %parallel_loop3A_397 = arith.minimumf %parallel_loop3A_393, %parallel_loop3A_396 : vector<16xf32>
        %parallel_loop3A_398 = math.exp %parallel_loop3A_397 : vector<16xf32>
        %parallel_loop3A_399 = arith.constant 2.992710e-01 : f32
        %parallel_loop3A_400 = vector.broadcast %parallel_loop3A_399 : f32 to vector<16xf32>
        %parallel_loop3A_401 = arith.mulf %parallel_loop3A_400, %parallel_loop3A_398 : vector<16xf32>
        %parallel_loop3A_402 = arith.constant 0.972103714 : f32
        %parallel_loop3A_403 = vector.broadcast %parallel_loop3A_402 : f32 to vector<16xf32>
        %parallel_loop3A_404 = arith.subf %parallel_loop3A_403, %parallel_loop3A_401 : vector<16xf32>
        %parallel_loop3A_405 = arith.mulf %parallel_loop3A_398, %parallel_loop3A_404 : vector<16xf32>
        %parallel_loop3A_406 = arith.constant 0.000000e+00 : f32
        %parallel_loop3A_407 = vector.broadcast %parallel_loop3A_406 : f32 to vector<16xf32>
        %parallel_loop3A_408 = arith.maximumf %parallel_loop3A_393, %parallel_loop3A_407 : vector<16xf32>
        %parallel_loop3A_409 = arith.addf %parallel_loop3A_408, %parallel_loop3A_405 : vector<16xf32>
        %parallel_loop3A_410 = arith.index_cast %parallel_loop3A_204 : i32 to index
        %parallel_loop3A_411 = arith.constant 80 : index
        %parallel_loop3A_412 = tpu.vector_load %arg16[%parallel_loop3A_410, %parallel_loop3A_411] {strides = array<i32>} : memref<40x128xf32, #tpu.memory_space<vmem>>, vector<1x16xf32>,
        %parallel_loop3A_413 = vector.shape_cast %parallel_loop3A_412 : vector<1x16xf32> to vector<16xf32>
        %parallel_loop3A_414 = vector.shape_cast %parallel_loop3A_409 : vector<16xf32> to vector<1x16xf32>
        tpu.vector_store %arg16[%parallel_loop3A_410, %parallel_loop3A_411], %parallel_loop3A_414 {strides = array<i32>} : memref<40x128xf32, #tpu.memory_space<vmem>>, vector<1x16xf32>,
        %parallel_loop3A_415 = arith.index_cast %parallel_loop3A_204 : i32 to index
        %parallel_loop3A_416 = arith.constant 96 : index
        %parallel_loop3A_417 = tpu.vector_load %arg16[%parallel_loop3A_415, %parallel_loop3A_416] {strides = array<i32>} : memref<40x128xf32, #tpu.memory_space<vmem>>, vector<1x16xf32>,
        %parallel_loop3A_418 = vector.shape_cast %parallel_loop3A_417 : vector<1x16xf32> to vector<16xf32>
        %parallel_loop3A_419 = arith.index_cast %parallel_loop3A_204 : i32 to index
        %parallel_loop3A_420 = arith.constant 96 : index
        %parallel_loop3A_421 = tpu.vector_load %arg17[%parallel_loop3A_419, %parallel_loop3A_420] {strides = array<i32>} : memref<40x128xf32, #tpu.memory_space<vmem>>, vector<1x16xf32>,
        %parallel_loop3A_422 = vector.shape_cast %parallel_loop3A_421 : vector<1x16xf32> to vector<16xf32>
        %parallel_loop3A_423 = arith.addf %parallel_loop3A_418, %parallel_loop3A_422 : vector<16xf32>
        %parallel_loop3A_424 = arith.index_cast %parallel_loop3A_204 : i32 to index
        %parallel_loop3A_425 = arith.constant 96 : index
        %parallel_loop3A_426 = tpu.vector_load %arg18[%parallel_loop3A_424, %parallel_loop3A_425] {strides = array<i32>} : memref<40x128xf32, #tpu.memory_space<vmem>>, vector<1x16xf32>,
        %parallel_loop3A_427 = vector.shape_cast %parallel_loop3A_426 : vector<1x16xf32> to vector<16xf32>
        %parallel_loop3A_428 = arith.addf %parallel_loop3A_423, %parallel_loop3A_427 : vector<16xf32>
        %parallel_loop3A_429 = arith.constant 0.000000e+00 : f32
        %parallel_loop3A_430 = vector.broadcast %parallel_loop3A_429 : f32 to vector<16xf32>
        %parallel_loop3A_431 = arith.subf %parallel_loop3A_430, %parallel_loop3A_428 : vector<16xf32>
        %parallel_loop3A_432 = arith.minimumf %parallel_loop3A_428, %parallel_loop3A_431 : vector<16xf32>
        %parallel_loop3A_433 = math.exp %parallel_loop3A_432 : vector<16xf32>
        %parallel_loop3A_434 = arith.constant 2.992710e-01 : f32
        %parallel_loop3A_435 = vector.broadcast %parallel_loop3A_434 : f32 to vector<16xf32>
        %parallel_loop3A_436 = arith.mulf %parallel_loop3A_435, %parallel_loop3A_433 : vector<16xf32>
        %parallel_loop3A_437 = arith.constant 0.972103714 : f32
        %parallel_loop3A_438 = vector.broadcast %parallel_loop3A_437 : f32 to vector<16xf32>
        %parallel_loop3A_439 = arith.subf %parallel_loop3A_438, %parallel_loop3A_436 : vector<16xf32>
        %parallel_loop3A_440 = arith.mulf %parallel_loop3A_433, %parallel_loop3A_439 : vector<16xf32>
        %parallel_loop3A_441 = arith.constant 0.000000e+00 : f32
        %parallel_loop3A_442 = vector.broadcast %parallel_loop3A_441 : f32 to vector<16xf32>
        %parallel_loop3A_443 = arith.maximumf %parallel_loop3A_428, %parallel_loop3A_442 : vector<16xf32>
        %parallel_loop3A_444 = arith.addf %parallel_loop3A_443, %parallel_loop3A_440 : vector<16xf32>
        %parallel_loop3A_445 = arith.index_cast %parallel_loop3A_204 : i32 to index
        %parallel_loop3A_446 = arith.constant 96 : index
        %parallel_loop3A_447 = tpu.vector_load %arg16[%parallel_loop3A_445, %parallel_loop3A_446] {strides = array<i32>} : memref<40x128xf32, #tpu.memory_space<vmem>>, vector<1x16xf32>,
        %parallel_loop3A_448 = vector.shape_cast %parallel_loop3A_447 : vector<1x16xf32> to vector<16xf32>
        %parallel_loop3A_449 = vector.shape_cast %parallel_loop3A_444 : vector<16xf32> to vector<1x16xf32>
        tpu.vector_store %arg16[%parallel_loop3A_445, %parallel_loop3A_446], %parallel_loop3A_449 {strides = array<i32>} : memref<40x128xf32, #tpu.memory_space<vmem>>, vector<1x16xf32>,
        %parallel_loop3A_450 = arith.index_cast %parallel_loop3A_204 : i32 to index
        %parallel_loop3A_451 = arith.constant 112 : index
        %parallel_loop3A_452 = tpu.vector_load %arg16[%parallel_loop3A_450, %parallel_loop3A_451] {strides = array<i32>} : memref<40x128xf32, #tpu.memory_space<vmem>>, vector<1x16xf32>,
        %parallel_loop3A_453 = vector.shape_cast %parallel_loop3A_452 : vector<1x16xf32> to vector<16xf32>
        %parallel_loop3A_454 = arith.index_cast %parallel_loop3A_204 : i32 to index
        %parallel_loop3A_455 = arith.constant 112 : index
        %parallel_loop3A_456 = tpu.vector_load %arg17[%parallel_loop3A_454, %parallel_loop3A_455] {strides = array<i32>} : memref<40x128xf32, #tpu.memory_space<vmem>>, vector<1x16xf32>,
        %parallel_loop3A_457 = vector.shape_cast %parallel_loop3A_456 : vector<1x16xf32> to vector<16xf32>
        %parallel_loop3A_458 = arith.addf %parallel_loop3A_453, %parallel_loop3A_457 : vector<16xf32>
        %parallel_loop3A_459 = arith.index_cast %parallel_loop3A_204 : i32 to index
        %parallel_loop3A_460 = arith.constant 112 : index
        %parallel_loop3A_461 = tpu.vector_load %arg18[%parallel_loop3A_459, %parallel_loop3A_460] {strides = array<i32>} : memref<40x128xf32, #tpu.memory_space<vmem>>, vector<1x16xf32>,
        %parallel_loop3A_462 = vector.shape_cast %parallel_loop3A_461 : vector<1x16xf32> to vector<16xf32>
        %parallel_loop3A_463 = arith.addf %parallel_loop3A_458, %parallel_loop3A_462 : vector<16xf32>
        %parallel_loop3A_464 = arith.constant 0.000000e+00 : f32
        %parallel_loop3A_465 = vector.broadcast %parallel_loop3A_464 : f32 to vector<16xf32>
        %parallel_loop3A_466 = arith.subf %parallel_loop3A_465, %parallel_loop3A_463 : vector<16xf32>
        %parallel_loop3A_467 = arith.minimumf %parallel_loop3A_463, %parallel_loop3A_466 : vector<16xf32>
        %parallel_loop3A_468 = math.exp %parallel_loop3A_467 : vector<16xf32>
        %parallel_loop3A_469 = arith.constant 2.992710e-01 : f32
        %parallel_loop3A_470 = vector.broadcast %parallel_loop3A_469 : f32 to vector<16xf32>
        %parallel_loop3A_471 = arith.mulf %parallel_loop3A_470, %parallel_loop3A_468 : vector<16xf32>
        %parallel_loop3A_472 = arith.constant 0.972103714 : f32
        %parallel_loop3A_473 = vector.broadcast %parallel_loop3A_472 : f32 to vector<16xf32>
        %parallel_loop3A_474 = arith.subf %parallel_loop3A_473, %parallel_loop3A_471 : vector<16xf32>
        %parallel_loop3A_475 = arith.mulf %parallel_loop3A_468, %parallel_loop3A_474 : vector<16xf32>
        %parallel_loop3A_476 = arith.constant 0.000000e+00 : f32
        %parallel_loop3A_477 = vector.broadcast %parallel_loop3A_476 : f32 to vector<16xf32>
        %parallel_loop3A_478 = arith.maximumf %parallel_loop3A_463, %parallel_loop3A_477 : vector<16xf32>
        %parallel_loop3A_479 = arith.addf %parallel_loop3A_478, %parallel_loop3A_475 : vector<16xf32>
        %parallel_loop3A_480 = arith.index_cast %parallel_loop3A_204 : i32 to index
        %parallel_loop3A_481 = arith.constant 112 : index
        %parallel_loop3A_482 = tpu.vector_load %arg16[%parallel_loop3A_480, %parallel_loop3A_481] {strides = array<i32>} : memref<40x128xf32, #tpu.memory_space<vmem>>, vector<1x16xf32>,
        %parallel_loop3A_483 = vector.shape_cast %parallel_loop3A_482 : vector<1x16xf32> to vector<16xf32>
        %parallel_loop3A_484 = vector.shape_cast %parallel_loop3A_479 : vector<16xf32> to vector<1x16xf32>
        tpu.vector_store %arg16[%parallel_loop3A_480, %parallel_loop3A_481], %parallel_loop3A_484 {strides = array<i32>} : memref<40x128xf32, #tpu.memory_space<vmem>>, vector<1x16xf32>,
      } {sc.loop_unroll_factor = 4 : i64, sc.parallel_access}
      %dma_start3A_201 = arith.constant 0 : i32
      %dma_start3A_202 = arith.constant 0 : i32
      %dma_start3A_203 = tpu.memref_slice %arg19[%dma_start3A_201, %dma_start3A_202] : memref<10240x128xf32, #tpu.memory_space<vmem_shared>> -> memref<10240x128xf32, #tpu.memory_space<vmem_shared>>
      tpu.enqueue_indirect_dma source(%arg16 : memref<40x128xf32, #tpu.memory_space<vmem>>) target(%dma_start3A_203 : memref<10240x128xf32, #tpu.memory_space<vmem_shared>>) offsets(%arg12 : memref<40xi32, #tpu.memory_space<vmem>>) semaphore(%arg23 : memref<!tpu.dma_semaphore, #tpu.memory_space<semaphore_mem>>) {add = true}
    }
    %scan3A_67 = arith.constant 125 : i32
    %dma_wait3A = arith.constant 0 : i32
    %dma_wait3A_68 = arith.constant 0 : i32
    %dma_wait3A_69 = tpu.memref_slice %arg19[%dma_wait3A, %dma_wait3A_68] : memref<10240x128xf32, #tpu.memory_space<vmem_shared>> -> memref<10240x128xf32, #tpu.memory_space<vmem_shared>>
    tpu.wait_indirect_dma semaphore(%arg23 : memref<!tpu.dma_semaphore, #tpu.memory_space<semaphore_mem>>) src(%arg16 : memref<40x128xf32, #tpu.memory_space<vmem>>) dst(%dma_wait3A_69 : memref<10240x128xf32, #tpu.memory_space<vmem_shared>>)
    %barrier3A_70 = arith.constant 0 : index
    tpu.barrier barrier_id(%barrier3A_70)
    "tpu.region"() ({
      %run_scoped3A = tpu.sem_alloc : memref<!tpu.dma_semaphore, #tpu.memory_space<semaphore_mem>>
      %dma_start3A_71 = arith.constant 0 : i32
      %dma_start3A_72 = tpu.memref_slice %arg7[%arg0, %mul3A_4, %dma_start3A_71] : memref<2x10240x128xf32, #tpu.memory_space<hbm>> -> memref<1x640x128xf32, #tpu.memory_space<hbm>>
      %dma_start3A_73 = tpu.memref_squeeze %dma_start3A_72 : memref<1x640x128xf32, #tpu.memory_space<hbm>> -> memref<640x128xf32, #tpu.memory_space<hbm>>
      %dma_start3A_74 = arith.constant 0 : i32
      %dma_start3A_75 = tpu.memref_slice %arg19[%mul3A_4, %dma_start3A_74] : memref<10240x128xf32, #tpu.memory_space<vmem_shared>> -> memref<640x128xf32, #tpu.memory_space<vmem_shared>>
      tpu.enqueue_dma source(%dma_start3A_75 : memref<640x128xf32, #tpu.memory_space<vmem_shared>>) target(%dma_start3A_73 : memref<640x128xf32, #tpu.memory_space<hbm>>) target_semaphore(%run_scoped3A : memref<!tpu.dma_semaphore, #tpu.memory_space<semaphore_mem>>)
      %dma_wait3A_76 = arith.constant 0 : i32
      %dma_wait3A_77 = tpu.memref_slice %arg7[%arg0, %mul3A_4, %dma_wait3A_76] : memref<2x10240x128xf32, #tpu.memory_space<hbm>> -> memref<1x640x128xf32, #tpu.memory_space<hbm>>
      %dma_wait3A_78 = tpu.memref_squeeze %dma_wait3A_77 : memref<1x640x128xf32, #tpu.memory_space<hbm>> -> memref<640x128xf32, #tpu.memory_space<hbm>>
      %dma_wait3A_79 = arith.constant 0 : i32
      %dma_wait3A_80 = tpu.memref_slice %arg19[%mul3A_4, %dma_wait3A_79] : memref<10240x128xf32, #tpu.memory_space<vmem_shared>> -> memref<640x128xf32, #tpu.memory_space<vmem_shared>>
      tpu.wait_dma2 semaphore(%run_scoped3A : memref<!tpu.dma_semaphore, #tpu.memory_space<semaphore_mem>>) src(%dma_wait3A_80 : memref<640x128xf32, #tpu.memory_space<vmem_shared>>) dst(%dma_wait3A_78 : memref<640x128xf32, #tpu.memory_space<hbm>>)
      tpu.yield
    }) : () -> ()
    return
  }
}

module attributes {stable_mosaic.version = 14 : i64} {
  func.func @_edgec_kernel(%arg0: i32, %arg1: memref<8000x16xf32, #tpu.memory_space<vmem>>, %arg2: memref<16x128xf32, #tpu.memory_space<vmem>>, %arg3: memref<8000x128xf32, #tpu.memory_space<vmem>>) attributes {dimension_semantics = [#tpu.dimension_semantics<arbitrary>], iteration_bounds = array<i64: 40>, scalar_prefetch = 0 : i64, scratch_operands = 0 : i64, tpu.core_type = #tpu.core_type<tc>, window_params = [{transform_indices = @transform_0, window_bounds = array<i64: 8000, 16>}, {pipeline_mode = #tpu.pipeline_mode<synchronous>, transform_indices = @transform_1, window_bounds = array<i64: 16, 128>}, {transform_indices = @transform_2, window_bounds = array<i64: 8000, 128>}]} {
    %get3A = arith.constant 0 : index
    %get3A_0 = arith.constant 0 : index
    %get3A_1 = vector.load %arg1[%get3A, %get3A_0] : memref<8000x16xf32, #tpu.memory_space<vmem>>, vector<8000x16xf32>
    %get3A_2 = arith.constant 0 : index
    %get3A_3 = arith.constant 0 : index
    %get3A_4 = vector.load %arg2[%get3A_2, %get3A_3] : memref<16x128xf32, #tpu.memory_space<vmem>>, vector<16x128xf32>
    %dot_general3A = arith.constant dense<0.000000e+00> : vector<8000x128xf32>
    %dot_general3A_5 = tpu.matmul %get3A_1, %get3A_4, %dot_general3A {dimension_numbers = #tpu.dot_dimension_numbers<[1], [0], [0], [1], [0, 0, 1, 1], [], []>, transpose_lhs_hint = false} : vector<8000x16xf32>, vector<16x128xf32>, vector<8000x128xf32> -> vector<8000x128xf32>
    %swap3A = arith.constant 0 : index
    %swap3A_6 = arith.constant 0 : index
    %swap3A_7 = vector.load %arg3[%swap3A, %swap3A_6] : memref<8000x128xf32, #tpu.memory_space<vmem>>, vector<8000x128xf32>
    tpu.vector_store %arg3[%swap3A, %swap3A_6], %dot_general3A_5 {strides = array<i32>} : memref<8000x128xf32, #tpu.memory_space<vmem>>, vector<8000x128xf32>,
    return
  }
  func.func @transform_0(%arg0: i32) -> (i32, i32) {
    %c0_i32 = arith.constant 0 : i32
    %c0_i32_0 = arith.constant 0 : i32
    return %arg0, %c0_i32 : i32, i32
  }
  func.func @transform_1(%arg0: i32) -> (i32, i32) {
    %c0_i32 = arith.constant 0 : i32
    %c0_i32_0 = arith.constant 0 : i32
    %c0_i32_1 = arith.constant 0 : i32
    return %c0_i32, %c0_i32_0 : i32, i32
  }
  func.func @transform_2(%arg0: i32) -> (i32, i32) {
    %c0_i32 = arith.constant 0 : i32
    %c0_i32_0 = arith.constant 0 : i32
    return %arg0, %c0_i32 : i32, i32
  }
}

module attributes {stable_mosaic.version = 14 : i64} {
  func.func @_node_kernel(%arg0: i32, %arg1: memref<1000x128xf32, #tpu.memory_space<vmem>>, %arg2: memref<1000x9xf32, #tpu.memory_space<vmem>>, %arg3: memref<1000x3xf32, #tpu.memory_space<vmem>>, %arg4: memref<1000x24xf32, #tpu.memory_space<vmem>>, %arg5: memref<128x24xf32, #tpu.memory_space<vmem>>, %arg6: memref<16x8xf32, #tpu.memory_space<vmem>>, %arg7: memref<128x128xf32, #tpu.memory_space<vmem>>, %arg8: memref<128x128xf32, #tpu.memory_space<vmem>>, %arg9: memref<24x128xf32, #tpu.memory_space<vmem>>, %arg10: memref<24x128xf32, #tpu.memory_space<vmem>>, %arg11: memref<1x128xf32, #tpu.memory_space<vmem>>, %arg12: memref<1000x24xf32, #tpu.memory_space<vmem>>, %arg13: memref<1000x128xf32, #tpu.memory_space<vmem>>, %arg14: memref<1000x128xf32, #tpu.memory_space<vmem>>) attributes {dimension_semantics = [#tpu.dimension_semantics<arbitrary>], iteration_bounds = array<i64: 10>, scalar_prefetch = 0 : i64, scratch_operands = 0 : i64, tpu.core_type = #tpu.core_type<tc>, window_params = [{transform_indices = @transform_0, window_bounds = array<i64: 1000, 128>}, {transform_indices = @transform_1, window_bounds = array<i64: 1000, 9>}, {transform_indices = @transform_2, window_bounds = array<i64: 1000, 3>}, {transform_indices = @transform_3, window_bounds = array<i64: 1000, 24>}, {pipeline_mode = #tpu.pipeline_mode<synchronous>, transform_indices = @transform_4, window_bounds = array<i64: 128, 24>}, {pipeline_mode = #tpu.pipeline_mode<synchronous>, transform_indices = @transform_5, window_bounds = array<i64: 16, 8>}, {pipeline_mode = #tpu.pipeline_mode<synchronous>, transform_indices = @transform_6, window_bounds = array<i64: 128, 128>}, {pipeline_mode = #tpu.pipeline_mode<synchronous>, transform_indices = @transform_7, window_bounds = array<i64: 128, 128>}, {pipeline_mode = #tpu.pipeline_mode<synchronous>, transform_indices = @transform_8, window_bounds = array<i64: 24, 128>}, {pipeline_mode = #tpu.pipeline_mode<synchronous>, transform_indices = @transform_9, window_bounds = array<i64: 24, 128>}, {pipeline_mode = #tpu.pipeline_mode<synchronous>, transform_indices = @transform_10, window_bounds = array<i64: 1, 128>}, {transform_indices = @transform_11, window_bounds = array<i64: 1000, 24>}, {transform_indices = @transform_12, window_bounds = array<i64: 1000, 128>}, {transform_indices = @transform_13, window_bounds = array<i64: 1000, 128>}]} {
    %get3A = arith.constant 0 : index
    %get3A_0 = arith.constant 0 : index
    %get3A_1 = vector.load %arg1[%get3A, %get3A_0] : memref<1000x128xf32, #tpu.memory_space<vmem>>, vector<1000x128xf32>
    %get3A_2 = arith.constant 0 : index
    %get3A_3 = arith.constant 0 : index
    %get3A_4 = vector.load %arg2[%get3A_2, %get3A_3] : memref<1000x9xf32, #tpu.memory_space<vmem>>, vector<1000x9xf32>
    %get3A_5 = arith.constant 0 : index
    %get3A_6 = arith.constant 0 : index
    %get3A_7 = vector.load %arg3[%get3A_5, %get3A_6] : memref<1000x3xf32, #tpu.memory_space<vmem>>, vector<1000x3xf32>
    %get3A_8 = arith.constant 0 : index
    %get3A_9 = arith.constant 0 : index
    %get3A_10 = vector.load %arg4[%get3A_8, %get3A_9] : memref<1000x24xf32, #tpu.memory_space<vmem>>, vector<1000x24xf32>
    %get3A_11 = arith.constant 0 : index
    %get3A_12 = arith.constant 0 : index
    %get3A_13 = vector.load %arg5[%get3A_11, %get3A_12] : memref<128x24xf32, #tpu.memory_space<vmem>>, vector<128x24xf32>
    %get3A_14 = arith.constant 0 : index
    %get3A_15 = arith.constant 0 : index
    %get3A_16 = vector.load %arg6[%get3A_14, %get3A_15] : memref<16x8xf32, #tpu.memory_space<vmem>>, vector<16x8xf32>
    %slice3A = vector.extract_strided_slice %get3A_16 {offsets = [0, 0], sizes = [8, 8], strides = [1, 1]} : vector<16x8xf32> to vector<8x8xf32>
    %slice3A_17 = vector.extract_strided_slice %get3A_16 {offsets = [8, 0], sizes = [8, 8], strides = [1, 1]} : vector<16x8xf32> to vector<8x8xf32>
    %dot_general3A = arith.constant dense<0.000000e+00> : vector<1000x24xf32>
    %dot_general3A_18 = tpu.matmul %get3A_1, %get3A_13, %dot_general3A {dimension_numbers = #tpu.dot_dimension_numbers<[1], [0], [0], [1], [0, 0, 1, 1], [], []>, transpose_lhs_hint = false} : vector<1000x128xf32>, vector<128x24xf32>, vector<1000x24xf32> -> vector<1000x24xf32>
    %get3A_19 = arith.constant 0 : index
    %get3A_20 = arith.constant 0 : index
    %get3A_21 = vector.load %arg7[%get3A_19, %get3A_20] : memref<128x128xf32, #tpu.memory_space<vmem>>, vector<128x128xf32>
    %dot_general3A_22 = arith.constant dense<0.000000e+00> : vector<1000x128xf32>
    %dot_general3A_23 = tpu.matmul %get3A_1, %get3A_21, %dot_general3A_22 {dimension_numbers = #tpu.dot_dimension_numbers<[1], [0], [0], [1], [0, 0, 1, 1], [], []>, transpose_lhs_hint = false} : vector<1000x128xf32>, vector<128x128xf32>, vector<1000x128xf32> -> vector<1000x128xf32>
    %get3A_24 = arith.constant 0 : index
    %get3A_25 = arith.constant 0 : index
    %get3A_26 = vector.load %arg11[%get3A_24, %get3A_25] : memref<1x128xf32, #tpu.memory_space<vmem>>, vector<1x128xf32>
    %add3A = vector.broadcast %get3A_26 : vector<1x128xf32> to vector<1000x128xf32>
    %add3A_27 = arith.addf %dot_general3A_23, %add3A : vector<1000x128xf32>
    %get3A_28 = arith.constant 0 : index
    %get3A_29 = arith.constant 0 : index
    %get3A_30 = vector.load %arg8[%get3A_28, %get3A_29] : memref<128x128xf32, #tpu.memory_space<vmem>>, vector<128x128xf32>
    %dot_general3A_31 = arith.constant dense<0.000000e+00> : vector<1000x128xf32>
    %dot_general3A_32 = tpu.matmul %get3A_1, %get3A_30, %dot_general3A_31 {dimension_numbers = #tpu.dot_dimension_numbers<[1], [0], [0], [1], [0, 0, 1, 1], [], []>, transpose_lhs_hint = false} : vector<1000x128xf32>, vector<128x128xf32>, vector<1000x128xf32> -> vector<1000x128xf32>
    %slice3A_33 = vector.extract_strided_slice %get3A_4 {offsets = [0, 0], sizes = [1000, 1], strides = [1, 1]} : vector<1000x9xf32> to vector<1000x1xf32>
    %slice3A_34 = vector.extract_strided_slice %dot_general3A_18 {offsets = [0, 0], sizes = [1000, 8], strides = [1, 1]} : vector<1000x24xf32> to vector<1000x8xf32>
    %mul3A = vector.broadcast %slice3A_33 : vector<1000x1xf32> to vector<1000x8xf32>
    %mul3A_35 = arith.mulf %mul3A, %slice3A_34 : vector<1000x8xf32>
    %slice3A_36 = vector.extract_strided_slice %get3A_4 {offsets = [0, 1], sizes = [1000, 1], strides = [1, 1]} : vector<1000x9xf32> to vector<1000x1xf32>
    %slice3A_37 = vector.extract_strided_slice %dot_general3A_18 {offsets = [0, 8], sizes = [1000, 8], strides = [1, 1]} : vector<1000x24xf32> to vector<1000x8xf32>
    %mul3A_38 = vector.broadcast %slice3A_36 : vector<1000x1xf32> to vector<1000x8xf32>
    %mul3A_39 = arith.mulf %mul3A_38, %slice3A_37 : vector<1000x8xf32>
    %add3A_40 = arith.addf %mul3A_35, %mul3A_39 : vector<1000x8xf32>
    %slice3A_41 = vector.extract_strided_slice %get3A_4 {offsets = [0, 2], sizes = [1000, 1], strides = [1, 1]} : vector<1000x9xf32> to vector<1000x1xf32>
    %slice3A_42 = vector.extract_strided_slice %dot_general3A_18 {offsets = [0, 16], sizes = [1000, 8], strides = [1, 1]} : vector<1000x24xf32> to vector<1000x8xf32>
    %mul3A_43 = vector.broadcast %slice3A_41 : vector<1000x1xf32> to vector<1000x8xf32>
    %mul3A_44 = arith.mulf %mul3A_43, %slice3A_42 : vector<1000x8xf32>
    %add3A_45 = arith.addf %add3A_40, %mul3A_44 : vector<1000x8xf32>
    %slice3A_46 = vector.extract_strided_slice %get3A_10 {offsets = [0, 0], sizes = [1000, 8], strides = [1, 1]} : vector<1000x24xf32> to vector<1000x8xf32>
    %dot_general3A_47 = arith.constant dense<0.000000e+00> : vector<1000x8xf32>
    %dot_general3A_48 = tpu.matmul %slice3A_46, %slice3A, %dot_general3A_47 {dimension_numbers = #tpu.dot_dimension_numbers<[1], [0], [0], [1], [0, 0, 1, 1], [], []>, transpose_lhs_hint = false} : vector<1000x8xf32>, vector<8x8xf32>, vector<1000x8xf32> -> vector<1000x8xf32>
    %dot_general3A_49 = arith.constant dense<0.000000e+00> : vector<1000x8xf32>
    %dot_general3A_50 = tpu.matmul %add3A_45, %slice3A_17, %dot_general3A_49 {dimension_numbers = #tpu.dot_dimension_numbers<[1], [0], [0], [1], [0, 0, 1, 1], [], []>, transpose_lhs_hint = false} : vector<1000x8xf32>, vector<8x8xf32>, vector<1000x8xf32> -> vector<1000x8xf32>
    %add3A_51 = arith.addf %dot_general3A_48, %dot_general3A_50 : vector<1000x8xf32>
    %slice3A_52 = vector.extract_strided_slice %get3A_7 {offsets = [0, 0], sizes = [1000, 1], strides = [1, 1]} : vector<1000x3xf32> to vector<1000x1xf32>
    %mul3A_53 = arith.constant 1.000000e-01 : f32
    %mul3A_54 = vector.broadcast %mul3A_53 : f32 to vector<1000x1xf32>
    %mul3A_55 = arith.mulf %slice3A_52, %mul3A_54 : vector<1000x1xf32>
    %add3A_56 = vector.broadcast %mul3A_55 : vector<1000x1xf32> to vector<1000x8xf32>
    %add3A_57 = arith.addf %add3A_51, %add3A_56 : vector<1000x8xf32>
    %swap3A = arith.constant 0 : index
    %swap3A_58 = arith.constant 0 : index
    %swap3A_59 = vector.load %arg12[%swap3A, %swap3A_58] : memref<1000x24xf32, #tpu.memory_space<vmem>>, vector<1000x8xf32>
    tpu.vector_store %arg12[%swap3A, %swap3A_58], %add3A_57 {strides = array<i32>} : memref<1000x24xf32, #tpu.memory_space<vmem>>, vector<1000x8xf32>,
    %get3A_60 = arith.constant 0 : index
    %get3A_61 = arith.constant 0 : index
    %get3A_62 = vector.load %arg9[%get3A_60, %get3A_61] : memref<24x128xf32, #tpu.memory_space<vmem>>, vector<8x128xf32>
    %dot_general3A_63 = arith.constant dense<0.000000e+00> : vector<1000x128xf32>
    %dot_general3A_64 = tpu.matmul %add3A_57, %get3A_62, %dot_general3A_63 {dimension_numbers = #tpu.dot_dimension_numbers<[1], [0], [0], [1], [0, 0, 1, 1], [], []>, transpose_lhs_hint = false} : vector<1000x8xf32>, vector<8x128xf32>, vector<1000x128xf32> -> vector<1000x128xf32>
    %add3A_65 = arith.addf %add3A_27, %dot_general3A_64 : vector<1000x128xf32>
    %get3A_66 = arith.constant 0 : index
    %get3A_67 = arith.constant 0 : index
    %get3A_68 = vector.load %arg10[%get3A_66, %get3A_67] : memref<24x128xf32, #tpu.memory_space<vmem>>, vector<8x128xf32>
    %dot_general3A_69 = arith.constant dense<0.000000e+00> : vector<1000x128xf32>
    %dot_general3A_70 = tpu.matmul %add3A_57, %get3A_68, %dot_general3A_69 {dimension_numbers = #tpu.dot_dimension_numbers<[1], [0], [0], [1], [0, 0, 1, 1], [], []>, transpose_lhs_hint = false} : vector<1000x8xf32>, vector<8x128xf32>, vector<1000x128xf32> -> vector<1000x128xf32>
    %add3A_71 = arith.addf %dot_general3A_32, %dot_general3A_70 : vector<1000x128xf32>
    %slice3A_72 = vector.extract_strided_slice %get3A_4 {offsets = [0, 3], sizes = [1000, 1], strides = [1, 1]} : vector<1000x9xf32> to vector<1000x1xf32>
    %slice3A_73 = vector.extract_strided_slice %dot_general3A_18 {offsets = [0, 0], sizes = [1000, 8], strides = [1, 1]} : vector<1000x24xf32> to vector<1000x8xf32>
    %mul3A_74 = vector.broadcast %slice3A_72 : vector<1000x1xf32> to vector<1000x8xf32>
    %mul3A_75 = arith.mulf %mul3A_74, %slice3A_73 : vector<1000x8xf32>
    %slice3A_76 = vector.extract_strided_slice %get3A_4 {offsets = [0, 4], sizes = [1000, 1], strides = [1, 1]} : vector<1000x9xf32> to vector<1000x1xf32>
    %slice3A_77 = vector.extract_strided_slice %dot_general3A_18 {offsets = [0, 8], sizes = [1000, 8], strides = [1, 1]} : vector<1000x24xf32> to vector<1000x8xf32>
    %mul3A_78 = vector.broadcast %slice3A_76 : vector<1000x1xf32> to vector<1000x8xf32>
    %mul3A_79 = arith.mulf %mul3A_78, %slice3A_77 : vector<1000x8xf32>
    %add3A_80 = arith.addf %mul3A_75, %mul3A_79 : vector<1000x8xf32>
    %slice3A_81 = vector.extract_strided_slice %get3A_4 {offsets = [0, 5], sizes = [1000, 1], strides = [1, 1]} : vector<1000x9xf32> to vector<1000x1xf32>
    %slice3A_82 = vector.extract_strided_slice %dot_general3A_18 {offsets = [0, 16], sizes = [1000, 8], strides = [1, 1]} : vector<1000x24xf32> to vector<1000x8xf32>
    %mul3A_83 = vector.broadcast %slice3A_81 : vector<1000x1xf32> to vector<1000x8xf32>
    %mul3A_84 = arith.mulf %mul3A_83, %slice3A_82 : vector<1000x8xf32>
    %add3A_85 = arith.addf %add3A_80, %mul3A_84 : vector<1000x8xf32>
    %slice3A_86 = vector.extract_strided_slice %get3A_10 {offsets = [0, 8], sizes = [1000, 8], strides = [1, 1]} : vector<1000x24xf32> to vector<1000x8xf32>
    %dot_general3A_87 = arith.constant dense<0.000000e+00> : vector<1000x8xf32>
    %dot_general3A_88 = tpu.matmul %slice3A_86, %slice3A, %dot_general3A_87 {dimension_numbers = #tpu.dot_dimension_numbers<[1], [0], [0], [1], [0, 0, 1, 1], [], []>, transpose_lhs_hint = false} : vector<1000x8xf32>, vector<8x8xf32>, vector<1000x8xf32> -> vector<1000x8xf32>
    %dot_general3A_89 = arith.constant dense<0.000000e+00> : vector<1000x8xf32>
    %dot_general3A_90 = tpu.matmul %add3A_85, %slice3A_17, %dot_general3A_89 {dimension_numbers = #tpu.dot_dimension_numbers<[1], [0], [0], [1], [0, 0, 1, 1], [], []>, transpose_lhs_hint = false} : vector<1000x8xf32>, vector<8x8xf32>, vector<1000x8xf32> -> vector<1000x8xf32>
    %add3A_91 = arith.addf %dot_general3A_88, %dot_general3A_90 : vector<1000x8xf32>
    %slice3A_92 = vector.extract_strided_slice %get3A_7 {offsets = [0, 1], sizes = [1000, 1], strides = [1, 1]} : vector<1000x3xf32> to vector<1000x1xf32>
    %mul3A_93 = arith.constant 1.000000e-01 : f32
    %mul3A_94 = vector.broadcast %mul3A_93 : f32 to vector<1000x1xf32>
    %mul3A_95 = arith.mulf %slice3A_92, %mul3A_94 : vector<1000x1xf32>
    %add3A_96 = vector.broadcast %mul3A_95 : vector<1000x1xf32> to vector<1000x8xf32>
    %add3A_97 = arith.addf %add3A_91, %add3A_96 : vector<1000x8xf32>
    %swap3A_98 = arith.constant 0 : index
    %swap3A_99 = arith.constant 8 : index
    %swap3A_100 = vector.load %arg12[%swap3A_98, %swap3A_99] : memref<1000x24xf32, #tpu.memory_space<vmem>>, vector<1000x8xf32>
    tpu.vector_store %arg12[%swap3A_98, %swap3A_99], %add3A_97 {strides = array<i32>} : memref<1000x24xf32, #tpu.memory_space<vmem>>, vector<1000x8xf32>,
    %get3A_101 = arith.constant 8 : index
    %get3A_102 = arith.constant 0 : index
    %get3A_103 = vector.load %arg9[%get3A_101, %get3A_102] : memref<24x128xf32, #tpu.memory_space<vmem>>, vector<8x128xf32>
    %dot_general3A_104 = arith.constant dense<0.000000e+00> : vector<1000x128xf32>
    %dot_general3A_105 = tpu.matmul %add3A_97, %get3A_103, %dot_general3A_104 {dimension_numbers = #tpu.dot_dimension_numbers<[1], [0], [0], [1], [0, 0, 1, 1], [], []>, transpose_lhs_hint = false} : vector<1000x8xf32>, vector<8x128xf32>, vector<1000x128xf32> -> vector<1000x128xf32>
    %add3A_106 = arith.addf %add3A_65, %dot_general3A_105 : vector<1000x128xf32>
    %get3A_107 = arith.constant 8 : index
    %get3A_108 = arith.constant 0 : index
    %get3A_109 = vector.load %arg10[%get3A_107, %get3A_108] : memref<24x128xf32, #tpu.memory_space<vmem>>, vector<8x128xf32>
    %dot_general3A_110 = arith.constant dense<0.000000e+00> : vector<1000x128xf32>
    %dot_general3A_111 = tpu.matmul %add3A_97, %get3A_109, %dot_general3A_110 {dimension_numbers = #tpu.dot_dimension_numbers<[1], [0], [0], [1], [0, 0, 1, 1], [], []>, transpose_lhs_hint = false} : vector<1000x8xf32>, vector<8x128xf32>, vector<1000x128xf32> -> vector<1000x128xf32>
    %add3A_112 = arith.addf %add3A_71, %dot_general3A_111 : vector<1000x128xf32>
    %slice3A_113 = vector.extract_strided_slice %get3A_4 {offsets = [0, 6], sizes = [1000, 1], strides = [1, 1]} : vector<1000x9xf32> to vector<1000x1xf32>
    %slice3A_114 = vector.extract_strided_slice %dot_general3A_18 {offsets = [0, 0], sizes = [1000, 8], strides = [1, 1]} : vector<1000x24xf32> to vector<1000x8xf32>
    %mul3A_115 = vector.broadcast %slice3A_113 : vector<1000x1xf32> to vector<1000x8xf32>
    %mul3A_116 = arith.mulf %mul3A_115, %slice3A_114 : vector<1000x8xf32>
    %slice3A_117 = vector.extract_strided_slice %get3A_4 {offsets = [0, 7], sizes = [1000, 1], strides = [1, 1]} : vector<1000x9xf32> to vector<1000x1xf32>
    %slice3A_118 = vector.extract_strided_slice %dot_general3A_18 {offsets = [0, 8], sizes = [1000, 8], strides = [1, 1]} : vector<1000x24xf32> to vector<1000x8xf32>
    %mul3A_119 = vector.broadcast %slice3A_117 : vector<1000x1xf32> to vector<1000x8xf32>
    %mul3A_120 = arith.mulf %mul3A_119, %slice3A_118 : vector<1000x8xf32>
    %add3A_121 = arith.addf %mul3A_116, %mul3A_120 : vector<1000x8xf32>
    %slice3A_122 = vector.extract_strided_slice %get3A_4 {offsets = [0, 8], sizes = [1000, 1], strides = [1, 1]} : vector<1000x9xf32> to vector<1000x1xf32>
    %slice3A_123 = vector.extract_strided_slice %dot_general3A_18 {offsets = [0, 16], sizes = [1000, 8], strides = [1, 1]} : vector<1000x24xf32> to vector<1000x8xf32>
    %mul3A_124 = vector.broadcast %slice3A_122 : vector<1000x1xf32> to vector<1000x8xf32>
    %mul3A_125 = arith.mulf %mul3A_124, %slice3A_123 : vector<1000x8xf32>
    %add3A_126 = arith.addf %add3A_121, %mul3A_125 : vector<1000x8xf32>
    %slice3A_127 = vector.extract_strided_slice %get3A_10 {offsets = [0, 16], sizes = [1000, 8], strides = [1, 1]} : vector<1000x24xf32> to vector<1000x8xf32>
    %dot_general3A_128 = arith.constant dense<0.000000e+00> : vector<1000x8xf32>
    %dot_general3A_129 = tpu.matmul %slice3A_127, %slice3A, %dot_general3A_128 {dimension_numbers = #tpu.dot_dimension_numbers<[1], [0], [0], [1], [0, 0, 1, 1], [], []>, transpose_lhs_hint = false} : vector<1000x8xf32>, vector<8x8xf32>, vector<1000x8xf32> -> vector<1000x8xf32>
    %dot_general3A_130 = arith.constant dense<0.000000e+00> : vector<1000x8xf32>
    %dot_general3A_131 = tpu.matmul %add3A_126, %slice3A_17, %dot_general3A_130 {dimension_numbers = #tpu.dot_dimension_numbers<[1], [0], [0], [1], [0, 0, 1, 1], [], []>, transpose_lhs_hint = false} : vector<1000x8xf32>, vector<8x8xf32>, vector<1000x8xf32> -> vector<1000x8xf32>
    %add3A_132 = arith.addf %dot_general3A_129, %dot_general3A_131 : vector<1000x8xf32>
    %slice3A_133 = vector.extract_strided_slice %get3A_7 {offsets = [0, 2], sizes = [1000, 1], strides = [1, 1]} : vector<1000x3xf32> to vector<1000x1xf32>
    %mul3A_134 = arith.constant 1.000000e-01 : f32
    %mul3A_135 = vector.broadcast %mul3A_134 : f32 to vector<1000x1xf32>
    %mul3A_136 = arith.mulf %slice3A_133, %mul3A_135 : vector<1000x1xf32>
    %add3A_137 = vector.broadcast %mul3A_136 : vector<1000x1xf32> to vector<1000x8xf32>
    %add3A_138 = arith.addf %add3A_132, %add3A_137 : vector<1000x8xf32>
    %swap3A_139 = arith.constant 0 : index
    %swap3A_140 = arith.constant 16 : index
    %swap3A_141 = vector.load %arg12[%swap3A_139, %swap3A_140] : memref<1000x24xf32, #tpu.memory_space<vmem>>, vector<1000x8xf32>
    tpu.vector_store %arg12[%swap3A_139, %swap3A_140], %add3A_138 {strides = array<i32>} : memref<1000x24xf32, #tpu.memory_space<vmem>>, vector<1000x8xf32>,
    %get3A_142 = arith.constant 16 : index
    %get3A_143 = arith.constant 0 : index
    %get3A_144 = vector.load %arg9[%get3A_142, %get3A_143] : memref<24x128xf32, #tpu.memory_space<vmem>>, vector<8x128xf32>
    %dot_general3A_145 = arith.constant dense<0.000000e+00> : vector<1000x128xf32>
    %dot_general3A_146 = tpu.matmul %add3A_138, %get3A_144, %dot_general3A_145 {dimension_numbers = #tpu.dot_dimension_numbers<[1], [0], [0], [1], [0, 0, 1, 1], [], []>, transpose_lhs_hint = false} : vector<1000x8xf32>, vector<8x128xf32>, vector<1000x128xf32> -> vector<1000x128xf32>
    %add3A_147 = arith.addf %add3A_106, %dot_general3A_146 : vector<1000x128xf32>
    %get3A_148 = arith.constant 16 : index
    %get3A_149 = arith.constant 0 : index
    %get3A_150 = vector.load %arg10[%get3A_148, %get3A_149] : memref<24x128xf32, #tpu.memory_space<vmem>>, vector<8x128xf32>
    %dot_general3A_151 = arith.constant dense<0.000000e+00> : vector<1000x128xf32>
    %dot_general3A_152 = tpu.matmul %add3A_138, %get3A_150, %dot_general3A_151 {dimension_numbers = #tpu.dot_dimension_numbers<[1], [0], [0], [1], [0, 0, 1, 1], [], []>, transpose_lhs_hint = false} : vector<1000x8xf32>, vector<8x128xf32>, vector<1000x128xf32> -> vector<1000x128xf32>
    %add3A_153 = arith.addf %add3A_112, %dot_general3A_152 : vector<1000x128xf32>
    %swap3A_154 = arith.constant 0 : index
    %swap3A_155 = arith.constant 0 : index
    %swap3A_156 = vector.load %arg13[%swap3A_154, %swap3A_155] : memref<1000x128xf32, #tpu.memory_space<vmem>>, vector<1000x128xf32>
    tpu.vector_store %arg13[%swap3A_154, %swap3A_155], %add3A_147 {strides = array<i32>} : memref<1000x128xf32, #tpu.memory_space<vmem>>, vector<1000x128xf32>,
    %swap3A_157 = arith.constant 0 : index
    %swap3A_158 = arith.constant 0 : index
    %swap3A_159 = vector.load %arg14[%swap3A_157, %swap3A_158] : memref<1000x128xf32, #tpu.memory_space<vmem>>, vector<1000x128xf32>
    tpu.vector_store %arg14[%swap3A_157, %swap3A_158], %add3A_153 {strides = array<i32>} : memref<1000x128xf32, #tpu.memory_space<vmem>>, vector<1000x128xf32>,
    return
  }
  func.func @transform_0(%arg0: i32) -> (i32, i32) {
    %c0_i32 = arith.constant 0 : i32
    %c0_i32_0 = arith.constant 0 : i32
    return %arg0, %c0_i32 : i32, i32
  }
  func.func @transform_1(%arg0: i32) -> (i32, i32) {
    %c0_i32 = arith.constant 0 : i32
    %c0_i32_0 = arith.constant 0 : i32
    return %arg0, %c0_i32 : i32, i32
  }
  func.func @transform_2(%arg0: i32) -> (i32, i32) {
    %c0_i32 = arith.constant 0 : i32
    %c0_i32_0 = arith.constant 0 : i32
    return %arg0, %c0_i32 : i32, i32
  }
  func.func @transform_3(%arg0: i32) -> (i32, i32) {
    %c0_i32 = arith.constant 0 : i32
    %c0_i32_0 = arith.constant 0 : i32
    return %arg0, %c0_i32 : i32, i32
  }
  func.func @transform_4(%arg0: i32) -> (i32, i32) {
    %c0_i32 = arith.constant 0 : i32
    %c0_i32_0 = arith.constant 0 : i32
    %c0_i32_1 = arith.constant 0 : i32
    return %c0_i32, %c0_i32_0 : i32, i32
  }
  func.func @transform_5(%arg0: i32) -> (i32, i32) {
    %c0_i32 = arith.constant 0 : i32
    %c0_i32_0 = arith.constant 0 : i32
    %c0_i32_1 = arith.constant 0 : i32
    return %c0_i32, %c0_i32_0 : i32, i32
  }
  func.func @transform_6(%arg0: i32) -> (i32, i32) {
    %c0_i32 = arith.constant 0 : i32
    %c0_i32_0 = arith.constant 0 : i32
    %c0_i32_1 = arith.constant 0 : i32
    return %c0_i32, %c0_i32_0 : i32, i32
  }
  func.func @transform_7(%arg0: i32) -> (i32, i32) {
    %c0_i32 = arith.constant 0 : i32
    %c0_i32_0 = arith.constant 0 : i32
    %c0_i32_1 = arith.constant 0 : i32
    return %c0_i32, %c0_i32_0 : i32, i32
  }
  func.func @transform_8(%arg0: i32) -> (i32, i32) {
    %c0_i32 = arith.constant 0 : i32
    %c0_i32_0 = arith.constant 0 : i32
    %c0_i32_1 = arith.constant 0 : i32
    return %c0_i32, %c0_i32_0 : i32, i32
  }
  func.func @transform_9(%arg0: i32) -> (i32, i32) {
    %c0_i32 = arith.constant 0 : i32
    %c0_i32_0 = arith.constant 0 : i32
    %c0_i32_1 = arith.constant 0 : i32
    return %c0_i32, %c0_i32_0 : i32, i32
  }
  func.func @transform_10(%arg0: i32) -> (i32, i32) {
    %c0_i32 = arith.constant 0 : i32
    %c0_i32_0 = arith.constant 0 : i32
    %c0_i32_1 = arith.constant 0 : i32
    return %c0_i32, %c0_i32_0 : i32, i32
  }
  func.func @transform_11(%arg0: i32) -> (i32, i32) {
    %c0_i32 = arith.constant 0 : i32
    %c0_i32_0 = arith.constant 0 : i32
    return %arg0, %c0_i32 : i32, i32
  }
  func.func @transform_12(%arg0: i32) -> (i32, i32) {
    %c0_i32 = arith.constant 0 : i32
    %c0_i32_0 = arith.constant 0 : i32
    return %arg0, %c0_i32 : i32, i32
  }
  func.func @transform_13(%arg0: i32) -> (i32, i32) {
    %c0_i32 = arith.constant 0 : i32
    %c0_i32_0 = arith.constant 0 : i32
    return %arg0, %c0_i32 : i32, i32
  }
}

module attributes {stable_mosaic.version = 14 : i64} {
  func.func @_sum2_kernel(%arg0: i32, %arg1: memref<2x1000x128xf32, #tpu.memory_space<vmem>>, %arg2: memref<1000x128xf32, #tpu.memory_space<vmem>>) attributes {dimension_semantics = [#tpu.dimension_semantics<arbitrary>], iteration_bounds = array<i64: 10>, scalar_prefetch = 0 : i64, scratch_operands = 0 : i64, tpu.core_type = #tpu.core_type<tc>, window_params = [{transform_indices = @transform_0, window_bounds = array<i64: 2, 1000, 128>}, {transform_indices = @transform_1, window_bounds = array<i64: 1000, 128>}]} {
    %get3A = arith.constant 0 : index
    %get3A_0 = arith.constant 0 : index
    %get3A_1 = arith.constant 0 : index
    %get3A_2 = vector.load %arg1[%get3A, %get3A_0, %get3A_1] : memref<2x1000x128xf32, #tpu.memory_space<vmem>>, vector<1x1000x128xf32>
    %get3A_3 = vector.shape_cast %get3A_2 : vector<1x1000x128xf32> to vector<1000x128xf32>
    %get3A_4 = arith.constant 1 : index
    %get3A_5 = arith.constant 0 : index
    %get3A_6 = arith.constant 0 : index
    %get3A_7 = vector.load %arg1[%get3A_4, %get3A_5, %get3A_6] : memref<2x1000x128xf32, #tpu.memory_space<vmem>>, vector<1x1000x128xf32>
    %get3A_8 = vector.shape_cast %get3A_7 : vector<1x1000x128xf32> to vector<1000x128xf32>
    %add3A = arith.addf %get3A_3, %get3A_8 : vector<1000x128xf32>
    %swap3A = arith.constant 0 : index
    %swap3A_9 = arith.constant 0 : index
    %swap3A_10 = vector.load %arg2[%swap3A, %swap3A_9] : memref<1000x128xf32, #tpu.memory_space<vmem>>, vector<1000x128xf32>
    tpu.vector_store %arg2[%swap3A, %swap3A_9], %add3A {strides = array<i32>} : memref<1000x128xf32, #tpu.memory_space<vmem>>, vector<1000x128xf32>,
    return
  }
  func.func @transform_0(%arg0: i32) -> (i32, i32, i32) {
    %c0_i32 = arith.constant 0 : i32
    %c0_i32_0 = arith.constant 0 : i32
    %c0_i32_1 = arith.constant 0 : i32
    return %c0_i32, %arg0, %c0_i32_0 : i32, i32, i32
  }
  func.func @transform_1(%arg0: i32) -> (i32, i32) {
    %c0_i32 = arith.constant 0 : i32
    %c0_i32_0 = arith.constant 0 : i32
    return %arg0, %c0_i32 : i32, i32
  }
}

</mosaic_0001>

<sc_bundles>
// kernel: kernel.6.cloned.1.call-start
scs
__scs_entry_jumppad:
0x0: {  	(pc) =	sbr.rel $0x88, $3  }
0x1: {  	(tag) =	ssettag $0x0;
	lr =	simm.s32 $0x1  }
0x2: {  	[smem:$0x3F97] =	sst lr;
	_ =	strace $0xD0000000  }
0x3: {  	_ = 	snop  }
0x4: {  	_ = 	snop  }
0x5: {  	_ = 	snop  }
0x6: {  	_ = 	snop  }
0x7: {  	_ = 	snop  }
__scs_overlays_trampoline_lowered:
0x8: {  	[smem:$0x3FA6] =	sst s0  }
0x9: {  	[smem:$0x3FA7] =	sst s1  }
0xa: {  	[smem:$0x3FA8] =	sst s2  }
0xb: {  	[smem:$0x3FA9] =	sst s3  }
0xc: {  	[smem:$0x3FAA] =	sst s4  }
0xd: {  	[smem:$0x3FAB] =	sst s5  }
0xe: {  	[smem:$0x3FAC] =	sst s6  }
0xf: {  	[smem:$0x3FAD] =	sst s7  }
0x10: {  	[smem:$0x3FAE] =	sst s8  }
0x11: {  	[smem:$0x3FAF] =	sst s9;
	s0 =	simm.s32 @!p0 $0x0  }
0x12: {  	s1 =	sld [smem:$0x3F95];
	s0 =	simm.s32 @p0 $0x1  }
0x13: {  	[smem:$0x3FB0] =	sst s0;
	s0 =	simm.s32 @!p1 $0x0  }
0x14: {  	s2 =	sld [smem:$0x3F94];
	s0 =	simm.s32 @p1 $0x1  }
0x15: {  	[smem:$0x3FB1] =	sst s0;
	s0 =	simm.s32 @!p2 $0x0  }
0x16: {  	s3 =	sld [smem:$0x3FDB];
	s0 =	simm.s32 @p2 $0x1  }
0x17: {  	s4 =	simm.s32 $0x1BF5;
	[smem:$0x3FB3] =	sst s0  }
0x18: {  	s0 =	sld [smem:$0x3F96];
	_ =	swait.ge [sflag:s4], $0x0  }
0x19: {  	s7 =	sld [smem:$0x3F97]  }
0x1a: {  	s8 =	sadd.s32 $0xFFFFE003, lr  }
0x1b: {  	s9 =	sadd.s32 $0xFFFFFEF7, lr;
	s5 =	simm.s32 $0xFFFFFFFF;
	p2 =	slt.u32 s8, $0xFFFFF086  }
0x1c: {  	p1 =	slt.u32 s9, $0xF7A;
	s5 =	simm.s32 @!p2 $0x0  }
0x1d: {  	s5 =	simm.s32 @p1 $0x1;
	p0 =	seq.s32 s7, s2  }
0x1e: {  	s7 =	smul.u32 @!p0 $0xF7A, s2;
	p2 =	seq.s32 @!p0 s5, $0x0  }
0x1f: {  	s9 =	smul.u32 $0xF7A, s1;
	s8 =	simm.s32 @!p0 $0x1BF5;
	p2 =	por !p2, p0  }
0x20: {  	[sflag:s8] =	ssyncset.s32 @!p0 $0xFFFFF086;
	s6 =	sadd.s32 @!p0 s3, s7;
	s7 =	simm.s32 @!p0 $0x108  }
0x21: {  	s3 =	sadd.s32 s3, s9;
	s6 =	sadd.s32 @!p0 $0x88, s6;
	s7 =	simm.s32 @p2 $0x1082  }
0x22: {  	[simem:s7], [sflag:s8] =	dma.local @!p0 [hbm:s6], $0xF7A  }
0x23: {  	s9 =	sor.u32 $0xD0000000, s2;
	s6 =	simm.s32 $0x108;
	_ =	swait.ge @!p0 [sflag:s8], $0x0  }
0x24: {  	s3 =	sadd.s32 $0x88, s3;
	s6 =	simm.s32 @!p1 $0x1082;
	[sflag:s4] =	ssyncset.s32 $0xFFFFF086  }
0x25: {  	[simem:s6], [sflag:s4] =	dma.local [hbm:s3], $0xF7A  }
0x26: {  	[smem:$0x3F97] =	sst s1;
	(tag) =	ssettag s2;
	_ =	strace s9  }
0x27: {  	s1 =	sld [smem:$0x3FA7]  }
0x28: {  	s2 =	sld [smem:$0x3FA8]  }
0x29: {  	s4 =	sld [smem:$0x3FAA]  }
0x2a: {  	p0 =	seq.s32 s5, $0x0;
	s5 =	sld [smem:$0x3FAB]  }
0x2b: {  	s6 =	sld [smem:$0x3FAC]  }
0x2c: {  	s7 =	sld [smem:$0x3FAD]  }
0x2d: {  	s3 =	simm.s32 $0x108;
	s8 =	sld [smem:$0x3FAE]  }
0x2e: {  	s3 =	simm.s32 @!p0 $0x1082;
	s9 =	sld [smem:$0x3FAF]  }
0x2f: {  	lr =	sadd.s32 s0, s3;
	s0 =	sld [smem:$0x3FA6]  }
0x30: {  	s3 =	sld [smem:$0x3FA9]  }
0x31: {  	[smem:$0x3FB2] =	sst s10  }
0x32: {  	s10 =	sld [smem:$0x3FB0];
	_ =	sdelay $0x3  }
0x33: {  	p0 =	seq.s32 s10, $0x1;
	s10 =	sld [smem:$0x3FB2];
	_ =	sdelay $0x3  }
0x34: {  	[smem:$0x3FB2] =	sst s10  }
0x35: {  	s10 =	sld [smem:$0x3FB1];
	_ =	sdelay $0x3  }
0x36: {  	p1 =	seq.s32 s10, $0x1;
	s10 =	sld [smem:$0x3FB2];
	_ =	sdelay $0x3  }
0x37: {  	[smem:$0x3FB2] =	sst s10  }
0x38: {  	s10 =	sld [smem:$0x3FB3]  }
0x39: {  	_ = 	snop;
	(pc) =	sbr.ind lr, $3  }
0x3a: {  	_ = 	snop  }
0x3b: {  	_ = 	snop  }
0x3c: {  	p2 =	seq.s32 s10, $0x1;
	s10 =	sld [smem:$0x3FB2]  }
0x3d: {  	_ =	shalt  }
0x3e: {  	_ =	shalt  }
0x3f: {  	_ =	shalt  }
0x40: {  	_ =	shalt  }
0x41: {  	_ =	shalt  }
0x42: {  	_ =	shalt  }
0x43: {  	_ =	shalt  }
0x44: {  	_ =	shalt  }
0x45: {  	_ =	shalt  }
0x46: {  	_ =	shalt  }
0x47: {  	_ =	shalt  }
0x48: {  	_ =	shalt  }
0x49: {  	_ =	shalt  }
0x4a: {  	_ =	shalt  }
0x4b: {  	_ =	shalt  }
0x4c: {  	_ =	shalt  }
0x4d: {  	_ =	shalt  }
0x4e: {  	_ =	shalt  }
0x4f: {  	_ =	shalt  }
0x50: {  	_ =	shalt  }
0x51: {  	_ =	shalt  }
0x52: {  	_ =	shalt  }
0x53: {  	_ =	shalt  }
0x54: {  	_ =	shalt  }
0x55: {  	_ =	shalt  }
0x56: {  	_ =	shalt  }
0x57: {  	_ =	shalt  }
0x58: {  	_ =	shalt  }
0x59: {  	_ =	shalt  }
0x5a: {  	_ =	shalt  }
0x5b: {  	_ =	shalt  }
0x5c: {  	_ =	shalt  }
0x5d: {  	_ =	shalt  }
0x5e: {  	_ =	shalt  }
0x5f: {  	_ =	shalt  }
0x60: {  	_ =	shalt  }
0x61: {  	_ =	shalt  }
0x62: {  	_ =	shalt  }
0x63: {  	_ =	shalt  }
0x64: {  	_ =	shalt  }
0x65: {  	_ =	shalt  }
0x66: {  	_ =	shalt  }
0x67: {  	_ =	shalt  }
0x68: {  	_ =	shalt  }
0x69: {  	_ =	shalt  }
0x6a: {  	_ =	shalt  }
0x6b: {  	_ =	shalt  }
0x6c: {  	_ =	shalt  }
0x6d: {  	_ =	shalt  }
0x6e: {  	_ =	shalt  }
0x6f: {  	_ =	shalt  }
0x70: {  	_ =	shalt  }
0x71: {  	_ =	shalt  }
0x72: {  	_ =	shalt  }
0x73: {  	_ =	shalt  }
0x74: {  	_ =	shalt  }
0x75: {  	_ =	shalt  }
0x76: {  	_ =	shalt  }
0x77: {  	_ =	shalt  }
0x78: {  	_ =	shalt  }
0x79: {  	_ =	shalt  }
0x7a: {  	_ =	shalt  }
0x7b: {  	_ =	shalt  }
0x7c: {  	_ =	shalt  }
0x7d: {  	_ =	shalt  }
0x7e: {  	_ =	shalt  }
0x7f: {  	_ =	shalt  }
0x80: {  	_ =	shalt  }
0x81: {  	_ =	shalt  }
0x82: {  	_ =	shalt  }
0x83: {  	_ =	shalt  }
0x84: {  	_ =	shalt  }
0x85: {  	_ =	shalt  }
0x86: {  	_ =	shalt  }
0x87: {  	_ =	shalt  }
.Lfunc_end0:
.L_simem_size_0:
called_computation_lowered:
.L_overlay_start_0:
0x88: {  	s2 =	sld [smem:$0x3FD9]  }
0x89: {  	s3 =	sld [smem:$0x3FFE];
	_ =	sdelay $0x1  }
0x8a: {  	s1 =	srdreg.scid  }
0x8b: {  	s0 =	sand.u32 $0x1, s1  }
0x8c: {  	s14 =	sshll.u32 s0, $0xA;
	s2 =	sadd.s32 s3, s2  }
0x8d: {  	s2 =	sadd.s32 s2, s14  }
0x8e: {  	[smem:$0x3FBE] =	sst s2  }
0x8f: {  	_ = 	snop  }
0x90: {  	s2 =	sld [smem:$0x3FD0];
	_ =	sdelay $0x2  }
0x91: {  	s15 =	simm.s32 $0xA;
	s4 =	simm.s32 $0x10  }
0x92: {  	[smem:s4], [sflag:s15] =	dma.local [hbm:s2], $0x1  }
0x93: {  	_ =	swait.eq [sflag:s15], $0x1  }
0x94: {  	[sflag:s15] =	ssyncset.done $0x0  }
0x95: {  	[sflag:s15] =	ssyncadd.s32 $0xFFFFFFFF  }
0x96: {  	s16 =	sld [smem:$0x10];
	(tm) =	ssettm $0x1  }
0x97: {  	s17 =	sld [smem:$0x3FFB];
	_ =	sdelay $0x3  }
0x98: {  	_ =	strace s17  }
0x99: {  	s3 =	sld [smem:$0x3FFC];
	_ =	sdelay $0x3  }
0x9a: {  	_ =	strace s3  }
0x9b: {  	s3 =	sld [smem:$0x3FFD];
	_ =	sdelay $0x3  }
0x9c: {  	_ =	strace s3  }
0x9d: {  	_ =	strace $0x8FFFFFFF  }
0x9e: {  	s18 =	sld [smem:$0x3FDB];
	_ =	sdelay $0x1  }
0x9f: {  	s19 =	simm.s32 $_scs_section_size  }
0xa0: {  	s5 =	simm.s32 $_size__tile_overlayer_lowered;
	s6 =	simm.s32 $_tile_overlayer_lowered  }
0xa1: {  	s22 =	simm.s32 $0x1BFF;
	s21 =	sshll.u32 s6, $0x1;
	s3 =	sadd.s32 s19, s18  }
0xa2: {  	s7 =	simm.s32 $0x0;
	s20 =	sshll.u32 s5, $0x1;
	s5 =	sadd.s32 s21, s3  }
0xa3: {  	[timem:s7], [sflag:s22] =	dma.local [hbm:s5], s20  }
0xa4: {  	_ =	swait.ge [sflag:s22], s20  }
0xa5: {  	s4 =	ssub.s32 $0x0, s20;
	[sflag:s22] =	ssyncset.done $0x0  }
0xa6: {  	[sflag:s22] =	ssyncadd.s32 s4;
	_ =	sdelay $0x1  }
0xa7: {  	s23 =	simm.s32 $0x1B8B  }
0xa8: {  	_ =	swait.ge [sflag:s23], $0x1  }
0xa9: {  	[sflag:s23] =	ssyncset.done $0x0  }
0xaa: {  	s25 =	simm.s32 $0x1B8E;
	s24 =	sld [smem:$0x3FFE];
	[sflag:s23] =	ssyncadd.s32 $0xFFFFFFFF  }
0xab: {  	s26 =	simm.s32 $execute0_lowered;
	[smem:$0x3FD2] =	sst s25  }
0xac: {  	s5 =	sshll.u32 s26, $0x1;
	_ =	strace $0x80000046;
	[dreg:$0x1] =	wrdreg $0xFFFFFFFF  }
0xad: {  	s28 =	simm.s32 $_size_execute0_lowered;
	s3 =	sadd.s32 s3, s5;
	[dreg:$0x0] =	wrdreg $0x0  }
0xae: {  	s5 =	sshll.u32 s28, $0x1;
	[dreg:$0x2] =	wrdreg s3  }
0xaf: {  	[dreg:$0x3] =	wrdreg s5  }
0xb0: {  	[dreg:$0x4] =	wrdreg $0xC0  }
0xb1: {  	_ =	task [dreg:s7], $0x5FFFF  }
0xb2: {  	[dreg:$0x1] =	wrdreg $0xFFFFFFFF  }
0xb3: {  	[dreg:$0x0] =	wrdreg $0x60  }
0xb4: {  	[dreg:$0x2] =	wrdreg s16  }
0xb5: {  	[dreg:$0x3] =	wrdreg s24  }
0xb6: {  	[dreg:$0x4] =	wrdreg $0xA1800  }
0xb7: {  	[dreg:$0x5] =	wrdreg $0x9  }
0xb8: {  	_ =	task.clear_ibuf [dreg:s7], $0x6FFFF;
	_ =	strace $0x90000046  }
0xb9: {  	s29 =	simm.s32 $0x9;
	_ =	strace $0x80000048  }
0xba: {  	_ =	swait.ge [sflag:s29], $0x1  }
0xbb: {  	[sflag:s29] =	ssyncadd.s32 $0xFFFFFFFF  }
0xbc: {  	_ =	strace $0x90000048  }
0xbd: {  	_ =	sfence  }
0xbe: {  	s30 =	sld [smem:$0x0];
	_ =	sdelay $0x2  }
0xbf: {  	s31 =	sshll.u32 s1, $0xD;
	s1 =	sshrl.u32 s1, $0x2  }
0xc0: {  	s3 =	sand.u32 $0x4000, s31;
	s1 =	sadd.s32 s1, s30  }
0xc1: {  	s0 =	sor.u32 s3, s0;
	s1 =	sshll.u32 s1, $0x11  }
0xc2: {  	s0 =	sor.u32 s1, s0  }
0xc3: {  	s0 =	sadd.s32 $0x8F2B, s0  }
0xc4: {  	[sflag:s0] =	ssyncadd.remote.s32 $0x1  }
0xc5: {  	_ =	sfence.sel $0xFFFF  }
0xc6: {  	[dreg:$0x0] =	wrdreg $0xFFFFFFFF;
	(pc) =	sbr.abs _section_cstart, $3  }
0xc7: {  	[dreg:$0x1] =	wrdreg $0xFFFFFFFF  }
0xc8: {  	_ =	task.clear_ibuf [dreg:s7], $0x2FFFF;
	_ =	strace $0x9FFFFFFF  }
0xc9: {  	(tm) =	ssettm $0x7FFFFFFF  }
tec
execute0_lowered:
.L_overlay_start_1:
0x0: {  	(tag) =	ssettag $0x1  }
0x1: {  	s1 =	rddreg [dreg:$0x0]  }
0x2: {  	s0 =	srdreg.scid;
	s2 =	rddreg [dreg:$0x1]  }
0x3: {  	s13 =	stileid.u32;
	s3 =	rddreg [dreg:$0x2];
	s18 =	simm.s32 $0x28  }
0x4: {  	s20 =	simm.s32 $0x2980;
	s21 =	simm.s32 $0x2800;
	s28 =	simm.s32 $0x2900  }
0x5: {  	s29 =	simm.s32 $0x7980;
	s30 =	simm.s32 $0x8D80;
	s31 =	simm.s32 $0x2  }
0x6: {  	s16 =	simm.s32 $0x0;
	s0 =	sand.u32 $0x1, s0;
	s7 =	smul.u32 $0x14000, s13  }
0x7: {  	s6 =	sshll.u32 s13, $0x7;
	s12 =	smul.u32 $0x50000, s13;
	s26 =	sshll.u32 s13, $0x6  }
0x8: {  	s4 =	sshll.u32 s0, $0x4;
	s6 =	sand.u32 $0x380, s6;
	s10 =	smul.u32 $0x140000, s0  }
0x9: {  	s0 =	ssub.s32 $0x2, s0;
	s8 =	sor.u32 s13, s4;
	s4 =	simm.s32 $0x0  }
0xa: {  	s11 =	sshrl.u32 s7, $0x3;
	s24 =	sshrl.u32 s0, $0x1;
	s25 =	sshrl.u32 s12, $0x2  }
0xb: {  	s5 =	sshrl.u32 s8, $0x3;
	[smem:$0x7FF] =	sst s4;
	s11 =	sadd.s32 s11, s2  }
0xc: {  	s7 =	sadd.s32 s7, s10;
	s0 =	ssub.s32 s0, s24;
	s10 =	sadd.s32 s25, s3  }
0xd: {  	s5 =	smul.u32 $0x13C00, s5;
	_ =	strace $0x80000047;
	s11 =	sadd.s32 $0x50C00, s11  }
0xe: {  	s7 =	sshrl.u32 s7, $0x3;
	s0 =	smax.u32 s0, $0x1;
	[dreg:$0x4] =	wrdreg s11  }
0xf: {  	s11 =	sor.u32 $0x1C05, s26;
	[dreg:$0x9] =	wrdreg s0;
	s6 =	sor.u32 s6, s5  }
0x10: {  	s5 =	sadd.s32 $0x2800, s2;
	s9 =	sshrl.u32 s6, $0x3;
	s6 =	sadd.s32 $0x53D200, s2  }
0x11: {  	s9 =	sadd.s32 s9, s2;
	s2 =	sadd.s32 s7, s2;
	s7 =	smul.u32 $0x2710, s8  }
0x12: {  	[dreg:$0x5] =	wrdreg s11;
	s8 =	smul.u32 $0x27100, s8;
	s9 =	sadd.s32 $0x533400, s9  }
0x13: {  	s24 =	simm.s32 $0x1;
	s2 =	sadd.s32 $0x78C00, s2;
	[dreg:$0x6] =	wrdreg s9  }
0x14: {  	s25 =	simm.s32 $0x2880;
	s8 =	sadd.s32 s6, s8;
	[dreg:$0x8] =	wrdreg s2  }
0x15: {  	s26 =	simm.s32 $0x6580;
	[dreg:$0x7] =	wrdreg s8;
	s8 =	sshrl.u32 s10, $0x3  }
0x16: {  	s9 =	simm.s32 $0x5;
	s2 =	simm.s32 $0x3;
	[dreg:$0xa] =	wrdreg s8  }
.LBB2_1:
0x17: {  	s0 =	rddreg [dreg:$0x4]  }
0x18: {  	[spmem:s8], [sflag:s11] =	dma.local [hbm:s0], $0x2800  }
0x19: {  	_ =	swait.ge [sflag:s9], $0x2800  }
0x1a: {  	s15 =	simm.s32 $0x80;
	[sflag:s9] =	ssyncset.done $0x0  }
0x1b: {  	s10 =	simm.s32 $0x400;
	s14 =	rddreg [dreg:$0x6];
	[sflag:s9] =	ssyncadd.s32 $0xFFFFD800  }
0x1c: {  	[tilespmem:s4], [sflag:$0x5] =	stream.strided.gather [hbm4b:s14+s15], $0x2780, s10, s15, $0x38;
	[tilespmem:$0x1E180] =	vst v63  }
0x1d: {  	_ =	swait.ge [sflag:s9], $0x2780  }
0x1e: {  	[sflag:s9] =	ssyncset.done $0x0  }
0x1f: {  	[sflag:s9] =	ssyncadd.s32 $0xFFFFD880  }
0x20: {  	[bflag:$0x0] =	sbarrier.arrive $0xFFFF  }
0x21: {  	v0 =	vld [tilespmem:$0x0];
	_ =	sdelay $0x1  }
0x22: {  	v1 =	vld [tilespmem:$0x10];
	_ =	sdelay $0x1  }
0x23: {  	v2 =	vld [tilespmem:$0x18]  }
0x24: {  	v3 =	vand.u32 $0xFFFF, v0  }
0x25: {  	v0 =	vshra.s32 v0, $0x10;
	[tilespmem:$0x2780] =	vst v3  }
0x26: {  	v60 =	vand.u32 $0xFFFF, v1;
	[tilespmem:$0x2800] =	vst v0  }
0x27: {  	v61 =	vshra.s32 v1, $0x10;
	[tilespmem:$0x2790] =	vst v60  }
0x28: {  	v62 =	vand.u32 $0xFFFF, v2;
	[tilespmem:$0x2810] =	vst v61  }
0x29: {  	v63 =	vshra.s32 v2, $0x10;
	[tilespmem:$0x2798] =	vst v62  }
0x2a: {  	s17 =	simm.s32 $0x2780;
	[tilespmem:$0x2818] =	vst v63  }
0x2b: {  	[tilespmem:s20], [sflag:$0x1] =	stream.indirect.gather [hbm4b:s1+s18], $0x80, s17, s18, $0xb8;
	[tilespmem:$0x1E180] =	vst v63  }
0x2c: {  	s19 =	simm.s32 $0x3D80  }
0x2d: {  	[tilespmem:s19], [sflag:$0x1] =	stream.indirect.gather [hbm4b:s5+s18], $0x80, s21, s18, $0xb8;
	[tilespmem:$0x1E180] =	vst v63  }
0x2e: {  	s23 =	simm.s32 $0x5180;
	s22 =	rddreg [dreg:$0x7];
	s17 =	simm.s32 $0x0  }
0x2f: {  	[tilespmem:s23], [sflag:$0x1] =	stream.linear.gather [hbm4b:s22+s4], $0x1400, $0x38;
	[tilespmem:$0x1E180] =	vst v63  }
.LBB2_2:
0x30: {  	_ =	swait.ge [sflag:s24], $0x1400  }
0x31: {  	[sflag:s24] =	ssyncset.done $0x0  }
0x32: {  	[sflag:s24] =	ssyncadd.s32 $0xFFFFEC00  }
0x33: {  	_ =	swait.ge [sflag:s24], $0x1400  }
0x34: {  	[sflag:s24] =	ssyncset.done $0x0  }
0x35: {  	[sflag:s24] =	ssyncadd.s32 $0xFFFFEC00  }
0x36: {  	_ =	swait.ge [sflag:s24], $0x1400  }
0x37: {  	p0 =	seq.s32 s17, $0x0;
	[sflag:s24] =	ssyncset.done $0x0  }
0x38: {  	s0 =	simm.s32 @!p0 $0x4;
	[sflag:s24] =	ssyncadd.s32 $0xFFFFEC00  }
0x39: {  	_ =	swait.ge @!p0 [sflag:s0], $0x1400  }
0x3a: {  	s19 =	smul.u32 $0x50, s17;
	[sflag:s0] =	ssyncset.done @!p0 $0x0  }
0x3b: {  	[sflag:s0] =	ssyncadd.s32 @!p0 $0xFFFFEC00  }
0x3c: {  	v0 =	vld [tilespmem:s19+$0x28];
	_ =	sdelay $0x4  }
0x3d: {  	v1 =	vand.u32 $0xFFFF, v0  }
0x3e: {  	v0 =	vshra.s32 v0, $0x10;
	[tilespmem:$0x2880] =	vst v1  }
0x3f: {  	[tilespmem:$0x2900] =	vst v0  }
0x40: {  	v0 =	vld [tilespmem:s19+$0x38];
	_ =	sdelay $0x4  }
0x41: {  	v1 =	vand.u32 $0xFFFF, v0  }
0x42: {  	v0 =	vshra.s32 v0, $0x10;
	[tilespmem:$0x2890] =	vst v1  }
0x43: {  	[tilespmem:$0x2910] =	vst v0  }
0x44: {  	v0 =	vld [tilespmem:s19+$0x40];
	_ =	sdelay $0x4  }
0x45: {  	v1 =	vand.u32 $0xFFFF, v0  }
0x46: {  	s14 =	sadd.s32 $0x28, s19;
	v0 =	vshra.s32 v0, $0x10;
	[tilespmem:$0x2898] =	vst v1  }
0x47: {  	s0 =	sadd.s32 s7, s14;
	[tilespmem:$0x2918] =	vst v0  }
0x48: {  	[tilespmem:s26], [sflag:$0x2] =	stream.indirect.gather [hbm4b:s1+s18], $0x80, s25, s18, $0xb8;
	[tilespmem:$0x1E180] =	vst v63  }
0x49: {  	s0 =	sshll.u32 s0, $0x4  }
0x4a: {  	[tilespmem:s29], [sflag:$0x2] =	stream.indirect.gather [hbm4b:s5+s18], $0x80, s28, s18, $0xb8;
	[tilespmem:$0x1E180] =	vst v63  }
0x4b: {  	s22 =	simm.s32 $0x2A80;
	s0 =	sadd.s32 s6, s0  }
0x4c: {  	[tilespmem:s30], [sflag:$0x2] =	stream.linear.gather [hbm4b:s0+s4], $0x1400, $0x38;
	[tilespmem:$0x1E180] =	vst v63  }
0x4d: {  	s9 =	simm.s32 $0x3E80;
	v0 =	vld [tilespmem:s22+$0x80]  }
0x4e: {  	v1 =	vld [tilespmem:s9+$0x80]  }
0x4f: {  	s15 =	simm.s32 $0x5280  }
0x50: {  	v2 =	vld [tilespmem:s15+$0x80];
	_ =	sdelay $0x2  }
0x51: {  	v0 =	vadd.f32 v1, v0;
	_ =	sdelay $0x1  }
0x52: {  	v0 =	vadd.f32 v2, v0;
	_ =	sdelay $0x1  }
0x53: {  	v1 =	vsub.f32 $0.0e+00, v0;
	_ =	sdelay $0x1  }
0x54: {  	v1 =	vmin.f32 v0, v1  }
0x55: {  	v1 =	vmul.f32 $1.442695020e+00, v1  }
0x56: {  	v3 =	vld [tilespmem:s22+$0xFFFFFF00]  }
0x57: {  	v4 =	vld [tilespmem:s9+$0xFFFFFF80];
	(erf) = vpow2.f32 v1  }
0x58: {  	v2 =	vld [tilespmem:s9+$0xFFFFFF00]  }
0x59: {  	v5 =	vld [tilespmem:s15+$0xFFFFFF00]  }
0x5a: {  	v6 =	vld [tilespmem:s22+$0x0]  }
0x5b: {  	v1 =	vld [tilespmem:s22+$0xFFFFFF80]  }
0x5c: {  	v7 =	vld [tilespmem:s9+$0x0]  }
0x5d: {  	v8 =	vld [tilespmem:s15+$0xFFFFFF80];
	v2 =	vadd.f32 v2, v3  }
0x5e: {  	v3 =	vld [tilespmem:s15+$0x0]  }
0x5f: {  	v2 =	vadd.f32 v5, v2  }
0x60: {  	v1 =	vadd.f32 v4, v1;
	v5 =	vpop (erf)  }
0x61: {  	v6 =	vadd.f32 v7, v6;
	v7 =	vsub.f32 $0.0e+00, v2;
	v4 =	vmul.f32 $2.992709880e-01, v5  }
0x62: {  	v8 =	vadd.f32 v8, v1  }
0x63: {  	v1 =	vsub.f32 $9.721037140e-01, v4;
	v4 =	vadd.f32 v3, v6;
	v3 =	vmin.f32 v2, v7  }
0x64: {  	v6 =	vsub.f32 $0.0e+00, v8;
	v3 =	vmul.f32 $1.442695020e+00, v3  }
0x65: {  	v1 =	vmul.f32 v1, v5;
	v5 =	vsub.f32 $0.0e+00, v4  }
0x66: {  	v0 =	vmax.f32 v0, $0.0e+00;
	v6 =	vmin.f32 v8, v6;
	(erf) = vpow2.f32 v3  }
0x67: {  	v3 =	vmul.f32 $1.442695020e+00, v6;
	v0 =	vadd.f32 v1, v0;
	v1 =	vmin.f32 v4, v5  }
0x68: {  	v1 =	vmul.f32 $1.442695020e+00, v1  }
0x69: {  	(erf) = vpow2.f32 v3  }
0x6a: {  	[tilespmem:s22+$0x80] =	vst v0;
	v0 =	vld [tilespmem:s22+$0x90];
	(erf) = vpow2.f32 v1  }
0x6b: {  	v1 =	vld [tilespmem:s9+$0x90];
	_ =	sdelay $0x1  }
0x6c: {  	v3 =	vld [tilespmem:s15+$0x90];
	_ =	sdelay $0x1  }
0x6d: {  	v9 =	vpop (erf)  }
0x6e: {  	v0 =	vadd.f32 v1, v0;
	v1 =	vmul.f32 $2.992709880e-01, v9;
	_ =	sdelay $0x1  }
0x6f: {  	v17 =	vadd.f32 v3, v0;
	v13 =	vpop (erf);
	v1 =	vsub.f32 $9.721037140e-01, v1  }
0x70: {  	v12 =	vmul.f32 $2.992709880e-01, v13;
	v18 =	vpop (erf)  }
0x71: {  	v19 =	vsub.f32 $0.0e+00, v17;
	v20 =	vmul.f32 $2.992709880e-01, v18;
	v9 =	vmul.f32 v1, v9  }
0x72: {  	v21 =	vmax.f32 v2, $0.0e+00;
	v22 =	vsub.f32 $9.721037140e-01, v12  }
0x73: {  	v12 =	vmin.f32 v17, v19;
	v19 =	vsub.f32 $9.721037140e-01, v20;
	v9 =	vadd.f32 v9, v21  }
0x74: {  	v7 =	vld [tilespmem:s22+$0x10];
	v20 =	vmul.f32 $1.442695020e+00, v12;
	v21 =	vmul.f32 v22, v13  }
0x75: {  	v8 =	vmax.f32 v8, $0.0e+00;
	v5 =	vld [tilespmem:s22+$0xFFFFFF10];
	v18 =	vmul.f32 v19, v18;
	[tilespmem:s22+$0xFFFFFF00] =	vst v9  }
0x76: {  	v4 =	vmax.f32 v4, $0.0e+00;
	(erf) = vpow2.f32 v20;
	v9 =	vadd.f32 v21, v8;
	v19 =	vld [tilespmem:s9+$0xFFFFFF10]  }
0x77: {  	v6 =	vld [tilespmem:s22+$0xFFFFFF90];
	v4 =	vadd.f32 v18, v4  }
0x78: {  	[tilespmem:s22+$0xFFFFFF80] =	vst v9;
	v9 =	vld [tilespmem:s15+$0xFFFFFF10]  }
0x79: {  	v18 =	vld [tilespmem:s9+$0xFFFFFF90];
	[tilespmem:s22+$0x0] =	vst v4  }
0x7a: {  	v4 =	vld [tilespmem:s9+$0x10]  }
0x7b: {  	v20 =	vld [tilespmem:s15+$0xFFFFFF90];
	v5 =	vadd.f32 v19, v5  }
0x7c: {  	v19 =	vld [tilespmem:s15+$0x10]  }
0x7d: {  	v5 =	vadd.f32 v9, v5  }
0x7e: {  	v6 =	vadd.f32 v18, v6  }
0x7f: {  	v9 =	vpop (erf);
	v4 =	vadd.f32 v4, v7;
	v7 =	vsub.f32 $0.0e+00, v5  }
0x80: {  	v18 =	vmul.f32 $2.992709880e-01, v9;
	v20 =	vadd.f32 v20, v6  }
0x81: {  	v6 =	vmin.f32 v5, v7;
	v19 =	vadd.f32 v19, v4  }
0x82: {  	v4 =	vsub.f32 $9.721037140e-01, v18;
	v7 =	vsub.f32 $0.0e+00, v20;
	v6 =	vmul.f32 $1.442695020e+00, v6  }
0x83: {  	v18 =	vsub.f32 $0.0e+00, v19  }
0x84: {  	v4 =	vmul.f32 v4, v9;
	v7 =	vmin.f32 v20, v7;
	(erf) = vpow2.f32 v6  }
0x85: {  	v6 =	vmax.f32 v17, $0.0e+00;
	v7 =	vmul.f32 $1.442695020e+00, v7;
	v9 =	vmin.f32 v19, v18  }
0x86: {  	v4 =	vadd.f32 v4, v6;
	v6 =	vmul.f32 $1.442695020e+00, v9  }
0x87: {  	(erf) = vpow2.f32 v7  }
0x88: {  	(erf) = vpow2.f32 v6  }
0x89: {  	[tilespmem:s22+$0x90] =	vst v4;
	v4 =	vld [tilespmem:s22+$0xA0]  }
0x8a: {  	v6 =	vld [tilespmem:s9+$0xA0];
	_ =	sdelay $0x1  }
0x8b: {  	v7 =	vld [tilespmem:s15+$0xA0]  }
0x8c: {  	v9 =	vpop (erf)  }
0x8d: {  	v17 =	vmul.f32 $2.992709880e-01, v9  }
0x8e: {  	v4 =	vadd.f32 v6, v4  }
0x8f: {  	v18 =	vpop (erf);
	v17 =	vsub.f32 $9.721037140e-01, v17  }
0x90: {  	v21 =	vadd.f32 v7, v4;
	v7 =	vmul.f32 $2.992709880e-01, v18;
	v22 =	vpop (erf)  }
0x91: {  	v17 =	vmul.f32 v17, v9;
	v23 =	vmul.f32 $2.992709880e-01, v22  }
0x92: {  	v5 =	vmax.f32 v5, $0.0e+00;
	v24 =	vsub.f32 $0.0e+00, v21;
	v7 =	vsub.f32 $9.721037140e-01, v7  }
0x93: {  	v23 =	vsub.f32 $9.721037140e-01, v23;
	v17 =	vadd.f32 v17, v5  }
0x94: {  	v14 =	vld [tilespmem:s22+$0xFFFFFF20];
	v24 =	vmin.f32 v21, v24;
	v18 =	vmul.f32 v7, v18  }
0x95: {  	v15 =	vld [tilespmem:s22+$0xFFFFFFA0];
	v20 =	vmax.f32 v20, $0.0e+00;
	v24 =	vmul.f32 $1.442695020e+00, v24;
	v22 =	vmul.f32 v23, v22;
	[tilespmem:s22+$0xFFFFFF10] =	vst v17  }
0x96: {  	v17 =	vmax.f32 v19, $0.0e+00;
	v18 =	vadd.f32 v18, v20;
	v20 =	vld [tilespmem:s9+$0xFFFFFF20]  }
0x97: {  	v16 =	vld [tilespmem:s22+$0x20];
	(erf) = vpow2.f32 v24;
	v17 =	vadd.f32 v22, v17  }
0x98: {  	[tilespmem:s22+$0xFFFFFF90] =	vst v18;
	v18 =	vld [tilespmem:s15+$0xFFFFFF20]  }
0x99: {  	v22 =	vld [tilespmem:s9+$0xFFFFFFA0];
	[tilespmem:s22+$0x10] =	vst v17  }
0x9a: {  	v17 =	vld [tilespmem:s9+$0x20]  }
0x9b: {  	v14 =	vadd.f32 v20, v14;
	v20 =	vld [tilespmem:s15+$0xFFFFFFA0];
	_ =	sdelay $0x1  }
0x9c: {  	v23 =	vld [tilespmem:s15+$0x20];
	v14 =	vadd.f32 v18, v14  }
0x9d: {  	v15 =	vadd.f32 v22, v15  }
0x9e: {  	v18 =	vsub.f32 $0.0e+00, v14  }
0x9f: {  	v16 =	vadd.f32 v17, v16;
	v17 =	vpop (erf);
	v15 =	vadd.f32 v20, v15  }
0xa0: {  	v20 =	vmul.f32 $2.992709880e-01, v17;
	v18 =	vmin.f32 v14, v18  }
0xa1: {  	v16 =	vadd.f32 v23, v16;
	v18 =	vmul.f32 $1.442695020e+00, v18;
	v22 =	vsub.f32 $0.0e+00, v15  }
0xa2: {  	v20 =	vsub.f32 $9.721037140e-01, v20  }
0xa3: {  	v23 =	vsub.f32 $0.0e+00, v16;
	(erf) = vpow2.f32 v18;
	v18 =	vmin.f32 v15, v22  }
0xa4: {  	v17 =	vmul.f32 v20, v17;
	v18 =	vmul.f32 $1.442695020e+00, v18  }
0xa5: {  	v21 =	vmax.f32 v21, $0.0e+00;
	v20 =	vmin.f32 v16, v23  }
0xa6: {  	v20 =	vmul.f32 $1.442695020e+00, v20;
	v17 =	vadd.f32 v17, v21;
	(erf) = vpow2.f32 v18;
	_ =	sdelay $0x1  }
0xa7: {  	(erf) = vpow2.f32 v20;
	[tilespmem:s22+$0xA0] =	vst v17;
	v17 =	vld [tilespmem:s22+$0xB0]  }
0xa8: {  	v18 =	vld [tilespmem:s9+$0xB0];
	_ =	sdelay $0x1  }
0xa9: {  	v20 =	vld [tilespmem:s15+$0xB0]  }
0xaa: {  	v21 =	vpop (erf)  }
0xab: {  	v22 =	vmul.f32 $2.992709880e-01, v21  }
0xac: {  	v17 =	vadd.f32 v18, v17  }
0xad: {  	v18 =	vpop (erf);
	v22 =	vsub.f32 $9.721037140e-01, v22  }
0xae: {  	v17 =	vadd.f32 v20, v17;
	v23 =	vmul.f32 $2.992709880e-01, v18  }
0xaf: {  	v14 =	vmax.f32 v14, $0.0e+00;
	v24 =	vpop (erf);
	v21 =	vmul.f32 v22, v21  }
0xb0: {  	v20 =	vmul.f32 $2.992709880e-01, v24;
	v22 =	vsub.f32 $9.721037140e-01, v23;
	v23 =	vsub.f32 $0.0e+00, v17  }
0xb1: {  	v11 =	vld [tilespmem:s22+$0xFFFFFF30];
	v14 =	vadd.f32 v21, v14  }
0xb2: {  	v10 =	vld [tilespmem:s22+$0xFFFFFFB0];
	v20 =	vsub.f32 $9.721037140e-01, v20;
	v18 =	vmul.f32 v22, v18;
	v21 =	vmin.f32 v17, v23  }
0xb3: {  	v3 =	vld [tilespmem:s22+$0x30];
	v15 =	vmax.f32 v15, $0.0e+00;
	v21 =	vmul.f32 $1.442695020e+00, v21;
	[tilespmem:s22+$0xFFFFFF20] =	vst v14  }
0xb4: {  	v20 =	vmul.f32 v20, v24;
	v14 =	vadd.f32 v18, v15;
	v15 =	vld [tilespmem:s9+$0xFFFFFF30]  }
0xb5: {  	s23 =	simm.s32 $0x2C80;
	v16 =	vmax.f32 v16, $0.0e+00;
	v18 =	vld [tilespmem:s15+$0xFFFFFF30];
	(erf) = vpow2.f32 v21  }
0xb6: {  	v16 =	vadd.f32 v20, v16;
	v21 =	vld [tilespmem:s23+$0x80];
	[tilespmem:s22+$0xFFFFFFA0] =	vst v14  }
0xb7: {  	v14 =	vld [tilespmem:s9+$0xFFFFFFB0]  }
0xb8: {  	[tilespmem:s22+$0x20] =	vst v16;
	v20 =	vld [tilespmem:s15+$0xFFFFFFB0]  }
0xb9: {  	v16 =	vld [tilespmem:s9+$0x30]  }
0xba: {  	s10 =	simm.s32 $0x4080;
	v22 =	vld [tilespmem:s15+$0x30]  }
0xbb: {  	v11 =	vadd.f32 v15, v11;
	v15 =	vld [tilespmem:s10+$0x80]  }
0xbc: {  	s8 =	simm.s32 $0x5480  }
0xbd: {  	v23 =	vadd.f32 v18, v11;
	v11 =	vld [tilespmem:s8+$0x80];
	v10 =	vadd.f32 v14, v10  }
0xbe: {  	v26 =	vld [tilespmem:s8+$0xFFFFFF00];
	v3 =	vadd.f32 v16, v3;
	v14 =	vpop (erf)  }
0xbf: {  	v24 =	vld [tilespmem:s10+$0xFFFFFF00];
	v18 =	vsub.f32 $0.0e+00, v23;
	v27 =	vadd.f32 v20, v10;
	v16 =	vmul.f32 $2.992709880e-01, v14  }
0xc0: {  	v10 =	vld [tilespmem:s23+$0xFFFFFF80];
	v15 =	vadd.f32 v15, v21;
	v3 =	vadd.f32 v22, v3  }
0xc1: {  	v20 =	vld [tilespmem:s10+$0xFFFFFF80];
	v18 =	vmin.f32 v23, v18;
	v21 =	vsub.f32 $0.0e+00, v27;
	v16 =	vsub.f32 $9.721037140e-01, v16  }
0xc2: {  	v22 =	vld [tilespmem:s23+$0x0];
	v28 =	vadd.f32 v11, v15;
	v11 =	vmul.f32 $1.442695020e+00, v18  }
0xc3: {  	v15 =	vsub.f32 $0.0e+00, v3;
	v14 =	vmul.f32 v16, v14;
	v16 =	vmin.f32 v27, v21;
	v21 =	vld [tilespmem:s23+$0xFFFFFF00]  }
0xc4: {  	v17 =	vmax.f32 v17, $0.0e+00;
	v18 =	vld [tilespmem:s10+$0x0];
	v25 =	vsub.f32 $0.0e+00, v28;
	(erf) = vpow2.f32 v11  }
0xc5: {  	v11 =	vld [tilespmem:s8+$0xFFFFFF80];
	v15 =	vmin.f32 v3, v15;
	v16 =	vmul.f32 $1.442695020e+00, v16;
	v14 =	vadd.f32 v14, v17  }
0xc6: {  	v15 =	vmul.f32 $1.442695020e+00, v15;
	v17 =	vmin.f32 v28, v25;
	v25 =	vld [tilespmem:s8+$0x0]  }
0xc7: {  	(erf) = vpow2.f32 v16;
	v16 =	vmul.f32 $1.442695020e+00, v17;
	[tilespmem:s22+$0xB0] =	vst v14;
	v14 =	vld [tilespmem:s22+$0xC0]  }
0xc8: {  	(erf) = vpow2.f32 v15;
	v15 =	vadd.f32 v24, v21;
	v17 =	vld [tilespmem:s9+$0xC0]  }
0xc9: {  	v10 =	vadd.f32 v20, v10;
	(erf) = vpow2.f32 v16  }
0xca: {  	v16 =	vadd.f32 v18, v22;
	v22 =	vadd.f32 v26, v15;
	v15 =	vld [tilespmem:s15+$0xC0]  }
0xcb: {  	v29 =	vadd.f32 v11, v10  }
0xcc: {  	v31 =	vadd.f32 v25, v16;
	v10 =	vsub.f32 $0.0e+00, v22  }
0xcd: {  	v11 =	vsub.f32 $0.0e+00, v29;
	v14 =	vadd.f32 v17, v14  }
0xce: {  	v16 =	vsub.f32 $0.0e+00, v31;
	v10 =	vmin.f32 v22, v10  }
0xcf: {  	v20 =	vpop (erf);
	v11 =	vmin.f32 v29, v11;
	v10 =	vmul.f32 $1.442695020e+00, v10;
	v35 =	vadd.f32 v15, v14  }
0xd0: {  	v11 =	vmul.f32 $1.442695020e+00, v11;
	v34 =	vpop (erf);
	v14 =	vmin.f32 v31, v16  }
0xd1: {  	v30 =	vld [tilespmem:s23+$0xFFFFFF10];
	v36 =	vpop (erf);
	v14 =	vmul.f32 $1.442695020e+00, v14;
	(erf) = vpow2.f32 v10;
	v10 =	vsub.f32 $0.0e+00, v35  }
0xd2: {  	v32 =	vld [tilespmem:s23+$0xFFFFFF90];
	v21 =	vpop (erf);
	(erf) = vpow2.f32 v11  }
0xd3: {  	v33 =	vld [tilespmem:s23+$0x10];
	v11 =	vmul.f32 $2.992709880e-01, v21;
	(erf) = vpow2.f32 v14;
	v10 =	vmin.f32 v35, v10  }
0xd4: {  	v40 =	vld [tilespmem:s23+$0x90];
	v38 =	vmul.f32 $2.992709880e-01, v36;
	v37 =	vmul.f32 $1.442695020e+00, v10  }
0xd5: {  	v2 =	vld [tilespmem:s22+$0xFFFFFFC0];
	v11 =	vsub.f32 $9.721037140e-01, v11  }
0xd6: {  	v0 =	vld [tilespmem:s22+$0xFFFFFF40];
	v24 =	vmul.f32 $2.992709880e-01, v20;
	v47 =	vsub.f32 $9.721037140e-01, v38;
	(erf) = vpow2.f32 v37  }
0xd7: {  	v1 =	vld [tilespmem:s22+$0x40];
	v3 =	vmax.f32 v3, $0.0e+00;
	v46 =	vmul.f32 $2.992709880e-01, v34;
	v21 =	vmul.f32 v11, v21  }
0xd8: {  	v12 =	vld [tilespmem:s22+$0xFFFFFF50];
	v28 =	vmax.f32 v28, $0.0e+00;
	v24 =	vsub.f32 $9.721037140e-01, v24;
	v36 =	vmul.f32 v47, v36  }
0xd9: {  	v13 =	vld [tilespmem:s22+$0xFFFFFFD0];
	v28 =	vadd.f32 v21, v28;
	v21 =	vmax.f32 v23, $0.0e+00;
	v23 =	vsub.f32 $9.721037140e-01, v46  }
0xda: {  	v8 =	vld [tilespmem:s22+$0x50];
	v39 =	vmul.f32 v24, v20;
	v3 =	vadd.f32 v36, v3;
	v49 =	vpop (erf)  }
0xdb: {  	v63 =	vld [tilespmem:s22+$0xD0];
	[tilespmem:s23+$0x80] =	vst v28;
	v23 =	vmul.f32 v23, v34;
	v28 =	vmul.f32 $2.992709880e-01, v49;
	v50 =	vpop (erf)  }
0xdc: {  	v27 =	vmax.f32 v27, $0.0e+00;
	v48 =	vadd.f32 v39, v21;
	[tilespmem:s22+$0x30] =	vst v3;
	v41 =	vld [tilespmem:s10+$0x90];
	v51 =	vmul.f32 $2.992709880e-01, v50;
	v52 =	vpop (erf)  }
0xdd: {  	v57 =	vld [tilespmem:s9+$0x40];
	v23 =	vadd.f32 v23, v27;
	v28 =	vsub.f32 $9.721037140e-01, v28;
	v42 =	vmul.f32 $2.992709880e-01, v52  }
0xde: {  	[tilespmem:s22+$0xFFFFFF30] =	vst v48;
	v54 =	vld [tilespmem:s8+$0x90];
	v53 =	vsub.f32 $9.721037140e-01, v51  }
0xdf: {  	v29 =	vmax.f32 v29, $0.0e+00;
	v60 =	vld [tilespmem:s15+$0x40];
	[tilespmem:s22+$0xFFFFFFB0] =	vst v23;
	v23 =	vmul.f32 v28, v49;
	v28 =	vsub.f32 $9.721037140e-01, v42;
	v55 =	vpop (erf)  }
0xe0: {  	v22 =	vmax.f32 v22, $0.0e+00;
	v27 =	vld [tilespmem:s9+$0xFFFFFF40];
	v34 =	vmul.f32 v53, v50;
	v56 =	vmul.f32 $2.992709880e-01, v55  }
0xe1: {  	v3 =	vld [tilespmem:s9+$0xFFFFFFC0];
	v22 =	vadd.f32 v23, v22;
	v23 =	vmul.f32 v28, v52;
	v28 =	vadd.f32 v41, v40  }
0xe2: {  	v31 =	vmax.f32 v31, $0.0e+00;
	v43 =	vld [tilespmem:s15+$0xFFFFFF40];
	v29 =	vadd.f32 v34, v29;
	v59 =	vsub.f32 $9.721037140e-01, v56  }
0xe3: {  	v58 =	vld [tilespmem:s15+$0xFFFFFFC0];
	[tilespmem:s23+$0xFFFFFF00] =	vst v22;
	v22 =	vadd.f32 v23, v31;
	v23 =	vadd.f32 v54, v28  }
0xe4: {  	v1 =	vadd.f32 v57, v1;
	v28 =	vld [tilespmem:s10+$0xFFFFFF10];
	[tilespmem:s23+$0xFFFFFF80] =	vst v29;
	v29 =	vmul.f32 v59, v55  }
0xe5: {  	v61 =	vmax.f32 v35, $0.0e+00;
	v0 =	vadd.f32 v27, v0;
	v31 =	vld [tilespmem:s10+$0xFFFFFF90];
	[tilespmem:s23+$0x0] =	vst v22;
	v22 =	vsub.f32 $0.0e+00, v23  }
0xe6: {  	v2 =	vadd.f32 v3, v2;
	v3 =	vld [tilespmem:s8+$0xFFFFFF10];
	v27 =	vadd.f32 v29, v61  }
0xe7: {  	v0 =	vadd.f32 v43, v0;
	v29 =	vld [tilespmem:s8+$0xFFFFFF90];
	v22 =	vmin.f32 v23, v22  }
0xe8: {  	v62 =	vld [tilespmem:s10+$0x10];
	v2 =	vadd.f32 v58, v2;
	v22 =	vmul.f32 $1.442695020e+00, v22;
	[tilespmem:s22+$0xC0] =	vst v27;
	v27 =	vadd.f32 v60, v1  }
0xe9: {  	v1 =	vsub.f32 $0.0e+00, v0;
	v40 =	vld [tilespmem:s9+$0xD0];
	v28 =	vadd.f32 v28, v30  }
0xea: {  	v30 =	vld [tilespmem:s8+$0x10];
	(erf) = vpow2.f32 v22;
	v22 =	vsub.f32 $0.0e+00, v2;
	v31 =	vadd.f32 v31, v32  }
0xeb: {  	v42 =	vld [tilespmem:s15+$0xD0];
	v41 =	vsub.f32 $0.0e+00, v27;
	v1 =	vmin.f32 v0, v1;
	v28 =	vadd.f32 v3, v28  }
0xec: {  	v1 =	vmul.f32 $1.442695020e+00, v1;
	v22 =	vmin.f32 v2, v22;
	v29 =	vadd.f32 v29, v31  }
0xed: {  	v33 =	vadd.f32 v62, v33;
	v22 =	vmul.f32 $1.442695020e+00, v22;
	v31 =	vsub.f32 $0.0e+00, v28  }
0xee: {  	(erf) = vpow2.f32 v1;
	v34 =	vadd.f32 v40, v63;
	v43 =	vsub.f32 $0.0e+00, v29  }
0xef: {  	v30 =	vadd.f32 v30, v33;
	v1 =	vmin.f32 v28, v31;
	(erf) = vpow2.f32 v22  }
0xf0: {  	v31 =	vadd.f32 v42, v34;
	v1 =	vmul.f32 $1.442695020e+00, v1;
	v44 =	vmin.f32 v29, v43  }
0xf1: {  	v33 =	vsub.f32 $0.0e+00, v30;
	v22 =	vmul.f32 $1.442695020e+00, v44  }
0xf2: {  	v3 =	vmin.f32 v27, v41;
	v45 =	vsub.f32 $0.0e+00, v31;
	(erf) = vpow2.f32 v1  }
0xf3: {  	v3 =	vmul.f32 $1.442695020e+00, v3;
	v1 =	vmin.f32 v30, v33;
	v46 =	vpop (erf);
	(erf) = vpow2.f32 v22  }
0xf4: {  	v1 =	vmul.f32 $1.442695020e+00, v1;
	v47 =	vmul.f32 $2.992709880e-01, v46;
	v22 =	vmin.f32 v31, v45  }
0xf5: {  	(erf) = vpow2.f32 v3;
	v22 =	vmul.f32 $1.442695020e+00, v22  }
0xf6: {  	(erf) = vpow2.f32 v1;
	v3 =	vsub.f32 $9.721037140e-01, v47  }
0xf7: {  	v48 =	vpop (erf);
	(erf) = vpow2.f32 v22  }
0xf8: {  	v6 =	vld [tilespmem:s22+$0xFFFFFF60];
	v1 =	vmul.f32 v3, v46;
	v49 =	vpop (erf)  }
0xf9: {  	v4 =	vld [tilespmem:s22+$0xFFFFFFE0];
	v3 =	vmax.f32 v23, $0.0e+00;
	v50 =	vmul.f32 $2.992709880e-01, v49  }
0xfa: {  	v5 =	vld [tilespmem:s22+$0xFFFFFF70];
	v1 =	vadd.f32 v1, v3;
	v3 =	vmul.f32 $2.992709880e-01, v48  }
0xfb: {  	v7 =	vld [tilespmem:s22+$0xFFFFFFF0];
	v55 =	vsub.f32 $9.721037140e-01, v50  }
0xfc: {  	v52 =	vld [tilespmem:s23+$0xA0];
	v51 =	vpop (erf);
	[tilespmem:s23+$0x90] =	vst v1;
	v1 =	vsub.f32 $9.721037140e-01, v3  }
0xfd: {  	v53 =	vpop (erf);
	v56 =	vmul.f32 $2.992709880e-01, v51;
	v54 =	vld [tilespmem:s10+$0xA0];
	v32 =	vmul.f32 v55, v49  }
0xfe: {  	v18 =	vld [tilespmem:s23+$0x20];
	v57 =	vmax.f32 v2, $0.0e+00;
	v0 =	vmax.f32 v0, $0.0e+00;
	v39 =	vpop (erf);
	v1 =	vmul.f32 v1, v48  }
0xff: {  	v26 =	vld [tilespmem:s23+$0xFFFFFF20];
	v58 =	vmul.f32 $2.992709880e-01, v53;
	v60 =	vpop (erf);
	v61 =	vsub.f32 $9.721037140e-01, v56;
	v32 =	vadd.f32 v32, v57  }
0x100: {  	v59 =	vld [tilespmem:s8+$0xA0];
	v44 =	vadd.f32 v1, v0;
	v62 =	vpop (erf)  }
0x101: {  	v25 =	vld [tilespmem:s23+$0xFFFFFFA0];
	v41 =	vsub.f32 $9.721037140e-01, v58;
	v33 =	vmul.f32 v61, v51;
	v45 =	vmul.f32 $2.992709880e-01, v62;
	[tilespmem:s22+$0xFFFFFFC0] =	vst v32  }
0x102: {  	v28 =	vmax.f32 v28, $0.0e+00;
	[tilespmem:s22+$0xFFFFFF40] =	vst v44;
	v63 =	vadd.f32 v54, v52;
	v44 =	vmul.f32 $2.992709880e-01, v60;
	v51 =	vld [tilespmem:s9+$0xFFFFFFD0]  }
0x103: {  	v37 =	vmul.f32 v41, v53;
	v28 =	vadd.f32 v33, v28;
	v46 =	vld [tilespmem:s9+$0xFFFFFF50];
	v47 =	vsub.f32 $9.721037140e-01, v45  }
0x104: {  	v29 =	vmax.f32 v29, $0.0e+00;
	v52 =	vld [tilespmem:s15+$0xFFFFFFD0];
	v50 =	vsub.f32 $9.721037140e-01, v44  }
0x105: {  	v48 =	vld [tilespmem:s15+$0xFFFFFF50];
	v29 =	vadd.f32 v37, v29;
	v49 =	vadd.f32 v59, v63;
	[tilespmem:s23+$0xFFFFFF10] =	vst v28;
	v34 =	vmul.f32 v47, v62  }
0x106: {  	v31 =	vmax.f32 v31, $0.0e+00;
	v53 =	vld [tilespmem:s10+$0xFFFFFF20];
	v33 =	vmul.f32 v50, v60  }
0x107: {  	v30 =	vmax.f32 v30, $0.0e+00;
	[tilespmem:s23+$0xFFFFFF90] =	vst v29;
	v54 =	vld [tilespmem:s8+$0xFFFFFF20];
	v28 =	vsub.f32 $0.0e+00, v49;
	v29 =	vadd.f32 v34, v31  }
0x108: {  	v31 =	vld [tilespmem:s10+$0xFFFFFFA0];
	v30 =	vadd.f32 v33, v30;
	v12 =	vadd.f32 v46, v12  }
0x109: {  	v13 =	vadd.f32 v51, v13;
	v28 =	vmin.f32 v49, v28;
	[tilespmem:s22+$0xD0] =	vst v29;
	v29 =	vld [tilespmem:s22+$0xE0]  }
0x10a: {  	v28 =	vmul.f32 $1.442695020e+00, v28;
	[tilespmem:s23+$0x10] =	vst v30;
	v30 =	vld [tilespmem:s9+$0xE0];
	v12 =	vadd.f32 v48, v12  }
0x10b: {  	v13 =	vadd.f32 v52, v13;
	v56 =	vld [tilespmem:s15+$0xE0]  }
0x10c: {  	v26 =	vadd.f32 v53, v26;
	(erf) = vpow2.f32 v28;
	v55 =	vld [tilespmem:s10+$0x20];
	v57 =	vsub.f32 $0.0e+00, v12  }
0x10d: {  	v58 =	vld [tilespmem:s8+$0xFFFFFFA0];
	v28 =	vmul.f32 $2.992709880e-01, v39;
	v59 =	vsub.f32 $0.0e+00, v13  }
0x10e: {  	v60 =	vld [tilespmem:s8+$0x20];
	v26 =	vadd.f32 v54, v26;
	v25 =	vadd.f32 v31, v25;
	v31 =	vmin.f32 v12, v57  }
0x10f: {  	v29 =	vadd.f32 v30, v29;
	v30 =	vmul.f32 $1.442695020e+00, v31;
	v31 =	vmin.f32 v13, v59  }
0x110: {  	v28 =	vsub.f32 $9.721037140e-01, v28;
	v61 =	vsub.f32 $0.0e+00, v26;
	v31 =	vmul.f32 $1.442695020e+00, v31  }
0x111: {  	v18 =	vadd.f32 v55, v18;
	v29 =	vadd.f32 v56, v29;
	(erf) = vpow2.f32 v30  }
0x112: {  	v25 =	vadd.f32 v58, v25;
	v30 =	vmin.f32 v26, v61;
	(erf) = vpow2.f32 v31  }
0x113: {  	v30 =	vmul.f32 $1.442695020e+00, v30;
	v18 =	vadd.f32 v60, v18;
	v31 =	vsub.f32 $0.0e+00, v29  }
0x114: {  	v27 =	vmax.f32 v27, $0.0e+00;
	v28 =	vmul.f32 v28, v39;
	v63 =	vsub.f32 $0.0e+00, v25  }
0x115: {  	v62 =	vpop (erf);
	(erf) = vpow2.f32 v30;
	v42 =	vsub.f32 $0.0e+00, v18;
	v30 =	vmin.f32 v29, v31  }
0x116: {  	v40 =	vmul.f32 $2.992709880e-01, v62;
	v31 =	vmin.f32 v25, v63;
	v30 =	vmul.f32 $1.442695020e+00, v30  }
0x117: {  	v27 =	vadd.f32 v28, v27;
	v31 =	vmul.f32 $1.442695020e+00, v31  }
0x118: {  	v9 =	vld [tilespmem:s22+$0x60];
	v41 =	vsub.f32 $9.721037140e-01, v40;
	(erf) = vpow2.f32 v30;
	v30 =	vmin.f32 v18, v42  }
0x119: {  	v19 =	vld [tilespmem:s22+$0x70];
	[tilespmem:s22+$0x40] =	vst v27;
	v27 =	vmul.f32 $1.442695020e+00, v30  }
0x11a: {  	v17 =	vld [tilespmem:s23+$0xFFFFFF30];
	v28 =	vmul.f32 v41, v62  }
0x11b: {  	v16 =	vld [tilespmem:s23+$0xFFFFFFB0];
	v32 =	vmax.f32 v49, $0.0e+00  }
0x11c: {  	v15 =	vld [tilespmem:s23+$0xFFFFFF40];
	(erf) = vpow2.f32 v31;
	v31 =	vpop (erf);
	v28 =	vadd.f32 v28, v32  }
0x11d: {  	v20 =	vld [tilespmem:s23+$0xFFFFFF50];
	(erf) = vpow2.f32 v27;
	v27 =	vpop (erf)  }
0x11e: {  	v30 =	vld [tilespmem:s9+$0x50];
	[tilespmem:s23+$0xA0] =	vst v28;
	v28 =	vmul.f32 $2.992709880e-01, v27  }
0x11f: {  	v24 =	vld [tilespmem:s23+$0xFFFFFFD0];
	v44 =	vmul.f32 $2.992709880e-01, v31  }
0x120: {  	v43 =	vld [tilespmem:s15+$0x50];
	v28 =	vsub.f32 $9.721037140e-01, v28  }
0x121: {  	v45 =	vld [tilespmem:s23+$0xB0];
	v33 =	vsub.f32 $9.721037140e-01, v44;
	v46 =	vpop (erf)  }
0x122: {  	v47 =	vld [tilespmem:s10+$0xB0];
	v48 =	vmul.f32 $2.992709880e-01, v46  }
0x123: {  	v14 =	vld [tilespmem:s23+$0x30];
	v12 =	vmax.f32 v12, $0.0e+00;
	v8 =	vadd.f32 v30, v8;
	v30 =	vmul.f32 v33, v31  }
0x124: {  	v13 =	vmax.f32 v13, $0.0e+00;
	v31 =	vld [tilespmem:s8+$0xB0];
	v49 =	vsub.f32 $9.721037140e-01, v48;
	v27 =	vmul.f32 v28, v27;
	v28 =	vpop (erf)  }
0x125: {  	v10 =	vld [tilespmem:s23+$0xFFFFFFC0];
	v8 =	vadd.f32 v43, v8;
	v12 =	vadd.f32 v30, v12;
	v30 =	vmul.f32 $2.992709880e-01, v28  }
0x126: {  	v11 =	vld [tilespmem:s23+$0x40];
	v26 =	vmax.f32 v26, $0.0e+00;
	v50 =	vmul.f32 v49, v46;
	v13 =	vadd.f32 v27, v13;
	v51 =	vpop (erf)  }
0x127: {  	v21 =	vld [tilespmem:s23+$0x50];
	v52 =	vsub.f32 $0.0e+00, v8;
	[tilespmem:s22+$0xFFFFFF50] =	vst v12;
	v27 =	vadd.f32 v47, v45;
	v53 =	vmul.f32 $2.992709880e-01, v51  }
0x128: {  	v54 =	vld [tilespmem:s9+$0xFFFFFF60];
	v26 =	vadd.f32 v50, v26;
	[tilespmem:s22+$0xFFFFFFD0] =	vst v13;
	v12 =	vsub.f32 $9.721037140e-01, v30  }
0x129: {  	v29 =	vmax.f32 v29, $0.0e+00;
	v13 =	vadd.f32 v31, v27;
	v55 =	vld [tilespmem:s9+$0xFFFFFFE0];
	v31 =	vsub.f32 $9.721037140e-01, v53;
	v30 =	vpop (erf)  }
0x12a: {  	[tilespmem:s23+$0xFFFFFF20] =	vst v26;
	v26 =	vld [tilespmem:s15+$0xFFFFFF60];
	v12 =	vmul.f32 v12, v28;
	v28 =	vmin.f32 v8, v52;
	v27 =	vmul.f32 $2.992709880e-01, v30  }
0x12b: {  	v56 =	vsub.f32 $0.0e+00, v13;
	v57 =	vld [tilespmem:s10+$0xFFFFFF30];
	v31 =	vmul.f32 v31, v51;
	v28 =	vmul.f32 $1.442695020e+00, v28  }
0x12c: {  	v25 =	vmax.f32 v25, $0.0e+00;
	v12 =	vadd.f32 v12, v29;
	v29 =	vld [tilespmem:s8+$0xFFFFFF30];
	v27 =	vsub.f32 $9.721037140e-01, v27  }
0x12d: {  	v58 =	vmin.f32 v13, v56;
	v25 =	vadd.f32 v31, v25;
	v31 =	vld [tilespmem:s15+$0xFFFFFFE0];
	(erf) = vpow2.f32 v28  }
0x12e: {  	v28 =	vld [tilespmem:s22+$0xF0];
	[tilespmem:s22+$0xE0] =	vst v12;
	v27 =	vmul.f32 v27, v30;
	v30 =	vmul.f32 $1.442695020e+00, v58  }
0x12f: {  	v6 =	vadd.f32 v54, v6;
	v12 =	vmax.f32 v18, $0.0e+00;
	[tilespmem:s23+$0xFFFFFFA0] =	vst v25;
	v25 =	vld [tilespmem:s9+$0xF0]  }
0x130: {  	v12 =	vadd.f32 v27, v12;
	(erf) = vpow2.f32 v30;
	v27 =	vld [tilespmem:s10+$0xFFFFFFB0]  }
0x131: {  	v4 =	vadd.f32 v55, v4;
	v30 =	vadd.f32 v26, v6;
	v26 =	vld [tilespmem:s8+$0xFFFFFFB0]  }
0x132: {  	v6 =	vadd.f32 v57, v17;
	[tilespmem:s23+$0x20] =	vst v12;
	v12 =	vld [tilespmem:s15+$0xF0]  }
0x133: {  	s11 =	simm.s32 $0x2E80;
	v18 =	vadd.f32 v31, v4;
	v17 =	vld [tilespmem:s10+$0x30]  }
0x134: {  	s12 =	simm.s32 $0x4280;
	v4 =	vld [tilespmem:s11+$0x80];
	v59 =	vsub.f32 $0.0e+00, v30;
	v6 =	vadd.f32 v29, v6  }
0x135: {  	v25 =	vadd.f32 v25, v28;
	v28 =	vld [tilespmem:s12+$0x80]  }
0x136: {  	v29 =	vld [tilespmem:s8+$0x30];
	v31 =	vmin.f32 v30, v59;
	v60 =	vsub.f32 $0.0e+00, v6  }
0x137: {  	s13 =	simm.s32 $0x5680;
	v13 =	vmax.f32 v13, $0.0e+00;
	v16 =	vadd.f32 v27, v16;
	v27 =	vmul.f32 $1.442695020e+00, v31  }
0x138: {  	v61 =	vpop (erf);
	v32 =	vmin.f32 v6, v60;
	v62 =	vadd.f32 v12, v25;
	v12 =	vadd.f32 v17, v14;
	v14 =	vld [tilespmem:s13+$0x80]  }
0x139: {  	v52 =	vld [tilespmem:s11+$0xFFFFFF00];
	v31 =	vsub.f32 $0.0e+00, v18;
	v32 =	vmul.f32 $1.442695020e+00, v32;
	v63 =	vadd.f32 v26, v16;
	v17 =	vpop (erf)  }
0x13a: {  	v25 =	vld [tilespmem:s12+$0xFFFFFF00];
	(erf) = vpow2.f32 v27;
	v4 =	vadd.f32 v28, v4;
	v16 =	vmul.f32 $2.992709880e-01, v17  }
0x13b: {  	v27 =	vld [tilespmem:s11+$0xFFFFFF80];
	v26 =	vsub.f32 $0.0e+00, v62;
	(erf) = vpow2.f32 v32;
	v37 =	vadd.f32 v29, v12  }
0x13c: {  	v28 =	vsub.f32 $0.0e+00, v63;
	v12 =	vmin.f32 v18, v31;
	v29 =	vld [tilespmem:s12+$0xFFFFFF80];
	v16 =	vsub.f32 $9.721037140e-01, v16  }
0x13d: {  	v31 =	vld [tilespmem:s11+$0x0];
	v26 =	vmin.f32 v62, v26;
	v51 =	vsub.f32 $0.0e+00, v37;
	v4 =	vadd.f32 v14, v4  }
0x13e: {  	v14 =	vmul.f32 v16, v17;
	v16 =	vmul.f32 $1.442695020e+00, v26;
	v17 =	vld [tilespmem:s12+$0x0];
	v26 =	vmin.f32 v63, v28  }
0x13f: {  	v12 =	vmul.f32 $1.442695020e+00, v12;
	v28 =	vld [tilespmem:s13+$0xFFFFFF00];
	v26 =	vmul.f32 $1.442695020e+00, v26;
	v53 =	vsub.f32 $0.0e+00, v4  }
0x140: {  	v13 =	vadd.f32 v14, v13;
	v14 =	vmin.f32 v37, v51;
	(erf) = vpow2.f32 v16;
	v16 =	vld [tilespmem:s13+$0xFFFFFF80]  }
0x141: {  	v54 =	vld [tilespmem:s13+$0x0];
	v14 =	vmul.f32 $1.442695020e+00, v14;
	(erf) = vpow2.f32 v26;
	v26 =	vmin.f32 v4, v53  }
0x142: {  	[tilespmem:s23+$0xB0] =	vst v13;
	(erf) = vpow2.f32 v12;
	v12 =	vadd.f32 v25, v52;
	v13 =	vmul.f32 $1.442695020e+00, v26;
	v25 =	vld [tilespmem:s23+$0xC0]  }
0x143: {  	v26 =	vadd.f32 v29, v27;
	(erf) = vpow2.f32 v14;
	v14 =	vld [tilespmem:s10+$0xC0]  }
0x144: {  	v38 =	vadd.f32 v28, v12;
	(erf) = vpow2.f32 v13  }
0x145: {  	v12 =	vadd.f32 v17, v31;
	v13 =	vld [tilespmem:s8+$0xC0];
	v40 =	vadd.f32 v16, v26  }
0x146: {  	v16 =	vsub.f32 $0.0e+00, v38  }
0x147: {  	v8 =	vmax.f32 v8, $0.0e+00;
	v41 =	vpop (erf);
	v39 =	vadd.f32 v54, v12;
	v12 =	vsub.f32 $0.0e+00, v40  }
0x148: {  	v27 =	vpop (erf);
	v17 =	vmul.f32 $2.992709880e-01, v61;
	v16 =	vmin.f32 v38, v16;
	v14 =	vadd.f32 v14, v25  }
0x149: {  	v25 =	vsub.f32 $0.0e+00, v39;
	v55 =	vpop (erf);
	v12 =	vmin.f32 v40, v12;
	v16 =	vmul.f32 $1.442695020e+00, v16  }
0x14a: {  	v6 =	vmax.f32 v6, $0.0e+00;
	v56 =	vpop (erf);
	v12 =	vmul.f32 $1.442695020e+00, v12;
	v44 =	vadd.f32 v13, v14  }
0x14b: {  	v13 =	vsub.f32 $9.721037140e-01, v17;
	v14 =	vmin.f32 v39, v25;
	v45 =	vpop (erf);
	(erf) = vpow2.f32 v16  }
0x14c: {  	v2 =	vld [tilespmem:s23+$0xFFFFFF70];
	v14 =	vmul.f32 $1.442695020e+00, v14;
	v46 =	vpop (erf);
	(erf) = vpow2.f32 v12;
	v12 =	vsub.f32 $0.0e+00, v44  }
0x14d: {  	v22 =	vld [tilespmem:s23+$0xFFFFFFE0];
	v35 =	vmax.f32 v62, $0.0e+00;
	v16 =	vmul.f32 $2.992709880e-01, v27;
	v13 =	vmul.f32 v13, v61;
	v57 =	vpop (erf)  }
0x14e: {  	v23 =	vld [tilespmem:s23+$0xFFFFFF60];
	(erf) = vpow2.f32 v14;
	v14 =	vmul.f32 $2.992709880e-01, v57;
	v12 =	vmin.f32 v44, v12  }
0x14f: {  	v3 =	vld [tilespmem:s23+$0x60];
	v47 =	vadd.f32 v13, v8;
	v8 =	vsub.f32 $9.721037140e-01, v16;
	v48 =	vmul.f32 $1.442695020e+00, v12  }
0x150: {  	v1 =	vld [tilespmem:s23+$0xFFFFFFF0];
	v49 =	vmul.f32 $2.992709880e-01, v55;
	v50 =	vmul.f32 $2.992709880e-01, v56;
	v51 =	vsub.f32 $9.721037140e-01, v14  }
0x151: {  	v0 =	vld [tilespmem:s23+$0x70];
	v4 =	vmax.f32 v4, $0.0e+00;
	v27 =	vmul.f32 v8, v27;
	(erf) = vpow2.f32 v48  }
0x152: {  	v33 =	vld [tilespmem:s11+$0xFFFFFF90];
	v58 =	vsub.f32 $9.721037140e-01, v49;
	v59 =	vmul.f32 $2.992709880e-01, v46;
	v34 =	vmul.f32 v51, v57  }
0x153: {  	v32 =	vld [tilespmem:s11+$0xFFFFFF10];
	v52 =	vmul.f32 $2.992709880e-01, v41;
	v50 =	vsub.f32 $9.721037140e-01, v50;
	v27 =	vadd.f32 v27, v6  }
0x154: {  	v31 =	vld [tilespmem:s11+$0x10];
	v42 =	vmul.f32 v58, v55;
	v60 =	vsub.f32 $9.721037140e-01, v59;
	v34 =	vadd.f32 v34, v4;
	v61 =	vpop (erf)  }
0x155: {  	v43 =	vmul.f32 v50, v56;
	v56 =	vmax.f32 v37, $0.0e+00;
	v37 =	vld [tilespmem:s11+$0x90];
	[tilespmem:s23+$0xFFFFFF30] =	vst v27;
	v62 =	vmul.f32 $2.992709880e-01, v61  }
0x156: {  	v36 =	vmax.f32 v63, $0.0e+00;
	v52 =	vsub.f32 $9.721037140e-01, v52;
	v27 =	vadd.f32 v42, v35;
	v63 =	vpop (erf);
	v42 =	vld [tilespmem:s10+$0xFFFFFF40];
	[tilespmem:s11+$0x80] =	vst v34  }
0x157: {  	v54 =	vmul.f32 v60, v46;
	v55 =	vmul.f32 $2.992709880e-01, v63;
	v57 =	vpop (erf);
	v58 =	vsub.f32 $9.721037140e-01, v62;
	v60 =	vld [tilespmem:s12+$0x90]  }
0x158: {  	v41 =	vmul.f32 v52, v41;
	v52 =	vld [tilespmem:s23+$0xD0];
	v36 =	vadd.f32 v43, v36;
	v59 =	vmul.f32 $2.992709880e-01, v57  }
0x159: {  	v34 =	vadd.f32 v54, v56;
	v46 =	vsub.f32 $9.721037140e-01, v55;
	v48 =	vmul.f32 v58, v61;
	v61 =	vld [tilespmem:s13+$0x90]  }
0x15a: {  	v38 =	vmax.f32 v38, $0.0e+00;
	v40 =	vmax.f32 v40, $0.0e+00;
	[tilespmem:s23+$0xFFFFFFB0] =	vst v36;
	v49 =	vld [tilespmem:s8+$0xFFFFFF40];
	v35 =	vsub.f32 $9.721037140e-01, v59;
	v62 =	vpop (erf)  }
0x15b: {  	[tilespmem:s23+$0x30] =	vst v34;
	v34 =	vld [tilespmem:s10+$0xFFFFFFC0];
	v46 =	vmul.f32 v46, v63;
	v15 =	vadd.f32 v42, v15;
	v63 =	vmul.f32 $2.992709880e-01, v62  }
0x15c: {  	v56 =	vmul.f32 $2.992709880e-01, v45;
	v55 =	vld [tilespmem:s10+$0x40];
	v38 =	vadd.f32 v48, v38;
	v37 =	vadd.f32 v60, v37  }
0x15d: {  	v58 =	vld [tilespmem:s8+$0x40];
	v35 =	vmul.f32 v35, v57;
	v40 =	vadd.f32 v46, v40;
	v48 =	vsub.f32 $9.721037140e-01, v63  }
0x15e: {  	v39 =	vmax.f32 v39, $0.0e+00;
	v59 =	vsub.f32 $9.721037140e-01, v56;
	v57 =	vld [tilespmem:s8+$0xFFFFFFC0];
	[tilespmem:s11+$0xFFFFFF00] =	vst v38;
	v36 =	vadd.f32 v61, v37  }
0x15f: {  	v15 =	vadd.f32 v49, v15;
	v35 =	vadd.f32 v35, v39;
	v60 =	vld [tilespmem:s12+$0xFFFFFF10];
	[tilespmem:s11+$0xFFFFFF80] =	vst v40;
	v61 =	vmul.f32 v48, v62  }
0x160: {  	v39 =	vmul.f32 v59, v45;
	v40 =	vld [tilespmem:s12+$0xFFFFFF90];
	v62 =	vmax.f32 v44, $0.0e+00;
	v45 =	vsub.f32 $0.0e+00, v36  }
0x161: {  	v30 =	vmax.f32 v30, $0.0e+00;
	v11 =	vadd.f32 v55, v11;
	[tilespmem:s11+$0x0] =	vst v35;
	v48 =	vld [tilespmem:s13+$0xFFFFFF10];
	v35 =	vadd.f32 v61, v62  }
0x162: {  	v30 =	vadd.f32 v41, v30;
	v10 =	vadd.f32 v34, v10;
	v49 =	vld [tilespmem:s13+$0xFFFFFF90];
	v51 =	vmin.f32 v36, v45  }
0x163: {  	v53 =	vsub.f32 $0.0e+00, v15;
	v63 =	vld [tilespmem:s12+$0x10];
	[tilespmem:s23+$0xC0] =	vst v35;
	v35 =	vadd.f32 v58, v11;
	v11 =	vmul.f32 $1.442695020e+00, v51  }
0x164: {  	v18 =	vmax.f32 v18, $0.0e+00;
	v10 =	vadd.f32 v57, v10;
	v32 =	vadd.f32 v60, v32;
	v54 =	vld [tilespmem:s10+$0xD0]  }
0x165: {  	v18 =	vadd.f32 v39, v18;
	v56 =	vld [tilespmem:s13+$0x10];
	v33 =	vadd.f32 v40, v33;
	(erf) = vpow2.f32 v11  }
0x166: {  	v39 =	vmin.f32 v15, v53;
	v55 =	vsub.f32 $0.0e+00, v10;
	v57 =	vld [tilespmem:s8+$0xD0];
	v32 =	vadd.f32 v48, v32  }
0x167: {  	v58 =	vmul.f32 $1.442695020e+00, v39;
	v11 =	vsub.f32 $0.0e+00, v35;
	v33 =	vadd.f32 v49, v33  }
0x168: {  	v43 =	vmin.f32 v10, v55;
	v31 =	vadd.f32 v63, v31;
	v59 =	vsub.f32 $0.0e+00, v32  }
0x169: {  	v60 =	vmul.f32 $1.442695020e+00, v43;
	v61 =	vsub.f32 $0.0e+00, v33;
	v38 =	vadd.f32 v54, v52  }
0x16a: {  	(erf) = vpow2.f32 v58;
	v31 =	vadd.f32 v56, v31;
	v62 =	vmin.f32 v32, v59  }
0x16b: {  	[tilespmem:s22+$0x50] =	vst v47;
	v37 =	vmul.f32 $1.442695020e+00, v62;
	v44 =	vmin.f32 v33, v61;
	v34 =	vadd.f32 v57, v38  }
0x16c: {  	[tilespmem:s22+$0xFFFFFF60] =	vst v30;
	v63 =	vld [tilespmem:s9+$0x60];
	(erf) = vpow2.f32 v60;
	v46 =	vsub.f32 $0.0e+00, v31;
	v45 =	vmul.f32 $1.442695020e+00, v44  }
0x16d: {  	v51 =	vld [tilespmem:s9+$0xFFFFFF70];
	v11 =	vmin.f32 v35, v11;
	(erf) = vpow2.f32 v37;
	v47 =	vsub.f32 $0.0e+00, v34  }
0x16e: {  	[tilespmem:s22+$0xFFFFFFE0] =	vst v18;
	v48 =	vld [tilespmem:s15+$0x60];
	v11 =	vmul.f32 $1.442695020e+00, v11;
	v40 =	vmin.f32 v31, v46;
	(erf) = vpow2.f32 v45;
	v49 =	vpop (erf)  }
0x16f: {  	v56 =	vld [tilespmem:s9+$0xFFFFFFF0];
	v40 =	vmul.f32 $1.442695020e+00, v40;
	v50 =	vmul.f32 $2.992709880e-01, v49;
	v37 =	vmin.f32 v34, v47  }
0x170: {  	v18 =	vmax.f32 v15, $0.0e+00;
	(erf) = vpow2.f32 v11;
	v30 =	vmul.f32 $1.442695020e+00, v37  }
0x171: {  	v58 =	vld [tilespmem:s15+$0xFFFFFFF0];
	v9 =	vadd.f32 v63, v9;
	(erf) = vpow2.f32 v40;
	v11 =	vsub.f32 $9.721037140e-01, v50  }
0x172: {  	v36 =	vmax.f32 v36, $0.0e+00;
	v35 =	vmax.f32 v35, $0.0e+00;
	(erf) = vpow2.f32 v30  }
0x173: {  	v52 =	vmax.f32 v10, $0.0e+00;
	v57 =	vld [tilespmem:s15+$0xFFFFFF70];
	v9 =	vadd.f32 v48, v9;
	v10 =	vmul.f32 v11, v49  }
0x174: {  	v5 =	vadd.f32 v51, v5;
	v32 =	vmax.f32 v32, $0.0e+00;
	v7 =	vadd.f32 v56, v7;
	v30 =	vpop (erf)  }
0x175: {  	v59 =	vsub.f32 $0.0e+00, v9;
	v15 =	vmul.f32 $2.992709880e-01, v30;
	v60 =	vpop (erf);
	v36 =	vadd.f32 v10, v36  }
0x176: {  	v33 =	vmax.f32 v33, $0.0e+00;
	v44 =	vmax.f32 v9, $0.0e+00;
	v38 =	vadd.f32 v58, v7;
	v63 =	vpop (erf)  }
0x177: {  	v54 =	vld [tilespmem:s11+$0xA0];
	v9 =	vmin.f32 v9, v59;
	v62 =	vmul.f32 $2.992709880e-01, v60;
	v61 =	vsub.f32 $9.721037140e-01, v15;
	[tilespmem:s11+$0x90] =	vst v36;
	v55 =	vpop (erf)  }
0x178: {  	v41 =	vadd.f32 v57, v5;
	v9 =	vmul.f32 $1.442695020e+00, v9;
	v57 =	vld [tilespmem:s12+$0xA0];
	v58 =	vmul.f32 $2.992709880e-01, v55  }
0x179: {  	v56 =	vmul.f32 $2.992709880e-01, v63;
	v53 =	vsub.f32 $9.721037140e-01, v62;
	v47 =	vpop (erf);
	v30 =	vmul.f32 v61, v30  }
0x17a: {  	v29 =	vld [tilespmem:s11+$0xFFFFFFA0];
	v31 =	vmax.f32 v31, $0.0e+00;
	(erf) = vpow2.f32 v9;
	v36 =	vpop (erf);
	v48 =	vsub.f32 $9.721037140e-01, v58  }
0x17b: {  	v28 =	vld [tilespmem:s11+$0xFFFFFF20];
	v59 =	vsub.f32 $9.721037140e-01, v56;
	v30 =	vadd.f32 v30, v18;
	v18 =	vmul.f32 v53, v60;
	v61 =	vpop (erf)  }
0x17c: {  	v45 =	vsub.f32 $0.0e+00, v41;
	v60 =	vld [tilespmem:s13+$0xA0];
	v62 =	vmul.f32 $2.992709880e-01, v61;
	v42 =	vmul.f32 v48, v55  }
0x17d: {  	v25 =	vld [tilespmem:s11+$0x20];
	v39 =	vadd.f32 v18, v52;
	[tilespmem:s23+$0xFFFFFF40] =	vst v30;
	v30 =	vmul.f32 v59, v63;
	v53 =	vadd.f32 v57, v54  }
0x17e: {  	v63 =	vmul.f32 $2.992709880e-01, v36;
	v52 =	vld [tilespmem:s10+$0xFFFFFF50];
	v54 =	vsub.f32 $9.721037140e-01, v62;
	v33 =	vadd.f32 v42, v33  }
0x17f: {  	v58 =	vsub.f32 $0.0e+00, v38;
	v55 =	vmul.f32 $2.992709880e-01, v47;
	v57 =	vld [tilespmem:s8+$0xFFFFFF50];
	[tilespmem:s23+$0xFFFFFFC0] =	vst v39;
	v30 =	vadd.f32 v30, v32  }
0x180: {  	v18 =	vmax.f32 v41, $0.0e+00;
	v37 =	vsub.f32 $9.721037140e-01, v63;
	v56 =	vld [tilespmem:s10+$0xFFFFFFD0];
	v40 =	vmul.f32 v54, v61;
	[tilespmem:s11+$0xFFFFFF90] =	vst v33  }
0x181: {  	v46 =	vsub.f32 $9.721037140e-01, v55;
	v39 =	vadd.f32 v60, v53;
	v59 =	vld [tilespmem:s8+$0xFFFFFFD0];
	[tilespmem:s11+$0xFFFFFF10] =	vst v30;
	v30 =	vmax.f32 v34, $0.0e+00  }
0x182: {  	v63 =	vmin.f32 v41, v45;
	v60 =	vmul.f32 v37, v36;
	v51 =	vld [tilespmem:s12+$0xFFFFFFA0];
	v30 =	vadd.f32 v40, v30  }
0x183: {  	v50 =	vmul.f32 v46, v47;
	v61 =	vld [tilespmem:s12+$0xFFFFFF20];
	v62 =	vsub.f32 $0.0e+00, v39;
	v20 =	vadd.f32 v52, v20;
	v52 =	vpop (erf)  }
0x184: {  	v55 =	vld [tilespmem:s23+$0xE0];
	v37 =	vmul.f32 $1.442695020e+00, v63;
	v31 =	vadd.f32 v60, v31;
	[tilespmem:s23+$0xD0] =	vst v30;
	v30 =	vmul.f32 $2.992709880e-01, v52  }
0x185: {  	v53 =	vld [tilespmem:s13+$0xFFFFFF20];
	v35 =	vadd.f32 v50, v35;
	v33 =	vmin.f32 v39, v62;
	v24 =	vadd.f32 v56, v24  }
0x186: {  	v20 =	vadd.f32 v57, v20;
	v54 =	vmul.f32 $1.442695020e+00, v33;
	[tilespmem:s11+$0x10] =	vst v31;
	v56 =	vld [tilespmem:s10+$0xE0];
	v30 =	vsub.f32 $9.721037140e-01, v30  }
0x187: {  	v31 =	vmin.f32 v38, v58;
	v58 =	vld [tilespmem:s12+$0x20];
	v29 =	vadd.f32 v51, v29;
	v24 =	vadd.f32 v59, v24  }
0x188: {  	v57 =	vsub.f32 $0.0e+00, v20;
	(erf) = vpow2.f32 v54;
	v28 =	vadd.f32 v61, v28;
	v59 =	vld [tilespmem:s8+$0xE0]  }
0x189: {  	v32 =	vmax.f32 v20, $0.0e+00;
	v61 =	vld [tilespmem:s13+$0xFFFFFFA0];
	v30 =	vmul.f32 v30, v52;
	v60 =	vsub.f32 $0.0e+00, v24  }
0x18a: {  	v62 =	vld [tilespmem:s13+$0x20];
	v20 =	vmin.f32 v20, v57;
	v42 =	vmax.f32 v24, $0.0e+00;
	v28 =	vadd.f32 v53, v28  }
0x18b: {  	v26 =	vld [tilespmem:s11+$0xFFFFFF30];
	v20 =	vmul.f32 $1.442695020e+00, v20;
	v33 =	vadd.f32 v56, v55;
	v24 =	vmin.f32 v24, v60  }
0x18c: {  	v17 =	vld [tilespmem:s11+$0xFFFFFFB0];
	v30 =	vadd.f32 v30, v44;
	v63 =	vsub.f32 $0.0e+00, v28;
	v24 =	vmul.f32 $1.442695020e+00, v24  }
0x18d: {  	v16 =	vld [tilespmem:s11+$0x30];
	[tilespmem:s23+$0x40] =	vst v35;
	v25 =	vadd.f32 v58, v25;
	(erf) = vpow2.f32 v20;
	v33 =	vadd.f32 v59, v33  }
0x18e: {  	v48 =	vld [tilespmem:s10+$0x50];
	v46 =	vmin.f32 v28, v63;
	(erf) = vpow2.f32 v24;
	v24 =	vadd.f32 v61, v29  }
0x18f: {  	v13 =	vld [tilespmem:s11+$0xFFFFFFC0];
	v25 =	vadd.f32 v62, v25;
	v29 =	vmul.f32 $1.442695020e+00, v46;
	v47 =	vsub.f32 $0.0e+00, v33  }
0x190: {  	v51 =	vld [tilespmem:s8+$0x50];
	v31 =	vmul.f32 $1.442695020e+00, v31;
	[tilespmem:s22+$0x60] =	vst v30;
	(erf) = vpow2.f32 v37;
	v30 =	vsub.f32 $0.0e+00, v24  }
0x191: {  	v50 =	vld [tilespmem:s9+$0x70];
	v52 =	vsub.f32 $0.0e+00, v25;
	v49 =	vpop (erf);
	(erf) = vpow2.f32 v29;
	v35 =	vmin.f32 v33, v47  }
0x192: {  	v12 =	vld [tilespmem:s11+$0xFFFFFF40];
	v29 =	vmul.f32 $2.992709880e-01, v49;
	v35 =	vmul.f32 $1.442695020e+00, v35;
	v30 =	vmin.f32 v24, v30  }
0x193: {  	v21 =	vadd.f32 v48, v21;
	v55 =	vmax.f32 v39, $0.0e+00;
	v53 =	vld [tilespmem:s15+$0x70];
	v30 =	vmul.f32 $1.442695020e+00, v30  }
0x194: {  	v14 =	vld [tilespmem:s11+$0x40];
	v40 =	vmin.f32 v25, v52;
	v29 =	vsub.f32 $9.721037140e-01, v29;
	(erf) = vpow2.f32 v35  }
0x195: {  	v8 =	vld [tilespmem:s11+$0xFFFFFF50];
	v20 =	vmax.f32 v38, $0.0e+00;
	v21 =	vadd.f32 v51, v21;
	v54 =	vmul.f32 $1.442695020e+00, v40  }
0x196: {  	v6 =	vld [tilespmem:s11+$0xFFFFFFD0];
	v19 =	vadd.f32 v50, v19;
	v29 =	vmul.f32 v29, v49;
	(erf) = vpow2.f32 v30  }
0x197: {  	v4 =	vld [tilespmem:s11+$0x50];
	v37 =	vmax.f32 v25, $0.0e+00;
	v25 =	vsub.f32 $0.0e+00, v21;
	v30 =	vpop (erf);
	(erf) = vpow2.f32 v54  }
0x198: {  	v7 =	vld [tilespmem:s11+$0xFFFFFFF0];
	v19 =	vadd.f32 v53, v19;
	v29 =	vadd.f32 v29, v55;
	v56 =	vpop (erf);
	v57 =	vmul.f32 $2.992709880e-01, v30  }
0x199: {  	v5 =	vld [tilespmem:s11+$0xFFFFFF70];
	v28 =	vmax.f32 v28, $0.0e+00;
	v33 =	vmax.f32 v33, $0.0e+00;
	v58 =	vmul.f32 $2.992709880e-01, v56;
	v39 =	vpop (erf)  }
0x19a: {  	v59 =	vld [tilespmem:s11+$0xB0];
	v25 =	vmin.f32 v21, v25;
	v62 =	vsub.f32 $0.0e+00, v19;
	[tilespmem:s11+$0xA0] =	vst v29;
	v60 =	vpop (erf);
	v34 =	vsub.f32 $9.721037140e-01, v57  }
0x19b: {  	(erf) = vpow2.f32 v31;
	v61 =	vld [tilespmem:s12+$0xB0];
	v36 =	vsub.f32 $9.721037140e-01, v58;
	v31 =	vmul.f32 $2.992709880e-01, v60  }
0x19c: {  	v11 =	vld [tilespmem:s11+$0xFFFFFF60];
	v25 =	vmul.f32 $1.442695020e+00, v25;
	v29 =	vmax.f32 v21, $0.0e+00;
	v21 =	vmul.f32 v34, v30  }
0x19d: {  	v43 =	vmin.f32 v19, v62;
	v44 =	vpop (erf);
	v30 =	vsub.f32 $9.721037140e-01, v31;
	v31 =	vld [tilespmem:s13+$0xB0];
	v63 =	vmul.f32 v36, v56  }
0x19e: {  	v10 =	vld [tilespmem:s11+$0xFFFFFFE0];
	(erf) = vpow2.f32 v25;
	v25 =	vmul.f32 $2.992709880e-01, v44;
	v21 =	vadd.f32 v21, v32  }
0x19f: {  	v15 =	vld [tilespmem:s11+$0x60];
	v45 =	vmul.f32 $1.442695020e+00, v43;
	v46 =	vpop (erf);
	v30 =	vmul.f32 v30, v60;
	v34 =	vadd.f32 v63, v42  }
0x1a0: {  	v9 =	vld [tilespmem:s11+$0x70];
	v47 =	vmul.f32 $2.992709880e-01, v46;
	v38 =	vadd.f32 v61, v59;
	v48 =	vpop (erf);
	[tilespmem:s23+$0xFFFFFF50] =	vst v21;
	v21 =	vsub.f32 $9.721037140e-01, v25  }
0x1a1: {  	(erf) = vpow2.f32 v45;
	v25 =	vadd.f32 v30, v28;
	v28 =	vmul.f32 $2.992709880e-01, v48;
	v49 =	vld [tilespmem:s10+$0xFFFFFF60]  }
0x1a2: {  	v24 =	vmax.f32 v24, $0.0e+00;
	[tilespmem:s23+$0xFFFFFFD0] =	vst v34;
	v50 =	vsub.f32 $9.721037140e-01, v47;
	v52 =	vld [tilespmem:s8+$0xFFFFFF60];
	v30 =	vadd.f32 v31, v38  }
0x1a3: {  	v51 =	vmul.f32 $2.992709880e-01, v39;
	v31 =	vld [tilespmem:s10+$0xFFFFFFE0];
	v21 =	vmul.f32 v21, v44;
	[tilespmem:s11+$0xFFFFFF20] =	vst v25;
	v28 =	vsub.f32 $9.721037140e-01, v28  }
0x1a4: {  	v19 =	vmax.f32 v19, $0.0e+00;
	v34 =	vmul.f32 v50, v46;
	v53 =	vld [tilespmem:s12+$0xFFFFFF30];
	v54 =	vsub.f32 $0.0e+00, v30  }
0x1a5: {  	v62 =	vsub.f32 $9.721037140e-01, v51;
	v58 =	vld [tilespmem:s8+$0xFFFFFFE0];
	v21 =	vadd.f32 v21, v33;
	v28 =	vmul.f32 v28, v48  }
0x1a6: {  	v55 =	vld [tilespmem:s13+$0xFFFFFF30];
	v25 =	vpop (erf);
	v24 =	vadd.f32 v34, v24;
	v57 =	vmin.f32 v30, v54;
	v23 =	vadd.f32 v49, v23  }
0x1a7: {  	v59 =	vld [tilespmem:s23+$0xF0];
	v56 =	vmul.f32 $2.992709880e-01, v25;
	[tilespmem:s23+$0xE0] =	vst v21;
	v60 =	vpop (erf);
	v28 =	vadd.f32 v28, v37;
	v21 =	vmul.f32 $1.442695020e+00, v57  }
0x1a8: {  	v31 =	vadd.f32 v31, v22;
	[tilespmem:s11+$0xFFFFFFA0] =	vst v24;
	v24 =	vmul.f32 $2.992709880e-01, v60;
	v61 =	vld [tilespmem:s10+$0xF0];
	v23 =	vadd.f32 v52, v23  }
0x1a9: {  	v33 =	vld [tilespmem:s12+$0xFFFFFFB0];
	v26 =	vadd.f32 v53, v26;
	(erf) = vpow2.f32 v21;
	v21 =	vsub.f32 $9.721037140e-01, v56  }
0x1aa: {  	v36 =	vld [tilespmem:s8+$0xF0];
	[tilespmem:s11+$0x20] =	vst v28;
	v22 =	vpop (erf);
	v63 =	vsub.f32 $9.721037140e-01, v24;
	v38 =	vsub.f32 $0.0e+00, v23;
	v28 =	vmax.f32 v23, $0.0e+00  }
0x1ab: {  	v35 =	vld [tilespmem:s12+$0x30];
	v24 =	vmul.f32 $2.992709880e-01, v22;
	v37 =	vadd.f32 v55, v26;
	v26 =	vadd.f32 v58, v31  }
0x1ac: {  	s14 =	simm.s32 $0x8;
	v34 =	vld [tilespmem:s13+$0xFFFFFFB0];
	v31 =	vmul.f32 v63, v60;
	v38 =	vmin.f32 v23, v38;
	v23 =	vmul.f32 v62, v39  }
0x1ad: {  	s0 =	simm.s32 $0x5680;
	[tilespmem:s22+$0xF0] =	vst v27;
	s15 =	simm.s32 $0x3080;
	s9 =	simm.s32 $0x4280;
	v27 =	vld [tilespmem:s13+$0x30];
	v40 =	vadd.f32 v61, v59;
	v39 =	vsub.f32 $0.0e+00, v37;
	v32 =	vmax.f32 v37, $0.0e+00  }
.LBB2_3:
0x1ae: {  	v41 =	vld [tilespmem:s15+$0x80];
	v17 =	vadd.f32 v33, v17;
	s12 =	sadd.s32 $0x200, s12;
	v33 =	vmul.f32 $1.442695020e+00, v38;
	v29 =	vadd.f32 v31, v29  }
0x1af: {  	s14 =	sadd.s32 $0x4, s14;
	v38 =	vsub.f32 $0.0e+00, v26;
	v31 =	vld [tilespmem:s12+$0x80];
	v37 =	vmin.f32 v37, v39;
	v39 =	vadd.f32 v36, v40  }
0x1b0: {  	s13 =	sadd.s32 $0x200, s13;
	p0 =	slt.u32 s14, $0x24;
	v36 =	vld [tilespmem:s12+$0xFFFFFF00];
	v37 =	vmul.f32 $1.442695020e+00, v37;
	v16 =	vadd.f32 v35, v16;
	[tilespmem:s23+$0x50] =	vst v29;
	(erf) = vpow2.f32 v33  }
0x1b1: {  	v33 =	vmin.f32 v26, v38;
	v29 =	vld [tilespmem:s13+$0x80];
	v17 =	vadd.f32 v34, v17;
	v34 =	vsub.f32 $0.0e+00, v39  }
0x1b2: {  	v35 =	vld [tilespmem:s15+$0xFFFFFF80];
	v16 =	vadd.f32 v27, v16;
	(erf) = vpow2.f32 v37;
	v27 =	vpop (erf);
	v37 =	vmul.f32 $1.442695020e+00, v33  }
0x1b3: {  	v33 =	vld [tilespmem:s12+$0xFFFFFF80];
	v38 =	vsub.f32 $0.0e+00, v17;
	v40 =	vmul.f32 $2.992709880e-01, v27;
	v34 =	vmin.f32 v39, v34  }
0x1b4: {  	v42 =	vld [tilespmem:s15+$0x0];
	v31 =	vadd.f32 v31, v41;
	v41 =	vsub.f32 $0.0e+00, v16;
	v34 =	vmul.f32 $1.442695020e+00, v34  }
0x1b5: {  	v44 =	vmax.f32 v17, $0.0e+00;
	v43 =	vld [tilespmem:s12+$0x0];
	v38 =	vmin.f32 v17, v38;
	v17 =	vsub.f32 $9.721037140e-01, v40  }
0x1b6: {  	v40 =	vld [tilespmem:s15+$0xFFFFFF00];
	v45 =	vadd.f32 v29, v31;
	v29 =	vmin.f32 v16, v41;
	(erf) = vpow2.f32 v34  }
0x1b7: {  	v34 =	vmul.f32 $1.442695020e+00, v38;
	v38 =	vmax.f32 v16, $0.0e+00;
	v31 =	vld [tilespmem:s13+$0xFFFFFF00];
	v16 =	vmul.f32 v17, v27  }
0x1b8: {  	v30 =	vmax.f32 v30, $0.0e+00;
	v17 =	vadd.f32 v33, v35;
	v27 =	vld [tilespmem:s13+$0xFFFFFF80];
	v35 =	vsub.f32 $0.0e+00, v45  }
0x1b9: {  	v29 =	vmul.f32 $1.442695020e+00, v29;
	v41 =	vld [tilespmem:s13+$0x0];
	v16 =	vadd.f32 v16, v30;
	(erf) = vpow2.f32 v34;
	v46 =	vpop (erf)  }
0x1ba: {  	v33 =	vld [tilespmem:s15+$0xFFFFFF10];
	v30 =	vadd.f32 v43, v42;
	v34 =	vmin.f32 v45, v35;
	(erf) = vpow2.f32 v37  }
0x1bb: {  	v35 =	vadd.f32 v36, v40;
	v36 =	vmul.f32 $1.442695020e+00, v34;
	[tilespmem:s11+$0xB0] =	vst v16;
	v16 =	vld [tilespmem:s11+$0xC0];
	v37 =	vpop (erf);
	(erf) = vpow2.f32 v29  }
0x1bc: {  	v42 =	vmul.f32 $2.992709880e-01, v46;
	v43 =	vmax.f32 v26, $0.0e+00;
	v29 =	vmul.f32 $2.992709880e-01, v37;
	v40 =	vld [tilespmem:s9+$0xC0]  }
0x1bd: {  	v26 =	vadd.f32 v31, v35;
	v17 =	vadd.f32 v27, v17;
	v34 =	vld [tilespmem:s15+$0xFFFFFF90];
	(erf) = vpow2.f32 v36  }
0x1be: {  	v30 =	vadd.f32 v41, v30;
	v31 =	vsub.f32 $9.721037140e-01, v29;
	v36 =	vld [tilespmem:s0+$0xC0];
	v41 =	vmul.f32 v21, v25  }
0x1bf: {  	v21 =	vsub.f32 $0.0e+00, v26;
	v47 =	vmax.f32 v26, $0.0e+00;
	v25 =	vsub.f32 $0.0e+00, v17;
	v35 =	vld [tilespmem:s15+$0x10];
	v48 =	vpop (erf)  }
0x1c0: {  	v49 =	vmax.f32 v17, $0.0e+00;
	v27 =	vld [tilespmem:s15+$0xFFFFFF20];
	v52 =	vsub.f32 $0.0e+00, v30;
	v51 =	vmul.f32 $2.992709880e-01, v48  }
0x1c1: {  	v21 =	vmin.f32 v26, v21;
	v17 =	vmin.f32 v17, v25;
	v29 =	vld [tilespmem:s15+$0xFFFFFFA0];
	v16 =	vadd.f32 v40, v16  }
0x1c2: {  	v26 =	vmul.f32 $1.442695020e+00, v21;
	v40 =	vmin.f32 v30, v52;
	v25 =	vld [tilespmem:s15+$0x20];
	v50 =	vpop (erf);
	v51 =	vsub.f32 $9.721037140e-01, v51  }
0x1c3: {  	v52 =	vmul.f32 $1.442695020e+00, v17;
	v21 =	vld [tilespmem:s15+$0xFFFFFF30];
	v56 =	vmul.f32 $1.442695020e+00, v40;
	v36 =	vadd.f32 v36, v16;
	v53 =	vpop (erf)  }
0x1c4: {  	v54 =	vmax.f32 v30, $0.0e+00;
	v17 =	vld [tilespmem:s15+$0xFFFFFFB0];
	(erf) = vpow2.f32 v26;
	v55 =	vpop (erf);
	v26 =	vmul.f32 v51, v48  }
0x1c5: {  	v39 =	vmax.f32 v39, $0.0e+00;
	v16 =	vld [tilespmem:s15+$0x30];
	(erf) = vpow2.f32 v52;
	v30 =	vsub.f32 $0.0e+00, v36  }
0x1c6: {  	v51 =	vmul.f32 $2.992709880e-01, v50;
	v48 =	vld [tilespmem:s15+$0xFFFFFF40];
	(erf) = vpow2.f32 v56;
	v40 =	vpop (erf);
	v26 =	vadd.f32 v26, v39  }
0x1c7: {  	v56 =	vmul.f32 $2.992709880e-01, v55;
	v39 =	vld [tilespmem:s15+$0xFFFFFFC0];
	v52 =	vmul.f32 $2.992709880e-01, v40;
	v30 =	vmin.f32 v36, v30  }
0x1c8: {  	v37 =	vmul.f32 v31, v37;
	v51 =	vsub.f32 $9.721037140e-01, v51;
	v57 =	vld [tilespmem:s15+$0x40];
	v58 =	vmul.f32 $1.442695020e+00, v30;
	[tilespmem:s23+$0xF0] =	vst v26  }
0x1c9: {  	v59 =	vmul.f32 $2.992709880e-01, v53;
	v56 =	vsub.f32 $9.721037140e-01, v56;
	v31 =	vld [tilespmem:s15+$0xFFFFFF50];
	v52 =	vsub.f32 $9.721037140e-01, v52  }
0x1ca: {  	v32 =	vadd.f32 v37, v32;
	v37 =	vmul.f32 v51, v50;
	v30 =	vld [tilespmem:s15+$0xFFFFFFD0];
	(erf) = vpow2.f32 v58  }
0x1cb: {  	v42 =	vsub.f32 $9.721037140e-01, v42;
	v26 =	vld [tilespmem:s15+$0x50];
	v40 =	vmul.f32 v52, v40;
	v52 =	vmul.f32 v56, v55  }
0x1cc: {  	v51 =	vmax.f32 v45, $0.0e+00;
	[tilespmem:s11+$0xFFFFFF30] =	vst v32;
	v32 =	vadd.f32 v37, v44;
	v37 =	vsub.f32 $9.721037140e-01, v59;
	v44 =	vld [tilespmem:s10+$0x60]  }
0x1cd: {  	v42 =	vmul.f32 v42, v46;
	v40 =	vadd.f32 v40, v51;
	v45 =	vpop (erf);
	v51 =	vld [tilespmem:s9+$0xFFFFFF40];
	v38 =	vadd.f32 v52, v38  }
0x1ce: {  	v24 =	vsub.f32 $9.721037140e-01, v24;
	v46 =	vmul.f32 $2.992709880e-01, v45;
	v50 =	vpop (erf);
	v52 =	vld [tilespmem:s0+$0xFFFFFF40];
	[tilespmem:s11+$0xFFFFFFB0] =	vst v32;
	v32 =	vmul.f32 v37, v53  }
0x1cf: {  	v18 =	vadd.f32 v23, v18;
	v28 =	vadd.f32 v42, v28;
	v37 =	vmul.f32 $2.992709880e-01, v50;
	[tilespmem:s15+$0x80] =	vst v40;
	v40 =	vld [tilespmem:s15+$0x90];
	v53 =	vpop (erf)  }
0x1d0: {  	v23 =	vsub.f32 $9.721037140e-01, v46;
	v42 =	vmul.f32 $2.992709880e-01, v53;
	v46 =	vld [tilespmem:s12+$0x90];
	[tilespmem:s11+$0x30] =	vst v38;
	v32 =	vadd.f32 v32, v43  }
0x1d1: {  	v22 =	vmul.f32 v24, v22;
	v37 =	vsub.f32 $9.721037140e-01, v37;
	v38 =	vld [tilespmem:s9+$0xFFFFFFC0];
	[tilespmem:s23+$0xFFFFFF60] =	vst v28;
	v28 =	vadd.f32 v44, v3;
	v3 =	vmovc v15  }
0x1d2: {  	v15 =	vmul.f32 v23, v45;
	v23 =	vsub.f32 $9.721037140e-01, v42;
	v24 =	vld [tilespmem:s13+$0x90];
	v42 =	vadd.f32 v51, v12;
	[tilespmem:s23+$0xFFFFFFE0] =	vst v32;
	v12 =	vmovc v48  }
0x1d3: {  	v19 =	vadd.f32 v22, v19;
	v32 =	vmul.f32 v37, v50;
	v37 =	vld [tilespmem:s9+$0x40];
	v43 =	vpop (erf);
	[tilespmem:s22+$0xFFFFFF70] =	vst v18;
	v18 =	vadd.f32 v41, v20  }
0x1d4: {  	v15 =	vadd.f32 v15, v47;
	v20 =	vmul.f32 v23, v53;
	v23 =	vld [tilespmem:s0+$0xFFFFFFC0];
	v41 =	vmul.f32 $2.992709880e-01, v43  }
0x1d5: {  	v32 =	vadd.f32 v32, v49;
	v40 =	vadd.f32 v46, v40;
	v44 =	vld [tilespmem:s0+$0x40];
	[tilespmem:s22+$0xFFFFFFF0] =	vst v18  }
0x1d6: {  	[tilespmem:s15+$0xFFFFFF00] =	vst v15;
	v22 =	vld [tilespmem:s15+$0xFFFFFF60];
	v15 =	vadd.f32 v20, v54;
	v18 =	vsub.f32 $9.721037140e-01, v41  }
0x1d7: {  	v20 =	vld [tilespmem:s12+$0xFFFFFF10];
	[tilespmem:s15+$0xFFFFFF80] =	vst v32;
	v32 =	vadd.f32 v24, v40;
	v24 =	vadd.f32 v38, v13;
	v13 =	vmov v39  }
0x1d8: {  	v38 =	vld [tilespmem:s12+$0xFFFFFF90];
	[tilespmem:s15+$0x0] =	vst v15;
	v15 =	vadd.f32 v52, v42;
	v37 =	vadd.f32 v37, v14;
	v18 =	vmul.f32 v18, v43  }
0x1d9: {  	v14 =	vmovc v57;
	v39 =	vld [tilespmem:s12+$0x10];
	v40 =	vsub.f32 $0.0e+00, v32;
	v24 =	vadd.f32 v23, v24;
	v23 =	vmax.f32 v36, $0.0e+00;
	[tilespmem:s22+$0x70] =	vst v19;
	s22 =	smov.u32 s23;
	s23 =	smov.u32 s11;
	s11 =	smov.u32 s15  }
0x1da: {  	v19 =	vld [tilespmem:s13+$0xFFFFFF10];
	v36 =	vmax.f32 v15, $0.0e+00;
	v37 =	vadd.f32 v44, v37;
	v18 =	vadd.f32 v18, v23  }
0x1db: {  	v41 =	vsub.f32 $0.0e+00, v15;
	v23 =	vld [tilespmem:s13+$0xFFFFFF90];
	v40 =	vmin.f32 v32, v40;
	v42 =	vsub.f32 $0.0e+00, v24  }
0x1dc: {  	v20 =	vadd.f32 v20, v33;
	v33 =	vmul.f32 $1.442695020e+00, v40;
	v40 =	vsub.f32 $0.0e+00, v37;
	[tilespmem:s23+$0xC0] =	vst v18;
	v18 =	vld [tilespmem:s23+$0xD0]  }
0x1dd: {  	v15 =	vmin.f32 v15, v41;
	v34 =	vadd.f32 v38, v34;
	v38 =	vmin.f32 v24, v42;
	v41 =	vld [tilespmem:s9+$0xD0]  }
0x1de: {  	v35 =	vadd.f32 v39, v35;
	v39 =	vld [tilespmem:s13+$0x10];
	(erf) = vpow2.f32 v33;
	v33 =	vmin.f32 v37, v40  }
0x1df: {  	v38 =	vmul.f32 $1.442695020e+00, v38;
	v19 =	vadd.f32 v19, v20;
	v20 =	vmul.f32 $1.442695020e+00, v15;
	v40 =	vld [tilespmem:s0+$0xD0]  }
0x1e0: {  	v42 =	vmax.f32 v24, $0.0e+00;
	v24 =	vmul.f32 $1.442695020e+00, v33;
	v34 =	vadd.f32 v23, v34;
	v23 =	vld [tilespmem:s15+$0xFFFFFFE0]  }
0x1e1: {  	v33 =	vsub.f32 $0.0e+00, v19;
	v43 =	vmax.f32 v19, $0.0e+00;
	v15 =	vld [tilespmem:s15+$0x60];
	(erf) = vpow2.f32 v20  }
0x1e2: {  	v20 =	vsub.f32 $0.0e+00, v34;
	v44 =	vmax.f32 v34, $0.0e+00;
	v18 =	vadd.f32 v41, v18;
	v41 =	vld [tilespmem:s8+$0x60]  }
0x1e3: {  	v19 =	vmin.f32 v19, v33;
	v33 =	vadd.f32 v39, v35;
	(erf) = vpow2.f32 v38;
	v35 =	vld [tilespmem:s10+$0xFFFFFF70]  }
0x1e4: {  	v19 =	vmul.f32 $1.442695020e+00, v19;
	v20 =	vmin.f32 v34, v20;
	v34 =	vadd.f32 v40, v18;
	v18 =	vld [tilespmem:s10+$0xFFFFFFF0]  }
0x1e5: {  	v38 =	vld [tilespmem:s15+$0xFFFFFF70];
	v47 =	vmul.f32 $1.442695020e+00, v20;
	v39 =	vsub.f32 $0.0e+00, v33;
	v40 =	vmax.f32 v33, $0.0e+00  }
0x1e6: {  	v37 =	vmax.f32 v37, $0.0e+00;
	v45 =	vld [tilespmem:s15+$0xFFFFFFF0];
	(erf) = vpow2.f32 v19;
	v46 =	vsub.f32 $0.0e+00, v34  }
0x1e7: {  	v33 =	vmin.f32 v33, v39;
	v19 =	vld [tilespmem:s15+$0x70];
	(erf) = vpow2.f32 v47;
	v20 =	vpop (erf);
	v28 =	vadd.f32 v41, v28  }
0x1e8: {  	v49 =	vmul.f32 $1.442695020e+00, v33;
	v39 =	vmul.f32 $2.992709880e-01, v20;
	v41 =	vmin.f32 v34, v46;
	v46 =	vld [tilespmem:s8+$0xFFFFFF70]  }
0x1e9: {  	v41 =	vmul.f32 $1.442695020e+00, v41;
	(erf) = vpow2.f32 v24;
	v47 =	vld [tilespmem:s8+$0xFFFFFFF0];
	v48 =	vsub.f32 $0.0e+00, v28  }
0x1ea: {  	v24 =	vmax.f32 v28, $0.0e+00;
	v50 =	vsub.f32 $9.721037140e-01, v39;
	(erf) = vpow2.f32 v49;
	v33 =	vpop (erf)  }
0x1eb: {  	v49 =	vmul.f32 $2.992709880e-01, v33;
	(erf) = vpow2.f32 v41;
	v28 =	vmin.f32 v28, v48  }
0x1ec: {  	v35 =	vadd.f32 v35, v2;
	v20 =	vmul.f32 v50, v20;
	v39 =	vpop (erf);
	v50 =	vmul.f32 $1.442695020e+00, v28  }
0x1ed: {  	v32 =	vmax.f32 v32, $0.0e+00;
	v2 =	vmovc v5;
	v5 =	vmovc v38;
	v49 =	vsub.f32 $9.721037140e-01, v49;
	v48 =	vmul.f32 $2.992709880e-01, v39  }
0x1ee: {  	v18 =	vadd.f32 v18, v1;
	v1 =	vmovc v7;
	v7 =	vmovc v45;
	v20 =	vadd.f32 v20, v32;
	(erf) = vpow2.f32 v50  }
0x1ef: {  	v35 =	vadd.f32 v46, v35;
	v28 =	vpop (erf);
	v32 =	vmul.f32 v49, v33;
	v33 =	vsub.f32 $9.721037140e-01, v48  }
0x1f0: {  	v45 =	vadd.f32 v47, v18;
	v48 =	vmul.f32 $2.992709880e-01, v28;
	[tilespmem:s15+$0x90] =	vst v20;
	v20 =	vld [tilespmem:s15+$0xA0];
	v41 =	vpop (erf)  }
0x1f1: {  	v46 =	vmul.f32 $2.992709880e-01, v41;
	v47 =	vld [tilespmem:s12+$0xA0];
	v32 =	vadd.f32 v32, v36;
	v33 =	vmul.f32 v33, v39  }
0x1f2: {  	v18 =	vmax.f32 v35, $0.0e+00;
	v39 =	vsub.f32 $0.0e+00, v35;
	v36 =	vsub.f32 $9.721037140e-01, v48;
	v38 =	vpop (erf)  }
0x1f3: {  	v46 =	vsub.f32 $9.721037140e-01, v46;
	v48 =	vld [tilespmem:s13+$0xA0];
	v49 =	vpop (erf);
	[tilespmem:s23+$0xFFFFFF40] =	vst v32;
	v32 =	vadd.f32 v33, v42;
	v33 =	vmul.f32 $2.992709880e-01, v38  }
0x1f4: {  	v51 =	vsub.f32 $0.0e+00, v45;
	v28 =	vmul.f32 v36, v28;
	v36 =	vmul.f32 $2.992709880e-01, v49;
	v42 =	vld [tilespmem:s9+$0xFFFFFF50];
	v50 =	vpop (erf)  }
0x1f5: {  	v41 =	vmul.f32 v46, v41;
	v46 =	vld [tilespmem:s0+$0xFFFFFF50];
	[tilespmem:s23+$0xFFFFFFC0] =	vst v32;
	v32 =	vsub.f32 $9.721037140e-01, v33;
	v33 =	vmul.f32 $2.992709880e-01, v50  }
0x1f6: {  	v35 =	vmin.f32 v35, v39;
	v36 =	vsub.f32 $9.721037140e-01, v36;
	v20 =	vadd.f32 v47, v20;
	v47 =	vld [tilespmem:s9+$0xFFFFFFD0]  }
0x1f7: {  	v28 =	vadd.f32 v28, v43;
	v39 =	vld [tilespmem:s0+$0xFFFFFFD0];
	v32 =	vmul.f32 v32, v38;
	v33 =	vsub.f32 $9.721037140e-01, v33;
	v38 =	vpop (erf)  }
0x1f8: {  	v41 =	vadd.f32 v41, v44;
	v36 =	vmul.f32 v36, v49;
	v43 =	vadd.f32 v48, v20  }
0x1f9: {  	[tilespmem:s15+$0xFFFFFF10] =	vst v28;
	v20 =	vadd.f32 v42, v8;
	v28 =	vadd.f32 v32, v37;
	v32 =	vmul.f32 v33, v50  }
0x1fa: {  	v34 =	vmax.f32 v34, $0.0e+00;
	v8 =	vmovc v31;
	v33 =	vld [tilespmem:s12+$0xFFFFFF20];
	[tilespmem:s15+$0xFFFFFF90] =	vst v41;
	v36 =	vadd.f32 v36, v40;
	v37 =	vsub.f32 $0.0e+00, v43  }
0x1fb: {  	v31 =	vld [tilespmem:s12+$0xFFFFFFA0];
	v40 =	vadd.f32 v47, v6;
	[tilespmem:s23+$0x40] =	vst v28;
	v28 =	vadd.f32 v32, v34;
	v32 =	vmul.f32 $2.992709880e-01, v38;
	v6 =	vmovc v30  }
0x1fc: {  	v20 =	vadd.f32 v46, v20;
	v30 =	vld [tilespmem:s13+$0xFFFFFF20];
	[tilespmem:s15+$0x10] =	vst v36;
	v34 =	vmin.f32 v43, v37;
	v36 =	vmin.f32 v45, v51  }
0x1fd: {  	v34 =	vmul.f32 $1.442695020e+00, v34;
	v37 =	vadd.f32 v39, v40;
	[tilespmem:s23+$0xD0] =	vst v28;
	v28 =	vld [tilespmem:s23+$0xE0];
	v32 =	vsub.f32 $9.721037140e-01, v32  }
0x1fe: {  	v35 =	vmul.f32 $1.442695020e+00, v35;
	v39 =	vsub.f32 $0.0e+00, v20;
	v40 =	vmax.f32 v20, $0.0e+00;
	v41 =	vld [tilespmem:s9+$0xE0]  }
0x1ff: {  	v27 =	vadd.f32 v33, v27;
	v33 =	vld [tilespmem:s12+$0x20];
	(erf) = vpow2.f32 v34;
	v34 =	vsub.f32 $0.0e+00, v37  }
0x200: {  	v20 =	vmin.f32 v20, v39;
	v29 =	vadd.f32 v31, v29;
	v31 =	vmax.f32 v37, $0.0e+00;
	v39 =	vld [tilespmem:s0+$0xE0]  }
0x201: {  	v42 =	vmul.f32 $1.442695020e+00, v20;
	v27 =	vadd.f32 v30, v27;
	v30 =	vld [tilespmem:s13+$0xFFFFFFA0];
	v20 =	vmin.f32 v37, v34  }
0x202: {  	v32 =	vmul.f32 v32, v38;
	v34 =	vld [tilespmem:s13+$0x20];
	v37 =	vmul.f32 $1.442695020e+00, v20;
	v20 =	vmax.f32 v45, $0.0e+00  }
0x203: {  	v38 =	vsub.f32 $0.0e+00, v27;
	v44 =	vmax.f32 v27, $0.0e+00;
	v45 =	vld [tilespmem:s9+$0x50];
	v28 =	vadd.f32 v41, v28  }
0x204: {  	v24 =	vadd.f32 v32, v24;
	v25 =	vadd.f32 v33, v25;
	v33 =	vld [tilespmem:s0+$0x50];
	(erf) = vpow2.f32 v42  }
0x205: {  	v27 =	vmin.f32 v27, v38;
	v28 =	vadd.f32 v39, v28;
	(erf) = vpow2.f32 v37  }
0x206: {  	v37 =	vmul.f32 $1.442695020e+00, v27;
	v29 =	vadd.f32 v30, v29;
	v30 =	vmul.f32 $1.442695020e+00, v36;
	[tilespmem:s22+$0x60] =	vst v24  }
0x207: {  	v24 =	vadd.f32 v34, v25;
	v25 =	vsub.f32 $0.0e+00, v28;
	v32 =	vld [tilespmem:s10+$0x70];
	(erf) = vpow2.f32 v35;
	s10 =	smov.u32 s9;
	s9 =	smov.u32 s12  }
0x208: {  	v34 =	vsub.f32 $0.0e+00, v29;
	v35 =	vmax.f32 v29, $0.0e+00;
	(erf) = vpow2.f32 v37;
	v27 =	vpop (erf);
	v36 =	vld [tilespmem:s8+$0x70];
	s8 =	smov.u32 s0;
	s0 =	smov.u32 s13  }
0x209: {  	v37 =	vsub.f32 $0.0e+00, v24;
	v38 =	vmul.f32 $2.992709880e-01, v27;
	v25 =	vmin.f32 v28, v25  }
0x20a: {  	v29 =	vmin.f32 v29, v34;
	v34 =	vmax.f32 v24, $0.0e+00;
	v25 =	vmul.f32 $1.442695020e+00, v25  }
0x20b: {  	v29 =	vmul.f32 $1.442695020e+00, v29;
	v24 =	vmin.f32 v24, v37;
	v37 =	vsub.f32 $9.721037140e-01, v38  }
0x20c: {  	v38 =	vadd.f32 v45, v4;
	v4 =	vmovc v26;
	v24 =	vmul.f32 $1.442695020e+00, v24;
	(erf) = vpow2.f32 v25  }
0x20d: {  	v25 =	vmul.f32 v37, v27;
	(erf) = vpow2.f32 v29;
	v26 =	vpop (erf);
	v27 =	vadd.f32 v32, v0  }
0x20e: {  	v29 =	vmax.f32 v43, $0.0e+00;
	(erf) = vpow2.f32 v24;
	v24 =	vadd.f32 v33, v38;
	v32 =	vpop (erf)  }
0x20f: {  	v0 =	vmovc v9;
	v9 =	vmovc v19;
	v33 =	vmul.f32 $2.992709880e-01, v26;
	v25 =	vadd.f32 v25, v29;
	v37 =	vmul.f32 $2.992709880e-01, v32  }
0x210: {  	v27 =	vadd.f32 v36, v27;
	v19 =	vsub.f32 $0.0e+00, v24;
	v29 =	vmax.f32 v24, $0.0e+00;
	v39 =	vpop (erf)  }
0x211: {  	v33 =	vsub.f32 $9.721037140e-01, v33;
	[tilespmem:s15+$0xA0] =	vst v25;
	v25 =	vld [tilespmem:s15+$0xB0];
	v36 =	vpop (erf);
	v37 =	vsub.f32 $9.721037140e-01, v37;
	(erf) = vpow2.f32 v30  }
0x212: {  	v30 =	vmul.f32 $2.992709880e-01, v36;
	v38 =	vld [tilespmem:s12+$0xB0];
	v19 =	vmin.f32 v24, v19;
	v24 =	vsub.f32 $0.0e+00, v27  }
0x213: {  	v26 =	vmul.f32 v33, v26;
	v42 =	vmul.f32 $1.442695020e+00, v19;
	v19 =	vmax.f32 v27, $0.0e+00  }
0x214: {  	v32 =	vmul.f32 v37, v32;
	v30 =	vsub.f32 $9.721037140e-01, v30;
	v41 =	vld [tilespmem:s13+$0xB0];
	v24 =	vmin.f32 v27, v24  }
0x215: {  	v26 =	vadd.f32 v26, v40;
	(erf) = vpow2.f32 v42;
	v27 =	vpop (erf);
	v24 =	vmul.f32 $1.442695020e+00, v24  }
0x216: {  	v31 =	vadd.f32 v32, v31;
	v30 =	vmul.f32 v30, v36;
	v33 =	vpop (erf);
	v32 =	vmul.f32 $2.992709880e-01, v27  }
0x217: {  	v36 =	vmul.f32 $2.992709880e-01, v33;
	v42 =	vadd.f32 v38, v25;
	v37 =	vpop (erf);
	[tilespmem:s23+$0xFFFFFF50] =	vst v26;
	(erf) = vpow2.f32 v24  }
0x218: {  	v24 =	vadd.f32 v30, v44;
	v26 =	vmul.f32 $2.992709880e-01, v37;
	v38 =	vld [tilespmem:s10+$0xFFFFFF60];
	[tilespmem:s23+$0xFFFFFFD0] =	vst v31;
	v31 =	vsub.f32 $9.721037140e-01, v32  }
0x219: {  	v40 =	vmul.f32 $2.992709880e-01, v39;
	v32 =	vsub.f32 $9.721037140e-01, v36;
	v30 =	vadd.f32 v41, v42;
	v36 =	vld [tilespmem:s10+$0xFFFFFFE0]  }
0x21a: {  	[tilespmem:s15+$0xFFFFFF20] =	vst v24;
	v24 =	vsub.f32 $9.721037140e-01, v26;
	v26 =	vld [tilespmem:s8+$0xFFFFFF60];
	v27 =	vmul.f32 v31, v27;
	v25 =	vpop (erf)  }
0x21b: {  	v28 =	vmax.f32 v28, $0.0e+00;
	v31 =	vld [tilespmem:s12+$0xFFFFFF30];
	v32 =	vmul.f32 v32, v33;
	v33 =	vsub.f32 $0.0e+00, v30  }
0x21c: {  	v41 =	vld [tilespmem:s13+$0xFFFFFF30];
	v24 =	vmul.f32 v24, v37;
	v37 =	vadd.f32 v27, v28;
	v28 =	vmul.f32 $2.992709880e-01, v25  }
0x21d: {  	v32 =	vadd.f32 v32, v35;
	v33 =	vmin.f32 v30, v33;
	v35 =	vadd.f32 v38, v11;
	v38 =	vld [tilespmem:s8+$0xFFFFFFE0];
	v11 =	vmovc v22  }
0x21e: {  	v44 =	vadd.f32 v24, v34;
	v24 =	vmul.f32 $1.442695020e+00, v33;
	v34 =	vadd.f32 v36, v10;
	[tilespmem:s23+$0xE0] =	vst v37;
	v42 =	vld [tilespmem:s23+$0xF0];
	v27 =	vpop (erf)  }
0x21f: {  	v40 =	vsub.f32 $9.721037140e-01, v40;
	v10 =	vmovc v23;
	[tilespmem:s15+$0xFFFFFFA0] =	vst v32;
	v32 =	vadd.f32 v26, v35;
	v26 =	vmul.f32 $2.992709880e-01, v27;
	v43 =	vld [tilespmem:s10+$0xF0]  }
.Ltmp0:
0x220: {  	v23 =	vadd.f32 v31, v21;
	v33 =	vld [tilespmem:s12+$0xFFFFFFB0];
	[tilespmem:s15+$0x20] =	vst v44;
	(erf) = vpow2.f32 v24;
	v21 =	vsub.f32 $9.721037140e-01, v28;
	v22 =	vpop (erf);
	(pc) =	sbr.rel @p0 .LBB2_3-.Ltmp0, $4  }
0x221: {  	v31 =	vsub.f32 $0.0e+00, v32;
	v28 =	vmax.f32 v32, $0.0e+00;
	v44 =	vsub.f32 $9.721037140e-01, v26;
	v36 =	vld [tilespmem:s8+$0xF0]  }
0x222: {  	v24 =	vmul.f32 $2.992709880e-01, v22;
	v37 =	vadd.f32 v41, v23;
	v35 =	vld [tilespmem:s12+$0x30];
	v26 =	vadd.f32 v38, v34  }
0x223: {  	v23 =	vmul.f32 v40, v39;
	v34 =	vld [tilespmem:s13+$0xFFFFFFB0];
	v38 =	vmin.f32 v32, v31;
	v31 =	vmul.f32 v44, v27  }
0x224: {  	s15 =	sadd.s32 $0x200, s15;
	v39 =	vsub.f32 $0.0e+00, v37;
	v32 =	vmax.f32 v37, $0.0e+00;
	v27 =	vld [tilespmem:s13+$0x30];
	v40 =	vadd.f32 v43, v42  }
0x225: {  	_ =	sdelay $0x3  }
0x226: {  	v41 =	vpop (erf)  }
0x227: {  	v42 =	vmul.f32 $2.992709880e-01, v41;
	_ =	sdelay $0x1  }
0x228: {  	v42 =	vsub.f32 $9.721037140e-01, v42;
	_ =	sdelay $0x1  }
0x229: {  	v41 =	vmul.f32 v42, v41  }
0x22a: {  	v30 =	vmax.f32 v30, $0.0e+00  }
0x22b: {  	v30 =	vadd.f32 v41, v30;
	_ =	sdelay $0x1  }
0x22c: {  	[tilespmem:s11+$0xB0] =	vst v30;
	v30 =	vld [tilespmem:s11+$0xC0]  }
0x22d: {  	v46 =	vld [tilespmem:s9+$0xC0]  }
0x22e: {  	v33 =	vadd.f32 v33, v17;
	v38 =	vmul.f32 $1.442695020e+00, v38  }
0x22f: {  	v37 =	vmin.f32 v37, v39;
	v17 =	vadd.f32 v36, v40;
	v16 =	vadd.f32 v35, v16;
	v47 =	vld [tilespmem:s0+$0xC0]  }
0x230: {  	v48 =	vsub.f32 $0.0e+00, v26;
	v37 =	vmul.f32 $1.442695020e+00, v37;
	v33 =	vadd.f32 v34, v33  }
0x231: {  	v49 =	vsub.f32 $0.0e+00, v17;
	(erf) = vpow2.f32 v38;
	v27 =	vadd.f32 v27, v16  }
0x232: {  	v16 =	vmin.f32 v26, v48;
	v50 =	vsub.f32 $0.0e+00, v33;
	v30 =	vadd.f32 v46, v30  }
0x233: {  	(erf) = vpow2.f32 v37;
	v34 =	vmin.f32 v17, v49;
	v51 =	vsub.f32 $0.0e+00, v27  }
0x234: {  	v34 =	vmul.f32 $1.442695020e+00, v34;
	v36 =	vmin.f32 v33, v50;
	v30 =	vadd.f32 v47, v30  }
0x235: {  	v16 =	vmul.f32 $1.442695020e+00, v16;
	v52 =	vmul.f32 $1.442695020e+00, v36  }
0x236: {  	v53 =	vmin.f32 v27, v51;
	(erf) = vpow2.f32 v34;
	v54 =	vsub.f32 $0.0e+00, v30  }
0x237: {  	v36 =	vmul.f32 $1.442695020e+00, v53;
	(erf) = vpow2.f32 v52  }
0x238: {  	(erf) = vpow2.f32 v16;
	v16 =	vmin.f32 v30, v54  }
0x239: {  	(erf) = vpow2.f32 v36;
	v16 =	vmul.f32 $1.442695020e+00, v16;
	_ =	sdelay $0x1  }
0x23a: {  	(erf) = vpow2.f32 v16  }
0x23b: {  	v34 =	vpop (erf)  }
0x23c: {  	v55 =	vpop (erf)  }
0x23d: {  	v56 =	vmul.f32 $2.992709880e-01, v55  }
0x23e: {  	v16 =	vpop (erf)  }
0x23f: {  	v36 =	vsub.f32 $9.721037140e-01, v56;
	v57 =	vpop (erf)  }
0x240: {  	v38 =	vpop (erf);
	v59 =	vmul.f32 $2.992709880e-01, v57  }
0x241: {  	v35 =	vmul.f32 v36, v55;
	v58 =	vpop (erf)  }
0x242: {  	v60 =	vmul.f32 $2.992709880e-01, v58;
	v61 =	vsub.f32 $9.721037140e-01, v59  }
0x243: {  	v32 =	vadd.f32 v35, v32;
	v62 =	vpop (erf)  }
0x244: {  	v41 =	vsub.f32 $9.721037140e-01, v60;
	v45 =	vmul.f32 v61, v57;
	v63 =	vmul.f32 $2.992709880e-01, v62  }
0x245: {  	v33 =	vmax.f32 v33, $0.0e+00  }
0x246: {  	[tilespmem:s11+$0xFFFFFF30] =	vst v32;
	v46 =	vmul.f32 v41, v58;
	v48 =	vadd.f32 v45, v33;
	v47 =	vsub.f32 $9.721037140e-01, v63  }
0x247: {  	v27 =	vmax.f32 v27, $0.0e+00;
	v49 =	vld [tilespmem:s9+$0xFFFFFF40]  }
0x248: {  	v51 =	vld [tilespmem:s0+$0xFFFFFF40];
	v27 =	vadd.f32 v46, v27;
	[tilespmem:s11+$0xFFFFFFB0] =	vst v48;
	v50 =	vmul.f32 v47, v62  }
0x249: {  	v30 =	vmax.f32 v30, $0.0e+00;
	v53 =	vld [tilespmem:s0+$0xFFFFFFC0]  }
0x24a: {  	[tilespmem:s11+$0x30] =	vst v27;
	v27 =	vld [tilespmem:s9+$0xFFFFFFC0];
	v30 =	vadd.f32 v50, v30  }
0x24b: {  	v52 =	vld [tilespmem:s9+$0x40]  }
0x24c: {  	[tilespmem:s11+$0xC0] =	vst v30;
	v30 =	vld [tilespmem:s11+$0xD0]  }
0x24d: {  	v12 =	vadd.f32 v49, v12;
	v54 =	vld [tilespmem:s9+$0xD0]  }
0x24e: {  	v55 =	vld [tilespmem:s0+$0x40]  }
0x24f: {  	v12 =	vadd.f32 v51, v12;
	v13 =	vadd.f32 v27, v13;
	v27 =	vld [tilespmem:s0+$0xD0];
	_ =	sdelay $0x1  }
0x250: {  	v56 =	vsub.f32 $0.0e+00, v12;
	v14 =	vadd.f32 v52, v14  }
0x251: {  	v13 =	vadd.f32 v53, v13;
	v30 =	vadd.f32 v54, v30  }
0x252: {  	v32 =	vmin.f32 v12, v56;
	v14 =	vadd.f32 v55, v14  }
0x253: {  	v32 =	vmul.f32 $1.442695020e+00, v32;
	v57 =	vsub.f32 $0.0e+00, v13;
	v27 =	vadd.f32 v27, v30  }
0x254: {  	v30 =	vsub.f32 $0.0e+00, v14  }
0x255: {  	(erf) = vpow2.f32 v32;
	v33 =	vmin.f32 v13, v57;
	v58 =	vsub.f32 $0.0e+00, v27  }
0x256: {  	v33 =	vmul.f32 $1.442695020e+00, v33;
	v30 =	vmin.f32 v14, v30  }
0x257: {  	v30 =	vmul.f32 $1.442695020e+00, v30;
	v59 =	vmin.f32 v27, v58  }
0x258: {  	(erf) = vpow2.f32 v33;
	v32 =	vmul.f32 $1.442695020e+00, v59  }
0x259: {  	(erf) = vpow2.f32 v30  }
0x25a: {  	(erf) = vpow2.f32 v32;
	_ =	sdelay $0x2  }
0x25b: {  	v30 =	vmul.f32 $2.992709880e-01, v34  }
0x25c: {  	v60 =	vpop (erf)  }
0x25d: {  	v61 =	vmul.f32 $2.992709880e-01, v60;
	v30 =	vsub.f32 $9.721037140e-01, v30  }
0x25e: {  	v29 =	vadd.f32 v31, v29  }
0x25f: {  	v33 =	vsub.f32 $9.721037140e-01, v61;
	v31 =	vpop (erf)  }
0x260: {  	[tilespmem:s23+$0x50] =	vst v29;
	v62 =	vmul.f32 $2.992709880e-01, v31;
	v63 =	vpop (erf)  }
0x261: {  	v37 =	vld [tilespmem:s10+$0x60];
	v32 =	vmul.f32 v33, v60;
	v29 =	vmul.f32 v30, v34;
	v30 =	vpop (erf)  }
0x262: {  	v12 =	vmax.f32 v12, $0.0e+00;
	v39 =	vsub.f32 $9.721037140e-01, v62;
	v40 =	vmul.f32 $2.992709880e-01, v30  }
0x263: {  	v12 =	vadd.f32 v32, v12;
	v28 =	vadd.f32 v29, v28;
	v29 =	vld [tilespmem:s8+$0x60]  }
0x264: {  	v31 =	vmul.f32 v39, v31;
	v41 =	vsub.f32 $9.721037140e-01, v40  }
0x265: {  	v13 =	vmax.f32 v13, $0.0e+00;
	[tilespmem:s11+$0xFFFFFF40] =	vst v12  }
0x266: {  	v42 =	vld [tilespmem:s11+$0xE0];
	v3 =	vadd.f32 v37, v3;
	[tilespmem:s23+$0xFFFFFF60] =	vst v28;
	v12 =	vadd.f32 v31, v13;
	v13 =	vmul.f32 v41, v30  }
0x267: {  	v27 =	vmax.f32 v27, $0.0e+00;
	v28 =	vld [tilespmem:s10+$0xFFFFFF70]  }
0x268: {  	v44 =	vld [tilespmem:s8+$0xFFFFFF70];
	v3 =	vadd.f32 v29, v3;
	[tilespmem:s11+$0xFFFFFFC0] =	vst v12;
	v12 =	vadd.f32 v13, v27;
	v13 =	vmul.f32 $2.992709880e-01, v38  }
0x269: {  	v30 =	vld [tilespmem:s9+$0xFFFFFF50]  }
0x26a: {  	v27 =	vld [tilespmem:s9+$0xFFFFFFD0];
	[tilespmem:s11+$0xD0] =	vst v12;
	v12 =	vsub.f32 $9.721037140e-01, v13;
	v13 =	vsub.f32 $0.0e+00, v3  }
0x26b: {  	v31 =	vld [tilespmem:s0+$0xFFFFFF50]  }
0x26c: {  	v29 =	vld [tilespmem:s0+$0xFFFFFFD0];
	v13 =	vmin.f32 v3, v13  }
0x26d: {  	v43 =	vld [tilespmem:s9+$0xE0];
	v13 =	vmul.f32 $1.442695020e+00, v13  }
0x26e: {  	v2 =	vadd.f32 v28, v2;
	v8 =	vadd.f32 v30, v8  }
0x26f: {  	v30 =	vld [tilespmem:s0+$0xE0];
	v12 =	vmul.f32 v12, v38;
	v6 =	vadd.f32 v27, v6;
	(erf) = vpow2.f32 v13  }
0x270: {  	v26 =	vmax.f32 v26, $0.0e+00;
	v2 =	vadd.f32 v44, v2;
	v8 =	vadd.f32 v31, v8  }
0x271: {  	v12 =	vadd.f32 v12, v26;
	v26 =	vmul.f32 $2.992709880e-01, v63;
	v6 =	vadd.f32 v29, v6  }
0x272: {  	v27 =	vsub.f32 $0.0e+00, v8;
	v13 =	vadd.f32 v43, v42  }
0x273: {  	v26 =	vsub.f32 $9.721037140e-01, v26;
	v28 =	vsub.f32 $0.0e+00, v6  }
0x274: {  	v29 =	vsub.f32 $0.0e+00, v2;
	v27 =	vmin.f32 v8, v27;
	v13 =	vadd.f32 v30, v13  }
0x275: {  	v27 =	vmul.f32 $1.442695020e+00, v27;
	v26 =	vmul.f32 v26, v63;
	v28 =	vmin.f32 v6, v28  }
0x276: {  	v14 =	vmax.f32 v14, $0.0e+00;
	v30 =	vsub.f32 $0.0e+00, v13;
	v28 =	vmul.f32 $1.442695020e+00, v28  }
0x277: {  	v29 =	vmin.f32 v2, v29;
	(erf) = vpow2.f32 v27;
	v14 =	vadd.f32 v26, v14  }
0x278: {  	[tilespmem:s23+$0xFFFFFFE0] =	vst v12;
	v29 =	vmul.f32 $1.442695020e+00, v29;
	v27 =	vmin.f32 v13, v30;
	(erf) = vpow2.f32 v28;
	v12 =	vpop (erf)  }
0x279: {  	[tilespmem:s11+$0x40] =	vst v14;
	v26 =	vmul.f32 $1.442695020e+00, v27;
	v14 =	vmul.f32 $2.992709880e-01, v12  }
0x27a: {  	(erf) = vpow2.f32 v29  }
0x27b: {  	v27 =	vld [tilespmem:s10+$0xFFFFFFF0];
	(erf) = vpow2.f32 v26;
	v14 =	vsub.f32 $9.721037140e-01, v14  }
0x27c: {  	v26 =	vld [tilespmem:s9+$0x50]  }
0x27d: {  	v28 =	vld [tilespmem:s8+$0xFFFFFFF0];
	v12 =	vmul.f32 v14, v12  }
0x27e: {  	v3 =	vmax.f32 v3, $0.0e+00;
	v29 =	vld [tilespmem:s0+$0x50]  }
0x27f: {  	v3 =	vadd.f32 v12, v3  }
0x280: {  	v1 =	vadd.f32 v27, v1  }
0x281: {  	v4 =	vadd.f32 v26, v4;
	v12 =	vpop (erf)  }
0x282: {  	v1 =	vadd.f32 v28, v1;
	v14 =	vpop (erf)  }
0x283: {  	v4 =	vadd.f32 v29, v4;
	[tilespmem:s23+$0x60] =	vst v3;
	v3 =	vpop (erf)  }
0x284: {  	v26 =	vsub.f32 $0.0e+00, v1;
	v27 =	vld [tilespmem:s10+$0x70];
	v28 =	vmul.f32 $2.992709880e-01, v12;
	v29 =	vpop (erf)  }
0x285: {  	v30 =	vsub.f32 $0.0e+00, v4;
	v31 =	vmul.f32 $2.992709880e-01, v29  }
0x286: {  	v26 =	vmin.f32 v1, v26;
	v28 =	vsub.f32 $9.721037140e-01, v28  }
0x287: {  	v45 =	vld [tilespmem:s8+$0x70];
	v26 =	vmul.f32 $1.442695020e+00, v26;
	v30 =	vmin.f32 v4, v30;
	v31 =	vsub.f32 $9.721037140e-01, v31  }
0x288: {  	v8 =	vmax.f32 v8, $0.0e+00;
	v12 =	vmul.f32 v28, v12;
	v28 =	vmul.f32 $1.442695020e+00, v30  }
0x289: {  	(erf) = vpow2.f32 v26;
	v0 =	vadd.f32 v27, v0;
	v26 =	vmul.f32 v31, v29  }
0x28a: {  	v8 =	vadd.f32 v12, v8;
	(erf) = vpow2.f32 v28;
	v12 =	vmax.f32 v13, $0.0e+00  }
0x28b: {  	v13 =	vmul.f32 $2.992709880e-01, v16;
	v12 =	vadd.f32 v26, v12  }
0x28c: {  	v0 =	vadd.f32 v45, v0;
	[tilespmem:s11+$0xFFFFFF50] =	vst v8  }
0x28d: {  	v8 =	vld [tilespmem:s9+$0xFFFFFF60];
	[tilespmem:s11+$0xE0] =	vst v12;
	v12 =	vsub.f32 $9.721037140e-01, v13  }
0x28e: {  	v26 =	vld [tilespmem:s11+$0xF0];
	v13 =	vsub.f32 $0.0e+00, v0  }
0x28f: {  	v27 =	vld [tilespmem:s9+$0xF0];
	v12 =	vmul.f32 v12, v16  }
0x290: {  	v17 =	vmax.f32 v17, $0.0e+00;
	v13 =	vmin.f32 v0, v13;
	v16 =	vld [tilespmem:s0+$0xFFFFFF60]  }
0x291: {  	v28 =	vld [tilespmem:s0+$0xF0];
	v13 =	vmul.f32 $1.442695020e+00, v13;
	v12 =	vadd.f32 v12, v17;
	v17 =	vmul.f32 $2.992709880e-01, v14  }
0x292: {  	v21 =	vmul.f32 v21, v25;
	v24 =	vsub.f32 $9.721037140e-01, v24;
	v18 =	vadd.f32 v23, v18;
	v25 =	vpop (erf)  }
0x293: {  	v8 =	vadd.f32 v8, v11;
	v11 =	vpop (erf);
	(erf) = vpow2.f32 v13;
	v13 =	vsub.f32 $9.721037140e-01, v17  }
0x294: {  	v22 =	vmul.f32 v24, v22;
	v17 =	vmul.f32 $2.992709880e-01, v11;
	v26 =	vadd.f32 v27, v26  }
0x295: {  	[tilespmem:s23+$0xF0] =	vst v12;
	v12 =	vadd.f32 v21, v20;
	v8 =	vadd.f32 v16, v8;
	v13 =	vmul.f32 v13, v14  }
0x296: {  	v6 =	vmax.f32 v6, $0.0e+00;
	v14 =	vsub.f32 $9.721037140e-01, v17;
	v16 =	vadd.f32 v28, v26  }
0x297: {  	v17 =	vsub.f32 $0.0e+00, v8;
	v6 =	vadd.f32 v13, v6  }
0x298: {  	[tilespmem:s22+$0xFFFFFF70] =	vst v18;
	v11 =	vmul.f32 v14, v11;
	v13 =	vsub.f32 $0.0e+00, v16;
	v14 =	vadd.f32 v22, v19  }
0x299: {  	v4 =	vmax.f32 v4, $0.0e+00;
	[tilespmem:s22+$0xFFFFFFF0] =	vst v12;
	v12 =	vmin.f32 v8, v17  }
0x29a: {  	[tilespmem:s11+$0xFFFFFFD0] =	vst v6;
	v6 =	vmul.f32 $1.442695020e+00, v12;
	v4 =	vadd.f32 v11, v4;
	v11 =	vmin.f32 v16, v13  }
0x29b: {  	[tilespmem:s22+$0x70] =	vst v14;
	v11 =	vmul.f32 $1.442695020e+00, v11  }
0x29c: {  	v12 =	vld [tilespmem:s9+$0xFFFFFFE0];
	v14 =	vpop (erf);
	[tilespmem:s11+$0x50] =	vst v4;
	(erf) = vpow2.f32 v6  }
0x29d: {  	v13 =	vld [tilespmem:s0+$0xFFFFFFE0];
	(erf) = vpow2.f32 v11  }
0x29e: {  	v4 =	vld [tilespmem:s9+$0x60];
	_ =	sdelay $0x1  }
0x29f: {  	v6 =	vld [tilespmem:s0+$0x60]  }
0x2a0: {  	v10 =	vadd.f32 v12, v10;
	_ =	sdelay $0x1  }
0x2a1: {  	v10 =	vadd.f32 v13, v10;
	v4 =	vadd.f32 v4, v15;
	_ =	sdelay $0x1  }
0x2a2: {  	v11 =	vsub.f32 $0.0e+00, v10;
	v4 =	vadd.f32 v6, v4;
	_ =	sdelay $0x1  }
0x2a3: {  	v6 =	vmin.f32 v10, v11;
	v11 =	vsub.f32 $0.0e+00, v4  }
0x2a4: {  	v6 =	vmul.f32 $1.442695020e+00, v6  }
0x2a5: {  	v11 =	vmin.f32 v4, v11  }
0x2a6: {  	(erf) = vpow2.f32 v6;
	v6 =	vmul.f32 $1.442695020e+00, v11;
	_ =	sdelay $0x1  }
0x2a7: {  	(erf) = vpow2.f32 v6;
	_ =	sdelay $0x4  }
0x2a8: {  	v6 =	vpop (erf)  }
0x2a9: {  	v11 =	vpop (erf)  }
0x2aa: {  	v12 =	vmul.f32 $2.992709880e-01, v6;
	v13 =	vpop (erf)  }
0x2ab: {  	v15 =	vmul.f32 $2.992709880e-01, v13  }
0x2ac: {  	v12 =	vsub.f32 $9.721037140e-01, v12;
	v17 =	vpop (erf)  }
0x2ad: {  	v15 =	vsub.f32 $9.721037140e-01, v15;
	v18 =	vmul.f32 $2.992709880e-01, v17  }
0x2ae: {  	v6 =	vmul.f32 v12, v6  }
0x2af: {  	v8 =	vmax.f32 v8, $0.0e+00;
	v12 =	vmul.f32 v15, v13;
	v13 =	vsub.f32 $9.721037140e-01, v18  }
0x2b0: {  	v10 =	vmax.f32 v10, $0.0e+00;
	v6 =	vadd.f32 v6, v8  }
0x2b1: {  	v8 =	vadd.f32 v12, v10;
	v10 =	vmul.f32 v13, v17  }
0x2b2: {  	v4 =	vmax.f32 v4, $0.0e+00;
	[tilespmem:s11+$0xFFFFFF60] =	vst v6  }
0x2b3: {  	v6 =	vld [tilespmem:s9+$0xFFFFFF70];
	[tilespmem:s11+$0xFFFFFFE0] =	vst v8;
	v4 =	vadd.f32 v10, v4  }
0x2b4: {  	v8 =	vld [tilespmem:s9+$0xFFFFFFF0]  }
0x2b5: {  	v10 =	vld [tilespmem:s0+$0xFFFFFF70];
	[tilespmem:s11+$0x60] =	vst v4  }
0x2b6: {  	v4 =	vld [tilespmem:s9+$0x70]  }
0x2b7: {  	v12 =	vld [tilespmem:s0+$0xFFFFFFF0]  }
0x2b8: {  	v13 =	vld [tilespmem:s0+$0x70]  }
0x2b9: {  	v5 =	vadd.f32 v6, v5  }
0x2ba: {  	v6 =	vadd.f32 v8, v7  }
0x2bb: {  	v5 =	vadd.f32 v10, v5;
	v4 =	vadd.f32 v4, v9  }
0x2bc: {  	v6 =	vadd.f32 v12, v6  }
0x2bd: {  	v7 =	vsub.f32 $0.0e+00, v5;
	v4 =	vadd.f32 v13, v4  }
0x2be: {  	v8 =	vsub.f32 $0.0e+00, v6  }
0x2bf: {  	v7 =	vmin.f32 v5, v7;
	v9 =	vsub.f32 $0.0e+00, v4  }
0x2c0: {  	v7 =	vmul.f32 $1.442695020e+00, v7;
	v8 =	vmin.f32 v6, v8  }
0x2c1: {  	v8 =	vmul.f32 $1.442695020e+00, v8;
	v9 =	vmin.f32 v4, v9  }
0x2c2: {  	(erf) = vpow2.f32 v7;
	v7 =	vmul.f32 $1.442695020e+00, v9  }
0x2c3: {  	(erf) = vpow2.f32 v8  }
0x2c4: {  	(erf) = vpow2.f32 v7  }
0x2c5: {  	v8 =	vmul.f32 $2.992709880e-01, v25;
	_ =	sdelay $0x1  }
0x2c6: {  	v8 =	vsub.f32 $9.721037140e-01, v8;
	v7 =	vmul.f32 $2.992709880e-01, v3  }
0x2c7: {  	v9 =	vmul.f32 $2.992709880e-01, v11  }
0x2c8: {  	v7 =	vsub.f32 $9.721037140e-01, v7  }
0x2c9: {  	v2 =	vmax.f32 v2, $0.0e+00;
	v10 =	vmul.f32 $2.992709880e-01, v14;
	v9 =	vsub.f32 $9.721037140e-01, v9  }
0x2ca: {  	v1 =	vmax.f32 v1, $0.0e+00;
	v3 =	vmul.f32 v7, v3;
	v7 =	vmul.f32 v8, v25;
	v8 =	vpop (erf)  }
0x2cb: {  	v0 =	vmax.f32 v0, $0.0e+00;
	v9 =	vmul.f32 v9, v11;
	v11 =	vmul.f32 $2.992709880e-01, v8;
	v12 =	vpop (erf)  }
0x2cc: {  	v10 =	vsub.f32 $9.721037140e-01, v10;
	v13 =	vmax.f32 v16, $0.0e+00;
	v15 =	vmul.f32 $2.992709880e-01, v12;
	v16 =	vpop (erf)  }
0x2cd: {  	v9 =	vadd.f32 v9, v13;
	v11 =	vsub.f32 $9.721037140e-01, v11;
	v13 =	vmul.f32 $2.992709880e-01, v16  }
0x2ce: {  	v2 =	vadd.f32 v3, v2;
	v3 =	vmul.f32 v10, v14;
	v10 =	vsub.f32 $9.721037140e-01, v15  }
0x2cf: {  	[tilespmem:s11+$0xF0] =	vst v9;
	v1 =	vadd.f32 v7, v1;
	v7 =	vmul.f32 v11, v8;
	v8 =	vsub.f32 $9.721037140e-01, v13  }
0x2d0: {  	[tilespmem:s23+$0xFFFFFF70] =	vst v2;
	v0 =	vadd.f32 v3, v0;
	v2 =	vmax.f32 v5, $0.0e+00;
	v3 =	vmul.f32 v10, v12  }
0x2d1: {  	[tilespmem:s23+$0xFFFFFFF0] =	vst v1;
	v1 =	vmax.f32 v6, $0.0e+00;
	v2 =	vadd.f32 v7, v2;
	v5 =	vmul.f32 v8, v16  }
0x2d2: {  	[tilespmem:s23+$0x70] =	vst v0;
	v0 =	vmax.f32 v4, $0.0e+00;
	v1 =	vadd.f32 v3, v1  }
0x2d3: {  	[tilespmem:s11+$0xFFFFFF70] =	vst v2;
	v0 =	vadd.f32 v5, v0  }
0x2d4: {  	[tilespmem:s11+$0xFFFFFFF0] =	vst v1  }
0x2d5: {  	[tilespmem:s11+$0x70] =	vst v0  }
0x2d6: {  	[spmem:s3] =	stream.indirect.scatter.add.f32 [tilespmem:s20], [sflag:$0x3], $0x80, s21, s18, $0xb8;
	[tilespmem:$0x1E180] =	vst v63  }
0x2d7: {  	_ =	swait.ge [sflag:s31], $0x1400  }
0x2d8: {  	[sflag:s31] =	ssyncset.done $0x0  }
0x2d9: {  	[sflag:s31] =	ssyncadd.s32 $0xFFFFEC00  }
0x2da: {  	_ =	swait.ge [sflag:s31], $0x1400  }
0x2db: {  	[sflag:s31] =	ssyncset.done $0x0  }
0x2dc: {  	[sflag:s31] =	ssyncadd.s32 $0xFFFFEC00  }
0x2dd: {  	_ =	swait.ge [sflag:s31], $0x1400  }
0x2de: {  	[sflag:s31] =	ssyncset.done $0x0  }
0x2df: {  	[sflag:s31] =	ssyncadd.s32 $0xFFFFEC00  }
0x2e0: {  	_ =	swait.ge [sflag:s2], $0x1400  }
0x2e1: {  	[sflag:s2] =	ssyncset.done $0x0  }
0x2e2: {  	p0 =	seq.s32 s17, $0x7C;
	[sflag:s2] =	ssyncadd.s32 $0xFFFFEC00  }
0x2e3: {  	v0 =	vld @!p0 [tilespmem:s19+$0x50];
	_ =	sdelay $0x4  }
0x2e4: {  	v1 =	vand.u32 @!p0 $0xFFFF, v0  }
0x2e5: {  	v0 =	vshra.s32 @!p0 v0, $0x10;
	[tilespmem:$0x2780] =	vst @!p0 v1  }
0x2e6: {  	[tilespmem:$0x2800] =	vst @!p0 v0  }
0x2e7: {  	v0 =	vld @!p0 [tilespmem:s19+$0x60];
	_ =	sdelay $0x4  }
0x2e8: {  	v1 =	vand.u32 @!p0 $0xFFFF, v0  }
0x2e9: {  	v0 =	vshra.s32 @!p0 v0, $0x10;
	[tilespmem:$0x2790] =	vst @!p0 v1  }
0x2ea: {  	[tilespmem:$0x2810] =	vst @!p0 v0  }
0x2eb: {  	v0 =	vld @!p0 [tilespmem:s19+$0x68];
	_ =	sdelay $0x4  }
0x2ec: {  	v1 =	vand.u32 @!p0 $0xFFFF, v0  }
0x2ed: {  	v0 =	vshra.s32 @!p0 v0, $0x10;
	[tilespmem:$0x2798] =	vst @!p0 v1  }
0x2ee: {  	s8 =	simm.s32 @!p0 $0x2780;
	s0 =	simm.s32 @!p0 $0x28;
	s9 =	simm.s32 @!p0 $0x2980;
	[tilespmem:$0x2818] =	vst @!p0 v0  }
0x2ef: {  	[tilespmem:s9], [sflag:$0x1] =	stream.indirect.gather @!p0 [hbm4b:s1+s0], $0x80, s8, s0, $0xb8;
	[tilespmem:$0x1E180] =	vst v63  }
0x2f0: {  	s10 =	simm.s32 @!p0 $0x3D80;
	s8 =	sadd.s32 @!p0 $0x50, s19;
	s9 =	simm.s32 @!p0 $0x2800  }
0x2f1: {  	[tilespmem:s10], [sflag:$0x1] =	stream.indirect.gather @!p0 [hbm4b:s5+s0], $0x80, s9, s0, $0xb8;
	[tilespmem:$0x1E180] =	vst v63  }
0x2f2: {  	s0 =	sadd.s32 @!p0 s7, s8  }
0x2f3: {  	s19 =	simm.s32 $0x6680;
	s0 =	sshll.u32 @!p0 s0, $0x4  }
0x2f4: {  	s8 =	simm.s32 @!p0 $0x0;
	s9 =	simm.s32 @!p0 $0x5180;
	s0 =	sadd.s32 @!p0 s6, s0  }
0x2f5: {  	[tilespmem:s9], [sflag:$0x1] =	stream.linear.gather @!p0 [hbm4b:s0+s8], $0x1400, $0x38;
	[tilespmem:$0x1E180] =	vst v63  }
0x2f6: {  	s14 =	simm.s32 $0x7A80;
	v0 =	vld [tilespmem:s19+$0x80]  }
0x2f7: {  	v1 =	vld [tilespmem:s14+$0x80]  }
0x2f8: {  	s15 =	simm.s32 $0x8E80  }
0x2f9: {  	v2 =	vld [tilespmem:s15+$0x80];
	_ =	sdelay $0x2  }
0x2fa: {  	v0 =	vadd.f32 v1, v0;
	_ =	sdelay $0x1  }
0x2fb: {  	v0 =	vadd.f32 v2, v0;
	_ =	sdelay $0x1  }
0x2fc: {  	v1 =	vsub.f32 $0.0e+00, v0;
	_ =	sdelay $0x1  }
0x2fd: {  	v1 =	vmin.f32 v0, v1  }
0x2fe: {  	v1 =	vmul.f32 $1.442695020e+00, v1  }
0x2ff: {  	v3 =	vld [tilespmem:s19+$0xFFFFFF00]  }
0x300: {  	v4 =	vld [tilespmem:s14+$0xFFFFFF80];
	(erf) = vpow2.f32 v1  }
0x301: {  	v2 =	vld [tilespmem:s14+$0xFFFFFF00]  }
0x302: {  	v5 =	vld [tilespmem:s15+$0xFFFFFF00]  }
0x303: {  	v6 =	vld [tilespmem:s19+$0x0]  }
0x304: {  	v1 =	vld [tilespmem:s19+$0xFFFFFF80]  }
0x305: {  	v7 =	vld [tilespmem:s14+$0x0]  }
0x306: {  	v8 =	vld [tilespmem:s15+$0xFFFFFF80];
	v2 =	vadd.f32 v2, v3  }
0x307: {  	v3 =	vld [tilespmem:s15+$0x0]  }
0x308: {  	v2 =	vadd.f32 v5, v2  }
0x309: {  	v1 =	vadd.f32 v4, v1;
	v5 =	vpop (erf)  }
0x30a: {  	v6 =	vadd.f32 v7, v6;
	v7 =	vsub.f32 $0.0e+00, v2;
	v4 =	vmul.f32 $2.992709880e-01, v5  }
0x30b: {  	v8 =	vadd.f32 v8, v1  }
0x30c: {  	v1 =	vsub.f32 $9.721037140e-01, v4;
	v4 =	vadd.f32 v3, v6;
	v3 =	vmin.f32 v2, v7  }
0x30d: {  	v6 =	vsub.f32 $0.0e+00, v8;
	v3 =	vmul.f32 $1.442695020e+00, v3  }
0x30e: {  	v1 =	vmul.f32 v1, v5;
	v5 =	vsub.f32 $0.0e+00, v4  }
0x30f: {  	v0 =	vmax.f32 v0, $0.0e+00;
	v6 =	vmin.f32 v8, v6;
	(erf) = vpow2.f32 v3  }
0x310: {  	v3 =	vmul.f32 $1.442695020e+00, v6;
	v0 =	vadd.f32 v1, v0;
	v1 =	vmin.f32 v4, v5  }
0x311: {  	v1 =	vmul.f32 $1.442695020e+00, v1  }
0x312: {  	(erf) = vpow2.f32 v3  }
0x313: {  	[tilespmem:s19+$0x80] =	vst v0;
	v0 =	vld [tilespmem:s19+$0x90];
	(erf) = vpow2.f32 v1  }
0x314: {  	v1 =	vld [tilespmem:s14+$0x90];
	_ =	sdelay $0x1  }
0x315: {  	v3 =	vld [tilespmem:s15+$0x90];
	_ =	sdelay $0x1  }
0x316: {  	v6 =	vpop (erf)  }
0x317: {  	v0 =	vadd.f32 v1, v0;
	v1 =	vmul.f32 $2.992709880e-01, v6;
	_ =	sdelay $0x1  }
0x318: {  	v17 =	vadd.f32 v3, v0;
	v13 =	vpop (erf);
	v1 =	vsub.f32 $9.721037140e-01, v1  }
0x319: {  	v12 =	vmul.f32 $2.992709880e-01, v13;
	v18 =	vpop (erf)  }
0x31a: {  	v19 =	vsub.f32 $0.0e+00, v17;
	v20 =	vmul.f32 $2.992709880e-01, v18;
	v6 =	vmul.f32 v1, v6  }
0x31b: {  	v21 =	vmax.f32 v2, $0.0e+00;
	v22 =	vsub.f32 $9.721037140e-01, v12  }
0x31c: {  	v12 =	vmin.f32 v17, v19;
	v19 =	vsub.f32 $9.721037140e-01, v20;
	v6 =	vadd.f32 v6, v21  }
0x31d: {  	v9 =	vld [tilespmem:s19+$0x10];
	v20 =	vmul.f32 $1.442695020e+00, v12;
	v21 =	vmul.f32 v22, v13  }
0x31e: {  	v8 =	vmax.f32 v8, $0.0e+00;
	v5 =	vld [tilespmem:s19+$0xFFFFFF10];
	v18 =	vmul.f32 v19, v18;
	[tilespmem:s19+$0xFFFFFF00] =	vst v6  }
0x31f: {  	v4 =	vmax.f32 v4, $0.0e+00;
	(erf) = vpow2.f32 v20;
	v8 =	vadd.f32 v21, v8;
	v19 =	vld [tilespmem:s14+$0xFFFFFF10]  }
0x320: {  	v7 =	vld [tilespmem:s19+$0xFFFFFF90];
	v4 =	vadd.f32 v18, v4  }
0x321: {  	[tilespmem:s19+$0xFFFFFF80] =	vst v8;
	v8 =	vld [tilespmem:s15+$0xFFFFFF10]  }
0x322: {  	v18 =	vld [tilespmem:s14+$0xFFFFFF90];
	[tilespmem:s19+$0x0] =	vst v4  }
0x323: {  	v4 =	vld [tilespmem:s14+$0x10]  }
0x324: {  	v20 =	vld [tilespmem:s15+$0xFFFFFF90];
	v5 =	vadd.f32 v19, v5  }
0x325: {  	v19 =	vld [tilespmem:s15+$0x10]  }
0x326: {  	v8 =	vadd.f32 v8, v5  }
0x327: {  	v5 =	vadd.f32 v18, v7  }
0x328: {  	v7 =	vpop (erf);
	v4 =	vadd.f32 v4, v9;
	v9 =	vsub.f32 $0.0e+00, v8  }
0x329: {  	v18 =	vmul.f32 $2.992709880e-01, v7;
	v20 =	vadd.f32 v20, v5  }
0x32a: {  	v5 =	vmin.f32 v8, v9;
	v19 =	vadd.f32 v19, v4  }
0x32b: {  	v4 =	vsub.f32 $9.721037140e-01, v18;
	v9 =	vsub.f32 $0.0e+00, v20;
	v5 =	vmul.f32 $1.442695020e+00, v5  }
0x32c: {  	v18 =	vsub.f32 $0.0e+00, v19  }
0x32d: {  	v4 =	vmul.f32 v4, v7;
	v7 =	vmin.f32 v20, v9;
	(erf) = vpow2.f32 v5  }
0x32e: {  	v5 =	vmax.f32 v17, $0.0e+00;
	v7 =	vmul.f32 $1.442695020e+00, v7;
	v9 =	vmin.f32 v19, v18  }
0x32f: {  	v4 =	vadd.f32 v4, v5;
	v5 =	vmul.f32 $1.442695020e+00, v9  }
0x330: {  	(erf) = vpow2.f32 v7  }
0x331: {  	(erf) = vpow2.f32 v5  }
0x332: {  	[tilespmem:s19+$0x90] =	vst v4;
	v4 =	vld [tilespmem:s19+$0xA0]  }
0x333: {  	v5 =	vld [tilespmem:s14+$0xA0];
	_ =	sdelay $0x1  }
0x334: {  	v7 =	vld [tilespmem:s15+$0xA0]  }
0x335: {  	v9 =	vpop (erf)  }
0x336: {  	v17 =	vmul.f32 $2.992709880e-01, v9  }
0x337: {  	v4 =	vadd.f32 v5, v4  }
0x338: {  	v18 =	vpop (erf);
	v17 =	vsub.f32 $9.721037140e-01, v17  }
0x339: {  	v21 =	vadd.f32 v7, v4;
	v7 =	vmul.f32 $2.992709880e-01, v18;
	v22 =	vpop (erf)  }
0x33a: {  	v17 =	vmul.f32 v17, v9;
	v23 =	vmul.f32 $2.992709880e-01, v22  }
0x33b: {  	v8 =	vmax.f32 v8, $0.0e+00;
	v24 =	vsub.f32 $0.0e+00, v21;
	v25 =	vsub.f32 $9.721037140e-01, v7  }
0x33c: {  	v23 =	vsub.f32 $9.721037140e-01, v23;
	v17 =	vadd.f32 v17, v8  }
0x33d: {  	v14 =	vld [tilespmem:s19+$0xFFFFFF20];
	v8 =	vmin.f32 v21, v24;
	v18 =	vmul.f32 v25, v18  }
0x33e: {  	v15 =	vld [tilespmem:s19+$0xFFFFFFA0];
	v20 =	vmax.f32 v20, $0.0e+00;
	v24 =	vmul.f32 $1.442695020e+00, v8;
	v22 =	vmul.f32 v23, v22;
	[tilespmem:s19+$0xFFFFFF10] =	vst v17  }
0x33f: {  	v17 =	vmax.f32 v19, $0.0e+00;
	v18 =	vadd.f32 v18, v20;
	v20 =	vld [tilespmem:s14+$0xFFFFFF20]  }
0x340: {  	v16 =	vld [tilespmem:s19+$0x20];
	(erf) = vpow2.f32 v24;
	v17 =	vadd.f32 v22, v17  }
0x341: {  	[tilespmem:s19+$0xFFFFFF90] =	vst v18;
	v18 =	vld [tilespmem:s15+$0xFFFFFF20]  }
0x342: {  	v22 =	vld [tilespmem:s14+$0xFFFFFFA0];
	[tilespmem:s19+$0x10] =	vst v17  }
0x343: {  	v17 =	vld [tilespmem:s14+$0x20]  }
0x344: {  	v14 =	vadd.f32 v20, v14;
	v20 =	vld [tilespmem:s15+$0xFFFFFFA0];
	_ =	sdelay $0x1  }
0x345: {  	v23 =	vld [tilespmem:s15+$0x20];
	v14 =	vadd.f32 v18, v14  }
0x346: {  	v15 =	vadd.f32 v22, v15  }
0x347: {  	v18 =	vsub.f32 $0.0e+00, v14  }
0x348: {  	v16 =	vadd.f32 v17, v16;
	v17 =	vpop (erf);
	v15 =	vadd.f32 v20, v15  }
0x349: {  	v20 =	vmul.f32 $2.992709880e-01, v17;
	v18 =	vmin.f32 v14, v18  }
0x34a: {  	v16 =	vadd.f32 v23, v16;
	v18 =	vmul.f32 $1.442695020e+00, v18;
	v22 =	vsub.f32 $0.0e+00, v15  }
0x34b: {  	v20 =	vsub.f32 $9.721037140e-01, v20  }
0x34c: {  	v23 =	vsub.f32 $0.0e+00, v16;
	(erf) = vpow2.f32 v18;
	v18 =	vmin.f32 v15, v22  }
0x34d: {  	v17 =	vmul.f32 v20, v17;
	v18 =	vmul.f32 $1.442695020e+00, v18  }
0x34e: {  	v21 =	vmax.f32 v21, $0.0e+00;
	v20 =	vmin.f32 v16, v23  }
0x34f: {  	v20 =	vmul.f32 $1.442695020e+00, v20;
	v17 =	vadd.f32 v17, v21;
	(erf) = vpow2.f32 v18;
	_ =	sdelay $0x1  }
0x350: {  	(erf) = vpow2.f32 v20;
	[tilespmem:s19+$0xA0] =	vst v17;
	v17 =	vld [tilespmem:s19+$0xB0]  }
0x351: {  	v18 =	vld [tilespmem:s14+$0xB0];
	_ =	sdelay $0x1  }
0x352: {  	v20 =	vld [tilespmem:s15+$0xB0]  }
0x353: {  	v21 =	vpop (erf)  }
0x354: {  	v22 =	vmul.f32 $2.992709880e-01, v21  }
0x355: {  	v17 =	vadd.f32 v18, v17  }
0x356: {  	v18 =	vpop (erf);
	v22 =	vsub.f32 $9.721037140e-01, v22  }
0x357: {  	v17 =	vadd.f32 v20, v17;
	v23 =	vmul.f32 $2.992709880e-01, v18  }
0x358: {  	v14 =	vmax.f32 v14, $0.0e+00;
	v24 =	vpop (erf);
	v21 =	vmul.f32 v22, v21  }
0x359: {  	v20 =	vmul.f32 $2.992709880e-01, v24;
	v22 =	vsub.f32 $9.721037140e-01, v23;
	v23 =	vsub.f32 $0.0e+00, v17  }
0x35a: {  	v11 =	vld [tilespmem:s19+$0xFFFFFF30];
	v14 =	vadd.f32 v21, v14  }
0x35b: {  	v10 =	vld [tilespmem:s19+$0xFFFFFFB0];
	v20 =	vsub.f32 $9.721037140e-01, v20;
	v18 =	vmul.f32 v22, v18;
	v21 =	vmin.f32 v17, v23  }
0x35c: {  	v3 =	vld [tilespmem:s19+$0x30];
	v15 =	vmax.f32 v15, $0.0e+00;
	v21 =	vmul.f32 $1.442695020e+00, v21;
	[tilespmem:s19+$0xFFFFFF20] =	vst v14  }
0x35d: {  	v20 =	vmul.f32 v20, v24;
	v14 =	vadd.f32 v18, v15;
	v15 =	vld [tilespmem:s14+$0xFFFFFF30]  }
0x35e: {  	s22 =	simm.s32 $0x6880;
	v16 =	vmax.f32 v16, $0.0e+00;
	v18 =	vld [tilespmem:s15+$0xFFFFFF30];
	(erf) = vpow2.f32 v21  }
0x35f: {  	v16 =	vadd.f32 v20, v16;
	v21 =	vld [tilespmem:s22+$0x80];
	[tilespmem:s19+$0xFFFFFFA0] =	vst v14  }
0x360: {  	v14 =	vld [tilespmem:s14+$0xFFFFFFB0]  }
0x361: {  	[tilespmem:s19+$0x20] =	vst v16;
	v20 =	vld [tilespmem:s15+$0xFFFFFFB0]  }
0x362: {  	v16 =	vld [tilespmem:s14+$0x30]  }
0x363: {  	s8 =	simm.s32 $0x7C80;
	v22 =	vld [tilespmem:s15+$0x30]  }
0x364: {  	v11 =	vadd.f32 v15, v11;
	v15 =	vld [tilespmem:s8+$0x80]  }
0x365: {  	s23 =	simm.s32 $0x9080  }
0x366: {  	v23 =	vadd.f32 v18, v11;
	v11 =	vld [tilespmem:s23+$0x80];
	v10 =	vadd.f32 v14, v10  }
0x367: {  	v26 =	vld [tilespmem:s23+$0xFFFFFF00];
	v3 =	vadd.f32 v16, v3;
	v14 =	vpop (erf)  }
0x368: {  	v24 =	vld [tilespmem:s8+$0xFFFFFF00];
	v18 =	vsub.f32 $0.0e+00, v23;
	v27 =	vadd.f32 v20, v10;
	v16 =	vmul.f32 $2.992709880e-01, v14  }
0x369: {  	v10 =	vld [tilespmem:s22+$0xFFFFFF80];
	v15 =	vadd.f32 v15, v21;
	v3 =	vadd.f32 v22, v3  }
0x36a: {  	v20 =	vld [tilespmem:s8+$0xFFFFFF80];
	v18 =	vmin.f32 v23, v18;
	v21 =	vsub.f32 $0.0e+00, v27;
	v16 =	vsub.f32 $9.721037140e-01, v16  }
0x36b: {  	v22 =	vld [tilespmem:s22+$0x0];
	v28 =	vadd.f32 v11, v15;
	v11 =	vmul.f32 $1.442695020e+00, v18  }
0x36c: {  	v15 =	vsub.f32 $0.0e+00, v3;
	v14 =	vmul.f32 v16, v14;
	v16 =	vmin.f32 v27, v21;
	v21 =	vld [tilespmem:s22+$0xFFFFFF00]  }
0x36d: {  	v17 =	vmax.f32 v17, $0.0e+00;
	v18 =	vld [tilespmem:s8+$0x0];
	v25 =	vsub.f32 $0.0e+00, v28;
	(erf) = vpow2.f32 v11  }
0x36e: {  	v11 =	vld [tilespmem:s23+$0xFFFFFF80];
	v15 =	vmin.f32 v3, v15;
	v16 =	vmul.f32 $1.442695020e+00, v16;
	v14 =	vadd.f32 v14, v17  }
0x36f: {  	v15 =	vmul.f32 $1.442695020e+00, v15;
	v17 =	vmin.f32 v28, v25;
	v25 =	vld [tilespmem:s23+$0x0]  }
0x370: {  	(erf) = vpow2.f32 v16;
	v16 =	vmul.f32 $1.442695020e+00, v17;
	[tilespmem:s19+$0xB0] =	vst v14;
	v14 =	vld [tilespmem:s19+$0xC0]  }
0x371: {  	(erf) = vpow2.f32 v15;
	v15 =	vadd.f32 v24, v21;
	v17 =	vld [tilespmem:s14+$0xC0]  }
0x372: {  	v10 =	vadd.f32 v20, v10;
	(erf) = vpow2.f32 v16  }
0x373: {  	v16 =	vadd.f32 v18, v22;
	v22 =	vadd.f32 v26, v15;
	v15 =	vld [tilespmem:s15+$0xC0]  }
0x374: {  	v29 =	vadd.f32 v11, v10  }
0x375: {  	v31 =	vadd.f32 v25, v16;
	v10 =	vsub.f32 $0.0e+00, v22  }
0x376: {  	v11 =	vsub.f32 $0.0e+00, v29;
	v14 =	vadd.f32 v17, v14  }
0x377: {  	v16 =	vsub.f32 $0.0e+00, v31;
	v10 =	vmin.f32 v22, v10  }
0x378: {  	v20 =	vpop (erf);
	v11 =	vmin.f32 v29, v11;
	v10 =	vmul.f32 $1.442695020e+00, v10;
	v35 =	vadd.f32 v15, v14  }
0x379: {  	v11 =	vmul.f32 $1.442695020e+00, v11;
	v46 =	vpop (erf);
	v14 =	vmin.f32 v31, v16  }
0x37a: {  	v47 =	vpop (erf);
	v14 =	vmul.f32 $1.442695020e+00, v14;
	(erf) = vpow2.f32 v10;
	v10 =	vsub.f32 $0.0e+00, v35  }
0x37b: {  	v30 =	vld [tilespmem:s22+$0xFFFFFF10];
	v21 =	vpop (erf);
	(erf) = vpow2.f32 v11  }
0x37c: {  	v32 =	vld [tilespmem:s22+$0xFFFFFF90];
	v11 =	vmul.f32 $2.992709880e-01, v21;
	(erf) = vpow2.f32 v14;
	v10 =	vmin.f32 v35, v10  }
0x37d: {  	v33 =	vld [tilespmem:s22+$0x10];
	v50 =	vmul.f32 $2.992709880e-01, v47;
	v48 =	vmul.f32 $1.442695020e+00, v10  }
0x37e: {  	v56 =	vld [tilespmem:s22+$0x90];
	v11 =	vsub.f32 $9.721037140e-01, v11  }
0x37f: {  	v2 =	vld [tilespmem:s19+$0xFFFFFFC0];
	v52 =	vsub.f32 $9.721037140e-01, v50;
	(erf) = vpow2.f32 v48  }
0x380: {  	v0 =	vld [tilespmem:s19+$0xFFFFFF40];
	v3 =	vmax.f32 v3, $0.0e+00;
	v49 =	vmul.f32 $2.992709880e-01, v46;
	v21 =	vmul.f32 v11, v21  }
0x381: {  	v1 =	vld [tilespmem:s19+$0x40];
	v28 =	vmax.f32 v28, $0.0e+00;
	v24 =	vmul.f32 $2.992709880e-01, v20;
	v36 =	vmul.f32 v52, v47  }
0x382: {  	v12 =	vld [tilespmem:s19+$0xFFFFFF50];
	v28 =	vadd.f32 v21, v28;
	v21 =	vmax.f32 v23, $0.0e+00;
	v23 =	vsub.f32 $9.721037140e-01, v49  }
0x383: {  	v13 =	vld [tilespmem:s19+$0xFFFFFFD0];
	v24 =	vsub.f32 $9.721037140e-01, v24;
	v3 =	vadd.f32 v36, v3;
	v54 =	vpop (erf)  }
0x384: {  	v6 =	vld [tilespmem:s19+$0x50];
	[tilespmem:s22+$0x80] =	vst v28;
	v23 =	vmul.f32 v23, v46;
	v28 =	vmul.f32 $2.992709880e-01, v54;
	v55 =	vpop (erf)  }
0x385: {  	v27 =	vmax.f32 v27, $0.0e+00;
	v51 =	vmul.f32 v24, v20;
	[tilespmem:s19+$0x30] =	vst v3;
	v59 =	vld [tilespmem:s8+$0x90];
	v57 =	vmul.f32 $2.992709880e-01, v55;
	v58 =	vpop (erf)  }
0x386: {  	v46 =	vld [tilespmem:s14+$0x40];
	v23 =	vadd.f32 v23, v27;
	v28 =	vsub.f32 $9.721037140e-01, v28;
	v60 =	vmul.f32 $2.992709880e-01, v58  }
0x387: {  	v53 =	vadd.f32 v51, v21;
	v62 =	vld [tilespmem:s23+$0x90];
	v61 =	vsub.f32 $9.721037140e-01, v57  }
0x388: {  	v29 =	vmax.f32 v29, $0.0e+00;
	v49 =	vld [tilespmem:s15+$0x40];
	[tilespmem:s19+$0xFFFFFFB0] =	vst v23;
	v23 =	vmul.f32 v28, v54;
	v28 =	vsub.f32 $9.721037140e-01, v60;
	v63 =	vpop (erf)  }
0x389: {  	v22 =	vmax.f32 v22, $0.0e+00;
	[tilespmem:s19+$0xFFFFFF30] =	vst v53;
	v3 =	vld [tilespmem:s14+$0xFFFFFFC0];
	v34 =	vmul.f32 v61, v55;
	v45 =	vmul.f32 $2.992709880e-01, v63  }
0x38a: {  	v27 =	vld [tilespmem:s14+$0xFFFFFF40];
	v22 =	vadd.f32 v23, v22;
	v23 =	vmul.f32 v28, v58;
	v28 =	vadd.f32 v59, v56  }
0x38b: {  	v31 =	vmax.f32 v31, $0.0e+00;
	v43 =	vld [tilespmem:s15+$0xFFFFFF40];
	v29 =	vadd.f32 v34, v29;
	v48 =	vsub.f32 $9.721037140e-01, v45  }
0x38c: {  	v47 =	vld [tilespmem:s15+$0xFFFFFFC0];
	[tilespmem:s22+$0xFFFFFF00] =	vst v22;
	v22 =	vadd.f32 v23, v31;
	v23 =	vadd.f32 v62, v28  }
0x38d: {  	v28 =	vld [tilespmem:s8+$0xFFFFFF10];
	[tilespmem:s22+$0xFFFFFF80] =	vst v29  }
0x38e: {  	v29 =	vmul.f32 v48, v63;
	v2 =	vadd.f32 v3, v2;
	v3 =	vld [tilespmem:s23+$0xFFFFFF10];
	[tilespmem:s22+$0x0] =	vst v22;
	v22 =	vsub.f32 $0.0e+00, v23  }
0x38f: {  	v50 =	vmax.f32 v35, $0.0e+00;
	v0 =	vadd.f32 v27, v0;
	v31 =	vld [tilespmem:s8+$0xFFFFFF90]  }
0x390: {  	v51 =	vld [tilespmem:s8+$0x10];
	v27 =	vadd.f32 v29, v50;
	v22 =	vmin.f32 v23, v22  }
0x391: {  	v1 =	vadd.f32 v46, v1;
	v0 =	vadd.f32 v43, v0;
	v29 =	vld [tilespmem:s23+$0xFFFFFF90];
	v22 =	vmul.f32 $1.442695020e+00, v22  }
0x392: {  	v52 =	vadd.f32 v47, v2;
	v2 =	vld [tilespmem:s19+$0xD0];
	[tilespmem:s19+$0xC0] =	vst v27  }
0x393: {  	v27 =	vadd.f32 v49, v1;
	v1 =	vsub.f32 $0.0e+00, v0;
	v53 =	vld [tilespmem:s14+$0xD0];
	(erf) = vpow2.f32 v22  }
0x394: {  	v28 =	vadd.f32 v28, v30;
	v30 =	vld [tilespmem:s23+$0x10];
	v22 =	vsub.f32 $0.0e+00, v52  }
0x395: {  	v55 =	vld [tilespmem:s15+$0xD0];
	v54 =	vsub.f32 $0.0e+00, v27;
	v31 =	vadd.f32 v31, v32;
	v1 =	vmin.f32 v0, v1  }
0x396: {  	v33 =	vadd.f32 v51, v33;
	v28 =	vadd.f32 v3, v28;
	v1 =	vmul.f32 $1.442695020e+00, v1  }
0x397: {  	v22 =	vmin.f32 v52, v22;
	v3 =	vmin.f32 v27, v54;
	v29 =	vadd.f32 v29, v31  }
0x398: {  	v22 =	vmul.f32 $1.442695020e+00, v22;
	v31 =	vsub.f32 $0.0e+00, v28;
	v2 =	vadd.f32 v53, v2  }
0x399: {  	v3 =	vmul.f32 $1.442695020e+00, v3;
	v56 =	vsub.f32 $0.0e+00, v29;
	v30 =	vadd.f32 v30, v33  }
0x39a: {  	(erf) = vpow2.f32 v1;
	v1 =	vmin.f32 v28, v31;
	v31 =	vadd.f32 v55, v2  }
0x39b: {  	v1 =	vmul.f32 $1.442695020e+00, v1;
	v2 =	vmin.f32 v29, v56;
	v57 =	vsub.f32 $0.0e+00, v30  }
0x39c: {  	(erf) = vpow2.f32 v22;
	v2 =	vmul.f32 $1.442695020e+00, v2;
	v22 =	vsub.f32 $0.0e+00, v31;
	v58 =	vpop (erf)  }
0x39d: {  	(erf) = vpow2.f32 v1;
	v1 =	vmin.f32 v30, v57;
	v59 =	vmul.f32 $2.992709880e-01, v58  }
0x39e: {  	(erf) = vpow2.f32 v2;
	v1 =	vmul.f32 $1.442695020e+00, v1  }
0x39f: {  	v2 =	vmin.f32 v31, v22;
	(erf) = vpow2.f32 v3;
	v3 =	vsub.f32 $9.721037140e-01, v59  }
0x3a0: {  	v2 =	vmul.f32 $1.442695020e+00, v2  }
0x3a1: {  	(erf) = vpow2.f32 v1  }
0x3a2: {  	(erf) = vpow2.f32 v2;
	v1 =	vmul.f32 v3, v58  }
0x3a3: {  	v5 =	vld [tilespmem:s19+$0xFFFFFF60];
	v2 =	vmax.f32 v23, $0.0e+00;
	v3 =	vpop (erf)  }
0x3a4: {  	v4 =	vld [tilespmem:s19+$0xFFFFFFE0];
	v1 =	vadd.f32 v1, v2;
	v2 =	vmul.f32 $2.992709880e-01, v3  }
0x3a5: {  	v7 =	vld [tilespmem:s19+$0xFFFFFF70];
	v60 =	vpop (erf)  }
0x3a6: {  	v8 =	vld [tilespmem:s19+$0xFFFFFFF0];
	[tilespmem:s22+$0x90] =	vst v1;
	v61 =	vmul.f32 $2.992709880e-01, v60;
	v1 =	vsub.f32 $9.721037140e-01, v2  }
0x3a7: {  	v63 =	vld [tilespmem:s22+$0xA0];
	v62 =	vpop (erf)  }
0x3a8: {  	v48 =	vpop (erf);
	v49 =	vld [tilespmem:s8+$0xA0];
	v50 =	vmul.f32 $2.992709880e-01, v62;
	v33 =	vsub.f32 $9.721037140e-01, v61;
	v1 =	vmul.f32 v1, v3  }
0x3a9: {  	v18 =	vld [tilespmem:s22+$0x20];
	v34 =	vmax.f32 v52, $0.0e+00;
	v0 =	vmax.f32 v0, $0.0e+00;
	v40 =	vpop (erf);
	v51 =	vmul.f32 $2.992709880e-01, v48  }
0x3aa: {  	v52 =	vld [tilespmem:s23+$0xA0];
	v53 =	vpop (erf);
	v54 =	vsub.f32 $9.721037140e-01, v50;
	v32 =	vmul.f32 v33, v60;
	v44 =	vadd.f32 v1, v0  }
0x3ab: {  	v26 =	vld [tilespmem:s22+$0xFFFFFF20];
	v55 =	vpop (erf);
	v41 =	vsub.f32 $9.721037140e-01, v51;
	v57 =	vmul.f32 $2.992709880e-01, v53  }
0x3ac: {  	v25 =	vld [tilespmem:s22+$0xFFFFFFA0];
	v45 =	vmul.f32 $2.992709880e-01, v55;
	v33 =	vmul.f32 v54, v62;
	v32 =	vadd.f32 v32, v34;
	[tilespmem:s19+$0xFFFFFF40] =	vst v44  }
0x3ad: {  	v28 =	vmax.f32 v28, $0.0e+00;
	v56 =	vadd.f32 v49, v63;
	v62 =	vsub.f32 $9.721037140e-01, v57;
	v58 =	vld [tilespmem:s14+$0xFFFFFF50]  }
0x3ae: {  	v37 =	vmul.f32 v41, v48;
	v59 =	vsub.f32 $9.721037140e-01, v45;
	v28 =	vadd.f32 v33, v28;
	v60 =	vld [tilespmem:s15+$0xFFFFFF50];
	[tilespmem:s19+$0xFFFFFFC0] =	vst v32  }
0x3af: {  	v29 =	vmax.f32 v29, $0.0e+00;
	v61 =	vadd.f32 v52, v56;
	v33 =	vmul.f32 v62, v53;
	v63 =	vld [tilespmem:s14+$0xFFFFFFD0]  }
0x3b0: {  	v30 =	vmax.f32 v30, $0.0e+00;
	v29 =	vadd.f32 v37, v29;
	v42 =	vmul.f32 v59, v55;
	v44 =	vld [tilespmem:s15+$0xFFFFFFD0];
	[tilespmem:s22+$0xFFFFFF10] =	vst v28  }
0x3b1: {  	v31 =	vmax.f32 v31, $0.0e+00;
	v28 =	vsub.f32 $0.0e+00, v61;
	v45 =	vld [tilespmem:s8+$0xFFFFFF20];
	v30 =	vadd.f32 v33, v30  }
0x3b2: {  	[tilespmem:s22+$0xFFFFFF90] =	vst v29;
	v46 =	vld [tilespmem:s23+$0xFFFFFF20];
	v29 =	vadd.f32 v42, v31  }
0x3b3: {  	v31 =	vld [tilespmem:s8+$0xFFFFFFA0];
	v28 =	vmin.f32 v61, v28;
	[tilespmem:s22+$0x10] =	vst v30  }
0x3b4: {  	v28 =	vmul.f32 $1.442695020e+00, v28;
	[tilespmem:s19+$0xD0] =	vst v29;
	v29 =	vld [tilespmem:s19+$0xE0]  }
0x3b5: {  	v12 =	vadd.f32 v58, v12;
	v47 =	vld [tilespmem:s8+$0x20]  }
0x3b6: {  	v13 =	vadd.f32 v63, v13;
	v30 =	vld [tilespmem:s14+$0xE0];
	(erf) = vpow2.f32 v28  }
0x3b7: {  	v50 =	vld [tilespmem:s23+$0xFFFFFFA0];
	v28 =	vmul.f32 $2.992709880e-01, v40;
	v12 =	vadd.f32 v60, v12;
	v26 =	vadd.f32 v45, v26  }
0x3b8: {  	v48 =	vld [tilespmem:s15+$0xE0];
	v13 =	vadd.f32 v44, v13;
	v25 =	vadd.f32 v31, v25  }
0x3b9: {  	v52 =	vld [tilespmem:s23+$0x20];
	v28 =	vsub.f32 $9.721037140e-01, v28;
	v49 =	vsub.f32 $0.0e+00, v12  }
0x3ba: {  	v26 =	vadd.f32 v46, v26;
	v51 =	vsub.f32 $0.0e+00, v13  }
0x3bb: {  	v18 =	vadd.f32 v47, v18;
	v31 =	vmin.f32 v12, v49;
	v29 =	vadd.f32 v30, v29  }
0x3bc: {  	v53 =	vsub.f32 $0.0e+00, v26;
	v30 =	vmul.f32 $1.442695020e+00, v31;
	v31 =	vmin.f32 v13, v51  }
0x3bd: {  	v25 =	vadd.f32 v50, v25;
	v31 =	vmul.f32 $1.442695020e+00, v31;
	v29 =	vadd.f32 v48, v29  }
0x3be: {  	v18 =	vadd.f32 v52, v18;
	(erf) = vpow2.f32 v30;
	v30 =	vmin.f32 v26, v53  }
0x3bf: {  	(erf) = vpow2.f32 v31;
	v30 =	vmul.f32 $1.442695020e+00, v30;
	v31 =	vsub.f32 $0.0e+00, v29  }
0x3c0: {  	v27 =	vmax.f32 v27, $0.0e+00;
	v28 =	vmul.f32 v28, v40;
	v55 =	vsub.f32 $0.0e+00, v25  }
0x3c1: {  	v58 =	vsub.f32 $0.0e+00, v18;
	v54 =	vpop (erf);
	(erf) = vpow2.f32 v30;
	v30 =	vmin.f32 v29, v31  }
0x3c2: {  	v56 =	vmul.f32 $2.992709880e-01, v54;
	v31 =	vmin.f32 v25, v55;
	v30 =	vmul.f32 $1.442695020e+00, v30  }
0x3c3: {  	v27 =	vadd.f32 v28, v27;
	v31 =	vmul.f32 $1.442695020e+00, v31  }
0x3c4: {  	v9 =	vld [tilespmem:s19+$0x60];
	v57 =	vsub.f32 $9.721037140e-01, v56;
	(erf) = vpow2.f32 v30;
	v30 =	vmin.f32 v18, v58  }
0x3c5: {  	v19 =	vld [tilespmem:s19+$0x70];
	[tilespmem:s19+$0x40] =	vst v27;
	v27 =	vmul.f32 $1.442695020e+00, v30  }
0x3c6: {  	v17 =	vld [tilespmem:s22+$0xFFFFFF30];
	v28 =	vmul.f32 v57, v54  }
0x3c7: {  	v16 =	vld [tilespmem:s22+$0xFFFFFFB0];
	v32 =	vmax.f32 v61, $0.0e+00  }
0x3c8: {  	v15 =	vld [tilespmem:s22+$0xFFFFFF40];
	(erf) = vpow2.f32 v31;
	v28 =	vadd.f32 v28, v32;
	v31 =	vpop (erf)  }
0x3c9: {  	v20 =	vld [tilespmem:s22+$0xFFFFFF50];
	(erf) = vpow2.f32 v27;
	v27 =	vpop (erf)  }
0x3ca: {  	v30 =	vld [tilespmem:s14+$0x50];
	[tilespmem:s22+$0xA0] =	vst v28;
	v28 =	vmul.f32 $2.992709880e-01, v27  }
0x3cb: {  	v24 =	vld [tilespmem:s22+$0xFFFFFFD0];
	v60 =	vmul.f32 $2.992709880e-01, v31  }
0x3cc: {  	v61 =	vld [tilespmem:s22+$0xB0];
	v28 =	vsub.f32 $9.721037140e-01, v28  }
0x3cd: {  	v62 =	vpop (erf);
	v33 =	vsub.f32 $9.721037140e-01, v60;
	v63 =	vld [tilespmem:s8+$0xB0]  }
0x3ce: {  	v59 =	vld [tilespmem:s15+$0x50];
	v40 =	vmul.f32 $2.992709880e-01, v62  }
0x3cf: {  	v12 =	vmax.f32 v12, $0.0e+00;
	v6 =	vadd.f32 v30, v6;
	v30 =	vmul.f32 v33, v31;
	v31 =	vld [tilespmem:s23+$0xB0]  }
0x3d0: {  	v14 =	vld [tilespmem:s22+$0x30];
	v13 =	vmax.f32 v13, $0.0e+00;
	v41 =	vsub.f32 $9.721037140e-01, v40;
	v27 =	vmul.f32 v28, v27;
	v28 =	vpop (erf)  }
0x3d1: {  	v10 =	vld [tilespmem:s22+$0xFFFFFFC0];
	v26 =	vmax.f32 v26, $0.0e+00;
	v12 =	vadd.f32 v30, v12;
	v30 =	vmul.f32 $2.992709880e-01, v28  }
0x3d2: {  	v11 =	vld [tilespmem:s22+$0x40];
	v42 =	vmul.f32 v41, v62;
	v13 =	vadd.f32 v27, v13;
	v27 =	vadd.f32 v63, v61;
	v43 =	vpop (erf)  }
0x3d3: {  	v21 =	vld [tilespmem:s22+$0x50];
	v6 =	vadd.f32 v59, v6;
	[tilespmem:s19+$0xFFFFFF50] =	vst v12;
	v45 =	vmul.f32 $2.992709880e-01, v43;
	v12 =	vsub.f32 $9.721037140e-01, v30  }
0x3d4: {  	v26 =	vadd.f32 v42, v26;
	v46 =	vld [tilespmem:s14+$0xFFFFFF60];
	[tilespmem:s19+$0xFFFFFFD0] =	vst v13;
	v13 =	vadd.f32 v31, v27  }
0x3d5: {  	v44 =	vsub.f32 $0.0e+00, v6;
	v47 =	vld [tilespmem:s14+$0xFFFFFFE0];
	v31 =	vsub.f32 $9.721037140e-01, v45;
	v30 =	vpop (erf);
	v12 =	vmul.f32 v12, v28  }
0x3d6: {  	v29 =	vmax.f32 v29, $0.0e+00;
	[tilespmem:s22+$0xFFFFFF20] =	vst v26;
	v26 =	vld [tilespmem:s15+$0xFFFFFF60];
	v48 =	vsub.f32 $0.0e+00, v13;
	v27 =	vmul.f32 $2.992709880e-01, v30  }
0x3d7: {  	v49 =	vld [tilespmem:s8+$0xFFFFFF30];
	v28 =	vmin.f32 v6, v44;
	v31 =	vmul.f32 v31, v43;
	v12 =	vadd.f32 v12, v29  }
0x3d8: {  	v25 =	vmax.f32 v25, $0.0e+00;
	v28 =	vmul.f32 $1.442695020e+00, v28;
	v29 =	vld [tilespmem:s23+$0xFFFFFF30];
	v27 =	vsub.f32 $9.721037140e-01, v27  }
0x3d9: {  	v50 =	vmin.f32 v13, v48;
	v25 =	vadd.f32 v31, v25;
	[tilespmem:s19+$0xE0] =	vst v12;
	v12 =	vmax.f32 v18, $0.0e+00;
	v18 =	vld [tilespmem:s19+$0xF0]  }
0x3da: {  	v5 =	vadd.f32 v46, v5;
	v31 =	vmul.f32 $1.442695020e+00, v50;
	v27 =	vmul.f32 v27, v30;
	v30 =	vld [tilespmem:s15+$0xFFFFFFE0]  }
0x3db: {  	(erf) = vpow2.f32 v28;
	[tilespmem:s22+$0xFFFFFFA0] =	vst v25;
	v25 =	vld [tilespmem:s14+$0xF0]  }
0x3dc: {  	(erf) = vpow2.f32 v31;
	v31 =	vadd.f32 v26, v5;
	v26 =	vld [tilespmem:s23+$0xFFFFFFB0];
	v12 =	vadd.f32 v27, v12  }
0x3dd: {  	v5 =	vadd.f32 v49, v17;
	v27 =	vld [tilespmem:s8+$0xFFFFFFB0]  }
0x3de: {  	v4 =	vadd.f32 v47, v4;
	[tilespmem:s22+$0x20] =	vst v12;
	v12 =	vld [tilespmem:s15+$0xF0]  }
0x3df: {  	s10 =	simm.s32 $0x6A80;
	v5 =	vadd.f32 v29, v5;
	v17 =	vld [tilespmem:s8+$0x30]  }
0x3e0: {  	s11 =	simm.s32 $0x7E80;
	v28 =	vsub.f32 $0.0e+00, v31;
	v30 =	vadd.f32 v30, v4;
	v4 =	vld [tilespmem:s10+$0x80]  }
0x3e1: {  	v51 =	vsub.f32 $0.0e+00, v5;
	v18 =	vadd.f32 v25, v18;
	v25 =	vld [tilespmem:s11+$0x80]  }
0x3e2: {  	v13 =	vmax.f32 v13, $0.0e+00  }
0x3e3: {  	s12 =	simm.s32 $0x9280;
	v28 =	vmin.f32 v31, v28;
	v29 =	vld [tilespmem:s23+$0x30];
	v32 =	vmin.f32 v5, v51;
	v16 =	vadd.f32 v27, v16  }
0x3e4: {  	v52 =	vpop (erf);
	v27 =	vmul.f32 $1.442695020e+00, v28;
	v35 =	vadd.f32 v12, v18;
	v12 =	vadd.f32 v17, v14;
	v14 =	vld [tilespmem:s12+$0x80]  }
0x3e5: {  	v53 =	vld [tilespmem:s10+$0xFFFFFF80];
	v28 =	vsub.f32 $0.0e+00, v30;
	v32 =	vmul.f32 $1.442695020e+00, v32;
	v26 =	vadd.f32 v26, v16;
	v17 =	vpop (erf)  }
0x3e6: {  	v55 =	vld [tilespmem:s10+$0xFFFFFF00];
	(erf) = vpow2.f32 v27;
	v4 =	vadd.f32 v25, v4;
	v16 =	vmul.f32 $2.992709880e-01, v17  }
0x3e7: {  	v18 =	vld [tilespmem:s11+$0xFFFFFF00];
	(erf) = vpow2.f32 v32;
	v27 =	vsub.f32 $0.0e+00, v35;
	v25 =	vsub.f32 $0.0e+00, v26  }
0x3e8: {  	v36 =	vadd.f32 v29, v12;
	v12 =	vmin.f32 v30, v28;
	v28 =	vld [tilespmem:s11+$0xFFFFFF80];
	v16 =	vsub.f32 $9.721037140e-01, v16  }
0x3e9: {  	v29 =	vld [tilespmem:s10+$0x0];
	v27 =	vmin.f32 v35, v27;
	v25 =	vmin.f32 v26, v25;
	v4 =	vadd.f32 v14, v4  }
0x3ea: {  	v54 =	vsub.f32 $0.0e+00, v36;
	v14 =	vmul.f32 v16, v17;
	v16 =	vmul.f32 $1.442695020e+00, v27;
	v17 =	vld [tilespmem:s11+$0x0]  }
0x3eb: {  	v12 =	vmul.f32 $1.442695020e+00, v12;
	v25 =	vmul.f32 $1.442695020e+00, v25;
	v27 =	vld [tilespmem:s12+$0xFFFFFF00];
	v56 =	vsub.f32 $0.0e+00, v4  }
0x3ec: {  	v13 =	vadd.f32 v14, v13;
	v14 =	vmin.f32 v36, v54;
	(erf) = vpow2.f32 v16;
	v16 =	vld [tilespmem:s12+$0xFFFFFF80]  }
0x3ed: {  	v57 =	vld [tilespmem:s12+$0x0];
	v14 =	vmul.f32 $1.442695020e+00, v14;
	(erf) = vpow2.f32 v25;
	v25 =	vmin.f32 v4, v56  }
0x3ee: {  	[tilespmem:s22+$0xB0] =	vst v13;
	(erf) = vpow2.f32 v12;
	v12 =	vadd.f32 v18, v55;
	v18 =	vld [tilespmem:s22+$0xC0];
	v13 =	vmul.f32 $1.442695020e+00, v25  }
0x3ef: {  	v25 =	vadd.f32 v28, v53;
	(erf) = vpow2.f32 v14;
	v14 =	vld [tilespmem:s8+$0xC0]  }
0x3f0: {  	v37 =	vadd.f32 v27, v12;
	(erf) = vpow2.f32 v13  }
0x3f1: {  	v12 =	vadd.f32 v17, v29;
	v38 =	vadd.f32 v16, v25;
	v13 =	vld [tilespmem:s23+$0xC0]  }
0x3f2: {  	v6 =	vmax.f32 v6, $0.0e+00;
	v31 =	vmax.f32 v31, $0.0e+00;
	v16 =	vsub.f32 $0.0e+00, v37  }
0x3f3: {  	v5 =	vmax.f32 v5, $0.0e+00;
	v40 =	vpop (erf);
	v39 =	vadd.f32 v57, v12;
	v12 =	vsub.f32 $0.0e+00, v38  }
0x3f4: {  	v58 =	vpop (erf);
	v17 =	vmul.f32 $2.992709880e-01, v52;
	v25 =	vmin.f32 v37, v16;
	v14 =	vadd.f32 v14, v18  }
0x3f5: {  	v18 =	vsub.f32 $0.0e+00, v39;
	v59 =	vpop (erf);
	v12 =	vmin.f32 v38, v12;
	v25 =	vmul.f32 $1.442695020e+00, v25  }
0x3f6: {  	v60 =	vpop (erf);
	v12 =	vmul.f32 $1.442695020e+00, v12;
	v44 =	vadd.f32 v13, v14;
	v13 =	vsub.f32 $9.721037140e-01, v17  }
0x3f7: {  	v14 =	vmin.f32 v39, v18;
	v17 =	vmul.f32 $2.992709880e-01, v58;
	v45 =	vpop (erf);
	(erf) = vpow2.f32 v25  }
0x3f8: {  	v22 =	vld [tilespmem:s22+$0xFFFFFFE0];
	v14 =	vmul.f32 $1.442695020e+00, v14;
	v46 =	vpop (erf);
	(erf) = vpow2.f32 v12;
	v12 =	vsub.f32 $0.0e+00, v44  }
0x3f9: {  	v23 =	vld [tilespmem:s22+$0xFFFFFF60];
	v35 =	vmax.f32 v35, $0.0e+00;
	v50 =	vmul.f32 $2.992709880e-01, v60;
	v13 =	vmul.f32 v13, v52;
	v61 =	vpop (erf)  }
0x3fa: {  	v2 =	vld [tilespmem:s22+$0x60];
	(erf) = vpow2.f32 v14;
	v12 =	vmin.f32 v44, v12;
	v14 =	vmul.f32 $2.992709880e-01, v61  }
0x3fb: {  	v3 =	vld [tilespmem:s22+$0xFFFFFF70];
	v47 =	vadd.f32 v13, v6;
	v6 =	vsub.f32 $9.721037140e-01, v17;
	v48 =	vmul.f32 $1.442695020e+00, v12  }
0x3fc: {  	v1 =	vld [tilespmem:s22+$0xFFFFFFF0];
	v49 =	vmul.f32 $2.992709880e-01, v59;
	v52 =	vmax.f32 v26, $0.0e+00;
	v51 =	vsub.f32 $9.721037140e-01, v14  }
0x3fd: {  	v0 =	vld [tilespmem:s22+$0x70];
	v53 =	vsub.f32 $9.721037140e-01, v50;
	v26 =	vmul.f32 v6, v58;
	(erf) = vpow2.f32 v48  }
0x3fe: {  	v33 =	vld [tilespmem:s10+$0xFFFFFF90];
	v62 =	vsub.f32 $9.721037140e-01, v49;
	v63 =	vmul.f32 $2.992709880e-01, v46;
	v34 =	vmul.f32 v51, v61  }
0x3ff: {  	v32 =	vld [tilespmem:s10+$0xFFFFFF10];
	v4 =	vmax.f32 v4, $0.0e+00;
	v43 =	vmul.f32 v53, v60;
	v26 =	vadd.f32 v26, v5  }
0x400: {  	v16 =	vld [tilespmem:s10+$0x10];
	v41 =	vmul.f32 v62, v59;
	v54 =	vsub.f32 $9.721037140e-01, v63;
	v48 =	vpop (erf);
	v34 =	vadd.f32 v34, v4  }
0x401: {  	v63 =	vmul.f32 $2.992709880e-01, v40;
	v59 =	vadd.f32 v43, v52;
	v43 =	vld [tilespmem:s10+$0x90];
	[tilespmem:s22+$0xFFFFFF30] =	vst v26;
	v55 =	vmul.f32 $2.992709880e-01, v48;
	v50 =	vpop (erf)  }
0x402: {  	v56 =	vmul.f32 v54, v46;
	v26 =	vadd.f32 v41, v35;
	v41 =	vld [tilespmem:s8+$0xFFFFFF40];
	v57 =	vmul.f32 $2.992709880e-01, v50;
	[tilespmem:s10+$0x80] =	vst v34  }
0x403: {  	v37 =	vmax.f32 v37, $0.0e+00;
	v58 =	vmax.f32 v36, $0.0e+00;
	v60 =	vpop (erf);
	v49 =	vsub.f32 $9.721037140e-01, v55;
	v62 =	vld [tilespmem:s11+$0x90]  }
0x404: {  	v52 =	vsub.f32 $9.721037140e-01, v63;
	[tilespmem:s22+$0xFFFFFFB0] =	vst v59;
	v61 =	vmul.f32 $2.992709880e-01, v60;
	v42 =	vsub.f32 $9.721037140e-01, v57;
	v36 =	vld [tilespmem:s12+$0x90]  }
0x405: {  	v38 =	vmax.f32 v38, $0.0e+00;
	v34 =	vadd.f32 v56, v58;
	v57 =	vld [tilespmem:s8+$0xFFFFFFC0];
	v48 =	vmul.f32 v49, v48  }
0x406: {  	v40 =	vmul.f32 v52, v40;
	v49 =	vld [tilespmem:s23+$0xFFFFFF40];
	v35 =	vsub.f32 $9.721037140e-01, v61;
	v42 =	vmul.f32 v42, v50;
	v56 =	vpop (erf)  }
0x407: {  	v39 =	vmax.f32 v39, $0.0e+00;
	[tilespmem:s22+$0x30] =	vst v34;
	v61 =	vld [tilespmem:s23+$0xFFFFFFC0];
	v37 =	vadd.f32 v48, v37;
	v58 =	vmul.f32 $2.992709880e-01, v56  }
0x408: {  	v31 =	vadd.f32 v40, v31;
	v59 =	vld [tilespmem:s8+$0x40];
	v35 =	vmul.f32 v35, v60;
	v38 =	vadd.f32 v42, v38  }
0x409: {  	v60 =	vmul.f32 $2.992709880e-01, v45;
	v43 =	vadd.f32 v62, v43;
	v48 =	vsub.f32 $9.721037140e-01, v58;
	[tilespmem:s10+$0xFFFFFF00] =	vst v37;
	v62 =	vld [tilespmem:s23+$0x40]  }
0x40a: {  	v15 =	vadd.f32 v41, v15;
	v35 =	vadd.f32 v35, v39;
	v52 =	vld [tilespmem:s11+$0xFFFFFF10]  }
0x40b: {  	v63 =	vsub.f32 $9.721037140e-01, v60;
	v10 =	vadd.f32 v57, v10;
	[tilespmem:s10+$0xFFFFFF80] =	vst v38;
	v57 =	vld [tilespmem:s12+$0xFFFFFF10];
	v53 =	vmul.f32 v48, v56  }
0x40c: {  	v55 =	vmax.f32 v44, $0.0e+00;
	v15 =	vadd.f32 v49, v15;
	v36 =	vadd.f32 v36, v43;
	v54 =	vld [tilespmem:s11+$0xFFFFFF90]  }
0x40d: {  	[tilespmem:s10+$0x0] =	vst v35;
	v39 =	vmul.f32 v63, v45;
	v58 =	vld [tilespmem:s12+$0xFFFFFF90];
	v10 =	vadd.f32 v61, v10;
	v35 =	vadd.f32 v53, v55  }
0x40e: {  	v30 =	vmax.f32 v30, $0.0e+00;
	v11 =	vadd.f32 v59, v11;
	v61 =	vld [tilespmem:s22+$0xD0];
	v43 =	vsub.f32 $0.0e+00, v36  }
0x40f: {  	v56 =	vld [tilespmem:s11+$0x10];
	v30 =	vadd.f32 v39, v30;
	v45 =	vsub.f32 $0.0e+00, v10;
	[tilespmem:s22+$0xC0] =	vst v35  }
0x410: {  	v11 =	vadd.f32 v62, v11;
	v59 =	vmin.f32 v36, v43;
	v32 =	vadd.f32 v52, v32;
	v63 =	vld [tilespmem:s8+$0xD0]  }
0x411: {  	v46 =	vld [tilespmem:s12+$0x10];
	v62 =	vsub.f32 $0.0e+00, v15;
	v60 =	vmul.f32 $1.442695020e+00, v59;
	v33 =	vadd.f32 v54, v33  }
0x412: {  	v43 =	vmin.f32 v10, v45;
	v48 =	vsub.f32 $0.0e+00, v11;
	v49 =	vld [tilespmem:s23+$0xD0];
	v32 =	vadd.f32 v57, v32  }
0x413: {  	v39 =	vmin.f32 v15, v62;
	(erf) = vpow2.f32 v60;
	v33 =	vadd.f32 v58, v33  }
0x414: {  	v16 =	vadd.f32 v56, v16;
	v50 =	vmul.f32 $1.442695020e+00, v39;
	v51 =	vsub.f32 $0.0e+00, v32  }
0x415: {  	v52 =	vmul.f32 $1.442695020e+00, v43;
	v53 =	vsub.f32 $0.0e+00, v33;
	v37 =	vadd.f32 v63, v61  }
0x416: {  	[tilespmem:s19+$0x50] =	vst v47;
	(erf) = vpow2.f32 v50;
	v16 =	vadd.f32 v46, v16;
	v54 =	vmin.f32 v32, v51  }
0x417: {  	v55 =	vld [tilespmem:s14+$0x60];
	v38 =	vmul.f32 $1.442695020e+00, v54;
	v56 =	vmin.f32 v33, v53;
	v34 =	vadd.f32 v49, v37  }
0x418: {  	(erf) = vpow2.f32 v52;
	v58 =	vsub.f32 $0.0e+00, v16;
	v57 =	vmul.f32 $1.442695020e+00, v56  }
0x419: {  	v35 =	vmin.f32 v11, v48;
	v60 =	vld [tilespmem:s15+$0x60];
	(erf) = vpow2.f32 v38;
	v59 =	vsub.f32 $0.0e+00, v34  }
0x41a: {  	v35 =	vmul.f32 $1.442695020e+00, v35;
	v40 =	vmin.f32 v16, v58;
	(erf) = vpow2.f32 v57  }
0x41b: {  	[tilespmem:s19+$0xFFFFFFE0] =	vst v30;
	v40 =	vmul.f32 $1.442695020e+00, v40;
	v38 =	vmin.f32 v34, v59  }
0x41c: {  	[tilespmem:s19+$0xFFFFFF60] =	vst v31;
	v9 =	vadd.f32 v55, v9;
	v48 =	vld [tilespmem:s14+$0xFFFFFFF0];
	(erf) = vpow2.f32 v35;
	v61 =	vpop (erf);
	v31 =	vmul.f32 $1.442695020e+00, v38  }
0x41d: {  	v30 =	vmax.f32 v15, $0.0e+00;
	v63 =	vld [tilespmem:s14+$0xFFFFFF70];
	(erf) = vpow2.f32 v40;
	v62 =	vmul.f32 $2.992709880e-01, v61  }
0x41e: {  	v36 =	vmax.f32 v36, $0.0e+00;
	v9 =	vadd.f32 v60, v9;
	(erf) = vpow2.f32 v31  }
0x41f: {  	v42 =	vmax.f32 v11, $0.0e+00;
	v37 =	vmax.f32 v16, $0.0e+00;
	v16 =	vld [tilespmem:s15+$0xFFFFFFF0];
	v15 =	vsub.f32 $9.721037140e-01, v62  }
0x420: {  	v32 =	vmax.f32 v32, $0.0e+00;
	v33 =	vmax.f32 v33, $0.0e+00;
	v51 =	vsub.f32 $0.0e+00, v9;
	v31 =	vpop (erf)  }
0x421: {  	v49 =	vld [tilespmem:s15+$0xFFFFFF70];
	v8 =	vadd.f32 v48, v8;
	v15 =	vmul.f32 v15, v61;
	v50 =	vmul.f32 $2.992709880e-01, v31;
	v52 =	vpop (erf)  }
0x422: {  	v45 =	vmax.f32 v9, $0.0e+00;
	v7 =	vadd.f32 v63, v7;
	v9 =	vmin.f32 v9, v51;
	v54 =	vpop (erf)  }
0x423: {  	v36 =	vadd.f32 v15, v36;
	v53 =	vmul.f32 $2.992709880e-01, v52;
	v41 =	vsub.f32 $9.721037140e-01, v50;
	v57 =	vpop (erf)  }
0x424: {  	v28 =	vld [tilespmem:s10+$0xFFFFFF20];
	v9 =	vmul.f32 $1.442695020e+00, v9;
	v46 =	vadd.f32 v16, v8;
	v16 =	vmul.f32 $2.992709880e-01, v57  }
0x425: {  	v56 =	vld [tilespmem:s10+$0xA0];
	v58 =	vmul.f32 $2.992709880e-01, v54;
	[tilespmem:s10+$0x90] =	vst v36;
	v55 =	vsub.f32 $9.721037140e-01, v53;
	v48 =	vpop (erf);
	v31 =	vmul.f32 v41, v31  }
0x426: {  	v40 =	vadd.f32 v49, v7;
	(erf) = vpow2.f32 v9;
	v59 =	vld [tilespmem:s11+$0xA0];
	v60 =	vpop (erf);
	v63 =	vsub.f32 $9.721037140e-01, v16  }
0x427: {  	v29 =	vld [tilespmem:s10+$0xFFFFFFA0];
	v43 =	vsub.f32 $9.721037140e-01, v58;
	v30 =	vadd.f32 v31, v30;
	v31 =	vmul.f32 v55, v52;
	v62 =	vpop (erf)  }
0x428: {  	v38 =	vmax.f32 v10, $0.0e+00;
	v61 =	vld [tilespmem:s12+$0xA0];
	v52 =	vmul.f32 $2.992709880e-01, v62;
	v41 =	vmul.f32 v63, v57  }
0x429: {  	v27 =	vld [tilespmem:s10+$0x20];
	v44 =	vsub.f32 $0.0e+00, v40;
	v31 =	vadd.f32 v31, v38;
	[tilespmem:s22+$0xFFFFFF40] =	vst v30;
	v30 =	vmul.f32 v43, v54  }
0x42a: {  	v53 =	vmul.f32 $2.992709880e-01, v60;
	v54 =	vld [tilespmem:s8+$0xFFFFFF50];
	v38 =	vsub.f32 $9.721037140e-01, v52;
	v33 =	vadd.f32 v41, v33  }
0x42b: {  	v55 =	vmul.f32 $2.992709880e-01, v48;
	v57 =	vld [tilespmem:s23+$0xFFFFFF50];
	[tilespmem:s22+$0xFFFFFFC0] =	vst v31;
	v31 =	vadd.f32 v59, v56;
	v30 =	vadd.f32 v30, v32  }
0x42c: {  	v58 =	vsub.f32 $0.0e+00, v46;
	v35 =	vsub.f32 $9.721037140e-01, v53;
	v56 =	vld [tilespmem:s8+$0xFFFFFFD0];
	v38 =	vmul.f32 v38, v62;
	[tilespmem:s10+$0xFFFFFF90] =	vst v33  }
0x42d: {  	v39 =	vsub.f32 $9.721037140e-01, v55;
	v59 =	vld [tilespmem:s23+$0xFFFFFFD0];
	v31 =	vadd.f32 v61, v31;
	[tilespmem:s10+$0xFFFFFF10] =	vst v30;
	v30 =	vmax.f32 v34, $0.0e+00  }
0x42e: {  	v63 =	vmin.f32 v40, v44;
	v60 =	vmul.f32 v35, v60;
	v51 =	vld [tilespmem:s11+$0xFFFFFFA0];
	v30 =	vadd.f32 v38, v30  }
0x42f: {  	v36 =	vmul.f32 $1.442695020e+00, v63;
	v50 =	vmul.f32 v39, v48;
	v52 =	vpop (erf);
	v61 =	vld [tilespmem:s11+$0xFFFFFF20];
	v62 =	vsub.f32 $0.0e+00, v31  }
0x430: {  	v55 =	vld [tilespmem:s22+$0xE0];
	v34 =	vadd.f32 v60, v37;
	v20 =	vadd.f32 v54, v20;
	[tilespmem:s22+$0xD0] =	vst v30;
	v30 =	vmul.f32 $2.992709880e-01, v52  }
0x431: {  	v53 =	vld [tilespmem:s12+$0xFFFFFF20];
	v38 =	vadd.f32 v50, v42;
	v24 =	vadd.f32 v56, v24;
	v33 =	vmin.f32 v31, v62  }
0x432: {  	v20 =	vadd.f32 v57, v20;
	v57 =	vld [tilespmem:s8+$0xE0];
	v54 =	vmul.f32 $1.442695020e+00, v33;
	v30 =	vsub.f32 $9.721037140e-01, v30  }
0x433: {  	[tilespmem:s10+$0x10] =	vst v34;
	v56 =	vmin.f32 v46, v58;
	v60 =	vld [tilespmem:s23+$0xE0];
	v29 =	vadd.f32 v51, v29;
	v24 =	vadd.f32 v59, v24  }
0x434: {  	v58 =	vsub.f32 $0.0e+00, v20;
	v59 =	vld [tilespmem:s11+$0x20];
	v28 =	vadd.f32 v61, v28;
	(erf) = vpow2.f32 v54  }
0x435: {  	v62 =	vld [tilespmem:s12+$0xFFFFFFA0];
	v32 =	vmax.f32 v20, $0.0e+00;
	v30 =	vmul.f32 v30, v52;
	v61 =	vsub.f32 $0.0e+00, v24  }
0x436: {  	v20 =	vmin.f32 v20, v58;
	v42 =	vmax.f32 v24, $0.0e+00;
	v28 =	vadd.f32 v53, v28  }
0x437: {  	v63 =	vld [tilespmem:s12+$0x20];
	v20 =	vmul.f32 $1.442695020e+00, v20;
	v33 =	vadd.f32 v57, v55;
	v24 =	vmin.f32 v24, v61  }
0x438: {  	v18 =	vld [tilespmem:s10+$0xFFFFFFB0];
	v30 =	vadd.f32 v30, v45;
	v44 =	vsub.f32 $0.0e+00, v28;
	v24 =	vmul.f32 $1.442695020e+00, v24  }
0x439: {  	v25 =	vld [tilespmem:s10+$0xFFFFFF30];
	v27 =	vadd.f32 v59, v27;
	(erf) = vpow2.f32 v20;
	v33 =	vadd.f32 v60, v33  }
0x43a: {  	v17 =	vld [tilespmem:s10+$0x30];
	v45 =	vmin.f32 v28, v44;
	(erf) = vpow2.f32 v24;
	v24 =	vadd.f32 v62, v29  }
0x43b: {  	v13 =	vld [tilespmem:s10+$0xFFFFFFC0];
	[tilespmem:s22+$0x40] =	vst v38;
	v29 =	vmul.f32 $1.442695020e+00, v45;
	v47 =	vsub.f32 $0.0e+00, v33  }
0x43c: {  	v38 =	vld [tilespmem:s8+$0x50];
	[tilespmem:s19+$0x60] =	vst v30;
	v27 =	vadd.f32 v63, v27;
	(erf) = vpow2.f32 v36;
	v30 =	vsub.f32 $0.0e+00, v24  }
0x43d: {  	v16 =	vmax.f32 v40, $0.0e+00;
	v50 =	vld [tilespmem:s23+$0x50];
	(erf) = vpow2.f32 v29;
	v35 =	vmin.f32 v33, v47;
	v48 =	vpop (erf)  }
0x43e: {  	v49 =	vld [tilespmem:s14+$0x70];
	v51 =	vsub.f32 $0.0e+00, v27;
	v29 =	vmul.f32 $2.992709880e-01, v48;
	v30 =	vmin.f32 v24, v30  }
0x43f: {  	v12 =	vld [tilespmem:s10+$0xFFFFFF40];
	v31 =	vmax.f32 v31, $0.0e+00;
	v35 =	vmul.f32 $1.442695020e+00, v35;
	v30 =	vmul.f32 $1.442695020e+00, v30  }
0x440: {  	v6 =	vld [tilespmem:s10+$0xFFFFFF50];
	v34 =	vmul.f32 $1.442695020e+00, v56;
	v40 =	vmin.f32 v27, v51;
	v29 =	vsub.f32 $9.721037140e-01, v29  }
0x441: {  	v21 =	vadd.f32 v38, v21;
	v52 =	vld [tilespmem:s15+$0x70];
	(erf) = vpow2.f32 v35;
	v53 =	vmul.f32 $1.442695020e+00, v40  }
0x442: {  	v14 =	vld [tilespmem:s10+$0x40];
	v20 =	vmax.f32 v46, $0.0e+00;
	(erf) = vpow2.f32 v30;
	v29 =	vmul.f32 v29, v48  }
0x443: {  	v5 =	vld [tilespmem:s10+$0xFFFFFFD0];
	v21 =	vadd.f32 v50, v21;
	v19 =	vadd.f32 v49, v19;
	v30 =	vpop (erf);
	(erf) = vpow2.f32 v53  }
0x444: {  	v4 =	vld [tilespmem:s10+$0x50];
	v54 =	vpop (erf);
	v29 =	vadd.f32 v29, v31;
	v31 =	vmax.f32 v24, $0.0e+00;
	v24 =	vmul.f32 $2.992709880e-01, v30  }
0x445: {  	v11 =	vld [tilespmem:s10+$0xFFFFFFE0];
	v28 =	vmax.f32 v28, $0.0e+00;
	v37 =	vmax.f32 v27, $0.0e+00;
	v27 =	vsub.f32 $0.0e+00, v21;
	v39 =	vpop (erf)  }
0x446: {  	v19 =	vadd.f32 v52, v19;
	v55 =	vmul.f32 $2.992709880e-01, v54;
	[tilespmem:s10+$0xA0] =	vst v29;
	v29 =	vld [tilespmem:s10+$0xB0];
	v56 =	vpop (erf);
	v24 =	vsub.f32 $9.721037140e-01, v24  }
0x447: {  	v59 =	vmin.f32 v21, v27;
	v27 =	vmax.f32 v21, $0.0e+00;
	v57 =	vmul.f32 $2.992709880e-01, v56;
	v58 =	vld [tilespmem:s11+$0xB0]  }
0x448: {  	v10 =	vld [tilespmem:s10+$0xFFFFFF60];
	v36 =	vsub.f32 $9.721037140e-01, v55;
	v21 =	vmul.f32 v24, v30;
	v24 =	vmul.f32 $1.442695020e+00, v59  }
0x449: {  	v7 =	vld [tilespmem:s10+$0xFFFFFF70];
	v60 =	vsub.f32 $0.0e+00, v19;
	(erf) = vpow2.f32 v34;
	v30 =	vsub.f32 $9.721037140e-01, v57  }
0x44a: {  	v61 =	vld [tilespmem:s12+$0xB0];
	v63 =	vpop (erf);
	v35 =	vmul.f32 v36, v54;
	v21 =	vadd.f32 v21, v32;
	(erf) = vpow2.f32 v24  }
0x44b: {  	v8 =	vld [tilespmem:s10+$0xFFFFFFF0];
	v62 =	vmin.f32 v19, v60;
	v24 =	vmul.f32 $2.992709880e-01, v63;
	v45 =	vpop (erf);
	v30 =	vmul.f32 v30, v56  }
0x44c: {  	v15 =	vld [tilespmem:s10+$0x60];
	v35 =	vadd.f32 v35, v42;
	v46 =	vmul.f32 $2.992709880e-01, v45;
	v29 =	vadd.f32 v58, v29;
	[tilespmem:s22+$0xFFFFFF50] =	vst v21  }
0x44d: {  	v44 =	vmul.f32 $1.442695020e+00, v62;
	v47 =	vpop (erf);
	v21 =	vsub.f32 $9.721037140e-01, v24;
	v24 =	vadd.f32 v30, v28;
	v48 =	vld [tilespmem:s8+$0xFFFFFF60]  }
0x44e: {  	v28 =	vmul.f32 $2.992709880e-01, v47;
	[tilespmem:s22+$0xFFFFFFD0] =	vst v35;
	v49 =	vsub.f32 $9.721037140e-01, v46;
	v51 =	vld [tilespmem:s23+$0xFFFFFF60]  }
0x44f: {  	v50 =	vmul.f32 $2.992709880e-01, v39;
	(erf) = vpow2.f32 v44;
	v30 =	vadd.f32 v61, v29;
	v29 =	vld [tilespmem:s8+$0xFFFFFFE0];
	[tilespmem:s10+$0xFFFFFF20] =	vst v24  }
0x450: {  	v21 =	vmul.f32 v21, v63;
	v28 =	vsub.f32 $9.721037140e-01, v28;
	v35 =	vmul.f32 v49, v45;
	v52 =	vld [tilespmem:s11+$0xFFFFFF30]  }
0x451: {  	v33 =	vmax.f32 v33, $0.0e+00;
	v57 =	vld [tilespmem:s23+$0xFFFFFFE0];
	v61 =	vsub.f32 $9.721037140e-01, v50;
	v53 =	vsub.f32 $0.0e+00, v30  }
0x452: {  	v9 =	vld [tilespmem:s10+$0x70];
	v21 =	vadd.f32 v21, v33;
	v24 =	vpop (erf);
	v28 =	vmul.f32 v28, v47;
	v31 =	vadd.f32 v35, v31  }
0x453: {  	v54 =	vld [tilespmem:s12+$0xFFFFFF30];
	v55 =	vmul.f32 $2.992709880e-01, v24;
	v56 =	vmin.f32 v30, v53;
	v23 =	vadd.f32 v48, v23  }
0x454: {  	v58 =	vld [tilespmem:s22+$0xF0];
	[tilespmem:s22+$0xE0] =	vst v21;
	v21 =	vadd.f32 v28, v37;
	v28 =	vmul.f32 $1.442695020e+00, v56;
	v22 =	vadd.f32 v29, v22;
	v59 =	vpop (erf)  }
0x455: {  	[tilespmem:s10+$0xFFFFFFA0] =	vst v31;
	v60 =	vld [tilespmem:s8+$0xF0];
	v31 =	vadd.f32 v51, v23;
	v23 =	vmul.f32 $2.992709880e-01, v59;
	v62 =	vadd.f32 v52, v25  }
0x456: {  	v32 =	vld [tilespmem:s11+$0xFFFFFFB0];
	(erf) = vpow2.f32 v28;
	v25 =	vsub.f32 $9.721037140e-01, v55;
	v28 =	vadd.f32 v57, v22  }
0x457: {  	v19 =	vmax.f32 v19, $0.0e+00;
	v35 =	vld [tilespmem:s23+$0xF0];
	[tilespmem:s10+$0x20] =	vst v21;
	v38 =	vsub.f32 $0.0e+00, v31;
	v63 =	vsub.f32 $9.721037140e-01, v23  }
0x458: {  	v22 =	vmul.f32 v61, v39;
	v29 =	vmax.f32 v31, $0.0e+00;
	v34 =	vld [tilespmem:s11+$0x30];
	v21 =	vpop (erf);
	v37 =	vadd.f32 v54, v62  }
0x459: {  	s13 =	simm.s32 $0x8;
	v33 =	vld [tilespmem:s12+$0xFFFFFFB0];
	v23 =	vmul.f32 $2.992709880e-01, v21;
	v38 =	vmin.f32 v31, v38;
	v31 =	vmul.f32 v63, v59  }
0x45a: {  	s9 =	simm.s32 $0x7E80;
	s0 =	simm.s32 $0x9280;
	[tilespmem:s19+$0xF0] =	vst v26;
	s14 =	simm.s32 $0x6C80;
	v36 =	vld [tilespmem:s12+$0x30];
	v40 =	vadd.f32 v60, v58;
	v39 =	vsub.f32 $0.0e+00, v37;
	v26 =	vmax.f32 v37, $0.0e+00  }
.LBB2_5:
0x45b: {  	v41 =	vld [tilespmem:s14+$0x80];
	v18 =	vadd.f32 v32, v18;
	s11 =	sadd.s32 $0x200, s11;
	v32 =	vmul.f32 $1.442695020e+00, v38;
	v27 =	vadd.f32 v31, v27  }
0x45c: {  	s13 =	sadd.s32 $0x4, s13;
	v38 =	vsub.f32 $0.0e+00, v28;
	v31 =	vld [tilespmem:s11+$0x80];
	v37 =	vmin.f32 v37, v39;
	v39 =	vadd.f32 v35, v40  }
0x45d: {  	s12 =	sadd.s32 $0x200, s12;
	p0 =	slt.u32 s13, $0x24;
	v35 =	vld [tilespmem:s11+$0xFFFFFF00];
	v37 =	vmul.f32 $1.442695020e+00, v37;
	v17 =	vadd.f32 v34, v17;
	[tilespmem:s22+$0x50] =	vst v27;
	(erf) = vpow2.f32 v32  }
0x45e: {  	v32 =	vmin.f32 v28, v38;
	v27 =	vld [tilespmem:s12+$0x80];
	v18 =	vadd.f32 v33, v18;
	v33 =	vsub.f32 $0.0e+00, v39  }
0x45f: {  	v34 =	vld [tilespmem:s14+$0xFFFFFF80];
	v17 =	vadd.f32 v36, v17;
	(erf) = vpow2.f32 v37;
	v36 =	vpop (erf);
	v37 =	vmul.f32 $1.442695020e+00, v32  }
0x460: {  	v32 =	vld [tilespmem:s11+$0xFFFFFF80];
	v38 =	vsub.f32 $0.0e+00, v18;
	v40 =	vmul.f32 $2.992709880e-01, v36;
	v33 =	vmin.f32 v39, v33  }
0x461: {  	v42 =	vld [tilespmem:s14+$0x0];
	v31 =	vadd.f32 v31, v41;
	v41 =	vsub.f32 $0.0e+00, v17;
	v33 =	vmul.f32 $1.442695020e+00, v33  }
0x462: {  	v44 =	vmax.f32 v18, $0.0e+00;
	v43 =	vld [tilespmem:s11+$0x0];
	v38 =	vmin.f32 v18, v38;
	v18 =	vsub.f32 $9.721037140e-01, v40  }
0x463: {  	v40 =	vld [tilespmem:s14+$0xFFFFFF00];
	v45 =	vadd.f32 v27, v31;
	v27 =	vmin.f32 v17, v41;
	(erf) = vpow2.f32 v33  }
0x464: {  	v33 =	vmul.f32 $1.442695020e+00, v38;
	v38 =	vmax.f32 v17, $0.0e+00;
	v31 =	vld [tilespmem:s12+$0xFFFFFF00];
	v17 =	vmul.f32 v18, v36  }
0x465: {  	v30 =	vmax.f32 v30, $0.0e+00;
	v18 =	vadd.f32 v32, v34;
	v34 =	vld [tilespmem:s12+$0xFFFFFF80];
	v36 =	vsub.f32 $0.0e+00, v45  }
0x466: {  	v27 =	vmul.f32 $1.442695020e+00, v27;
	v41 =	vld [tilespmem:s12+$0x0];
	v17 =	vadd.f32 v17, v30;
	(erf) = vpow2.f32 v33;
	v46 =	vpop (erf)  }
0x467: {  	v32 =	vld [tilespmem:s14+$0xFFFFFF10];
	v30 =	vadd.f32 v43, v42;
	v33 =	vmin.f32 v45, v36;
	(erf) = vpow2.f32 v37  }
0x468: {  	v35 =	vadd.f32 v35, v40;
	v36 =	vmul.f32 $1.442695020e+00, v33;
	[tilespmem:s10+$0xB0] =	vst v17;
	v17 =	vld [tilespmem:s10+$0xC0];
	v37 =	vpop (erf);
	(erf) = vpow2.f32 v27  }
0x469: {  	v42 =	vmul.f32 $2.992709880e-01, v46;
	v43 =	vmax.f32 v28, $0.0e+00;
	v27 =	vmul.f32 $2.992709880e-01, v37;
	v40 =	vld [tilespmem:s9+$0xC0]  }
0x46a: {  	v28 =	vadd.f32 v31, v35;
	v18 =	vadd.f32 v34, v18;
	v33 =	vld [tilespmem:s14+$0xFFFFFF90];
	(erf) = vpow2.f32 v36  }
0x46b: {  	v36 =	vmul.f32 v25, v24;
	v30 =	vadd.f32 v41, v30;
	v31 =	vsub.f32 $9.721037140e-01, v27;
	v35 =	vld [tilespmem:s0+$0xC0]  }
0x46c: {  	v24 =	vsub.f32 $0.0e+00, v28;
	v41 =	vmax.f32 v28, $0.0e+00;
	v25 =	vsub.f32 $0.0e+00, v18;
	v34 =	vld [tilespmem:s14+$0x10];
	v47 =	vpop (erf)  }
0x46d: {  	v48 =	vmax.f32 v18, $0.0e+00;
	v27 =	vld [tilespmem:s14+$0xFFFFFF20];
	v49 =	vsub.f32 $0.0e+00, v30;
	v50 =	vmul.f32 $2.992709880e-01, v47  }
0x46e: {  	v24 =	vmin.f32 v28, v24;
	v18 =	vmin.f32 v18, v25;
	v28 =	vld [tilespmem:s14+$0xFFFFFFA0];
	v17 =	vadd.f32 v40, v17  }
0x46f: {  	v55 =	vmul.f32 $1.442695020e+00, v24;
	v49 =	vmin.f32 v30, v49;
	v24 =	vld [tilespmem:s14+$0x20];
	v51 =	vpop (erf);
	v50 =	vsub.f32 $9.721037140e-01, v50  }
0x470: {  	v52 =	vmul.f32 $1.442695020e+00, v18;
	v25 =	vld [tilespmem:s14+$0xFFFFFF30];
	v56 =	vmul.f32 $1.442695020e+00, v49;
	v35 =	vadd.f32 v35, v17;
	v53 =	vpop (erf)  }
0x471: {  	v54 =	vmax.f32 v30, $0.0e+00;
	v18 =	vld [tilespmem:s14+$0xFFFFFFB0];
	(erf) = vpow2.f32 v55;
	v40 =	vpop (erf);
	v30 =	vmul.f32 v50, v47  }
0x472: {  	v39 =	vmax.f32 v39, $0.0e+00;
	v17 =	vld [tilespmem:s14+$0x30];
	(erf) = vpow2.f32 v52;
	v47 =	vsub.f32 $0.0e+00, v35  }
0x473: {  	v52 =	vmul.f32 $2.992709880e-01, v51;
	v50 =	vld [tilespmem:s14+$0xFFFFFF40];
	(erf) = vpow2.f32 v56;
	v49 =	vpop (erf);
	v30 =	vadd.f32 v30, v39  }
0x474: {  	v56 =	vmul.f32 $2.992709880e-01, v40;
	v39 =	vld [tilespmem:s14+$0xFFFFFFC0];
	v55 =	vmul.f32 $2.992709880e-01, v49;
	v47 =	vmin.f32 v35, v47  }
0x475: {  	v37 =	vmul.f32 v31, v37;
	v52 =	vsub.f32 $9.721037140e-01, v52;
	v57 =	vld [tilespmem:s14+$0x40];
	v47 =	vmul.f32 $1.442695020e+00, v47;
	[tilespmem:s22+$0xF0] =	vst v30  }
0x476: {  	v58 =	vmul.f32 $2.992709880e-01, v53;
	v56 =	vsub.f32 $9.721037140e-01, v56;
	v31 =	vld [tilespmem:s14+$0xFFFFFF50];
	v55 =	vsub.f32 $9.721037140e-01, v55  }
0x477: {  	v37 =	vadd.f32 v37, v26;
	v51 =	vmul.f32 v52, v51;
	v30 =	vld [tilespmem:s14+$0xFFFFFFD0];
	(erf) = vpow2.f32 v47  }
0x478: {  	v42 =	vsub.f32 $9.721037140e-01, v42;
	v40 =	vmul.f32 v56, v40;
	v26 =	vld [tilespmem:s14+$0x50];
	v52 =	vmul.f32 v55, v49  }
0x479: {  	v45 =	vmax.f32 v45, $0.0e+00;
	[tilespmem:s10+$0xFFFFFF30] =	vst v37;
	v37 =	vadd.f32 v51, v44;
	v44 =	vsub.f32 $9.721037140e-01, v58;
	v49 =	vld [tilespmem:s8+$0x60]  }
0x47a: {  	v38 =	vadd.f32 v40, v38;
	v40 =	vmul.f32 v42, v46;
	v45 =	vadd.f32 v52, v45;
	v47 =	vpop (erf);
	v51 =	vld [tilespmem:s9+$0xFFFFFF40]  }
0x47b: {  	v23 =	vsub.f32 $9.721037140e-01, v23;
	v42 =	vmul.f32 $2.992709880e-01, v47;
	v46 =	vpop (erf);
	v52 =	vld [tilespmem:s0+$0xFFFFFF40];
	[tilespmem:s10+$0xFFFFFFB0] =	vst v37;
	v37 =	vmul.f32 v44, v53  }
0x47c: {  	v16 =	vadd.f32 v22, v16;
	v29 =	vadd.f32 v40, v29;
	v44 =	vmul.f32 $2.992709880e-01, v46;
	[tilespmem:s14+$0x80] =	vst v45;
	v45 =	vld [tilespmem:s14+$0x90];
	v53 =	vpop (erf)  }
0x47d: {  	v22 =	vsub.f32 $9.721037140e-01, v42;
	v40 =	vmul.f32 $2.992709880e-01, v53;
	v42 =	vld [tilespmem:s11+$0x90];
	[tilespmem:s10+$0x30] =	vst v38;
	v37 =	vadd.f32 v37, v43  }
0x47e: {  	v21 =	vmul.f32 v23, v21;
	v38 =	vsub.f32 $9.721037140e-01, v44;
	v43 =	vld [tilespmem:s9+$0xFFFFFFC0];
	[tilespmem:s22+$0xFFFFFF60] =	vst v29;
	v29 =	vadd.f32 v49, v2;
	v2 =	vmovc v15  }
0x47f: {  	v15 =	vmul.f32 v22, v47;
	v22 =	vsub.f32 $9.721037140e-01, v40;
	v23 =	vld [tilespmem:s12+$0x90];
	v40 =	vadd.f32 v51, v12;
	[tilespmem:s22+$0xFFFFFFE0] =	vst v37;
	v12 =	vmovc v50  }
0x480: {  	v19 =	vadd.f32 v21, v19;
	v37 =	vmul.f32 v38, v46;
	v38 =	vld [tilespmem:s9+$0x40];
	v44 =	vpop (erf);
	[tilespmem:s19+$0xFFFFFF70] =	vst v16;
	v16 =	vadd.f32 v36, v20  }
0x481: {  	v15 =	vadd.f32 v15, v41;
	v20 =	vmul.f32 v22, v53;
	v22 =	vld [tilespmem:s0+$0xFFFFFFC0];
	v36 =	vmul.f32 $2.992709880e-01, v44  }
0x482: {  	v37 =	vadd.f32 v37, v48;
	v41 =	vadd.f32 v42, v45;
	v42 =	vld [tilespmem:s0+$0x40];
	[tilespmem:s19+$0xFFFFFFF0] =	vst v16  }
0x483: {  	[tilespmem:s14+$0xFFFFFF00] =	vst v15;
	v21 =	vld [tilespmem:s14+$0xFFFFFF60];
	v15 =	vadd.f32 v20, v54;
	v16 =	vsub.f32 $9.721037140e-01, v36  }
0x484: {  	v20 =	vld [tilespmem:s11+$0xFFFFFF10];
	[tilespmem:s14+$0xFFFFFF80] =	vst v37;
	v36 =	vadd.f32 v23, v41;
	v23 =	vadd.f32 v43, v13;
	v13 =	vmov v39  }
0x485: {  	v37 =	vld [tilespmem:s11+$0xFFFFFF90];
	[tilespmem:s14+$0x0] =	vst v15;
	v15 =	vadd.f32 v52, v40;
	v38 =	vadd.f32 v38, v14;
	v16 =	vmul.f32 v16, v44  }
0x486: {  	v14 =	vmovc v57;
	v39 =	vld [tilespmem:s11+$0x10];
	v40 =	vsub.f32 $0.0e+00, v36;
	v23 =	vadd.f32 v22, v23;
	v22 =	vmax.f32 v35, $0.0e+00;
	[tilespmem:s19+$0x70] =	vst v19;
	s19 =	smov.u32 s22;
	s22 =	smov.u32 s10;
	s10 =	smov.u32 s14  }
0x487: {  	v19 =	vld [tilespmem:s12+$0xFFFFFF10];
	v35 =	vmax.f32 v15, $0.0e+00;
	v38 =	vadd.f32 v42, v38;
	v16 =	vadd.f32 v16, v22  }
0x488: {  	v41 =	vsub.f32 $0.0e+00, v15;
	v22 =	vld [tilespmem:s12+$0xFFFFFF90];
	v40 =	vmin.f32 v36, v40;
	v42 =	vsub.f32 $0.0e+00, v23  }
0x489: {  	v20 =	vadd.f32 v20, v32;
	v32 =	vmul.f32 $1.442695020e+00, v40;
	v40 =	vsub.f32 $0.0e+00, v38;
	[tilespmem:s22+$0xC0] =	vst v16;
	v16 =	vld [tilespmem:s22+$0xD0]  }
0x48a: {  	v15 =	vmin.f32 v15, v41;
	v33 =	vadd.f32 v37, v33;
	v37 =	vmin.f32 v23, v42;
	v41 =	vld [tilespmem:s9+$0xD0]  }
0x48b: {  	v34 =	vadd.f32 v39, v34;
	v39 =	vld [tilespmem:s12+$0x10];
	(erf) = vpow2.f32 v32;
	v32 =	vmin.f32 v38, v40  }
0x48c: {  	v37 =	vmul.f32 $1.442695020e+00, v37;
	v19 =	vadd.f32 v19, v20;
	v20 =	vmul.f32 $1.442695020e+00, v15;
	v40 =	vld [tilespmem:s0+$0xD0]  }
0x48d: {  	v42 =	vmax.f32 v23, $0.0e+00;
	v23 =	vmul.f32 $1.442695020e+00, v32;
	v33 =	vadd.f32 v22, v33;
	v22 =	vld [tilespmem:s14+$0xFFFFFFE0]  }
0x48e: {  	v32 =	vsub.f32 $0.0e+00, v19;
	v43 =	vmax.f32 v19, $0.0e+00;
	v15 =	vld [tilespmem:s14+$0x60];
	(erf) = vpow2.f32 v20  }
0x48f: {  	v20 =	vsub.f32 $0.0e+00, v33;
	v44 =	vmax.f32 v33, $0.0e+00;
	v16 =	vadd.f32 v41, v16;
	v41 =	vld [tilespmem:s23+$0x60]  }
0x490: {  	v19 =	vmin.f32 v19, v32;
	v32 =	vadd.f32 v39, v34;
	(erf) = vpow2.f32 v37;
	v34 =	vld [tilespmem:s8+$0xFFFFFF70]  }
0x491: {  	v19 =	vmul.f32 $1.442695020e+00, v19;
	v20 =	vmin.f32 v33, v20;
	v33 =	vadd.f32 v40, v16;
	v16 =	vld [tilespmem:s8+$0xFFFFFFF0]  }
0x492: {  	v37 =	vld [tilespmem:s14+$0xFFFFFF70];
	v47 =	vmul.f32 $1.442695020e+00, v20;
	v39 =	vsub.f32 $0.0e+00, v32;
	v40 =	vmax.f32 v32, $0.0e+00  }
0x493: {  	v38 =	vmax.f32 v38, $0.0e+00;
	v45 =	vld [tilespmem:s14+$0xFFFFFFF0];
	(erf) = vpow2.f32 v19;
	v46 =	vsub.f32 $0.0e+00, v33  }
0x494: {  	v32 =	vmin.f32 v32, v39;
	v19 =	vld [tilespmem:s14+$0x70];
	(erf) = vpow2.f32 v47;
	v20 =	vpop (erf);
	v29 =	vadd.f32 v41, v29  }
0x495: {  	v49 =	vmul.f32 $1.442695020e+00, v32;
	v39 =	vmul.f32 $2.992709880e-01, v20;
	v41 =	vmin.f32 v33, v46;
	v46 =	vld [tilespmem:s23+$0xFFFFFF70]  }
0x496: {  	v41 =	vmul.f32 $1.442695020e+00, v41;
	(erf) = vpow2.f32 v23;
	v47 =	vld [tilespmem:s23+$0xFFFFFFF0];
	v48 =	vsub.f32 $0.0e+00, v29  }
0x497: {  	v23 =	vmax.f32 v29, $0.0e+00;
	v50 =	vsub.f32 $9.721037140e-01, v39;
	(erf) = vpow2.f32 v49;
	v32 =	vpop (erf)  }
0x498: {  	v49 =	vmul.f32 $2.992709880e-01, v32;
	(erf) = vpow2.f32 v41;
	v29 =	vmin.f32 v29, v48  }
0x499: {  	v34 =	vadd.f32 v34, v3;
	v20 =	vmul.f32 v50, v20;
	v39 =	vpop (erf);
	v50 =	vmul.f32 $1.442695020e+00, v29  }
0x49a: {  	v36 =	vmax.f32 v36, $0.0e+00;
	v3 =	vmovc v7;
	v7 =	vmovc v37;
	v49 =	vsub.f32 $9.721037140e-01, v49;
	v48 =	vmul.f32 $2.992709880e-01, v39  }
0x49b: {  	v16 =	vadd.f32 v16, v1;
	v1 =	vmovc v8;
	v8 =	vmovc v45;
	v20 =	vadd.f32 v20, v36;
	(erf) = vpow2.f32 v50  }
0x49c: {  	v34 =	vadd.f32 v46, v34;
	v29 =	vpop (erf);
	v32 =	vmul.f32 v49, v32;
	v36 =	vsub.f32 $9.721037140e-01, v48  }
0x49d: {  	v45 =	vadd.f32 v47, v16;
	v48 =	vmul.f32 $2.992709880e-01, v29;
	[tilespmem:s14+$0x90] =	vst v20;
	v20 =	vld [tilespmem:s14+$0xA0];
	v41 =	vpop (erf)  }
0x49e: {  	v46 =	vmul.f32 $2.992709880e-01, v41;
	v47 =	vld [tilespmem:s11+$0xA0];
	v32 =	vadd.f32 v32, v35;
	v35 =	vmul.f32 v36, v39  }
0x49f: {  	v16 =	vmax.f32 v34, $0.0e+00;
	v39 =	vsub.f32 $0.0e+00, v34;
	v36 =	vsub.f32 $9.721037140e-01, v48;
	v37 =	vpop (erf)  }
0x4a0: {  	v46 =	vsub.f32 $9.721037140e-01, v46;
	v48 =	vld [tilespmem:s12+$0xA0];
	v49 =	vpop (erf);
	[tilespmem:s22+$0xFFFFFF40] =	vst v32;
	v32 =	vadd.f32 v35, v42;
	v35 =	vmul.f32 $2.992709880e-01, v37  }
0x4a1: {  	v51 =	vsub.f32 $0.0e+00, v45;
	v29 =	vmul.f32 v36, v29;
	v36 =	vmul.f32 $2.992709880e-01, v49;
	v42 =	vld [tilespmem:s9+$0xFFFFFF50];
	v50 =	vpop (erf)  }
0x4a2: {  	v41 =	vmul.f32 v46, v41;
	v46 =	vld [tilespmem:s0+$0xFFFFFF50];
	[tilespmem:s22+$0xFFFFFFC0] =	vst v32;
	v32 =	vsub.f32 $9.721037140e-01, v35;
	v35 =	vmul.f32 $2.992709880e-01, v50  }
0x4a3: {  	v34 =	vmin.f32 v34, v39;
	v36 =	vsub.f32 $9.721037140e-01, v36;
	v20 =	vadd.f32 v47, v20;
	v47 =	vld [tilespmem:s9+$0xFFFFFFD0]  }
0x4a4: {  	v29 =	vadd.f32 v29, v43;
	v39 =	vld [tilespmem:s0+$0xFFFFFFD0];
	v32 =	vmul.f32 v32, v37;
	v35 =	vsub.f32 $9.721037140e-01, v35;
	v37 =	vpop (erf)  }
0x4a5: {  	v41 =	vadd.f32 v41, v44;
	v36 =	vmul.f32 v36, v49;
	v43 =	vadd.f32 v48, v20  }
0x4a6: {  	[tilespmem:s14+$0xFFFFFF10] =	vst v29;
	v20 =	vadd.f32 v42, v6;
	v29 =	vadd.f32 v32, v38;
	v32 =	vmul.f32 v35, v50  }
0x4a7: {  	v33 =	vmax.f32 v33, $0.0e+00;
	v6 =	vmovc v31;
	v35 =	vld [tilespmem:s11+$0xFFFFFF20];
	[tilespmem:s14+$0xFFFFFF90] =	vst v41;
	v36 =	vadd.f32 v36, v40;
	v38 =	vsub.f32 $0.0e+00, v43  }
0x4a8: {  	v31 =	vld [tilespmem:s11+$0xFFFFFFA0];
	v40 =	vadd.f32 v47, v5;
	[tilespmem:s22+$0x40] =	vst v29;
	v29 =	vadd.f32 v32, v33;
	v32 =	vmul.f32 $2.992709880e-01, v37;
	v5 =	vmovc v30  }
0x4a9: {  	v20 =	vadd.f32 v46, v20;
	v30 =	vld [tilespmem:s12+$0xFFFFFF20];
	[tilespmem:s14+$0x10] =	vst v36;
	v33 =	vmin.f32 v43, v38;
	v36 =	vmin.f32 v45, v51  }
0x4aa: {  	v33 =	vmul.f32 $1.442695020e+00, v33;
	v38 =	vadd.f32 v39, v40;
	[tilespmem:s22+$0xD0] =	vst v29;
	v29 =	vld [tilespmem:s22+$0xE0];
	v32 =	vsub.f32 $9.721037140e-01, v32  }
0x4ab: {  	v34 =	vmul.f32 $1.442695020e+00, v34;
	v39 =	vsub.f32 $0.0e+00, v20;
	v40 =	vmax.f32 v20, $0.0e+00;
	v41 =	vld [tilespmem:s9+$0xE0]  }
0x4ac: {  	v27 =	vadd.f32 v35, v27;
	v35 =	vld [tilespmem:s11+$0x20];
	(erf) = vpow2.f32 v33;
	v33 =	vsub.f32 $0.0e+00, v38  }
0x4ad: {  	v20 =	vmin.f32 v20, v39;
	v28 =	vadd.f32 v31, v28;
	v31 =	vmax.f32 v38, $0.0e+00;
	v39 =	vld [tilespmem:s0+$0xE0]  }
0x4ae: {  	v42 =	vmul.f32 $1.442695020e+00, v20;
	v27 =	vadd.f32 v30, v27;
	v30 =	vld [tilespmem:s12+$0xFFFFFFA0];
	v20 =	vmin.f32 v38, v33  }
0x4af: {  	v32 =	vmul.f32 v32, v37;
	v33 =	vld [tilespmem:s12+$0x20];
	v38 =	vmul.f32 $1.442695020e+00, v20;
	v20 =	vmax.f32 v45, $0.0e+00  }
0x4b0: {  	v37 =	vsub.f32 $0.0e+00, v27;
	v44 =	vmax.f32 v27, $0.0e+00;
	v45 =	vld [tilespmem:s9+$0x50];
	v29 =	vadd.f32 v41, v29  }
0x4b1: {  	v23 =	vadd.f32 v32, v23;
	v24 =	vadd.f32 v35, v24;
	v35 =	vld [tilespmem:s0+$0x50];
	(erf) = vpow2.f32 v42  }
0x4b2: {  	v27 =	vmin.f32 v27, v37;
	v29 =	vadd.f32 v39, v29;
	(erf) = vpow2.f32 v38  }
0x4b3: {  	v37 =	vmul.f32 $1.442695020e+00, v27;
	v28 =	vadd.f32 v30, v28;
	v30 =	vmul.f32 $1.442695020e+00, v36;
	[tilespmem:s19+$0x60] =	vst v23  }
0x4b4: {  	v23 =	vadd.f32 v33, v24;
	v24 =	vsub.f32 $0.0e+00, v29;
	v32 =	vld [tilespmem:s8+$0x70];
	(erf) = vpow2.f32 v34;
	s8 =	smov.u32 s9;
	s9 =	smov.u32 s11  }
0x4b5: {  	v33 =	vsub.f32 $0.0e+00, v28;
	v34 =	vmax.f32 v28, $0.0e+00;
	(erf) = vpow2.f32 v37;
	v27 =	vpop (erf);
	v36 =	vld [tilespmem:s23+$0x70];
	s23 =	smov.u32 s0;
	s0 =	smov.u32 s12  }
0x4b6: {  	v37 =	vsub.f32 $0.0e+00, v23;
	v38 =	vmul.f32 $2.992709880e-01, v27;
	v24 =	vmin.f32 v29, v24  }
0x4b7: {  	v28 =	vmin.f32 v28, v33;
	v33 =	vmax.f32 v23, $0.0e+00;
	v24 =	vmul.f32 $1.442695020e+00, v24  }
0x4b8: {  	v28 =	vmul.f32 $1.442695020e+00, v28;
	v23 =	vmin.f32 v23, v37;
	v37 =	vsub.f32 $9.721037140e-01, v38  }
0x4b9: {  	v38 =	vadd.f32 v45, v4;
	v4 =	vmovc v26;
	v23 =	vmul.f32 $1.442695020e+00, v23;
	(erf) = vpow2.f32 v24  }
0x4ba: {  	v24 =	vmul.f32 v37, v27;
	(erf) = vpow2.f32 v28;
	v26 =	vpop (erf);
	v28 =	vadd.f32 v32, v0  }
0x4bb: {  	v27 =	vmax.f32 v43, $0.0e+00;
	(erf) = vpow2.f32 v23;
	v23 =	vadd.f32 v35, v38;
	v32 =	vpop (erf)  }
0x4bc: {  	v0 =	vmovc v9;
	v9 =	vmovc v19;
	v35 =	vmul.f32 $2.992709880e-01, v26;
	v24 =	vadd.f32 v24, v27;
	v37 =	vmul.f32 $2.992709880e-01, v32  }
0x4bd: {  	v28 =	vadd.f32 v36, v28;
	v19 =	vsub.f32 $0.0e+00, v23;
	v27 =	vmax.f32 v23, $0.0e+00;
	v36 =	vpop (erf)  }
0x4be: {  	v35 =	vsub.f32 $9.721037140e-01, v35;
	[tilespmem:s14+$0xA0] =	vst v24;
	v24 =	vld [tilespmem:s14+$0xB0];
	v38 =	vpop (erf);
	v37 =	vsub.f32 $9.721037140e-01, v37;
	(erf) = vpow2.f32 v30  }
0x4bf: {  	v30 =	vmul.f32 $2.992709880e-01, v38;
	v39 =	vld [tilespmem:s11+$0xB0];
	v19 =	vmin.f32 v23, v19;
	v23 =	vsub.f32 $0.0e+00, v28  }
0x4c0: {  	v26 =	vmul.f32 v35, v26;
	v42 =	vmul.f32 $1.442695020e+00, v19;
	v19 =	vmax.f32 v28, $0.0e+00  }
0x4c1: {  	v32 =	vmul.f32 v37, v32;
	v30 =	vsub.f32 $9.721037140e-01, v30;
	v41 =	vld [tilespmem:s12+$0xB0];
	v23 =	vmin.f32 v28, v23  }
0x4c2: {  	v26 =	vadd.f32 v26, v40;
	(erf) = vpow2.f32 v42;
	v28 =	vpop (erf);
	v23 =	vmul.f32 $1.442695020e+00, v23  }
0x4c3: {  	v31 =	vadd.f32 v32, v31;
	v30 =	vmul.f32 v30, v38;
	v35 =	vpop (erf);
	v32 =	vmul.f32 $2.992709880e-01, v28  }
0x4c4: {  	v37 =	vmul.f32 $2.992709880e-01, v35;
	v42 =	vadd.f32 v39, v24;
	v38 =	vpop (erf);
	[tilespmem:s22+$0xFFFFFF50] =	vst v26;
	(erf) = vpow2.f32 v23  }
0x4c5: {  	v23 =	vadd.f32 v30, v44;
	v26 =	vmul.f32 $2.992709880e-01, v38;
	v39 =	vld [tilespmem:s8+$0xFFFFFF60];
	[tilespmem:s22+$0xFFFFFFD0] =	vst v31;
	v31 =	vsub.f32 $9.721037140e-01, v32  }
0x4c6: {  	v40 =	vmul.f32 $2.992709880e-01, v36;
	v32 =	vsub.f32 $9.721037140e-01, v37;
	v30 =	vadd.f32 v41, v42;
	v37 =	vld [tilespmem:s8+$0xFFFFFFE0]  }
0x4c7: {  	[tilespmem:s14+$0xFFFFFF20] =	vst v23;
	v23 =	vsub.f32 $9.721037140e-01, v26;
	v26 =	vld [tilespmem:s23+$0xFFFFFF60];
	v28 =	vmul.f32 v31, v28;
	v24 =	vpop (erf)  }
0x4c8: {  	v29 =	vmax.f32 v29, $0.0e+00;
	v31 =	vld [tilespmem:s11+$0xFFFFFF30];
	v32 =	vmul.f32 v32, v35;
	v35 =	vsub.f32 $0.0e+00, v30  }
0x4c9: {  	v41 =	vld [tilespmem:s12+$0xFFFFFF30];
	v23 =	vmul.f32 v23, v38;
	v28 =	vadd.f32 v28, v29;
	v29 =	vmul.f32 $2.992709880e-01, v24  }
0x4ca: {  	v32 =	vadd.f32 v32, v34;
	v34 =	vmin.f32 v30, v35;
	v35 =	vadd.f32 v39, v10;
	v38 =	vld [tilespmem:s23+$0xFFFFFFE0];
	v10 =	vmovc v21  }
0x4cb: {  	v44 =	vadd.f32 v23, v33;
	v23 =	vmul.f32 $1.442695020e+00, v34;
	v33 =	vadd.f32 v37, v11;
	[tilespmem:s22+$0xE0] =	vst v28;
	v42 =	vld [tilespmem:s22+$0xF0];
	v39 =	vpop (erf)  }
0x4cc: {  	v40 =	vsub.f32 $9.721037140e-01, v40;
	v11 =	vmovc v22;
	[tilespmem:s14+$0xFFFFFFA0] =	vst v32;
	v26 =	vadd.f32 v26, v35;
	v28 =	vmul.f32 $2.992709880e-01, v39;
	v43 =	vld [tilespmem:s8+$0xF0]  }
.Ltmp1:
0x4cd: {  	v22 =	vadd.f32 v31, v25;
	v32 =	vld [tilespmem:s11+$0xFFFFFFB0];
	[tilespmem:s14+$0x20] =	vst v44;
	(erf) = vpow2.f32 v23;
	v25 =	vsub.f32 $9.721037140e-01, v29;
	v21 =	vpop (erf);
	(pc) =	sbr.rel @p0 .LBB2_5-.Ltmp1, $4  }
0x4ce: {  	v31 =	vsub.f32 $0.0e+00, v26;
	v29 =	vmax.f32 v26, $0.0e+00;
	v44 =	vsub.f32 $9.721037140e-01, v28;
	v35 =	vld [tilespmem:s23+$0xF0]  }
0x4cf: {  	v23 =	vmul.f32 $2.992709880e-01, v21;
	v37 =	vadd.f32 v41, v22;
	v34 =	vld [tilespmem:s11+$0x30];
	v28 =	vadd.f32 v38, v33  }
0x4d0: {  	v22 =	vmul.f32 v40, v36;
	v33 =	vld [tilespmem:s12+$0xFFFFFFB0];
	v38 =	vmin.f32 v26, v31;
	v31 =	vmul.f32 v44, v39  }
0x4d1: {  	s14 =	sadd.s32 $0x200, s14;
	v39 =	vsub.f32 $0.0e+00, v37;
	v26 =	vmax.f32 v37, $0.0e+00;
	v36 =	vld [tilespmem:s12+$0x30];
	v40 =	vadd.f32 v43, v42  }
0x4d2: {  	_ =	sdelay $0x3  }
0x4d3: {  	v41 =	vpop (erf)  }
0x4d4: {  	v42 =	vmul.f32 $2.992709880e-01, v41;
	_ =	sdelay $0x1  }
0x4d5: {  	v42 =	vsub.f32 $9.721037140e-01, v42;
	_ =	sdelay $0x1  }
0x4d6: {  	v41 =	vmul.f32 v42, v41  }
0x4d7: {  	v30 =	vmax.f32 v30, $0.0e+00  }
0x4d8: {  	v30 =	vadd.f32 v41, v30;
	_ =	sdelay $0x1  }
0x4d9: {  	v47 =	vld [tilespmem:s10+$0xC0];
	[tilespmem:s10+$0xB0] =	vst v30  }
0x4da: {  	v48 =	vld [tilespmem:s9+$0xC0];
	_ =	sdelay $0x1  }
0x4db: {  	v32 =	vadd.f32 v32, v18;
	v49 =	vld [tilespmem:s0+$0xC0]  }
0x4dc: {  	v38 =	vmul.f32 $1.442695020e+00, v38;
	v50 =	vsub.f32 $0.0e+00, v28;
	v18 =	vadd.f32 v35, v40  }
0x4dd: {  	v37 =	vmin.f32 v37, v39;
	v17 =	vadd.f32 v34, v17;
	v32 =	vadd.f32 v33, v32  }
0x4de: {  	v37 =	vmul.f32 $1.442695020e+00, v37;
	v51 =	vsub.f32 $0.0e+00, v18;
	v30 =	vadd.f32 v48, v47  }
0x4df: {  	(erf) = vpow2.f32 v38;
	v36 =	vadd.f32 v36, v17;
	v53 =	vsub.f32 $0.0e+00, v32  }
0x4e0: {  	(erf) = vpow2.f32 v37;
	v33 =	vmin.f32 v18, v51;
	v30 =	vadd.f32 v49, v30  }
0x4e1: {  	v54 =	vsub.f32 $0.0e+00, v36;
	v33 =	vmul.f32 $1.442695020e+00, v33;
	v35 =	vmin.f32 v32, v53  }
0x4e2: {  	v52 =	vmin.f32 v28, v50;
	v55 =	vmul.f32 $1.442695020e+00, v35;
	v57 =	vsub.f32 $0.0e+00, v30  }
0x4e3: {  	v17 =	vmul.f32 $1.442695020e+00, v52;
	v56 =	vmin.f32 v36, v54;
	(erf) = vpow2.f32 v33  }
0x4e4: {  	v35 =	vmul.f32 $1.442695020e+00, v56;
	(erf) = vpow2.f32 v55;
	v58 =	vmin.f32 v30, v57  }
0x4e5: {  	(erf) = vpow2.f32 v17;
	v17 =	vmul.f32 $1.442695020e+00, v58  }
0x4e6: {  	(erf) = vpow2.f32 v35  }
0x4e7: {  	(erf) = vpow2.f32 v17;
	_ =	sdelay $0x1  }
0x4e8: {  	v33 =	vpop (erf)  }
0x4e9: {  	v59 =	vpop (erf)  }
0x4ea: {  	v60 =	vmul.f32 $2.992709880e-01, v59  }
0x4eb: {  	v17 =	vpop (erf)  }
0x4ec: {  	v35 =	vsub.f32 $9.721037140e-01, v60;
	v61 =	vpop (erf)  }
0x4ed: {  	v38 =	vpop (erf);
	v63 =	vmul.f32 $2.992709880e-01, v61  }
0x4ee: {  	v34 =	vmul.f32 v35, v59;
	v62 =	vpop (erf)  }
0x4ef: {  	v44 =	vmul.f32 $2.992709880e-01, v62;
	v45 =	vsub.f32 $9.721037140e-01, v63;
	v46 =	vpop (erf)  }
0x4f0: {  	v26 =	vadd.f32 v34, v26;
	v47 =	vmul.f32 $2.992709880e-01, v46  }
0x4f1: {  	v41 =	vsub.f32 $9.721037140e-01, v44;
	v48 =	vmul.f32 v45, v61  }
0x4f2: {  	v32 =	vmax.f32 v32, $0.0e+00;
	[tilespmem:s10+$0xFFFFFF30] =	vst v26;
	v50 =	vsub.f32 $9.721037140e-01, v47  }
0x4f3: {  	v52 =	vld [tilespmem:s9+$0xFFFFFF40];
	v49 =	vmul.f32 v41, v62;
	v51 =	vadd.f32 v48, v32  }
0x4f4: {  	v36 =	vmax.f32 v36, $0.0e+00;
	v59 =	vld [tilespmem:s10+$0xD0];
	v54 =	vmul.f32 v50, v46  }
0x4f5: {  	v56 =	vmax.f32 v30, $0.0e+00;
	v55 =	vld [tilespmem:s0+$0xFFFFFF40];
	v53 =	vadd.f32 v49, v36;
	[tilespmem:s10+$0xFFFFFFB0] =	vst v51  }
0x4f6: {  	v57 =	vld [tilespmem:s9+$0xFFFFFFC0];
	v26 =	vadd.f32 v54, v56  }
0x4f7: {  	v58 =	vld [tilespmem:s0+$0xFFFFFFC0];
	[tilespmem:s10+$0x30] =	vst v53  }
0x4f8: {  	v12 =	vadd.f32 v52, v12;
	v34 =	vld [tilespmem:s9+$0x40];
	[tilespmem:s10+$0xC0] =	vst v26  }
0x4f9: {  	v60 =	vld [tilespmem:s9+$0xD0]  }
0x4fa: {  	v12 =	vadd.f32 v55, v12;
	v61 =	vld [tilespmem:s0+$0x40]  }
0x4fb: {  	v13 =	vadd.f32 v57, v13;
	v62 =	vld [tilespmem:s0+$0xD0]  }
0x4fc: {  	v63 =	vsub.f32 $0.0e+00, v12  }
0x4fd: {  	v14 =	vadd.f32 v34, v14;
	v13 =	vadd.f32 v58, v13  }
0x4fe: {  	v26 =	vadd.f32 v60, v59  }
0x4ff: {  	v34 =	vmin.f32 v12, v63;
	v14 =	vadd.f32 v61, v14;
	v36 =	vsub.f32 $0.0e+00, v13  }
0x500: {  	v34 =	vmul.f32 $1.442695020e+00, v34;
	v26 =	vadd.f32 v62, v26  }
0x501: {  	v37 =	vsub.f32 $0.0e+00, v14;
	v32 =	vmin.f32 v13, v36  }
0x502: {  	(erf) = vpow2.f32 v34;
	v32 =	vmul.f32 $1.442695020e+00, v32;
	v39 =	vsub.f32 $0.0e+00, v26  }
0x503: {  	v30 =	vmin.f32 v14, v37  }
0x504: {  	v30 =	vmul.f32 $1.442695020e+00, v30;
	(erf) = vpow2.f32 v32;
	v40 =	vmin.f32 v26, v39  }
0x505: {  	v41 =	vmul.f32 $1.442695020e+00, v40  }
0x506: {  	(erf) = vpow2.f32 v30  }
0x507: {  	(erf) = vpow2.f32 v41;
	_ =	sdelay $0x1  }
0x508: {  	v42 =	vmul.f32 $2.992709880e-01, v33;
	_ =	sdelay $0x1  }
0x509: {  	v30 =	vsub.f32 $9.721037140e-01, v42;
	v43 =	vpop (erf)  }
0x50a: {  	v44 =	vmul.f32 $2.992709880e-01, v43  }
0x50b: {  	v27 =	vadd.f32 v31, v27;
	v30 =	vmul.f32 v30, v33;
	v45 =	vpop (erf)  }
0x50c: {  	v46 =	vsub.f32 $9.721037140e-01, v44;
	v47 =	vmul.f32 $2.992709880e-01, v45  }
0x50d: {  	[tilespmem:s22+$0x50] =	vst v27;
	v53 =	vmul.f32 $2.992709880e-01, v38;
	v29 =	vadd.f32 v30, v29;
	v48 =	vpop (erf)  }
0x50e: {  	v55 =	vld [tilespmem:s23+$0x60];
	v50 =	vmul.f32 v46, v43;
	v51 =	vsub.f32 $9.721037140e-01, v47;
	v49 =	vpop (erf)  }
0x50f: {  	v54 =	vld [tilespmem:s8+$0x60];
	v12 =	vmax.f32 v12, $0.0e+00;
	v59 =	vsub.f32 $9.721037140e-01, v53;
	[tilespmem:s22+$0xFFFFFF60] =	vst v29;
	v52 =	vmul.f32 $2.992709880e-01, v49  }
0x510: {  	v58 =	vld [tilespmem:s8+$0xFFFFFF70];
	v12 =	vadd.f32 v50, v12;
	v63 =	vmul.f32 $2.992709880e-01, v48;
	v56 =	vmul.f32 v51, v45  }
0x511: {  	v13 =	vmax.f32 v13, $0.0e+00;
	v60 =	vld [tilespmem:s23+$0xFFFFFF70];
	v57 =	vsub.f32 $9.721037140e-01, v52  }
0x512: {  	v39 =	vmul.f32 v59, v38;
	v47 =	vld [tilespmem:s10+$0xE0];
	[tilespmem:s10+$0xFFFFFF40] =	vst v12;
	v43 =	vsub.f32 $9.721037140e-01, v63;
	v61 =	vadd.f32 v56, v13  }
0x513: {  	v42 =	vmax.f32 v28, $0.0e+00;
	v37 =	vld [tilespmem:s9+$0xFFFFFF50];
	v62 =	vmul.f32 v57, v49  }
0x514: {  	v26 =	vmax.f32 v26, $0.0e+00;
	v40 =	vld [tilespmem:s0+$0xFFFFFF50];
	v13 =	vadd.f32 v39, v42;
	v46 =	vmul.f32 v43, v48;
	[tilespmem:s10+$0xFFFFFFC0] =	vst v61  }
0x515: {  	v2 =	vadd.f32 v54, v2;
	v48 =	vmax.f32 v14, $0.0e+00;
	v44 =	vld [tilespmem:s9+$0xFFFFFFD0];
	v41 =	vadd.f32 v62, v26  }
0x516: {  	[tilespmem:s22+$0xFFFFFFE0] =	vst v13;
	v52 =	vadd.f32 v46, v48;
	v45 =	vld [tilespmem:s0+$0xFFFFFFD0]  }
0x517: {  	v14 =	vadd.f32 v55, v2;
	v50 =	vld [tilespmem:s8+$0xFFFFFFF0];
	[tilespmem:s10+$0xD0] =	vst v41  }
0x518: {  	v3 =	vadd.f32 v58, v3;
	v51 =	vadd.f32 v37, v6;
	[tilespmem:s10+$0x40] =	vst v52;
	v49 =	vld [tilespmem:s9+$0xE0]  }
0x519: {  	v54 =	vsub.f32 $0.0e+00, v14;
	v56 =	vld [tilespmem:s9+$0x50]  }
0x51a: {  	v2 =	vadd.f32 v60, v3;
	v55 =	vadd.f32 v40, v51;
	v53 =	vld [tilespmem:s0+$0xE0]  }
0x51b: {  	v57 =	vld [tilespmem:s23+$0xFFFFFFF0];
	v13 =	vmin.f32 v14, v54;
	v5 =	vadd.f32 v44, v5  }
0x51c: {  	v59 =	vsub.f32 $0.0e+00, v2;
	v13 =	vmul.f32 $1.442695020e+00, v13;
	v60 =	vld [tilespmem:s0+$0x50];
	v58 =	vsub.f32 $0.0e+00, v55  }
0x51d: {  	v5 =	vadd.f32 v45, v5;
	v26 =	vadd.f32 v49, v47  }
0x51e: {  	(erf) = vpow2.f32 v13;
	v1 =	vadd.f32 v50, v1;
	v3 =	vadd.f32 v56, v4  }
0x51f: {  	v28 =	vmin.f32 v55, v58;
	v61 =	vsub.f32 $0.0e+00, v5;
	v12 =	vadd.f32 v53, v26  }
0x520: {  	v62 =	vmin.f32 v2, v59;
	v1 =	vadd.f32 v57, v1;
	v63 =	vmul.f32 $1.442695020e+00, v28  }
0x521: {  	v37 =	vadd.f32 v60, v3;
	v32 =	vmin.f32 v5, v61;
	v33 =	vsub.f32 $0.0e+00, v12  }
0x522: {  	v34 =	vmul.f32 $1.442695020e+00, v62;
	v38 =	vsub.f32 $0.0e+00, v1;
	v35 =	vmul.f32 $1.442695020e+00, v32  }
0x523: {  	(erf) = vpow2.f32 v63;
	v40 =	vsub.f32 $0.0e+00, v37;
	v36 =	vmin.f32 v12, v33  }
0x524: {  	v3 =	vmin.f32 v1, v38;
	(erf) = vpow2.f32 v35;
	v39 =	vmul.f32 $1.442695020e+00, v36  }
0x525: {  	v3 =	vmul.f32 $1.442695020e+00, v3;
	v4 =	vmin.f32 v37, v40;
	(erf) = vpow2.f32 v34  }
0x526: {  	v4 =	vmul.f32 $1.442695020e+00, v4;
	(erf) = vpow2.f32 v39  }
0x527: {  	(erf) = vpow2.f32 v3  }
0x528: {  	v41 =	vpop (erf);
	(erf) = vpow2.f32 v4;
	_ =	sdelay $0x1  }
0x529: {  	v42 =	vmul.f32 $2.992709880e-01, v41;
	_ =	sdelay $0x1  }
0x52a: {  	v44 =	vsub.f32 $9.721037140e-01, v42;
	v43 =	vpop (erf)  }
0x52b: {  	v46 =	vmul.f32 $2.992709880e-01, v43;
	v45 =	vpop (erf)  }
0x52c: {  	v13 =	vmul.f32 v44, v41;
	v3 =	vpop (erf)  }
0x52d: {  	v14 =	vmax.f32 v14, $0.0e+00;
	v48 =	vsub.f32 $9.721037140e-01, v46;
	v47 =	vmul.f32 $2.992709880e-01, v45;
	v49 =	vpop (erf)  }
0x52e: {  	v13 =	vadd.f32 v13, v14;
	v50 =	vmul.f32 $2.992709880e-01, v49;
	v28 =	vpop (erf)  }
0x52f: {  	v4 =	vmul.f32 v48, v43;
	v30 =	vsub.f32 $9.721037140e-01, v47;
	v53 =	vpop (erf)  }
0x530: {  	v6 =	vmax.f32 v55, $0.0e+00;
	[tilespmem:s22+$0x60] =	vst v13;
	v52 =	vsub.f32 $9.721037140e-01, v50;
	v55 =	vmul.f32 $2.992709880e-01, v53  }
0x531: {  	v13 =	vld [tilespmem:s8+$0x70];
	v4 =	vadd.f32 v4, v6;
	v51 =	vmul.f32 v30, v45  }
0x532: {  	v5 =	vmax.f32 v5, $0.0e+00;
	v56 =	vld [tilespmem:s23+$0x70];
	v54 =	vmul.f32 v52, v49;
	v59 =	vsub.f32 $9.721037140e-01, v55  }
0x533: {  	v57 =	vmax.f32 v12, $0.0e+00;
	[tilespmem:s10+$0xFFFFFF50] =	vst v4;
	v30 =	vld [tilespmem:s10+$0xF0];
	v5 =	vadd.f32 v51, v5  }
0x534: {  	v58 =	vld [tilespmem:s9+$0xFFFFFF60];
	v4 =	vadd.f32 v54, v57;
	v62 =	vmul.f32 v59, v53  }
0x535: {  	v63 =	vmax.f32 v37, $0.0e+00;
	v61 =	vld [tilespmem:s0+$0xFFFFFF60];
	[tilespmem:s10+$0xFFFFFFD0] =	vst v5  }
0x536: {  	v60 =	vld [tilespmem:s9+$0xFFFFFFE0];
	[tilespmem:s10+$0xE0] =	vst v4;
	v4 =	vadd.f32 v62, v63  }
0x537: {  	v31 =	vld [tilespmem:s9+$0xF0]  }
0x538: {  	v0 =	vadd.f32 v13, v0;
	v33 =	vld [tilespmem:s0+$0xF0];
	[tilespmem:s10+$0x50] =	vst v4  }
0x539: {  	v35 =	vld [tilespmem:s9+$0x60]  }
0x53a: {  	v0 =	vadd.f32 v56, v0;
	v32 =	vld [tilespmem:s0+$0xFFFFFFE0]  }
0x53b: {  	v34 =	vadd.f32 v58, v10;
	v36 =	vld [tilespmem:s0+$0x60]  }
0x53c: {  	v37 =	vsub.f32 $0.0e+00, v0;
	v6 =	vadd.f32 v31, v30  }
0x53d: {  	v11 =	vadd.f32 v60, v11;
	v4 =	vadd.f32 v61, v34  }
0x53e: {  	v6 =	vadd.f32 v33, v6;
	v10 =	vadd.f32 v35, v15  }
0x53f: {  	v5 =	vadd.f32 v32, v11;
	v38 =	vsub.f32 $0.0e+00, v4  }
0x540: {  	v39 =	vmin.f32 v0, v37;
	v41 =	vsub.f32 $0.0e+00, v6;
	v10 =	vadd.f32 v36, v10  }
0x541: {  	v40 =	vmul.f32 $1.442695020e+00, v39;
	v42 =	vsub.f32 $0.0e+00, v5;
	v14 =	vmin.f32 v4, v38  }
0x542: {  	v43 =	vmul.f32 $1.442695020e+00, v14;
	v44 =	vmin.f32 v6, v41;
	v46 =	vsub.f32 $0.0e+00, v10  }
0x543: {  	(erf) = vpow2.f32 v40;
	v45 =	vmin.f32 v5, v42;
	v12 =	vmul.f32 $1.442695020e+00, v44  }
0x544: {  	v47 =	vmul.f32 $1.442695020e+00, v45;
	(erf) = vpow2.f32 v43;
	v48 =	vmin.f32 v10, v46  }
0x545: {  	(erf) = vpow2.f32 v12;
	v49 =	vmul.f32 $1.442695020e+00, v48  }
0x546: {  	(erf) = vpow2.f32 v47  }
0x547: {  	(erf) = vpow2.f32 v49;
	_ =	sdelay $0x4  }
0x548: {  	v11 =	vpop (erf)  }
0x549: {  	v50 =	vpop (erf)  }
0x54a: {  	v52 =	vmul.f32 $2.992709880e-01, v50;
	v51 =	vpop (erf)  }
0x54b: {  	v53 =	vpop (erf)  }
0x54c: {  	v14 =	vsub.f32 $9.721037140e-01, v52;
	v54 =	vmul.f32 $2.992709880e-01, v53;
	v55 =	vpop (erf)  }
0x54d: {  	v56 =	vmul.f32 $2.992709880e-01, v55  }
0x54e: {  	v12 =	vmul.f32 v14, v50;
	v26 =	vsub.f32 $9.721037140e-01, v54  }
0x54f: {  	v4 =	vmax.f32 v4, $0.0e+00;
	v58 =	vsub.f32 $9.721037140e-01, v56  }
0x550: {  	v4 =	vadd.f32 v12, v4;
	v57 =	vmul.f32 v26, v53  }
0x551: {  	v5 =	vmax.f32 v5, $0.0e+00;
	v59 =	vmul.f32 v58, v55  }
0x552: {  	v60 =	vmax.f32 v10, $0.0e+00;
	[tilespmem:s10+$0xFFFFFF60] =	vst v4;
	v5 =	vadd.f32 v57, v5  }
0x553: {  	v61 =	vld [tilespmem:s9+$0xFFFFFF70];
	v4 =	vadd.f32 v59, v60  }
0x554: {  	v63 =	vld [tilespmem:s0+$0xFFFFFF70];
	[tilespmem:s10+$0xFFFFFFE0] =	vst v5  }
0x555: {  	v62 =	vld [tilespmem:s9+$0xFFFFFFF0];
	[tilespmem:s10+$0x60] =	vst v4  }
0x556: {  	v4 =	vld [tilespmem:s9+$0x70]  }
0x557: {  	v26 =	vld [tilespmem:s0+$0xFFFFFFF0]  }
0x558: {  	v27 =	vld [tilespmem:s0+$0x70]  }
0x559: {  	v5 =	vadd.f32 v61, v7  }
0x55a: {  	v29 =	vadd.f32 v62, v8  }
0x55b: {  	v5 =	vadd.f32 v63, v5;
	v4 =	vadd.f32 v4, v9  }
0x55c: {  	v7 =	vadd.f32 v26, v29  }
0x55d: {  	v30 =	vsub.f32 $0.0e+00, v5;
	v4 =	vadd.f32 v27, v4  }
0x55e: {  	v31 =	vsub.f32 $0.0e+00, v7  }
0x55f: {  	v8 =	vmin.f32 v5, v30;
	v32 =	vsub.f32 $0.0e+00, v4  }
0x560: {  	v8 =	vmul.f32 $1.442695020e+00, v8;
	v9 =	vmin.f32 v7, v31  }
0x561: {  	v9 =	vmul.f32 $1.442695020e+00, v9;
	v10 =	vmin.f32 v4, v32  }
0x562: {  	(erf) = vpow2.f32 v8;
	v34 =	vmul.f32 $1.442695020e+00, v10  }
0x563: {  	(erf) = vpow2.f32 v9  }
0x564: {  	v42 =	vmul.f32 $2.992709880e-01, v28;
	(erf) = vpow2.f32 v34  }
0x565: {  	v2 =	vmax.f32 v2, $0.0e+00;
	v1 =	vmax.f32 v1, $0.0e+00;
	v37 =	vmax.f32 v18, $0.0e+00  }
0x566: {  	v0 =	vmax.f32 v0, $0.0e+00;
	v38 =	vmul.f32 v25, v24;
	v15 =	vsub.f32 $9.721037140e-01, v42  }
0x567: {  	v40 =	vadd.f32 v22, v16;
	v33 =	vmul.f32 $2.992709880e-01, v17;
	v41 =	vmul.f32 $2.992709880e-01, v3  }
0x568: {  	v36 =	vsub.f32 $9.721037140e-01, v23;
	v45 =	vmul.f32 v15, v28;
	v43 =	vmul.f32 $2.992709880e-01, v51  }
0x569: {  	v44 =	vmul.f32 $2.992709880e-01, v11;
	v14 =	vsub.f32 $9.721037140e-01, v41;
	v12 =	vsub.f32 $9.721037140e-01, v33  }
0x56a: {  	v6 =	vmax.f32 v6, $0.0e+00;
	v1 =	vadd.f32 v45, v1;
	v16 =	vsub.f32 $9.721037140e-01, v43  }
0x56b: {  	v50 =	vsub.f32 $9.721037140e-01, v44;
	v3 =	vmul.f32 v14, v3;
	v35 =	vmul.f32 v12, v17;
	v46 =	vpop (erf)  }
0x56c: {  	[tilespmem:s19+$0xFFFFFF70] =	vst v40;
	v12 =	vadd.f32 v38, v20;
	v47 =	vmul.f32 v16, v51;
	v48 =	vmul.f32 $2.992709880e-01, v46;
	v49 =	vpop (erf)  }
0x56d: {  	[tilespmem:s22+$0xFFFFFFF0] =	vst v1;
	v2 =	vadd.f32 v3, v2;
	v55 =	vmul.f32 v50, v11;
	v51 =	vmul.f32 $2.992709880e-01, v49;
	v52 =	vpop (erf)  }
0x56e: {  	[tilespmem:s19+$0xFFFFFFF0] =	vst v12;
	v6 =	vadd.f32 v47, v6;
	v53 =	vsub.f32 $9.721037140e-01, v48;
	v54 =	vmul.f32 $2.992709880e-01, v52  }
0x56f: {  	v39 =	vmul.f32 v36, v21;
	[tilespmem:s22+$0xFFFFFF70] =	vst v2;
	v0 =	vadd.f32 v55, v0;
	v56 =	vsub.f32 $9.721037140e-01, v51  }
0x570: {  	[tilespmem:s10+$0xF0] =	vst v6;
	v8 =	vadd.f32 v35, v37;
	v57 =	vmul.f32 v53, v46;
	v58 =	vsub.f32 $9.721037140e-01, v54  }
0x571: {  	s17 =	sadd.s32 $0x1, s17;
	[tilespmem:s22+$0x70] =	vst v0;
	v59 =	vmax.f32 v5, $0.0e+00;
	v9 =	vadd.f32 v39, v19;
	v60 =	vmul.f32 v56, v49  }
0x572: {  	p0 =	sne.s32 s17, $0x7D;
	v61 =	vmax.f32 v7, $0.0e+00;
	[tilespmem:s22+$0xF0] =	vst v8;
	v2 =	vadd.f32 v57, v59;
	v62 =	vmul.f32 v58, v52  }
.Ltmp2:
0x573: {  	v63 =	vmax.f32 v4, $0.0e+00;
	[tilespmem:s19+$0x70] =	vst v9;
	v1 =	vadd.f32 v60, v61;
	(pc) =	sbr.rel @p0 .LBB2_2-.Ltmp2, $4  }
0x574: {  	[tilespmem:s10+$0xFFFFFF70] =	vst v2;
	v0 =	vadd.f32 v62, v63  }
0x575: {  	[tilespmem:s10+$0xFFFFFFF0] =	vst v1  }
0x576: {  	[tilespmem:s10+$0x70] =	vst v0  }
0x577: {  	[spmem:s3] =	stream.indirect.scatter.add.f32 [tilespmem:s26], [sflag:$0x4], $0x80, s28, s18, $0xb8;
	[tilespmem:$0x1E180] =	vst v63  }
0x578: {  	s0 =	simm.s32 $0x4  }
0x579: {  	_ =	swait.ge [sflag:s0], $0x1400  }
0x57a: {  	[sflag:s0] =	ssyncset.done $0x0  }
0x57b: {  	[sflag:s0] =	ssyncadd.s32 $0xFFFFEC00  }
0x57c: {  	[bflag:$0x0] =	sbarrier.arrive $0xFFFF  }
0x57d: {  	s11 =	rddreg [dreg:$0x5]  }
0x57e: {  	s22 =	rddreg [dreg:$0x8]  }
0x57f: {  	s9 =	simm.s32 $0x5;
	s8 =	rddreg [dreg:$0xa]  }
0x580: {  	[hbm:s22], [sflag:s11] =	dma.local [spmem:s8], $0x2800  }
0x581: {  	_ =	swait.ge [sflag:s9], $0x2800  }
0x582: {  	s16 =	sadd.s32 $0x1, s16;
	s23 =	rddreg [dreg:$0x9]  }
0x583: {  	p0 =	sne.s32 s16, s23  }
.Ltmp3:
0x584: {  	_ = 	snop;
	(pc) =	sbr.rel @p0 .LBB2_1-.Ltmp3, $3  }
0x585: {  	_ =	sdelay $0x1  }
0x586: {  	[sflag:s9] =	ssyncset.done $0x0  }
0x587: {  	[sflag:s9] =	ssyncadd.s32 $0xFFFFD800  }
0x588: {  	_ =	sfence.sel $0x180000  }
0x589: {  	[bflag:$0x0] =	sbarrier.arrive $0xFFFF  }
0x58a: {  	_ =	strace $0x90000047  }
0x58b: {  	s0 =	stileid.u32;
	[bflag:$0x2] =	sbarrier.arrive $0xFFFF  }
0x58c: {  	p0 =	sne.s32 s0, $0x0;
	s0 =	rddreg [dreg:$0x3]  }
0x58d: {  	s0 =	sadd.s32 @!p0 $0x100000, s0  }
0x58e: {  	[sflag:s0] =	ssyncadd.tile.s32 @!p0 $0x1;
	_ =	shalt  }
.Lfunc_end2:
_tile_overlayer_lowered:
.L_overlay_start_2:
0x58f: {  	(tag) =	ssettag $0x2  }
0x590: {  	s0 =	rddreg [dreg:$0x0];
	s2 =	stileid.u32  }
0x591: {  	s1 =	rddreg [dreg:$0x1];
	p0 =	sne.s32 s2, $0x0  }
0x592: {  	s3 =	rddreg [dreg:$0x2];
	[bflag:$0x3] =	sbarrier.arrive $0xFFFF;
	s2 =	simm.s32 @!p0 $0x1C05  }
0x593: {  	[timem:s3], [sflag:s2] =	dma.local @!p0 [hbm:s0], s1  }
0x594: {  	s0 =	simm.s32 @!p0 $0x5  }
0x595: {  	_ =	swait.ge @!p0 [sflag:s0], s1  }
0x596: {  	s1 =	ssub.s32 @!p0 $0x0, s1;
	[sflag:s0] =	ssyncset.done @!p0 $0x0  }
0x597: {  	[sflag:s0] =	ssyncadd.s32 @!p0 s1  }
0x598: {  	[bflag:$0x3] =	sbarrier.arrive $0xFFFF  }
0x599: {  	_ =	shalt  }

</sc_bundles>
